<compile_context>
chip_gen: v7x
topology: tpu7x:2x2x1
jax: 0.10.2.dev20260603
libtpu: 0.0.44.dev20260713+nightly
codegen_flags: <defaults>
</compile_context>

<pallas_src>
import functools

import jax
import jax.numpy as jnp
from jax import lax
from jax.experimental import pallas as pl
from jax.experimental.pallas import tpu as pltpu
from jax.experimental.pallas import tpu_sc as plsc

N = 10000
E = 320000
F = 128
NC = 2
NS = 16
NW = NC * NS
EPW = E // NW
C = 40
NCHUNK = EPW // C
S = 400
SCH = S // C
NSCH = EPW // S
ZCH = C
NZCH = N // ZCH
ZPT = (NZCH + NS - 1) // NS
KG = F // 16


def _phi_kernel(s_ref, w1_ref, b1_ref, w2_ref, b2_ref, os_ref, ovv_ref, ovs_ref):
    h = jnp.dot(s_ref[...], w1_ref[...], preferred_element_type=jnp.float32) + b1_ref[...]
    h = h * jax.nn.sigmoid(h)
    ph = jnp.dot(h, w2_ref[...], preferred_element_type=jnp.float32) + b2_ref[...]
    os_ref[...] = ph[:, :F]
    ovv_ref[...] = ph[:, F:2 * F]
    ovs_ref[...] = ph[:, 2 * F:]


def _wm_kernel(rad_ref, fc_ref, fu_ref, wr_ref, br_ref, ws_ref, wvv_ref, wvs_ref):
    w = jax.lax.dot_general(rad_ref[...], wr_ref[...], (((0,), (0,)), ((), ())),
                            preferred_element_type=jnp.float32) + br_ref[...]
    fc = jnp.transpose(fc_ref[0], (1, 0))
    fu = jnp.transpose(fu_ref[0], (1, 0))
    ws_ref[...] = w[:, :F] * fc
    wvv_ref[...] = w[:, F:2 * F] * fc
    wvs_ref[...] = w[:, 2 * F:] * (fc * fu)


def _comb_kernel(s_ref, a0_ref, a1_ref, v_ref, c0_ref, c1_ref, os_ref, ov_ref):
    os_ref[...] = s_ref[...] + a0_ref[...] + a1_ref[...]
    ov_ref[...] = v_ref[...] + c0_ref[...] + c1_ref[...]


def _sc_body(phis, phivv, phivs, vtab, ws, wvv, wvs, idxi_hbm, idxj_hbm,
             outs, outv,
             idxi_sup, idxj_sup, ib0, ib1, p0, p1, q0, q1, w0, w1, xb0, xb1, acc,
             semg0, semg1, semw0, semw1, semx0, semx1):
    ci = lax.axis_index("c")
    si = lax.axis_index("s")
    wid = si * NC + ci
    wbase = wid * EPW

    zeros16 = jnp.zeros((16,), jnp.float32)

    def zero_acc():
        def zfill(j, _):
            for k in range(KG):
                xb0[j, pl.ds(k * 16, 16)] = zeros16
            return 0

        lax.fori_loop(0, ZCH, zfill, 0)
        for t in range(ZPT):
            q = si * ZPT + t
            @pl.when(q < NZCH)
            def _():
                pltpu.sync_copy(xb0, acc.at[pl.ds(q * ZCH, ZCH)])

    def drain(dst):
        for t in range(ZPT):
            q = si * ZPT + t
            @pl.when(q < NZCH)
            def _():
                pltpu.sync_copy(acc.at[pl.ds(q * ZCH, ZCH)], xb0)
                pltpu.sync_copy(xb0, dst.at[ci, pl.ds(q * ZCH, ZCH)])

    sets = ((p0, q0, w0, xb0, ib0, semg0, semw0, semx0),
            (p1, q1, w1, xb1, ib1, semg1, semw1, semx1))

    def phase(g1tab, g2tab, wtab):
        def fire(sbase, k, st):
            p, q, w, xb, ib, semg, semw, semx = st
            off = k * C
            pltpu.async_copy(g1tab.at[idxj_sup.at[pl.ds(off, C)]], p, semg)
            if g2tab is not None:
                pltpu.async_copy(g2tab.at[idxj_sup.at[pl.ds(off, C)]], q, semg)
            pltpu.async_copy(wtab.at[pl.ds(sbase + off, C)], w, semw)

        def wait(st):
            p, q, w, xb, ib, semg, semw, semx = st
            pltpu.make_async_copy(g1tab.at[idxj_sup.at[pl.ds(0, C)]], p, semg).wait()
            if g2tab is not None:
                pltpu.make_async_copy(g2tab.at[idxj_sup.at[pl.ds(0, C)]], q, semg).wait()
            pltpu.make_async_copy(wtab.at[pl.ds(0, C)], w, semw).wait()

        def wait_scatter(st):
            p, q, w, xb, ib, semg, semw, semx = st
            pltpu.make_async_copy(xb, acc.at[ib], semx).wait()

        def compute_scatter(k, st, first):
            p, q, w, xb, ib, semg, semw, semx = st

            @pl.when(jnp.logical_not(first))
            def _():
                wait_scatter(st)

            @functools.partial(plsc.parallel_loop, 0, C, unroll=4)
            def mulrow(j):
                for kk in range(KG):
                    sl = pl.ds(kk * 16, 16)
                    if g2tab is not None:
                        xb[j, sl] = q[j, sl] * (p[j, sl] * w[j, sl])
                    else:
                        xb[j, sl] = p[j, sl] * w[j, sl]

            off = k * C
            for (src_o, dst_o) in ((0, 0), (16, 16), (C - 16, C - 16)):
                ib[pl.ds(dst_o, 16)] = idxi_sup[pl.ds(off + src_o, 16)]
            pltpu.async_copy(xb, acc.at[ib], semx, add=True)

        def super_body(sc, _):
            sbase = wbase + sc * S
            pltpu.sync_copy(idxj_hbm.at[pl.ds(sbase, S)], idxj_sup)
            pltpu.sync_copy(idxi_hbm.at[pl.ds(sbase, S)], idxi_sup)
            fire(sbase, 0, sets[0])

            def pair(m, _):
                first = jnp.logical_and(sc == 0, m == 0)
                fire(sbase, 2 * m + 1, sets[1])
                wait(sets[0])
                compute_scatter(2 * m, sets[0], first)

                @pl.when(m < SCH // 2 - 1)
                def _():
                    fire(sbase, 2 * m + 2, sets[0])

                wait(sets[1])
                compute_scatter(2 * m + 1, sets[1], first)
                return 0

            lax.fori_loop(0, SCH // 2, pair, 0)
            return 0

        lax.fori_loop(0, NSCH, super_body, 0)
        wait_scatter(sets[0])
        wait_scatter(sets[1])

    zero_acc()
    plsc.subcore_barrier()
    phase(phis, None, ws)
    plsc.subcore_barrier()
    drain(outs)
    plsc.subcore_barrier()

    zero_acc()
    plsc.subcore_barrier()
    phase(phivv, vtab, wvv)
    phase(phivs, None, wvs)
    plsc.subcore_barrier()
    drain(outv)


def kernel(s, v, radial_embeddings, f_cut, unit_vectors, edge_index, W1, b1, W2, b2, Wr, br):
    f32 = jnp.float32

    BN = 1000
    phi_s, phi_vv, phi_vs = pl.pallas_call(
        _phi_kernel,
        grid=(N // BN,),
        in_specs=[
            pl.BlockSpec((BN, F), lambda i: (i, 0)),
            pl.BlockSpec((F, F), lambda i: (0, 0)),
            pl.BlockSpec((1, F), lambda i: (0, 0)),
            pl.BlockSpec((F, 3 * F), lambda i: (0, 0)),
            pl.BlockSpec((1, 3 * F), lambda i: (0, 0)),
        ],
        out_specs=[pl.BlockSpec((BN, F), lambda i: (i, 0))] * 3,
        out_shape=[jax.ShapeDtypeStruct((N, F), f32)] * 3,
    )(s, W1, b1.reshape(1, F), W2, b2.reshape(1, 3 * F))

    BE = 2560
    R = radial_embeddings.shape[1]
    w_s, w_vv, w_vs = pl.pallas_call(
        _wm_kernel,
        grid=(E // BE,),
        in_specs=[
            pl.BlockSpec((R, BE), lambda i: (0, i)),
            pl.BlockSpec((1, 1, BE), lambda i: (i, 0, 0)),
            pl.BlockSpec((1, 1, BE), lambda i: (i, 0, 0)),
            pl.BlockSpec((R, 3 * F), lambda i: (0, 0)),
            pl.BlockSpec((1, 3 * F), lambda i: (0, 0)),
        ],
        out_specs=[pl.BlockSpec((BE, F), lambda i: (i, 0))] * 3,
        out_shape=[jax.ShapeDtypeStruct((E, F), f32)] * 3,
    )(radial_embeddings.T, f_cut.reshape(E // BE, 1, BE), unit_vectors.reshape(E // BE, 1, BE),
      Wr, br.reshape(1, 3 * F))

    idx_i = edge_index[0]
    idx_j = edge_index[1]
    mesh = plsc.VectorSubcoreMesh(core_axis_name="c", subcore_axis_name="s")
    ps, pv = pl.kernel(
        _sc_body,
        out_type=(jax.ShapeDtypeStruct((NC, N, F), f32),
                  jax.ShapeDtypeStruct((NC, N, F), f32)),
        mesh=mesh,
        scratch_types=[
            pltpu.VMEM((S,), jnp.int32),
            pltpu.VMEM((S,), jnp.int32),
            pltpu.VMEM((C,), jnp.int32),
            pltpu.VMEM((C,), jnp.int32),
            pltpu.VMEM((C, F), f32),
            pltpu.VMEM((C, F), f32),
            pltpu.VMEM((C, F), f32),
            pltpu.VMEM((C, F), f32),
            pltpu.VMEM((C, F), f32),
            pltpu.VMEM((C, F), f32),
            pltpu.VMEM((C, F), f32),
            pltpu.VMEM((C, F), f32),
            pltpu.VMEM_SHARED((N, F), f32),
            pltpu.SemaphoreType.DMA,
            pltpu.SemaphoreType.DMA,
            pltpu.SemaphoreType.DMA,
            pltpu.SemaphoreType.DMA,
            pltpu.SemaphoreType.DMA,
            pltpu.SemaphoreType.DMA,
        ],
    )(phi_s, phi_vv, phi_vs, v, w_s, w_vv, w_vs, idx_i, idx_j)

    out_s, out_v = pl.pallas_call(
        _comb_kernel,
        grid=(N // BN,),
        in_specs=[pl.BlockSpec((BN, F), lambda i: (i, 0))] * 6,
        out_specs=[pl.BlockSpec((BN, F), lambda i: (i, 0))] * 2,
        out_shape=[jax.ShapeDtypeStruct((N, F), f32)] * 2,
    )(s, ps[0], ps[1], v, pv[0], pv[1])
    return (out_s, out_v)

# --- scband reference (transcript-rebuilt; emitter-appended) ---
"""Pipeline reference for scband-message-block-40475771797587 (READ-ONLY COPY).

The authoritative reference and input builder live on the scoring server;
editing this copy changes nothing except your own understanding.
"""

import jax, jax.numpy as jnp
import numpy as np

N = 10000
E = 320000
F = 128
R = 20


def setup_inputs(seed: int = 0) -> dict:
    key = jax.random.key(seed)
    ks = jax.random.split(key, 12)
    s = jax.random.normal(ks[0], (N, F), dtype=jnp.float32)
    v = jax.random.normal(ks[1], (N, F), dtype=jnp.float32)
    radial_embeddings = jax.random.normal(ks[2], (E, R), dtype=jnp.float32)
    f_cut = jax.random.uniform(ks[3], (E,), dtype=jnp.float32)
    unit_vectors = jax.random.normal(ks[4], (E,), dtype=jnp.float32)
    edge_index = jax.random.randint(ks[5], (2, E), 0, N, dtype=jnp.int32)
    # learned params (mlp_phi: Linear(F,F) -> SiLU -> Linear(F,3F); linear_W: Linear(R,3F))
    W1 = jax.random.normal(ks[6], (F, F), dtype=jnp.float32) / np.sqrt(F)
    b1 = jnp.zeros((F,), dtype=jnp.float32)
    W2 = jax.random.normal(ks[7], (F, 3 * F), dtype=jnp.float32) / np.sqrt(F)
    b2 = jnp.zeros((3 * F,), dtype=jnp.float32)
    Wr = jax.random.normal(ks[8], (R, 3 * F), dtype=jnp.float32) / np.sqrt(R)
    br = jnp.zeros((3 * F,), dtype=jnp.float32)
    return {"s": s, "v": v, "radial_embeddings": radial_embeddings, "f_cut": f_cut,
            "unit_vectors": unit_vectors, "edge_index": edge_index,
            "W1": W1, "b1": b1, "W2": W2, "b2": b2, "Wr": Wr, "br": br}


def reference(s, v, radial_embeddings, f_cut, unit_vectors, edge_index, W1, b1, W2, b2, Wr, br):
    idx_i = edge_index[0]
    idx_j = edge_index[1]
    n_nodes = s.shape[0]
    # mlp_phi(s)
    h = jnp.dot(s, W1) + b1
    h = h * jax.nn.sigmoid(h)  # SiLU
    phi = jnp.dot(h, W2) + b2  # [N, 3F]
    # linear_W(radial_embeddings) * f_cut[..., None]
    W = (jnp.dot(radial_embeddings, Wr) + br) * f_cut[..., None]  # [E, 3F]
    x = jnp.take(phi, idx_j, axis=0) * W  # gather + elementwise, [E, 3F]
    x_s, x_vv, x_vs = jnp.split(x, 3, axis=-1)  # each [E, F]
    ds = jax.ops.segment_sum(x_s, idx_i, num_segments=n_nodes)  # scatter-add, [N, F]
    x_v = jnp.take(v, idx_j, axis=0) * x_vv + x_vs * unit_vectors[..., None]  # [E, F]
    dv = jax.ops.segment_sum(x_v, idx_i, num_segments=n_nodes)  # [N, F]
    return (s + ds, v + dv)

if __name__ == "__main__":
    import jax
    _d = setup_inputs()
    print(jax.jit(kernel)(*tuple(_d.values())))

</pallas_src>

<mosaic_0001>
#map = affine_map<(d0, d1) -> (0, 0)>
#map1 = affine_map<(d0, d1) -> (0)>
#map2 = affine_map<(d0, d1) -> (0, 0, 0)>
module attributes {stable_mosaic.version = 14 : i64} {
  func.func @_sc_body(%arg0: i32, %arg1: i32, %arg2: memref<10000x128xf32, #tpu.memory_space<hbm>>, %arg3: memref<10000x128xf32, #tpu.memory_space<hbm>>, %arg4: memref<10000x128xf32, #tpu.memory_space<hbm>>, %arg5: memref<10000x128xf32, #tpu.memory_space<hbm>>, %arg6: memref<320000x128xf32, #tpu.memory_space<hbm>>, %arg7: memref<320000x128xf32, #tpu.memory_space<hbm>>, %arg8: memref<320000x128xf32, #tpu.memory_space<hbm>>, %arg9: memref<320000xi32, #tpu.memory_space<hbm>>, %arg10: memref<320000xi32, #tpu.memory_space<hbm>>, %arg11: memref<2x10000x128xf32, #tpu.memory_space<hbm>>, %arg12: memref<2x10000x128xf32, #tpu.memory_space<hbm>>, %arg13: memref<400xi32, #tpu.memory_space<vmem>>, %arg14: memref<400xi32, #tpu.memory_space<vmem>>, %arg15: memref<40xi32, #tpu.memory_space<vmem>>, %arg16: memref<40xi32, #tpu.memory_space<vmem>>, %arg17: memref<40x128xf32, #tpu.memory_space<vmem>>, %arg18: memref<40x128xf32, #tpu.memory_space<vmem>>, %arg19: memref<40x128xf32, #tpu.memory_space<vmem>>, %arg20: memref<40x128xf32, #tpu.memory_space<vmem>>, %arg21: memref<40x128xf32, #tpu.memory_space<vmem>>, %arg22: memref<40x128xf32, #tpu.memory_space<vmem>>, %arg23: memref<40x128xf32, #tpu.memory_space<vmem>>, %arg24: memref<40x128xf32, #tpu.memory_space<vmem>>, %arg25: memref<10000x128xf32, #tpu.memory_space<vmem_shared>>, %arg26: memref<!tpu.dma_semaphore, #tpu.memory_space<semaphore_mem>>, %arg27: memref<!tpu.dma_semaphore, #tpu.memory_space<semaphore_mem>>, %arg28: memref<!tpu.dma_semaphore, #tpu.memory_space<semaphore_mem>>, %arg29: memref<!tpu.dma_semaphore, #tpu.memory_space<semaphore_mem>>, %arg30: memref<!tpu.dma_semaphore, #tpu.memory_space<semaphore_mem>>, %arg31: memref<!tpu.dma_semaphore, #tpu.memory_space<semaphore_mem>>) attributes {dimension_semantics = [#tpu.dimension_semantics<core_parallel>, #tpu.dimension_semantics<subcore_parallel>], iteration_bounds = array<i64: 2, 16>, scalar_prefetch = 0 : i64, scratch_operands = 19 : i64, tpu.core_type = #tpu.core_type<sc_vector_subcore>, window_params = [{transform_indices = #map}, {transform_indices = #map}, {transform_indices = #map}, {transform_indices = #map}, {transform_indices = #map}, {transform_indices = #map}, {transform_indices = #map}, {transform_indices = #map1}, {transform_indices = #map1}, {transform_indices = #map2}, {transform_indices = #map2}]} {
    %mul3A = arith.constant 2 : i32
    %mul3A_0 = arith.muli %arg1, %mul3A : i32
    %add3A = arith.addi %mul3A_0, %arg0 : i32
    %mul3A_1 = arith.constant 10000 : i32
    %mul3A_2 = arith.muli %add3A, %mul3A_1 : i32
    %broadcast_in_dim3A = arith.constant 0.000000e+00 : f32
    %broadcast_in_dim3A_3 = vector.broadcast %broadcast_in_dim3A : f32 to vector<16xf32>
    %scan3A = arith.constant 0 : i32
    %scan3A_4 = arith.constant 0 : i32
    %scan3A_5 = arith.constant 40 : i32
    %scan3A_6 = arith.addi %scan3A_4, %scan3A_5 : i32
    %scan3A_7 = arith.constant 1 : i32
    %scan3A_8 = scf.for %scan3A_632 = %scan3A_4 to %scan3A_6 step %scan3A_7 iter_args(%scan3A_633 = %scan3A) -> (i32)  : i32 {
      %swap3A = arith.index_cast %scan3A_632 : i32 to index
      %swap3A_634 = arith.constant 0 : index
      %swap3A_635 = tpu.vector_load %arg23[%swap3A, %swap3A_634] {strides = array<i32>} : memref<40x128xf32, #tpu.memory_space<vmem>>, vector<1x16xf32>,
      %swap3A_636 = vector.shape_cast %swap3A_635 : vector<1x16xf32> to vector<16xf32>
      %swap3A_637 = vector.shape_cast %broadcast_in_dim3A_3 : vector<16xf32> to vector<1x16xf32>
      tpu.vector_store %arg23[%swap3A, %swap3A_634], %swap3A_637 {strides = array<i32>} : memref<40x128xf32, #tpu.memory_space<vmem>>, vector<1x16xf32>,
      %swap3A_638 = arith.index_cast %scan3A_632 : i32 to index
      %swap3A_639 = arith.constant 16 : index
      %swap3A_640 = tpu.vector_load %arg23[%swap3A_638, %swap3A_639] {strides = array<i32>} : memref<40x128xf32, #tpu.memory_space<vmem>>, vector<1x16xf32>,
      %swap3A_641 = vector.shape_cast %swap3A_640 : vector<1x16xf32> to vector<16xf32>
      %swap3A_642 = vector.shape_cast %broadcast_in_dim3A_3 : vector<16xf32> to vector<1x16xf32>
      tpu.vector_store %arg23[%swap3A_638, %swap3A_639], %swap3A_642 {strides = array<i32>} : memref<40x128xf32, #tpu.memory_space<vmem>>, vector<1x16xf32>,
      %swap3A_643 = arith.index_cast %scan3A_632 : i32 to index
      %swap3A_644 = arith.constant 32 : index
      %swap3A_645 = tpu.vector_load %arg23[%swap3A_643, %swap3A_644] {strides = array<i32>} : memref<40x128xf32, #tpu.memory_space<vmem>>, vector<1x16xf32>,
      %swap3A_646 = vector.shape_cast %swap3A_645 : vector<1x16xf32> to vector<16xf32>
      %swap3A_647 = vector.shape_cast %broadcast_in_dim3A_3 : vector<16xf32> to vector<1x16xf32>
      tpu.vector_store %arg23[%swap3A_643, %swap3A_644], %swap3A_647 {strides = array<i32>} : memref<40x128xf32, #tpu.memory_space<vmem>>, vector<1x16xf32>,
      %swap3A_648 = arith.index_cast %scan3A_632 : i32 to index
      %swap3A_649 = arith.constant 48 : index
      %swap3A_650 = tpu.vector_load %arg23[%swap3A_648, %swap3A_649] {strides = array<i32>} : memref<40x128xf32, #tpu.memory_space<vmem>>, vector<1x16xf32>,
      %swap3A_651 = vector.shape_cast %swap3A_650 : vector<1x16xf32> to vector<16xf32>
      %swap3A_652 = vector.shape_cast %broadcast_in_dim3A_3 : vector<16xf32> to vector<1x16xf32>
      tpu.vector_store %arg23[%swap3A_648, %swap3A_649], %swap3A_652 {strides = array<i32>} : memref<40x128xf32, #tpu.memory_space<vmem>>, vector<1x16xf32>,
      %swap3A_653 = arith.index_cast %scan3A_632 : i32 to index
      %swap3A_654 = arith.constant 64 : index
      %swap3A_655 = tpu.vector_load %arg23[%swap3A_653, %swap3A_654] {strides = array<i32>} : memref<40x128xf32, #tpu.memory_space<vmem>>, vector<1x16xf32>,
      %swap3A_656 = vector.shape_cast %swap3A_655 : vector<1x16xf32> to vector<16xf32>
      %swap3A_657 = vector.shape_cast %broadcast_in_dim3A_3 : vector<16xf32> to vector<1x16xf32>
      tpu.vector_store %arg23[%swap3A_653, %swap3A_654], %swap3A_657 {strides = array<i32>} : memref<40x128xf32, #tpu.memory_space<vmem>>, vector<1x16xf32>,
      %swap3A_658 = arith.index_cast %scan3A_632 : i32 to index
      %swap3A_659 = arith.constant 80 : index
      %swap3A_660 = tpu.vector_load %arg23[%swap3A_658, %swap3A_659] {strides = array<i32>} : memref<40x128xf32, #tpu.memory_space<vmem>>, vector<1x16xf32>,
      %swap3A_661 = vector.shape_cast %swap3A_660 : vector<1x16xf32> to vector<16xf32>
      %swap3A_662 = vector.shape_cast %broadcast_in_dim3A_3 : vector<16xf32> to vector<1x16xf32>
      tpu.vector_store %arg23[%swap3A_658, %swap3A_659], %swap3A_662 {strides = array<i32>} : memref<40x128xf32, #tpu.memory_space<vmem>>, vector<1x16xf32>,
      %swap3A_663 = arith.index_cast %scan3A_632 : i32 to index
      %swap3A_664 = arith.constant 96 : index
      %swap3A_665 = tpu.vector_load %arg23[%swap3A_663, %swap3A_664] {strides = array<i32>} : memref<40x128xf32, #tpu.memory_space<vmem>>, vector<1x16xf32>,
      %swap3A_666 = vector.shape_cast %swap3A_665 : vector<1x16xf32> to vector<16xf32>
      %swap3A_667 = vector.shape_cast %broadcast_in_dim3A_3 : vector<16xf32> to vector<1x16xf32>
      tpu.vector_store %arg23[%swap3A_663, %swap3A_664], %swap3A_667 {strides = array<i32>} : memref<40x128xf32, #tpu.memory_space<vmem>>, vector<1x16xf32>,
      %swap3A_668 = arith.index_cast %scan3A_632 : i32 to index
      %swap3A_669 = arith.constant 112 : index
      %swap3A_670 = tpu.vector_load %arg23[%swap3A_668, %swap3A_669] {strides = array<i32>} : memref<40x128xf32, #tpu.memory_space<vmem>>, vector<1x16xf32>,
      %swap3A_671 = vector.shape_cast %swap3A_670 : vector<1x16xf32> to vector<16xf32>
      %swap3A_672 = vector.shape_cast %broadcast_in_dim3A_3 : vector<16xf32> to vector<1x16xf32>
      tpu.vector_store %arg23[%swap3A_668, %swap3A_669], %swap3A_672 {strides = array<i32>} : memref<40x128xf32, #tpu.memory_space<vmem>>, vector<1x16xf32>,
      %scan3A_673 = arith.constant 0 : i32
      scf.yield %scan3A_673 : i32
    }
    %scan3A_9 = arith.constant 40 : i32
    %mul3A_10 = arith.constant 16 : i32
    %mul3A_11 = arith.muli %arg1, %mul3A_10 : i32
    %add3A_12 = arith.constant 0 : i32
    %add3A_13 = arith.addi %mul3A_11, %add3A_12 : i32
    %lt3A = arith.constant 250 : i32
    %lt3A_14 = arith.cmpi slt, %add3A_13, %lt3A : i32
    %convert_element_type3A = arith.extui %lt3A_14 : i1 to i32
    %cond3A = arith.constant 0 : i32
    %cond3A_15 = arith.cmpi ne, %convert_element_type3A, %cond3A : i32
    scf.if %cond3A_15 {
      %mul3A_632 = arith.constant 40 : i32
      %mul3A_633 = arith.muli %add3A_13, %mul3A_632 : i32
      "tpu.region"() ({
        %run_scoped3A = tpu.sem_alloc : memref<!tpu.dma_semaphore, #tpu.memory_space<semaphore_mem>>
        %dma_start3A = arith.constant 0 : i32
        %dma_start3A_634 = tpu.memref_slice %arg25[%mul3A_633, %dma_start3A] : memref<10000x128xf32, #tpu.memory_space<vmem_shared>> -> memref<40x128xf32, #tpu.memory_space<vmem_shared>>
        %dma_start3A_635 = arith.constant 0 : i32
        %dma_start3A_636 = tpu.memref_slice %arg25[%mul3A_633, %dma_start3A_635] : memref<10000x128xf32, #tpu.memory_space<vmem_shared>> -> memref<40x128xf32, #tpu.memory_space<vmem_shared>>
        tpu.enqueue_dma source(%arg23 : memref<40x128xf32, #tpu.memory_space<vmem>>) target(%dma_start3A_636 : memref<40x128xf32, #tpu.memory_space<vmem_shared>>) target_semaphore(%run_scoped3A : memref<!tpu.dma_semaphore, #tpu.memory_space<semaphore_mem>>)
        %dma_wait3A_637 = arith.constant 0 : i32
        %dma_wait3A_638 = tpu.memref_slice %arg25[%mul3A_633, %dma_wait3A_637] : memref<10000x128xf32, #tpu.memory_space<vmem_shared>> -> memref<40x128xf32, #tpu.memory_space<vmem_shared>>
        %dma_wait3A_639 = arith.constant 0 : i32
        %dma_wait3A_640 = tpu.memref_slice %arg25[%mul3A_633, %dma_wait3A_639] : memref<10000x128xf32, #tpu.memory_space<vmem_shared>> -> memref<40x128xf32, #tpu.memory_space<vmem_shared>>
        tpu.wait_dma2 semaphore(%run_scoped3A : memref<!tpu.dma_semaphore, #tpu.memory_space<semaphore_mem>>) src(%arg23 : memref<40x128xf32, #tpu.memory_space<vmem>>) dst(%dma_wait3A_640 : memref<40x128xf32, #tpu.memory_space<vmem_shared>>)
        tpu.yield
      }) : () -> ()
    } else {
    }
    %mul3A_16 = arith.constant 16 : i32
    %mul3A_17 = arith.muli %arg1, %mul3A_16 : i32
    %add3A_18 = arith.constant 1 : i32
    %add3A_19 = arith.addi %mul3A_17, %add3A_18 : i32
    %lt3A_20 = arith.constant 250 : i32
    %lt3A_21 = arith.cmpi slt, %add3A_19, %lt3A_20 : i32
    %convert_element_type3A_22 = arith.extui %lt3A_21 : i1 to i32
    %cond3A_23 = arith.constant 0 : i32
    %cond3A_24 = arith.cmpi ne, %convert_element_type3A_22, %cond3A_23 : i32
    scf.if %cond3A_24 {
      %mul3A_632 = arith.constant 40 : i32
      %mul3A_633 = arith.muli %add3A_19, %mul3A_632 : i32
      "tpu.region"() ({
        %run_scoped3A = tpu.sem_alloc : memref<!tpu.dma_semaphore, #tpu.memory_space<semaphore_mem>>
        %dma_start3A = arith.constant 0 : i32
        %dma_start3A_634 = tpu.memref_slice %arg25[%mul3A_633, %dma_start3A] : memref<10000x128xf32, #tpu.memory_space<vmem_shared>> -> memref<40x128xf32, #tpu.memory_space<vmem_shared>>
        %dma_start3A_635 = arith.constant 0 : i32
        %dma_start3A_636 = tpu.memref_slice %arg25[%mul3A_633, %dma_start3A_635] : memref<10000x128xf32, #tpu.memory_space<vmem_shared>> -> memref<40x128xf32, #tpu.memory_space<vmem_shared>>
        tpu.enqueue_dma source(%arg23 : memref<40x128xf32, #tpu.memory_space<vmem>>) target(%dma_start3A_636 : memref<40x128xf32, #tpu.memory_space<vmem_shared>>) target_semaphore(%run_scoped3A : memref<!tpu.dma_semaphore, #tpu.memory_space<semaphore_mem>>)
        %dma_wait3A_637 = arith.constant 0 : i32
        %dma_wait3A_638 = tpu.memref_slice %arg25[%mul3A_633, %dma_wait3A_637] : memref<10000x128xf32, #tpu.memory_space<vmem_shared>> -> memref<40x128xf32, #tpu.memory_space<vmem_shared>>
        %dma_wait3A_639 = arith.constant 0 : i32
        %dma_wait3A_640 = tpu.memref_slice %arg25[%mul3A_633, %dma_wait3A_639] : memref<10000x128xf32, #tpu.memory_space<vmem_shared>> -> memref<40x128xf32, #tpu.memory_space<vmem_shared>>
        tpu.wait_dma2 semaphore(%run_scoped3A : memref<!tpu.dma_semaphore, #tpu.memory_space<semaphore_mem>>) src(%arg23 : memref<40x128xf32, #tpu.memory_space<vmem>>) dst(%dma_wait3A_640 : memref<40x128xf32, #tpu.memory_space<vmem_shared>>)
        tpu.yield
      }) : () -> ()
    } else {
    }
    %mul3A_25 = arith.constant 16 : i32
    %mul3A_26 = arith.muli %arg1, %mul3A_25 : i32
    %add3A_27 = arith.constant 2 : i32
    %add3A_28 = arith.addi %mul3A_26, %add3A_27 : i32
    %lt3A_29 = arith.constant 250 : i32
    %lt3A_30 = arith.cmpi slt, %add3A_28, %lt3A_29 : i32
    %convert_element_type3A_31 = arith.extui %lt3A_30 : i1 to i32
    %cond3A_32 = arith.constant 0 : i32
    %cond3A_33 = arith.cmpi ne, %convert_element_type3A_31, %cond3A_32 : i32
    scf.if %cond3A_33 {
      %mul3A_632 = arith.constant 40 : i32
      %mul3A_633 = arith.muli %add3A_28, %mul3A_632 : i32
      "tpu.region"() ({
        %run_scoped3A = tpu.sem_alloc : memref<!tpu.dma_semaphore, #tpu.memory_space<semaphore_mem>>
        %dma_start3A = arith.constant 0 : i32
        %dma_start3A_634 = tpu.memref_slice %arg25[%mul3A_633, %dma_start3A] : memref<10000x128xf32, #tpu.memory_space<vmem_shared>> -> memref<40x128xf32, #tpu.memory_space<vmem_shared>>
        %dma_start3A_635 = arith.constant 0 : i32
        %dma_start3A_636 = tpu.memref_slice %arg25[%mul3A_633, %dma_start3A_635] : memref<10000x128xf32, #tpu.memory_space<vmem_shared>> -> memref<40x128xf32, #tpu.memory_space<vmem_shared>>
        tpu.enqueue_dma source(%arg23 : memref<40x128xf32, #tpu.memory_space<vmem>>) target(%dma_start3A_636 : memref<40x128xf32, #tpu.memory_space<vmem_shared>>) target_semaphore(%run_scoped3A : memref<!tpu.dma_semaphore, #tpu.memory_space<semaphore_mem>>)
        %dma_wait3A_637 = arith.constant 0 : i32
        %dma_wait3A_638 = tpu.memref_slice %arg25[%mul3A_633, %dma_wait3A_637] : memref<10000x128xf32, #tpu.memory_space<vmem_shared>> -> memref<40x128xf32, #tpu.memory_space<vmem_shared>>
        %dma_wait3A_639 = arith.constant 0 : i32
        %dma_wait3A_640 = tpu.memref_slice %arg25[%mul3A_633, %dma_wait3A_639] : memref<10000x128xf32, #tpu.memory_space<vmem_shared>> -> memref<40x128xf32, #tpu.memory_space<vmem_shared>>
        tpu.wait_dma2 semaphore(%run_scoped3A : memref<!tpu.dma_semaphore, #tpu.memory_space<semaphore_mem>>) src(%arg23 : memref<40x128xf32, #tpu.memory_space<vmem>>) dst(%dma_wait3A_640 : memref<40x128xf32, #tpu.memory_space<vmem_shared>>)
        tpu.yield
      }) : () -> ()
    } else {
    }
    %mul3A_34 = arith.constant 16 : i32
    %mul3A_35 = arith.muli %arg1, %mul3A_34 : i32
    %add3A_36 = arith.constant 3 : i32
    %add3A_37 = arith.addi %mul3A_35, %add3A_36 : i32
    %lt3A_38 = arith.constant 250 : i32
    %lt3A_39 = arith.cmpi slt, %add3A_37, %lt3A_38 : i32
    %convert_element_type3A_40 = arith.extui %lt3A_39 : i1 to i32
    %cond3A_41 = arith.constant 0 : i32
    %cond3A_42 = arith.cmpi ne, %convert_element_type3A_40, %cond3A_41 : i32
    scf.if %cond3A_42 {
      %mul3A_632 = arith.constant 40 : i32
      %mul3A_633 = arith.muli %add3A_37, %mul3A_632 : i32
      "tpu.region"() ({
        %run_scoped3A = tpu.sem_alloc : memref<!tpu.dma_semaphore, #tpu.memory_space<semaphore_mem>>
        %dma_start3A = arith.constant 0 : i32
        %dma_start3A_634 = tpu.memref_slice %arg25[%mul3A_633, %dma_start3A] : memref<10000x128xf32, #tpu.memory_space<vmem_shared>> -> memref<40x128xf32, #tpu.memory_space<vmem_shared>>
        %dma_start3A_635 = arith.constant 0 : i32
        %dma_start3A_636 = tpu.memref_slice %arg25[%mul3A_633, %dma_start3A_635] : memref<10000x128xf32, #tpu.memory_space<vmem_shared>> -> memref<40x128xf32, #tpu.memory_space<vmem_shared>>
        tpu.enqueue_dma source(%arg23 : memref<40x128xf32, #tpu.memory_space<vmem>>) target(%dma_start3A_636 : memref<40x128xf32, #tpu.memory_space<vmem_shared>>) target_semaphore(%run_scoped3A : memref<!tpu.dma_semaphore, #tpu.memory_space<semaphore_mem>>)
        %dma_wait3A_637 = arith.constant 0 : i32
        %dma_wait3A_638 = tpu.memref_slice %arg25[%mul3A_633, %dma_wait3A_637] : memref<10000x128xf32, #tpu.memory_space<vmem_shared>> -> memref<40x128xf32, #tpu.memory_space<vmem_shared>>
        %dma_wait3A_639 = arith.constant 0 : i32
        %dma_wait3A_640 = tpu.memref_slice %arg25[%mul3A_633, %dma_wait3A_639] : memref<10000x128xf32, #tpu.memory_space<vmem_shared>> -> memref<40x128xf32, #tpu.memory_space<vmem_shared>>
        tpu.wait_dma2 semaphore(%run_scoped3A : memref<!tpu.dma_semaphore, #tpu.memory_space<semaphore_mem>>) src(%arg23 : memref<40x128xf32, #tpu.memory_space<vmem>>) dst(%dma_wait3A_640 : memref<40x128xf32, #tpu.memory_space<vmem_shared>>)
        tpu.yield
      }) : () -> ()
    } else {
    }
    %mul3A_43 = arith.constant 16 : i32
    %mul3A_44 = arith.muli %arg1, %mul3A_43 : i32
    %add3A_45 = arith.constant 4 : i32
    %add3A_46 = arith.addi %mul3A_44, %add3A_45 : i32
    %lt3A_47 = arith.constant 250 : i32
    %lt3A_48 = arith.cmpi slt, %add3A_46, %lt3A_47 : i32
    %convert_element_type3A_49 = arith.extui %lt3A_48 : i1 to i32
    %cond3A_50 = arith.constant 0 : i32
    %cond3A_51 = arith.cmpi ne, %convert_element_type3A_49, %cond3A_50 : i32
    scf.if %cond3A_51 {
      %mul3A_632 = arith.constant 40 : i32
      %mul3A_633 = arith.muli %add3A_46, %mul3A_632 : i32
      "tpu.region"() ({
        %run_scoped3A = tpu.sem_alloc : memref<!tpu.dma_semaphore, #tpu.memory_space<semaphore_mem>>
        %dma_start3A = arith.constant 0 : i32
        %dma_start3A_634 = tpu.memref_slice %arg25[%mul3A_633, %dma_start3A] : memref<10000x128xf32, #tpu.memory_space<vmem_shared>> -> memref<40x128xf32, #tpu.memory_space<vmem_shared>>
        %dma_start3A_635 = arith.constant 0 : i32
        %dma_start3A_636 = tpu.memref_slice %arg25[%mul3A_633, %dma_start3A_635] : memref<10000x128xf32, #tpu.memory_space<vmem_shared>> -> memref<40x128xf32, #tpu.memory_space<vmem_shared>>
        tpu.enqueue_dma source(%arg23 : memref<40x128xf32, #tpu.memory_space<vmem>>) target(%dma_start3A_636 : memref<40x128xf32, #tpu.memory_space<vmem_shared>>) target_semaphore(%run_scoped3A : memref<!tpu.dma_semaphore, #tpu.memory_space<semaphore_mem>>)
        %dma_wait3A_637 = arith.constant 0 : i32
        %dma_wait3A_638 = tpu.memref_slice %arg25[%mul3A_633, %dma_wait3A_637] : memref<10000x128xf32, #tpu.memory_space<vmem_shared>> -> memref<40x128xf32, #tpu.memory_space<vmem_shared>>
        %dma_wait3A_639 = arith.constant 0 : i32
        %dma_wait3A_640 = tpu.memref_slice %arg25[%mul3A_633, %dma_wait3A_639] : memref<10000x128xf32, #tpu.memory_space<vmem_shared>> -> memref<40x128xf32, #tpu.memory_space<vmem_shared>>
        tpu.wait_dma2 semaphore(%run_scoped3A : memref<!tpu.dma_semaphore, #tpu.memory_space<semaphore_mem>>) src(%arg23 : memref<40x128xf32, #tpu.memory_space<vmem>>) dst(%dma_wait3A_640 : memref<40x128xf32, #tpu.memory_space<vmem_shared>>)
        tpu.yield
      }) : () -> ()
    } else {
    }
    %mul3A_52 = arith.constant 16 : i32
    %mul3A_53 = arith.muli %arg1, %mul3A_52 : i32
    %add3A_54 = arith.constant 5 : i32
    %add3A_55 = arith.addi %mul3A_53, %add3A_54 : i32
    %lt3A_56 = arith.constant 250 : i32
    %lt3A_57 = arith.cmpi slt, %add3A_55, %lt3A_56 : i32
    %convert_element_type3A_58 = arith.extui %lt3A_57 : i1 to i32
    %cond3A_59 = arith.constant 0 : i32
    %cond3A_60 = arith.cmpi ne, %convert_element_type3A_58, %cond3A_59 : i32
    scf.if %cond3A_60 {
      %mul3A_632 = arith.constant 40 : i32
      %mul3A_633 = arith.muli %add3A_55, %mul3A_632 : i32
      "tpu.region"() ({
        %run_scoped3A = tpu.sem_alloc : memref<!tpu.dma_semaphore, #tpu.memory_space<semaphore_mem>>
        %dma_start3A = arith.constant 0 : i32
        %dma_start3A_634 = tpu.memref_slice %arg25[%mul3A_633, %dma_start3A] : memref<10000x128xf32, #tpu.memory_space<vmem_shared>> -> memref<40x128xf32, #tpu.memory_space<vmem_shared>>
        %dma_start3A_635 = arith.constant 0 : i32
        %dma_start3A_636 = tpu.memref_slice %arg25[%mul3A_633, %dma_start3A_635] : memref<10000x128xf32, #tpu.memory_space<vmem_shared>> -> memref<40x128xf32, #tpu.memory_space<vmem_shared>>
        tpu.enqueue_dma source(%arg23 : memref<40x128xf32, #tpu.memory_space<vmem>>) target(%dma_start3A_636 : memref<40x128xf32, #tpu.memory_space<vmem_shared>>) target_semaphore(%run_scoped3A : memref<!tpu.dma_semaphore, #tpu.memory_space<semaphore_mem>>)
        %dma_wait3A_637 = arith.constant 0 : i32
        %dma_wait3A_638 = tpu.memref_slice %arg25[%mul3A_633, %dma_wait3A_637] : memref<10000x128xf32, #tpu.memory_space<vmem_shared>> -> memref<40x128xf32, #tpu.memory_space<vmem_shared>>
        %dma_wait3A_639 = arith.constant 0 : i32
        %dma_wait3A_640 = tpu.memref_slice %arg25[%mul3A_633, %dma_wait3A_639] : memref<10000x128xf32, #tpu.memory_space<vmem_shared>> -> memref<40x128xf32, #tpu.memory_space<vmem_shared>>
        tpu.wait_dma2 semaphore(%run_scoped3A : memref<!tpu.dma_semaphore, #tpu.memory_space<semaphore_mem>>) src(%arg23 : memref<40x128xf32, #tpu.memory_space<vmem>>) dst(%dma_wait3A_640 : memref<40x128xf32, #tpu.memory_space<vmem_shared>>)
        tpu.yield
      }) : () -> ()
    } else {
    }
    %mul3A_61 = arith.constant 16 : i32
    %mul3A_62 = arith.muli %arg1, %mul3A_61 : i32
    %add3A_63 = arith.constant 6 : i32
    %add3A_64 = arith.addi %mul3A_62, %add3A_63 : i32
    %lt3A_65 = arith.constant 250 : i32
    %lt3A_66 = arith.cmpi slt, %add3A_64, %lt3A_65 : i32
    %convert_element_type3A_67 = arith.extui %lt3A_66 : i1 to i32
    %cond3A_68 = arith.constant 0 : i32
    %cond3A_69 = arith.cmpi ne, %convert_element_type3A_67, %cond3A_68 : i32
    scf.if %cond3A_69 {
      %mul3A_632 = arith.constant 40 : i32
      %mul3A_633 = arith.muli %add3A_64, %mul3A_632 : i32
      "tpu.region"() ({
        %run_scoped3A = tpu.sem_alloc : memref<!tpu.dma_semaphore, #tpu.memory_space<semaphore_mem>>
        %dma_start3A = arith.constant 0 : i32
        %dma_start3A_634 = tpu.memref_slice %arg25[%mul3A_633, %dma_start3A] : memref<10000x128xf32, #tpu.memory_space<vmem_shared>> -> memref<40x128xf32, #tpu.memory_space<vmem_shared>>
        %dma_start3A_635 = arith.constant 0 : i32
        %dma_start3A_636 = tpu.memref_slice %arg25[%mul3A_633, %dma_start3A_635] : memref<10000x128xf32, #tpu.memory_space<vmem_shared>> -> memref<40x128xf32, #tpu.memory_space<vmem_shared>>
        tpu.enqueue_dma source(%arg23 : memref<40x128xf32, #tpu.memory_space<vmem>>) target(%dma_start3A_636 : memref<40x128xf32, #tpu.memory_space<vmem_shared>>) target_semaphore(%run_scoped3A : memref<!tpu.dma_semaphore, #tpu.memory_space<semaphore_mem>>)
        %dma_wait3A_637 = arith.constant 0 : i32
        %dma_wait3A_638 = tpu.memref_slice %arg25[%mul3A_633, %dma_wait3A_637] : memref<10000x128xf32, #tpu.memory_space<vmem_shared>> -> memref<40x128xf32, #tpu.memory_space<vmem_shared>>
        %dma_wait3A_639 = arith.constant 0 : i32
        %dma_wait3A_640 = tpu.memref_slice %arg25[%mul3A_633, %dma_wait3A_639] : memref<10000x128xf32, #tpu.memory_space<vmem_shared>> -> memref<40x128xf32, #tpu.memory_space<vmem_shared>>
        tpu.wait_dma2 semaphore(%run_scoped3A : memref<!tpu.dma_semaphore, #tpu.memory_space<semaphore_mem>>) src(%arg23 : memref<40x128xf32, #tpu.memory_space<vmem>>) dst(%dma_wait3A_640 : memref<40x128xf32, #tpu.memory_space<vmem_shared>>)
        tpu.yield
      }) : () -> ()
    } else {
    }
    %mul3A_70 = arith.constant 16 : i32
    %mul3A_71 = arith.muli %arg1, %mul3A_70 : i32
    %add3A_72 = arith.constant 7 : i32
    %add3A_73 = arith.addi %mul3A_71, %add3A_72 : i32
    %lt3A_74 = arith.constant 250 : i32
    %lt3A_75 = arith.cmpi slt, %add3A_73, %lt3A_74 : i32
    %convert_element_type3A_76 = arith.extui %lt3A_75 : i1 to i32
    %cond3A_77 = arith.constant 0 : i32
    %cond3A_78 = arith.cmpi ne, %convert_element_type3A_76, %cond3A_77 : i32
    scf.if %cond3A_78 {
      %mul3A_632 = arith.constant 40 : i32
      %mul3A_633 = arith.muli %add3A_73, %mul3A_632 : i32
      "tpu.region"() ({
        %run_scoped3A = tpu.sem_alloc : memref<!tpu.dma_semaphore, #tpu.memory_space<semaphore_mem>>
        %dma_start3A = arith.constant 0 : i32
        %dma_start3A_634 = tpu.memref_slice %arg25[%mul3A_633, %dma_start3A] : memref<10000x128xf32, #tpu.memory_space<vmem_shared>> -> memref<40x128xf32, #tpu.memory_space<vmem_shared>>
        %dma_start3A_635 = arith.constant 0 : i32
        %dma_start3A_636 = tpu.memref_slice %arg25[%mul3A_633, %dma_start3A_635] : memref<10000x128xf32, #tpu.memory_space<vmem_shared>> -> memref<40x128xf32, #tpu.memory_space<vmem_shared>>
        tpu.enqueue_dma source(%arg23 : memref<40x128xf32, #tpu.memory_space<vmem>>) target(%dma_start3A_636 : memref<40x128xf32, #tpu.memory_space<vmem_shared>>) target_semaphore(%run_scoped3A : memref<!tpu.dma_semaphore, #tpu.memory_space<semaphore_mem>>)
        %dma_wait3A_637 = arith.constant 0 : i32
        %dma_wait3A_638 = tpu.memref_slice %arg25[%mul3A_633, %dma_wait3A_637] : memref<10000x128xf32, #tpu.memory_space<vmem_shared>> -> memref<40x128xf32, #tpu.memory_space<vmem_shared>>
        %dma_wait3A_639 = arith.constant 0 : i32
        %dma_wait3A_640 = tpu.memref_slice %arg25[%mul3A_633, %dma_wait3A_639] : memref<10000x128xf32, #tpu.memory_space<vmem_shared>> -> memref<40x128xf32, #tpu.memory_space<vmem_shared>>
        tpu.wait_dma2 semaphore(%run_scoped3A : memref<!tpu.dma_semaphore, #tpu.memory_space<semaphore_mem>>) src(%arg23 : memref<40x128xf32, #tpu.memory_space<vmem>>) dst(%dma_wait3A_640 : memref<40x128xf32, #tpu.memory_space<vmem_shared>>)
        tpu.yield
      }) : () -> ()
    } else {
    }
    %mul3A_79 = arith.constant 16 : i32
    %mul3A_80 = arith.muli %arg1, %mul3A_79 : i32
    %add3A_81 = arith.constant 8 : i32
    %add3A_82 = arith.addi %mul3A_80, %add3A_81 : i32
    %lt3A_83 = arith.constant 250 : i32
    %lt3A_84 = arith.cmpi slt, %add3A_82, %lt3A_83 : i32
    %convert_element_type3A_85 = arith.extui %lt3A_84 : i1 to i32
    %cond3A_86 = arith.constant 0 : i32
    %cond3A_87 = arith.cmpi ne, %convert_element_type3A_85, %cond3A_86 : i32
    scf.if %cond3A_87 {
      %mul3A_632 = arith.constant 40 : i32
      %mul3A_633 = arith.muli %add3A_82, %mul3A_632 : i32
      "tpu.region"() ({
        %run_scoped3A = tpu.sem_alloc : memref<!tpu.dma_semaphore, #tpu.memory_space<semaphore_mem>>
        %dma_start3A = arith.constant 0 : i32
        %dma_start3A_634 = tpu.memref_slice %arg25[%mul3A_633, %dma_start3A] : memref<10000x128xf32, #tpu.memory_space<vmem_shared>> -> memref<40x128xf32, #tpu.memory_space<vmem_shared>>
        %dma_start3A_635 = arith.constant 0 : i32
        %dma_start3A_636 = tpu.memref_slice %arg25[%mul3A_633, %dma_start3A_635] : memref<10000x128xf32, #tpu.memory_space<vmem_shared>> -> memref<40x128xf32, #tpu.memory_space<vmem_shared>>
        tpu.enqueue_dma source(%arg23 : memref<40x128xf32, #tpu.memory_space<vmem>>) target(%dma_start3A_636 : memref<40x128xf32, #tpu.memory_space<vmem_shared>>) target_semaphore(%run_scoped3A : memref<!tpu.dma_semaphore, #tpu.memory_space<semaphore_mem>>)
        %dma_wait3A_637 = arith.constant 0 : i32
        %dma_wait3A_638 = tpu.memref_slice %arg25[%mul3A_633, %dma_wait3A_637] : memref<10000x128xf32, #tpu.memory_space<vmem_shared>> -> memref<40x128xf32, #tpu.memory_space<vmem_shared>>
        %dma_wait3A_639 = arith.constant 0 : i32
        %dma_wait3A_640 = tpu.memref_slice %arg25[%mul3A_633, %dma_wait3A_639] : memref<10000x128xf32, #tpu.memory_space<vmem_shared>> -> memref<40x128xf32, #tpu.memory_space<vmem_shared>>
        tpu.wait_dma2 semaphore(%run_scoped3A : memref<!tpu.dma_semaphore, #tpu.memory_space<semaphore_mem>>) src(%arg23 : memref<40x128xf32, #tpu.memory_space<vmem>>) dst(%dma_wait3A_640 : memref<40x128xf32, #tpu.memory_space<vmem_shared>>)
        tpu.yield
      }) : () -> ()
    } else {
    }
    %mul3A_88 = arith.constant 16 : i32
    %mul3A_89 = arith.muli %arg1, %mul3A_88 : i32
    %add3A_90 = arith.constant 9 : i32
    %add3A_91 = arith.addi %mul3A_89, %add3A_90 : i32
    %lt3A_92 = arith.constant 250 : i32
    %lt3A_93 = arith.cmpi slt, %add3A_91, %lt3A_92 : i32
    %convert_element_type3A_94 = arith.extui %lt3A_93 : i1 to i32
    %cond3A_95 = arith.constant 0 : i32
    %cond3A_96 = arith.cmpi ne, %convert_element_type3A_94, %cond3A_95 : i32
    scf.if %cond3A_96 {
      %mul3A_632 = arith.constant 40 : i32
      %mul3A_633 = arith.muli %add3A_91, %mul3A_632 : i32
      "tpu.region"() ({
        %run_scoped3A = tpu.sem_alloc : memref<!tpu.dma_semaphore, #tpu.memory_space<semaphore_mem>>
        %dma_start3A = arith.constant 0 : i32
        %dma_start3A_634 = tpu.memref_slice %arg25[%mul3A_633, %dma_start3A] : memref<10000x128xf32, #tpu.memory_space<vmem_shared>> -> memref<40x128xf32, #tpu.memory_space<vmem_shared>>
        %dma_start3A_635 = arith.constant 0 : i32
        %dma_start3A_636 = tpu.memref_slice %arg25[%mul3A_633, %dma_start3A_635] : memref<10000x128xf32, #tpu.memory_space<vmem_shared>> -> memref<40x128xf32, #tpu.memory_space<vmem_shared>>
        tpu.enqueue_dma source(%arg23 : memref<40x128xf32, #tpu.memory_space<vmem>>) target(%dma_start3A_636 : memref<40x128xf32, #tpu.memory_space<vmem_shared>>) target_semaphore(%run_scoped3A : memref<!tpu.dma_semaphore, #tpu.memory_space<semaphore_mem>>)
        %dma_wait3A_637 = arith.constant 0 : i32
        %dma_wait3A_638 = tpu.memref_slice %arg25[%mul3A_633, %dma_wait3A_637] : memref<10000x128xf32, #tpu.memory_space<vmem_shared>> -> memref<40x128xf32, #tpu.memory_space<vmem_shared>>
        %dma_wait3A_639 = arith.constant 0 : i32
        %dma_wait3A_640 = tpu.memref_slice %arg25[%mul3A_633, %dma_wait3A_639] : memref<10000x128xf32, #tpu.memory_space<vmem_shared>> -> memref<40x128xf32, #tpu.memory_space<vmem_shared>>
        tpu.wait_dma2 semaphore(%run_scoped3A : memref<!tpu.dma_semaphore, #tpu.memory_space<semaphore_mem>>) src(%arg23 : memref<40x128xf32, #tpu.memory_space<vmem>>) dst(%dma_wait3A_640 : memref<40x128xf32, #tpu.memory_space<vmem_shared>>)
        tpu.yield
      }) : () -> ()
    } else {
    }
    %mul3A_97 = arith.constant 16 : i32
    %mul3A_98 = arith.muli %arg1, %mul3A_97 : i32
    %add3A_99 = arith.constant 10 : i32
    %add3A_100 = arith.addi %mul3A_98, %add3A_99 : i32
    %lt3A_101 = arith.constant 250 : i32
    %lt3A_102 = arith.cmpi slt, %add3A_100, %lt3A_101 : i32
    %convert_element_type3A_103 = arith.extui %lt3A_102 : i1 to i32
    %cond3A_104 = arith.constant 0 : i32
    %cond3A_105 = arith.cmpi ne, %convert_element_type3A_103, %cond3A_104 : i32
    scf.if %cond3A_105 {
      %mul3A_632 = arith.constant 40 : i32
      %mul3A_633 = arith.muli %add3A_100, %mul3A_632 : i32
      "tpu.region"() ({
        %run_scoped3A = tpu.sem_alloc : memref<!tpu.dma_semaphore, #tpu.memory_space<semaphore_mem>>
        %dma_start3A = arith.constant 0 : i32
        %dma_start3A_634 = tpu.memref_slice %arg25[%mul3A_633, %dma_start3A] : memref<10000x128xf32, #tpu.memory_space<vmem_shared>> -> memref<40x128xf32, #tpu.memory_space<vmem_shared>>
        %dma_start3A_635 = arith.constant 0 : i32
        %dma_start3A_636 = tpu.memref_slice %arg25[%mul3A_633, %dma_start3A_635] : memref<10000x128xf32, #tpu.memory_space<vmem_shared>> -> memref<40x128xf32, #tpu.memory_space<vmem_shared>>
        tpu.enqueue_dma source(%arg23 : memref<40x128xf32, #tpu.memory_space<vmem>>) target(%dma_start3A_636 : memref<40x128xf32, #tpu.memory_space<vmem_shared>>) target_semaphore(%run_scoped3A : memref<!tpu.dma_semaphore, #tpu.memory_space<semaphore_mem>>)
        %dma_wait3A_637 = arith.constant 0 : i32
        %dma_wait3A_638 = tpu.memref_slice %arg25[%mul3A_633, %dma_wait3A_637] : memref<10000x128xf32, #tpu.memory_space<vmem_shared>> -> memref<40x128xf32, #tpu.memory_space<vmem_shared>>
        %dma_wait3A_639 = arith.constant 0 : i32
        %dma_wait3A_640 = tpu.memref_slice %arg25[%mul3A_633, %dma_wait3A_639] : memref<10000x128xf32, #tpu.memory_space<vmem_shared>> -> memref<40x128xf32, #tpu.memory_space<vmem_shared>>
        tpu.wait_dma2 semaphore(%run_scoped3A : memref<!tpu.dma_semaphore, #tpu.memory_space<semaphore_mem>>) src(%arg23 : memref<40x128xf32, #tpu.memory_space<vmem>>) dst(%dma_wait3A_640 : memref<40x128xf32, #tpu.memory_space<vmem_shared>>)
        tpu.yield
      }) : () -> ()
    } else {
    }
    %mul3A_106 = arith.constant 16 : i32
    %mul3A_107 = arith.muli %arg1, %mul3A_106 : i32
    %add3A_108 = arith.constant 11 : i32
    %add3A_109 = arith.addi %mul3A_107, %add3A_108 : i32
    %lt3A_110 = arith.constant 250 : i32
    %lt3A_111 = arith.cmpi slt, %add3A_109, %lt3A_110 : i32
    %convert_element_type3A_112 = arith.extui %lt3A_111 : i1 to i32
    %cond3A_113 = arith.constant 0 : i32
    %cond3A_114 = arith.cmpi ne, %convert_element_type3A_112, %cond3A_113 : i32
    scf.if %cond3A_114 {
      %mul3A_632 = arith.constant 40 : i32
      %mul3A_633 = arith.muli %add3A_109, %mul3A_632 : i32
      "tpu.region"() ({
        %run_scoped3A = tpu.sem_alloc : memref<!tpu.dma_semaphore, #tpu.memory_space<semaphore_mem>>
        %dma_start3A = arith.constant 0 : i32
        %dma_start3A_634 = tpu.memref_slice %arg25[%mul3A_633, %dma_start3A] : memref<10000x128xf32, #tpu.memory_space<vmem_shared>> -> memref<40x128xf32, #tpu.memory_space<vmem_shared>>
        %dma_start3A_635 = arith.constant 0 : i32
        %dma_start3A_636 = tpu.memref_slice %arg25[%mul3A_633, %dma_start3A_635] : memref<10000x128xf32, #tpu.memory_space<vmem_shared>> -> memref<40x128xf32, #tpu.memory_space<vmem_shared>>
        tpu.enqueue_dma source(%arg23 : memref<40x128xf32, #tpu.memory_space<vmem>>) target(%dma_start3A_636 : memref<40x128xf32, #tpu.memory_space<vmem_shared>>) target_semaphore(%run_scoped3A : memref<!tpu.dma_semaphore, #tpu.memory_space<semaphore_mem>>)
        %dma_wait3A_637 = arith.constant 0 : i32
        %dma_wait3A_638 = tpu.memref_slice %arg25[%mul3A_633, %dma_wait3A_637] : memref<10000x128xf32, #tpu.memory_space<vmem_shared>> -> memref<40x128xf32, #tpu.memory_space<vmem_shared>>
        %dma_wait3A_639 = arith.constant 0 : i32
        %dma_wait3A_640 = tpu.memref_slice %arg25[%mul3A_633, %dma_wait3A_639] : memref<10000x128xf32, #tpu.memory_space<vmem_shared>> -> memref<40x128xf32, #tpu.memory_space<vmem_shared>>
        tpu.wait_dma2 semaphore(%run_scoped3A : memref<!tpu.dma_semaphore, #tpu.memory_space<semaphore_mem>>) src(%arg23 : memref<40x128xf32, #tpu.memory_space<vmem>>) dst(%dma_wait3A_640 : memref<40x128xf32, #tpu.memory_space<vmem_shared>>)
        tpu.yield
      }) : () -> ()
    } else {
    }
    %mul3A_115 = arith.constant 16 : i32
    %mul3A_116 = arith.muli %arg1, %mul3A_115 : i32
    %add3A_117 = arith.constant 12 : i32
    %add3A_118 = arith.addi %mul3A_116, %add3A_117 : i32
    %lt3A_119 = arith.constant 250 : i32
    %lt3A_120 = arith.cmpi slt, %add3A_118, %lt3A_119 : i32
    %convert_element_type3A_121 = arith.extui %lt3A_120 : i1 to i32
    %cond3A_122 = arith.constant 0 : i32
    %cond3A_123 = arith.cmpi ne, %convert_element_type3A_121, %cond3A_122 : i32
    scf.if %cond3A_123 {
      %mul3A_632 = arith.constant 40 : i32
      %mul3A_633 = arith.muli %add3A_118, %mul3A_632 : i32
      "tpu.region"() ({
        %run_scoped3A = tpu.sem_alloc : memref<!tpu.dma_semaphore, #tpu.memory_space<semaphore_mem>>
        %dma_start3A = arith.constant 0 : i32
        %dma_start3A_634 = tpu.memref_slice %arg25[%mul3A_633, %dma_start3A] : memref<10000x128xf32, #tpu.memory_space<vmem_shared>> -> memref<40x128xf32, #tpu.memory_space<vmem_shared>>
        %dma_start3A_635 = arith.constant 0 : i32
        %dma_start3A_636 = tpu.memref_slice %arg25[%mul3A_633, %dma_start3A_635] : memref<10000x128xf32, #tpu.memory_space<vmem_shared>> -> memref<40x128xf32, #tpu.memory_space<vmem_shared>>
        tpu.enqueue_dma source(%arg23 : memref<40x128xf32, #tpu.memory_space<vmem>>) target(%dma_start3A_636 : memref<40x128xf32, #tpu.memory_space<vmem_shared>>) target_semaphore(%run_scoped3A : memref<!tpu.dma_semaphore, #tpu.memory_space<semaphore_mem>>)
        %dma_wait3A_637 = arith.constant 0 : i32
        %dma_wait3A_638 = tpu.memref_slice %arg25[%mul3A_633, %dma_wait3A_637] : memref<10000x128xf32, #tpu.memory_space<vmem_shared>> -> memref<40x128xf32, #tpu.memory_space<vmem_shared>>
        %dma_wait3A_639 = arith.constant 0 : i32
        %dma_wait3A_640 = tpu.memref_slice %arg25[%mul3A_633, %dma_wait3A_639] : memref<10000x128xf32, #tpu.memory_space<vmem_shared>> -> memref<40x128xf32, #tpu.memory_space<vmem_shared>>
        tpu.wait_dma2 semaphore(%run_scoped3A : memref<!tpu.dma_semaphore, #tpu.memory_space<semaphore_mem>>) src(%arg23 : memref<40x128xf32, #tpu.memory_space<vmem>>) dst(%dma_wait3A_640 : memref<40x128xf32, #tpu.memory_space<vmem_shared>>)
        tpu.yield
      }) : () -> ()
    } else {
    }
    %mul3A_124 = arith.constant 16 : i32
    %mul3A_125 = arith.muli %arg1, %mul3A_124 : i32
    %add3A_126 = arith.constant 13 : i32
    %add3A_127 = arith.addi %mul3A_125, %add3A_126 : i32
    %lt3A_128 = arith.constant 250 : i32
    %lt3A_129 = arith.cmpi slt, %add3A_127, %lt3A_128 : i32
    %convert_element_type3A_130 = arith.extui %lt3A_129 : i1 to i32
    %cond3A_131 = arith.constant 0 : i32
    %cond3A_132 = arith.cmpi ne, %convert_element_type3A_130, %cond3A_131 : i32
    scf.if %cond3A_132 {
      %mul3A_632 = arith.constant 40 : i32
      %mul3A_633 = arith.muli %add3A_127, %mul3A_632 : i32
      "tpu.region"() ({
        %run_scoped3A = tpu.sem_alloc : memref<!tpu.dma_semaphore, #tpu.memory_space<semaphore_mem>>
        %dma_start3A = arith.constant 0 : i32
        %dma_start3A_634 = tpu.memref_slice %arg25[%mul3A_633, %dma_start3A] : memref<10000x128xf32, #tpu.memory_space<vmem_shared>> -> memref<40x128xf32, #tpu.memory_space<vmem_shared>>
        %dma_start3A_635 = arith.constant 0 : i32
        %dma_start3A_636 = tpu.memref_slice %arg25[%mul3A_633, %dma_start3A_635] : memref<10000x128xf32, #tpu.memory_space<vmem_shared>> -> memref<40x128xf32, #tpu.memory_space<vmem_shared>>
        tpu.enqueue_dma source(%arg23 : memref<40x128xf32, #tpu.memory_space<vmem>>) target(%dma_start3A_636 : memref<40x128xf32, #tpu.memory_space<vmem_shared>>) target_semaphore(%run_scoped3A : memref<!tpu.dma_semaphore, #tpu.memory_space<semaphore_mem>>)
        %dma_wait3A_637 = arith.constant 0 : i32
        %dma_wait3A_638 = tpu.memref_slice %arg25[%mul3A_633, %dma_wait3A_637] : memref<10000x128xf32, #tpu.memory_space<vmem_shared>> -> memref<40x128xf32, #tpu.memory_space<vmem_shared>>
        %dma_wait3A_639 = arith.constant 0 : i32
        %dma_wait3A_640 = tpu.memref_slice %arg25[%mul3A_633, %dma_wait3A_639] : memref<10000x128xf32, #tpu.memory_space<vmem_shared>> -> memref<40x128xf32, #tpu.memory_space<vmem_shared>>
        tpu.wait_dma2 semaphore(%run_scoped3A : memref<!tpu.dma_semaphore, #tpu.memory_space<semaphore_mem>>) src(%arg23 : memref<40x128xf32, #tpu.memory_space<vmem>>) dst(%dma_wait3A_640 : memref<40x128xf32, #tpu.memory_space<vmem_shared>>)
        tpu.yield
      }) : () -> ()
    } else {
    }
    %mul3A_133 = arith.constant 16 : i32
    %mul3A_134 = arith.muli %arg1, %mul3A_133 : i32
    %add3A_135 = arith.constant 14 : i32
    %add3A_136 = arith.addi %mul3A_134, %add3A_135 : i32
    %lt3A_137 = arith.constant 250 : i32
    %lt3A_138 = arith.cmpi slt, %add3A_136, %lt3A_137 : i32
    %convert_element_type3A_139 = arith.extui %lt3A_138 : i1 to i32
    %cond3A_140 = arith.constant 0 : i32
    %cond3A_141 = arith.cmpi ne, %convert_element_type3A_139, %cond3A_140 : i32
    scf.if %cond3A_141 {
      %mul3A_632 = arith.constant 40 : i32
      %mul3A_633 = arith.muli %add3A_136, %mul3A_632 : i32
      "tpu.region"() ({
        %run_scoped3A = tpu.sem_alloc : memref<!tpu.dma_semaphore, #tpu.memory_space<semaphore_mem>>
        %dma_start3A = arith.constant 0 : i32
        %dma_start3A_634 = tpu.memref_slice %arg25[%mul3A_633, %dma_start3A] : memref<10000x128xf32, #tpu.memory_space<vmem_shared>> -> memref<40x128xf32, #tpu.memory_space<vmem_shared>>
        %dma_start3A_635 = arith.constant 0 : i32
        %dma_start3A_636 = tpu.memref_slice %arg25[%mul3A_633, %dma_start3A_635] : memref<10000x128xf32, #tpu.memory_space<vmem_shared>> -> memref<40x128xf32, #tpu.memory_space<vmem_shared>>
        tpu.enqueue_dma source(%arg23 : memref<40x128xf32, #tpu.memory_space<vmem>>) target(%dma_start3A_636 : memref<40x128xf32, #tpu.memory_space<vmem_shared>>) target_semaphore(%run_scoped3A : memref<!tpu.dma_semaphore, #tpu.memory_space<semaphore_mem>>)
        %dma_wait3A_637 = arith.constant 0 : i32
        %dma_wait3A_638 = tpu.memref_slice %arg25[%mul3A_633, %dma_wait3A_637] : memref<10000x128xf32, #tpu.memory_space<vmem_shared>> -> memref<40x128xf32, #tpu.memory_space<vmem_shared>>
        %dma_wait3A_639 = arith.constant 0 : i32
        %dma_wait3A_640 = tpu.memref_slice %arg25[%mul3A_633, %dma_wait3A_639] : memref<10000x128xf32, #tpu.memory_space<vmem_shared>> -> memref<40x128xf32, #tpu.memory_space<vmem_shared>>
        tpu.wait_dma2 semaphore(%run_scoped3A : memref<!tpu.dma_semaphore, #tpu.memory_space<semaphore_mem>>) src(%arg23 : memref<40x128xf32, #tpu.memory_space<vmem>>) dst(%dma_wait3A_640 : memref<40x128xf32, #tpu.memory_space<vmem_shared>>)
        tpu.yield
      }) : () -> ()
    } else {
    }
    %mul3A_142 = arith.constant 16 : i32
    %mul3A_143 = arith.muli %arg1, %mul3A_142 : i32
    %add3A_144 = arith.constant 15 : i32
    %add3A_145 = arith.addi %mul3A_143, %add3A_144 : i32
    %lt3A_146 = arith.constant 250 : i32
    %lt3A_147 = arith.cmpi slt, %add3A_145, %lt3A_146 : i32
    %convert_element_type3A_148 = arith.extui %lt3A_147 : i1 to i32
    %cond3A_149 = arith.constant 0 : i32
    %cond3A_150 = arith.cmpi ne, %convert_element_type3A_148, %cond3A_149 : i32
    scf.if %cond3A_150 {
      %mul3A_632 = arith.constant 40 : i32
      %mul3A_633 = arith.muli %add3A_145, %mul3A_632 : i32
      "tpu.region"() ({
        %run_scoped3A = tpu.sem_alloc : memref<!tpu.dma_semaphore, #tpu.memory_space<semaphore_mem>>
        %dma_start3A = arith.constant 0 : i32
        %dma_start3A_634 = tpu.memref_slice %arg25[%mul3A_633, %dma_start3A] : memref<10000x128xf32, #tpu.memory_space<vmem_shared>> -> memref<40x128xf32, #tpu.memory_space<vmem_shared>>
        %dma_start3A_635 = arith.constant 0 : i32
        %dma_start3A_636 = tpu.memref_slice %arg25[%mul3A_633, %dma_start3A_635] : memref<10000x128xf32, #tpu.memory_space<vmem_shared>> -> memref<40x128xf32, #tpu.memory_space<vmem_shared>>
        tpu.enqueue_dma source(%arg23 : memref<40x128xf32, #tpu.memory_space<vmem>>) target(%dma_start3A_636 : memref<40x128xf32, #tpu.memory_space<vmem_shared>>) target_semaphore(%run_scoped3A : memref<!tpu.dma_semaphore, #tpu.memory_space<semaphore_mem>>)
        %dma_wait3A_637 = arith.constant 0 : i32
        %dma_wait3A_638 = tpu.memref_slice %arg25[%mul3A_633, %dma_wait3A_637] : memref<10000x128xf32, #tpu.memory_space<vmem_shared>> -> memref<40x128xf32, #tpu.memory_space<vmem_shared>>
        %dma_wait3A_639 = arith.constant 0 : i32
        %dma_wait3A_640 = tpu.memref_slice %arg25[%mul3A_633, %dma_wait3A_639] : memref<10000x128xf32, #tpu.memory_space<vmem_shared>> -> memref<40x128xf32, #tpu.memory_space<vmem_shared>>
        tpu.wait_dma2 semaphore(%run_scoped3A : memref<!tpu.dma_semaphore, #tpu.memory_space<semaphore_mem>>) src(%arg23 : memref<40x128xf32, #tpu.memory_space<vmem>>) dst(%dma_wait3A_640 : memref<40x128xf32, #tpu.memory_space<vmem_shared>>)
        tpu.yield
      }) : () -> ()
    } else {
    }
    %barrier3A = arith.constant 0 : index
    tpu.barrier barrier_id(%barrier3A)
    %scan3A_151 = arith.constant 0 : i32
    %scan3A_152 = arith.constant 0 : i32
    %scan3A_153 = arith.constant 25 : i32
    %scan3A_154 = arith.addi %scan3A_152, %scan3A_153 : i32
    %scan3A_155 = arith.constant 1 : i32
    %scan3A_156 = scf.for %scan3A_632 = %scan3A_152 to %scan3A_154 step %scan3A_155 iter_args(%scan3A_633 = %scan3A_151) -> (i32)  : i32 {
      %mul3A_634 = arith.constant 400 : i32
      %mul3A_635 = arith.muli %scan3A_632, %mul3A_634 : i32
      %add3A_636 = arith.addi %mul3A_2, %mul3A_635 : i32
      "tpu.region"() ({
        %run_scoped3A = tpu.sem_alloc : memref<!tpu.dma_semaphore, #tpu.memory_space<semaphore_mem>>
        %dma_start3A_655 = tpu.memref_slice %arg10[%add3A_636] : memref<320000xi32, #tpu.memory_space<hbm>> -> memref<400xi32, #tpu.memory_space<hbm>>
        %dma_start3A_656 = tpu.memref_slice %arg10[%add3A_636] : memref<320000xi32, #tpu.memory_space<hbm>> -> memref<400xi32, #tpu.memory_space<hbm>>
        tpu.enqueue_dma source(%dma_start3A_656 : memref<400xi32, #tpu.memory_space<hbm>>) target(%arg14 : memref<400xi32, #tpu.memory_space<vmem>>) target_semaphore(%run_scoped3A : memref<!tpu.dma_semaphore, #tpu.memory_space<semaphore_mem>>)
        %dma_wait3A_657 = tpu.memref_slice %arg10[%add3A_636] : memref<320000xi32, #tpu.memory_space<hbm>> -> memref<400xi32, #tpu.memory_space<hbm>>
        %dma_wait3A_658 = tpu.memref_slice %arg10[%add3A_636] : memref<320000xi32, #tpu.memory_space<hbm>> -> memref<400xi32, #tpu.memory_space<hbm>>
        tpu.wait_dma2 semaphore(%run_scoped3A : memref<!tpu.dma_semaphore, #tpu.memory_space<semaphore_mem>>) src(%dma_wait3A_658 : memref<400xi32, #tpu.memory_space<hbm>>) dst(%arg14 : memref<400xi32, #tpu.memory_space<vmem>>)
        tpu.yield
      }) : () -> ()
      "tpu.region"() ({
        %run_scoped3A = tpu.sem_alloc : memref<!tpu.dma_semaphore, #tpu.memory_space<semaphore_mem>>
        %dma_start3A_655 = tpu.memref_slice %arg9[%add3A_636] : memref<320000xi32, #tpu.memory_space<hbm>> -> memref<400xi32, #tpu.memory_space<hbm>>
        %dma_start3A_656 = tpu.memref_slice %arg9[%add3A_636] : memref<320000xi32, #tpu.memory_space<hbm>> -> memref<400xi32, #tpu.memory_space<hbm>>
        tpu.enqueue_dma source(%dma_start3A_656 : memref<400xi32, #tpu.memory_space<hbm>>) target(%arg13 : memref<400xi32, #tpu.memory_space<vmem>>) target_semaphore(%run_scoped3A : memref<!tpu.dma_semaphore, #tpu.memory_space<semaphore_mem>>)
        %dma_wait3A_657 = tpu.memref_slice %arg9[%add3A_636] : memref<320000xi32, #tpu.memory_space<hbm>> -> memref<400xi32, #tpu.memory_space<hbm>>
        %dma_wait3A_658 = tpu.memref_slice %arg9[%add3A_636] : memref<320000xi32, #tpu.memory_space<hbm>> -> memref<400xi32, #tpu.memory_space<hbm>>
        tpu.wait_dma2 semaphore(%run_scoped3A : memref<!tpu.dma_semaphore, #tpu.memory_space<semaphore_mem>>) src(%dma_wait3A_658 : memref<400xi32, #tpu.memory_space<hbm>>) dst(%arg13 : memref<400xi32, #tpu.memory_space<vmem>>)
        tpu.yield
      }) : () -> ()
      %dma_start3A = arith.constant 0 : i32
      %dma_start3A_637 = tpu.memref_slice %arg14[%dma_start3A] : memref<400xi32, #tpu.memory_space<vmem>> -> memref<40xi32, #tpu.memory_space<vmem>>
      %dma_start3A_638 = arith.constant 0 : i32
      %dma_start3A_639 = arith.constant 0 : i32
      %dma_start3A_640 = tpu.memref_slice %arg2[%dma_start3A_638, %dma_start3A_639] : memref<10000x128xf32, #tpu.memory_space<hbm>> -> memref<10000x128xf32, #tpu.memory_space<hbm>>
      tpu.enqueue_indirect_dma source(%dma_start3A_640 : memref<10000x128xf32, #tpu.memory_space<hbm>>) target(%arg17 : memref<40x128xf32, #tpu.memory_space<vmem>>) offsets(%dma_start3A_637 : memref<40xi32, #tpu.memory_space<vmem>>) semaphore(%arg26 : memref<!tpu.dma_semaphore, #tpu.memory_space<semaphore_mem>>)
      %add3A_641 = arith.constant 0 : i32
      %add3A_642 = arith.addi %add3A_636, %add3A_641 : i32
      %dma_start3A_643 = arith.constant 0 : i32
      %dma_start3A_644 = tpu.memref_slice %arg6[%add3A_642, %dma_start3A_643] : memref<320000x128xf32, #tpu.memory_space<hbm>> -> memref<40x128xf32, #tpu.memory_space<hbm>>
      %dma_start3A_645 = arith.constant 0 : i32
      %dma_start3A_646 = tpu.memref_slice %arg6[%add3A_642, %dma_start3A_645] : memref<320000x128xf32, #tpu.memory_space<hbm>> -> memref<40x128xf32, #tpu.memory_space<hbm>>
      tpu.enqueue_dma source(%dma_start3A_646 : memref<40x128xf32, #tpu.memory_space<hbm>>) target(%arg21 : memref<40x128xf32, #tpu.memory_space<vmem>>) target_semaphore(%arg28 : memref<!tpu.dma_semaphore, #tpu.memory_space<semaphore_mem>>)
      %scan3A_647 = arith.constant 0 : i32
      %scan3A_648 = arith.constant 0 : i32
      %scan3A_649 = arith.constant 5 : i32
      %scan3A_650 = arith.addi %scan3A_648, %scan3A_649 : i32
      %scan3A_651 = arith.constant 1 : i32
      %scan3A_652 = scf.for %scan3A_655 = %scan3A_648 to %scan3A_650 step %scan3A_651 iter_args(%scan3A_656 = %scan3A_647) -> (i32)  : i32 {
        %eq3A = arith.constant 0 : i32
        %eq3A_657 = arith.cmpi eq, %scan3A_632, %eq3A : i32
        %eq3A_658 = arith.constant 0 : i32
        %eq3A_659 = arith.cmpi eq, %scan3A_655, %eq3A_658 : i32
        %and3A = arith.andi %eq3A_657, %eq3A_659 : i1
        %mul3A_660 = arith.constant 2 : i32
        %mul3A_661 = arith.muli %mul3A_660, %scan3A_655 : i32
        %add3A_662 = arith.constant 1 : i32
        %add3A_663 = arith.addi %mul3A_661, %add3A_662 : i32
        %mul3A_664 = arith.constant 40 : i32
        %mul3A_665 = arith.muli %add3A_663, %mul3A_664 : i32
        %dma_start3A_666 = tpu.memref_slice %arg14[%mul3A_665] : memref<400xi32, #tpu.memory_space<vmem>> -> memref<40xi32, #tpu.memory_space<vmem>>
        %dma_start3A_667 = arith.constant 0 : i32
        %dma_start3A_668 = arith.constant 0 : i32
        %dma_start3A_669 = tpu.memref_slice %arg2[%dma_start3A_667, %dma_start3A_668] : memref<10000x128xf32, #tpu.memory_space<hbm>> -> memref<10000x128xf32, #tpu.memory_space<hbm>>
        tpu.enqueue_indirect_dma source(%dma_start3A_669 : memref<10000x128xf32, #tpu.memory_space<hbm>>) target(%arg18 : memref<40x128xf32, #tpu.memory_space<vmem>>) offsets(%dma_start3A_666 : memref<40xi32, #tpu.memory_space<vmem>>) semaphore(%arg27 : memref<!tpu.dma_semaphore, #tpu.memory_space<semaphore_mem>>)
        %add3A_670 = arith.addi %add3A_636, %mul3A_665 : i32
        %dma_start3A_671 = arith.constant 0 : i32
        %dma_start3A_672 = tpu.memref_slice %arg6[%add3A_670, %dma_start3A_671] : memref<320000x128xf32, #tpu.memory_space<hbm>> -> memref<40x128xf32, #tpu.memory_space<hbm>>
        %dma_start3A_673 = arith.constant 0 : i32
        %dma_start3A_674 = tpu.memref_slice %arg6[%add3A_670, %dma_start3A_673] : memref<320000x128xf32, #tpu.memory_space<hbm>> -> memref<40x128xf32, #tpu.memory_space<hbm>>
        tpu.enqueue_dma source(%dma_start3A_674 : memref<40x128xf32, #tpu.memory_space<hbm>>) target(%arg22 : memref<40x128xf32, #tpu.memory_space<vmem>>) target_semaphore(%arg29 : memref<!tpu.dma_semaphore, #tpu.memory_space<semaphore_mem>>)
        %dma_wait3A_675 = arith.constant 0 : i32
        %dma_wait3A_676 = tpu.memref_slice %arg14[%dma_wait3A_675] : memref<400xi32, #tpu.memory_space<vmem>> -> memref<40xi32, #tpu.memory_space<vmem>>
        %dma_wait3A_677 = arith.constant 0 : i32
        %dma_wait3A_678 = arith.constant 0 : i32
        %dma_wait3A_679 = tpu.memref_slice %arg2[%dma_wait3A_677, %dma_wait3A_678] : memref<10000x128xf32, #tpu.memory_space<hbm>> -> memref<10000x128xf32, #tpu.memory_space<hbm>>
        tpu.wait_indirect_dma semaphore(%arg26 : memref<!tpu.dma_semaphore, #tpu.memory_space<semaphore_mem>>) src(%dma_wait3A_679 : memref<10000x128xf32, #tpu.memory_space<hbm>>) dst(%arg17 : memref<40x128xf32, #tpu.memory_space<vmem>>)
        %dma_wait3A_680 = arith.constant 0 : i32
        %dma_wait3A_681 = arith.constant 0 : i32
        %dma_wait3A_682 = tpu.memref_slice %arg6[%dma_wait3A_680, %dma_wait3A_681] : memref<320000x128xf32, #tpu.memory_space<hbm>> -> memref<40x128xf32, #tpu.memory_space<hbm>>
        %dma_wait3A_683 = arith.constant 0 : i32
        %dma_wait3A_684 = arith.constant 0 : i32
        %dma_wait3A_685 = tpu.memref_slice %arg6[%dma_wait3A_683, %dma_wait3A_684] : memref<320000x128xf32, #tpu.memory_space<hbm>> -> memref<40x128xf32, #tpu.memory_space<hbm>>
        tpu.wait_dma2 semaphore(%arg28 : memref<!tpu.dma_semaphore, #tpu.memory_space<semaphore_mem>>) src(%dma_wait3A_685 : memref<40x128xf32, #tpu.memory_space<hbm>>) dst(%arg21 : memref<40x128xf32, #tpu.memory_space<vmem>>)
        %mul3A_686 = arith.constant 2 : i32
        %mul3A_687 = arith.muli %mul3A_686, %scan3A_655 : i32
        %not3A = arith.constant true
        %not3A_688 = arith.xori %and3A, %not3A : i1
        %convert_element_type3A_689 = arith.extui %not3A_688 : i1 to i32
        %cond3A_690 = arith.constant 0 : i32
        %cond3A_691 = arith.cmpi ne, %convert_element_type3A_689, %cond3A_690 : i32
        scf.if %cond3A_691 {
          %dma_wait3A_780 = arith.constant 0 : i32
          %dma_wait3A_781 = arith.constant 0 : i32
          %dma_wait3A_782 = tpu.memref_slice %arg25[%dma_wait3A_780, %dma_wait3A_781] : memref<10000x128xf32, #tpu.memory_space<vmem_shared>> -> memref<10000x128xf32, #tpu.memory_space<vmem_shared>>
          tpu.wait_indirect_dma semaphore(%arg30 : memref<!tpu.dma_semaphore, #tpu.memory_space<semaphore_mem>>) src(%arg23 : memref<40x128xf32, #tpu.memory_space<vmem>>) dst(%dma_wait3A_782 : memref<10000x128xf32, #tpu.memory_space<vmem_shared>>)
        } else {
        }
        %mul3A_692 = arith.constant 40 : i32
        %mul3A_693 = arith.muli %mul3A_687, %mul3A_692 : i32
        %add3A_694 = arith.constant 0 : i32
        %add3A_695 = arith.addi %mul3A_693, %add3A_694 : i32
        %get3A = arith.index_cast %add3A_695 : i32 to index
        %get3A_696 = tpu.vector_load %arg13[%get3A] {strides = array<i32>} : memref<400xi32, #tpu.memory_space<vmem>>, vector<16xi32>,
        %get3A_697 = vector.shape_cast %get3A_696 : vector<16xi32> to vector<16xi32>
        %swap3A = arith.constant 0 : index
        %swap3A_698 = tpu.vector_load %arg15[%swap3A] {strides = array<i32>} : memref<40xi32, #tpu.memory_space<vmem>>, vector<16xi32>,
        %swap3A_699 = vector.shape_cast %swap3A_698 : vector<16xi32> to vector<16xi32>
        %swap3A_700 = vector.shape_cast %get3A_697 : vector<16xi32> to vector<16xi32>
        tpu.vector_store %arg15[%swap3A], %swap3A_700 {strides = array<i32>} : memref<40xi32, #tpu.memory_space<vmem>>, vector<16xi32>,
        %add3A_701 = arith.constant 16 : i32
        %add3A_702 = arith.addi %mul3A_693, %add3A_701 : i32
        %get3A_703 = arith.index_cast %add3A_702 : i32 to index
        %get3A_704 = tpu.vector_load %arg13[%get3A_703] {strides = array<i32>} : memref<400xi32, #tpu.memory_space<vmem>>, vector<16xi32>,
        %get3A_705 = vector.shape_cast %get3A_704 : vector<16xi32> to vector<16xi32>
        %swap3A_706 = arith.constant 16 : index
        %swap3A_707 = tpu.vector_load %arg15[%swap3A_706] {strides = array<i32>} : memref<40xi32, #tpu.memory_space<vmem>>, vector<16xi32>,
        %swap3A_708 = vector.shape_cast %swap3A_707 : vector<16xi32> to vector<16xi32>
        %swap3A_709 = vector.shape_cast %get3A_705 : vector<16xi32> to vector<16xi32>
        tpu.vector_store %arg15[%swap3A_706], %swap3A_709 {strides = array<i32>} : memref<40xi32, #tpu.memory_space<vmem>>, vector<16xi32>,
        %add3A_710 = arith.constant 24 : i32
        %add3A_711 = arith.addi %mul3A_693, %add3A_710 : i32
        %get3A_712 = arith.index_cast %add3A_711 : i32 to index
        %get3A_713 = tpu.vector_load %arg13[%get3A_712] {strides = array<i32>} : memref<400xi32, #tpu.memory_space<vmem>>, vector<16xi32>,
        %get3A_714 = vector.shape_cast %get3A_713 : vector<16xi32> to vector<16xi32>
        %swap3A_715 = arith.constant 24 : index
        %swap3A_716 = tpu.vector_load %arg15[%swap3A_715] {strides = array<i32>} : memref<40xi32, #tpu.memory_space<vmem>>, vector<16xi32>,
        %swap3A_717 = vector.shape_cast %swap3A_716 : vector<16xi32> to vector<16xi32>
        %swap3A_718 = vector.shape_cast %get3A_714 : vector<16xi32> to vector<16xi32>
        tpu.vector_store %arg15[%swap3A_715], %swap3A_718 {strides = array<i32>} : memref<40xi32, #tpu.memory_space<vmem>>, vector<16xi32>,
        %dma_start3A_719 = arith.constant 0 : i32
        %dma_start3A_720 = arith.constant 0 : i32
        %dma_start3A_721 = tpu.memref_slice %arg25[%dma_start3A_719, %dma_start3A_720] : memref<10000x128xf32, #tpu.memory_space<vmem_shared>> -> memref<10000x128xf32, #tpu.memory_space<vmem_shared>>
        tpu.enqueue_indirect_dma source(%arg23 : memref<40x128xf32, #tpu.memory_space<vmem>>) target(%dma_start3A_721 : memref<10000x128xf32, #tpu.memory_space<vmem_shared>>) offsets(%arg15 : memref<40xi32, #tpu.memory_space<vmem>>) semaphore(%arg30 : memref<!tpu.dma_semaphore, #tpu.memory_space<semaphore_mem>>) {add = true}
        %lt3A_722 = arith.constant 4 : i32
        %lt3A_723 = arith.cmpi slt, %scan3A_655, %lt3A_722 : i32
        %convert_element_type3A_724 = arith.extui %lt3A_723 : i1 to i32
        %cond3A_725 = arith.constant 0 : i32
        %cond3A_726 = arith.cmpi ne, %convert_element_type3A_724, %cond3A_725 : i32
        scf.if %cond3A_726 {
          %mul3A_780 = arith.constant 2 : i32
          %mul3A_781 = arith.muli %mul3A_780, %scan3A_655 : i32
          %add3A_782 = arith.constant 2 : i32
          %add3A_783 = arith.addi %mul3A_781, %add3A_782 : i32
          %mul3A_784 = arith.constant 40 : i32
          %mul3A_785 = arith.muli %add3A_783, %mul3A_784 : i32
          %dma_start3A_786 = tpu.memref_slice %arg14[%mul3A_785] : memref<400xi32, #tpu.memory_space<vmem>> -> memref<40xi32, #tpu.memory_space<vmem>>
          %dma_start3A_787 = arith.constant 0 : i32
          %dma_start3A_788 = arith.constant 0 : i32
          %dma_start3A_789 = tpu.memref_slice %arg2[%dma_start3A_787, %dma_start3A_788] : memref<10000x128xf32, #tpu.memory_space<hbm>> -> memref<10000x128xf32, #tpu.memory_space<hbm>>
          tpu.enqueue_indirect_dma source(%dma_start3A_789 : memref<10000x128xf32, #tpu.memory_space<hbm>>) target(%arg17 : memref<40x128xf32, #tpu.memory_space<vmem>>) offsets(%dma_start3A_786 : memref<40xi32, #tpu.memory_space<vmem>>) semaphore(%arg26 : memref<!tpu.dma_semaphore, #tpu.memory_space<semaphore_mem>>)
          %add3A_790 = arith.addi %add3A_636, %mul3A_785 : i32
          %dma_start3A_791 = arith.constant 0 : i32
          %dma_start3A_792 = tpu.memref_slice %arg6[%add3A_790, %dma_start3A_791] : memref<320000x128xf32, #tpu.memory_space<hbm>> -> memref<40x128xf32, #tpu.memory_space<hbm>>
          %dma_start3A_793 = arith.constant 0 : i32
          %dma_start3A_794 = tpu.memref_slice %arg6[%add3A_790, %dma_start3A_793] : memref<320000x128xf32, #tpu.memory_space<hbm>> -> memref<40x128xf32, #tpu.memory_space<hbm>>
          tpu.enqueue_dma source(%dma_start3A_794 : memref<40x128xf32, #tpu.memory_space<hbm>>) target(%arg21 : memref<40x128xf32, #tpu.memory_space<vmem>>) target_semaphore(%arg28 : memref<!tpu.dma_semaphore, #tpu.memory_space<semaphore_mem>>)
        } else {
        }
        %dma_wait3A_727 = arith.constant 0 : i32
        %dma_wait3A_728 = tpu.memref_slice %arg14[%dma_wait3A_727] : memref<400xi32, #tpu.memory_space<vmem>> -> memref<40xi32, #tpu.memory_space<vmem>>
        %dma_wait3A_729 = arith.constant 0 : i32
        %dma_wait3A_730 = arith.constant 0 : i32
        %dma_wait3A_731 = tpu.memref_slice %arg2[%dma_wait3A_729, %dma_wait3A_730] : memref<10000x128xf32, #tpu.memory_space<hbm>> -> memref<10000x128xf32, #tpu.memory_space<hbm>>
        tpu.wait_indirect_dma semaphore(%arg27 : memref<!tpu.dma_semaphore, #tpu.memory_space<semaphore_mem>>) src(%dma_wait3A_731 : memref<10000x128xf32, #tpu.memory_space<hbm>>) dst(%arg18 : memref<40x128xf32, #tpu.memory_space<vmem>>)
        %dma_wait3A_732 = arith.constant 0 : i32
        %dma_wait3A_733 = arith.constant 0 : i32
        %dma_wait3A_734 = tpu.memref_slice %arg6[%dma_wait3A_732, %dma_wait3A_733] : memref<320000x128xf32, #tpu.memory_space<hbm>> -> memref<40x128xf32, #tpu.memory_space<hbm>>
        %dma_wait3A_735 = arith.constant 0 : i32
        %dma_wait3A_736 = arith.constant 0 : i32
        %dma_wait3A_737 = tpu.memref_slice %arg6[%dma_wait3A_735, %dma_wait3A_736] : memref<320000x128xf32, #tpu.memory_space<hbm>> -> memref<40x128xf32, #tpu.memory_space<hbm>>
        tpu.wait_dma2 semaphore(%arg29 : memref<!tpu.dma_semaphore, #tpu.memory_space<semaphore_mem>>) src(%dma_wait3A_737 : memref<40x128xf32, #tpu.memory_space<hbm>>) dst(%arg22 : memref<40x128xf32, #tpu.memory_space<vmem>>)
        %mul3A_738 = arith.constant 2 : i32
        %mul3A_739 = arith.muli %mul3A_738, %scan3A_655 : i32
        %add3A_740 = arith.constant 1 : i32
        %add3A_741 = arith.addi %mul3A_739, %add3A_740 : i32
        %not3A_742 = arith.constant true
        %not3A_743 = arith.xori %and3A, %not3A_742 : i1
        %convert_element_type3A_744 = arith.extui %not3A_743 : i1 to i32
        %cond3A_745 = arith.constant 0 : i32
        %cond3A_746 = arith.cmpi ne, %convert_element_type3A_744, %cond3A_745 : i32
        scf.if %cond3A_746 {
          %dma_wait3A_780 = arith.constant 0 : i32
          %dma_wait3A_781 = arith.constant 0 : i32
          %dma_wait3A_782 = tpu.memref_slice %arg25[%dma_wait3A_780, %dma_wait3A_781] : memref<10000x128xf32, #tpu.memory_space<vmem_shared>> -> memref<10000x128xf32, #tpu.memory_space<vmem_shared>>
          tpu.wait_indirect_dma semaphore(%arg31 : memref<!tpu.dma_semaphore, #tpu.memory_space<semaphore_mem>>) src(%arg24 : memref<40x128xf32, #tpu.memory_space<vmem>>) dst(%dma_wait3A_782 : memref<10000x128xf32, #tpu.memory_space<vmem_shared>>)
        } else {
        }
        %mul3A_747 = arith.constant 40 : i32
        %mul3A_748 = arith.muli %add3A_741, %mul3A_747 : i32
        %add3A_749 = arith.constant 0 : i32
        %add3A_750 = arith.addi %mul3A_748, %add3A_749 : i32
        %get3A_751 = arith.index_cast %add3A_750 : i32 to index
        %get3A_752 = tpu.vector_load %arg13[%get3A_751] {strides = array<i32>} : memref<400xi32, #tpu.memory_space<vmem>>, vector<16xi32>,
        %get3A_753 = vector.shape_cast %get3A_752 : vector<16xi32> to vector<16xi32>
        %swap3A_754 = arith.constant 0 : index
        %swap3A_755 = tpu.vector_load %arg16[%swap3A_754] {strides = array<i32>} : memref<40xi32, #tpu.memory_space<vmem>>, vector<16xi32>,
        %swap3A_756 = vector.shape_cast %swap3A_755 : vector<16xi32> to vector<16xi32>
        %swap3A_757 = vector.shape_cast %get3A_753 : vector<16xi32> to vector<16xi32>
        tpu.vector_store %arg16[%swap3A_754], %swap3A_757 {strides = array<i32>} : memref<40xi32, #tpu.memory_space<vmem>>, vector<16xi32>,
        %add3A_758 = arith.constant 16 : i32
        %add3A_759 = arith.addi %mul3A_748, %add3A_758 : i32
        %get3A_760 = arith.index_cast %add3A_759 : i32 to index
        %get3A_761 = tpu.vector_load %arg13[%get3A_760] {strides = array<i32>} : memref<400xi32, #tpu.memory_space<vmem>>, vector<16xi32>,
        %get3A_762 = vector.shape_cast %get3A_761 : vector<16xi32> to vector<16xi32>
        %swap3A_763 = arith.constant 16 : index
        %swap3A_764 = tpu.vector_load %arg16[%swap3A_763] {strides = array<i32>} : memref<40xi32, #tpu.memory_space<vmem>>, vector<16xi32>,
        %swap3A_765 = vector.shape_cast %swap3A_764 : vector<16xi32> to vector<16xi32>
        %swap3A_766 = vector.shape_cast %get3A_762 : vector<16xi32> to vector<16xi32>
        tpu.vector_store %arg16[%swap3A_763], %swap3A_766 {strides = array<i32>} : memref<40xi32, #tpu.memory_space<vmem>>, vector<16xi32>,
        %add3A_767 = arith.constant 24 : i32
        %add3A_768 = arith.addi %mul3A_748, %add3A_767 : i32
        %get3A_769 = arith.index_cast %add3A_768 : i32 to index
        %get3A_770 = tpu.vector_load %arg13[%get3A_769] {strides = array<i32>} : memref<400xi32, #tpu.memory_space<vmem>>, vector<16xi32>,
        %get3A_771 = vector.shape_cast %get3A_770 : vector<16xi32> to vector<16xi32>
        %swap3A_772 = arith.constant 24 : index
        %swap3A_773 = tpu.vector_load %arg16[%swap3A_772] {strides = array<i32>} : memref<40xi32, #tpu.memory_space<vmem>>, vector<16xi32>,
        %swap3A_774 = vector.shape_cast %swap3A_773 : vector<16xi32> to vector<16xi32>
        %swap3A_775 = vector.shape_cast %get3A_771 : vector<16xi32> to vector<16xi32>
        tpu.vector_store %arg16[%swap3A_772], %swap3A_775 {strides = array<i32>} : memref<40xi32, #tpu.memory_space<vmem>>, vector<16xi32>,
        %dma_start3A_776 = arith.constant 0 : i32
        %dma_start3A_777 = arith.constant 0 : i32
        %dma_start3A_778 = tpu.memref_slice %arg25[%dma_start3A_776, %dma_start3A_777] : memref<10000x128xf32, #tpu.memory_space<vmem_shared>> -> memref<10000x128xf32, #tpu.memory_space<vmem_shared>>
        tpu.enqueue_indirect_dma source(%arg24 : memref<40x128xf32, #tpu.memory_space<vmem>>) target(%dma_start3A_778 : memref<10000x128xf32, #tpu.memory_space<vmem_shared>>) offsets(%arg16 : memref<40xi32, #tpu.memory_space<vmem>>) semaphore(%arg31 : memref<!tpu.dma_semaphore, #tpu.memory_space<semaphore_mem>>) {add = true}
        %scan3A_779 = arith.constant 0 : i32
        scf.yield %scan3A_779 : i32
      }
      %scan3A_653 = arith.constant 5 : i32
      %scan3A_654 = arith.constant 0 : i32
      scf.yield %scan3A_654 : i32
    }
    %scan3A_157 = arith.constant 25 : i32
    %dma_wait3A = arith.constant 0 : i32
    %dma_wait3A_158 = arith.constant 0 : i32
    %dma_wait3A_159 = tpu.memref_slice %arg25[%dma_wait3A, %dma_wait3A_158] : memref<10000x128xf32, #tpu.memory_space<vmem_shared>> -> memref<10000x128xf32, #tpu.memory_space<vmem_shared>>
    tpu.wait_indirect_dma semaphore(%arg30 : memref<!tpu.dma_semaphore, #tpu.memory_space<semaphore_mem>>) src(%arg23 : memref<40x128xf32, #tpu.memory_space<vmem>>) dst(%dma_wait3A_159 : memref<10000x128xf32, #tpu.memory_space<vmem_shared>>)
    %dma_wait3A_160 = arith.constant 0 : i32
    %dma_wait3A_161 = arith.constant 0 : i32
    %dma_wait3A_162 = tpu.memref_slice %arg25[%dma_wait3A_160, %dma_wait3A_161] : memref<10000x128xf32, #tpu.memory_space<vmem_shared>> -> memref<10000x128xf32, #tpu.memory_space<vmem_shared>>
    tpu.wait_indirect_dma semaphore(%arg31 : memref<!tpu.dma_semaphore, #tpu.memory_space<semaphore_mem>>) src(%arg24 : memref<40x128xf32, #tpu.memory_space<vmem>>) dst(%dma_wait3A_162 : memref<10000x128xf32, #tpu.memory_space<vmem_shared>>)
    %barrier3A_163 = arith.constant 0 : index
    tpu.barrier barrier_id(%barrier3A_163)
    %mul3A_164 = arith.constant 16 : i32
    %mul3A_165 = arith.muli %arg1, %mul3A_164 : i32
    %add3A_166 = arith.constant 0 : i32
    %add3A_167 = arith.addi %mul3A_165, %add3A_166 : i32
    %lt3A_168 = arith.constant 250 : i32
    %lt3A_169 = arith.cmpi slt, %add3A_167, %lt3A_168 : i32
    %convert_element_type3A_170 = arith.extui %lt3A_169 : i1 to i32
    %cond3A_171 = arith.constant 0 : i32
    %cond3A_172 = arith.cmpi ne, %convert_element_type3A_170, %cond3A_171 : i32
    scf.if %cond3A_172 {
      %mul3A_632 = arith.constant 40 : i32
      %mul3A_633 = arith.muli %add3A_167, %mul3A_632 : i32
      "tpu.region"() ({
        %run_scoped3A = tpu.sem_alloc : memref<!tpu.dma_semaphore, #tpu.memory_space<semaphore_mem>>
        %dma_start3A = arith.constant 0 : i32
        %dma_start3A_636 = tpu.memref_slice %arg25[%mul3A_633, %dma_start3A] : memref<10000x128xf32, #tpu.memory_space<vmem_shared>> -> memref<40x128xf32, #tpu.memory_space<vmem_shared>>
        %dma_start3A_637 = arith.constant 0 : i32
        %dma_start3A_638 = tpu.memref_slice %arg25[%mul3A_633, %dma_start3A_637] : memref<10000x128xf32, #tpu.memory_space<vmem_shared>> -> memref<40x128xf32, #tpu.memory_space<vmem_shared>>
        tpu.enqueue_dma source(%dma_start3A_638 : memref<40x128xf32, #tpu.memory_space<vmem_shared>>) target(%arg23 : memref<40x128xf32, #tpu.memory_space<vmem>>) target_semaphore(%run_scoped3A : memref<!tpu.dma_semaphore, #tpu.memory_space<semaphore_mem>>)
        %dma_wait3A_639 = arith.constant 0 : i32
        %dma_wait3A_640 = tpu.memref_slice %arg25[%mul3A_633, %dma_wait3A_639] : memref<10000x128xf32, #tpu.memory_space<vmem_shared>> -> memref<40x128xf32, #tpu.memory_space<vmem_shared>>
        %dma_wait3A_641 = arith.constant 0 : i32
        %dma_wait3A_642 = tpu.memref_slice %arg25[%mul3A_633, %dma_wait3A_641] : memref<10000x128xf32, #tpu.memory_space<vmem_shared>> -> memref<40x128xf32, #tpu.memory_space<vmem_shared>>
        tpu.wait_dma2 semaphore(%run_scoped3A : memref<!tpu.dma_semaphore, #tpu.memory_space<semaphore_mem>>) src(%dma_wait3A_642 : memref<40x128xf32, #tpu.memory_space<vmem_shared>>) dst(%arg23 : memref<40x128xf32, #tpu.memory_space<vmem>>)
        tpu.yield
      }) : () -> ()
      %mul3A_634 = arith.constant 40 : i32
      %mul3A_635 = arith.muli %add3A_167, %mul3A_634 : i32
      "tpu.region"() ({
        %run_scoped3A = tpu.sem_alloc : memref<!tpu.dma_semaphore, #tpu.memory_space<semaphore_mem>>
        %dma_start3A = arith.constant 0 : i32
        %dma_start3A_636 = tpu.memref_slice %arg11[%arg0, %mul3A_635, %dma_start3A] : memref<2x10000x128xf32, #tpu.memory_space<hbm>> -> memref<1x40x128xf32, #tpu.memory_space<hbm>>
        %dma_start3A_637 = tpu.memref_squeeze %dma_start3A_636 : memref<1x40x128xf32, #tpu.memory_space<hbm>> -> memref<40x128xf32, #tpu.memory_space<hbm>>
        %dma_start3A_638 = arith.constant 0 : i32
        %dma_start3A_639 = tpu.memref_slice %arg11[%arg0, %mul3A_635, %dma_start3A_638] : memref<2x10000x128xf32, #tpu.memory_space<hbm>> -> memref<1x40x128xf32, #tpu.memory_space<hbm>>
        %dma_start3A_640 = tpu.memref_squeeze %dma_start3A_639 : memref<1x40x128xf32, #tpu.memory_space<hbm>> -> memref<40x128xf32, #tpu.memory_space<hbm>>
        tpu.enqueue_dma source(%arg23 : memref<40x128xf32, #tpu.memory_space<vmem>>) target(%dma_start3A_640 : memref<40x128xf32, #tpu.memory_space<hbm>>) target_semaphore(%run_scoped3A : memref<!tpu.dma_semaphore, #tpu.memory_space<semaphore_mem>>)
        %dma_wait3A_641 = arith.constant 0 : i32
        %dma_wait3A_642 = tpu.memref_slice %arg11[%arg0, %mul3A_635, %dma_wait3A_641] : memref<2x10000x128xf32, #tpu.memory_space<hbm>> -> memref<1x40x128xf32, #tpu.memory_space<hbm>>
        %dma_wait3A_643 = tpu.memref_squeeze %dma_wait3A_642 : memref<1x40x128xf32, #tpu.memory_space<hbm>> -> memref<40x128xf32, #tpu.memory_space<hbm>>
        %dma_wait3A_644 = arith.constant 0 : i32
        %dma_wait3A_645 = tpu.memref_slice %arg11[%arg0, %mul3A_635, %dma_wait3A_644] : memref<2x10000x128xf32, #tpu.memory_space<hbm>> -> memref<1x40x128xf32, #tpu.memory_space<hbm>>
        %dma_wait3A_646 = tpu.memref_squeeze %dma_wait3A_645 : memref<1x40x128xf32, #tpu.memory_space<hbm>> -> memref<40x128xf32, #tpu.memory_space<hbm>>
        tpu.wait_dma2 semaphore(%run_scoped3A : memref<!tpu.dma_semaphore, #tpu.memory_space<semaphore_mem>>) src(%arg23 : memref<40x128xf32, #tpu.memory_space<vmem>>) dst(%dma_wait3A_646 : memref<40x128xf32, #tpu.memory_space<hbm>>)
        tpu.yield
      }) : () -> ()
    } else {
    }
    %mul3A_173 = arith.constant 16 : i32
    %mul3A_174 = arith.muli %arg1, %mul3A_173 : i32
    %add3A_175 = arith.constant 1 : i32
    %add3A_176 = arith.addi %mul3A_174, %add3A_175 : i32
    %lt3A_177 = arith.constant 250 : i32
    %lt3A_178 = arith.cmpi slt, %add3A_176, %lt3A_177 : i32
    %convert_element_type3A_179 = arith.extui %lt3A_178 : i1 to i32
    %cond3A_180 = arith.constant 0 : i32
    %cond3A_181 = arith.cmpi ne, %convert_element_type3A_179, %cond3A_180 : i32
    scf.if %cond3A_181 {
      %mul3A_632 = arith.constant 40 : i32
      %mul3A_633 = arith.muli %add3A_176, %mul3A_632 : i32
      "tpu.region"() ({
        %run_scoped3A = tpu.sem_alloc : memref<!tpu.dma_semaphore, #tpu.memory_space<semaphore_mem>>
        %dma_start3A = arith.constant 0 : i32
        %dma_start3A_636 = tpu.memref_slice %arg25[%mul3A_633, %dma_start3A] : memref<10000x128xf32, #tpu.memory_space<vmem_shared>> -> memref<40x128xf32, #tpu.memory_space<vmem_shared>>
        %dma_start3A_637 = arith.constant 0 : i32
        %dma_start3A_638 = tpu.memref_slice %arg25[%mul3A_633, %dma_start3A_637] : memref<10000x128xf32, #tpu.memory_space<vmem_shared>> -> memref<40x128xf32, #tpu.memory_space<vmem_shared>>
        tpu.enqueue_dma source(%dma_start3A_638 : memref<40x128xf32, #tpu.memory_space<vmem_shared>>) target(%arg23 : memref<40x128xf32, #tpu.memory_space<vmem>>) target_semaphore(%run_scoped3A : memref<!tpu.dma_semaphore, #tpu.memory_space<semaphore_mem>>)
        %dma_wait3A_639 = arith.constant 0 : i32
        %dma_wait3A_640 = tpu.memref_slice %arg25[%mul3A_633, %dma_wait3A_639] : memref<10000x128xf32, #tpu.memory_space<vmem_shared>> -> memref<40x128xf32, #tpu.memory_space<vmem_shared>>
        %dma_wait3A_641 = arith.constant 0 : i32
        %dma_wait3A_642 = tpu.memref_slice %arg25[%mul3A_633, %dma_wait3A_641] : memref<10000x128xf32, #tpu.memory_space<vmem_shared>> -> memref<40x128xf32, #tpu.memory_space<vmem_shared>>
        tpu.wait_dma2 semaphore(%run_scoped3A : memref<!tpu.dma_semaphore, #tpu.memory_space<semaphore_mem>>) src(%dma_wait3A_642 : memref<40x128xf32, #tpu.memory_space<vmem_shared>>) dst(%arg23 : memref<40x128xf32, #tpu.memory_space<vmem>>)
        tpu.yield
      }) : () -> ()
      %mul3A_634 = arith.constant 40 : i32
      %mul3A_635 = arith.muli %add3A_176, %mul3A_634 : i32
      "tpu.region"() ({
        %run_scoped3A = tpu.sem_alloc : memref<!tpu.dma_semaphore, #tpu.memory_space<semaphore_mem>>
        %dma_start3A = arith.constant 0 : i32
        %dma_start3A_636 = tpu.memref_slice %arg11[%arg0, %mul3A_635, %dma_start3A] : memref<2x10000x128xf32, #tpu.memory_space<hbm>> -> memref<1x40x128xf32, #tpu.memory_space<hbm>>
        %dma_start3A_637 = tpu.memref_squeeze %dma_start3A_636 : memref<1x40x128xf32, #tpu.memory_space<hbm>> -> memref<40x128xf32, #tpu.memory_space<hbm>>
        %dma_start3A_638 = arith.constant 0 : i32
        %dma_start3A_639 = tpu.memref_slice %arg11[%arg0, %mul3A_635, %dma_start3A_638] : memref<2x10000x128xf32, #tpu.memory_space<hbm>> -> memref<1x40x128xf32, #tpu.memory_space<hbm>>
        %dma_start3A_640 = tpu.memref_squeeze %dma_start3A_639 : memref<1x40x128xf32, #tpu.memory_space<hbm>> -> memref<40x128xf32, #tpu.memory_space<hbm>>
        tpu.enqueue_dma source(%arg23 : memref<40x128xf32, #tpu.memory_space<vmem>>) target(%dma_start3A_640 : memref<40x128xf32, #tpu.memory_space<hbm>>) target_semaphore(%run_scoped3A : memref<!tpu.dma_semaphore, #tpu.memory_space<semaphore_mem>>)
        %dma_wait3A_641 = arith.constant 0 : i32
        %dma_wait3A_642 = tpu.memref_slice %arg11[%arg0, %mul3A_635, %dma_wait3A_641] : memref<2x10000x128xf32, #tpu.memory_space<hbm>> -> memref<1x40x128xf32, #tpu.memory_space<hbm>>
        %dma_wait3A_643 = tpu.memref_squeeze %dma_wait3A_642 : memref<1x40x128xf32, #tpu.memory_space<hbm>> -> memref<40x128xf32, #tpu.memory_space<hbm>>
        %dma_wait3A_644 = arith.constant 0 : i32
        %dma_wait3A_645 = tpu.memref_slice %arg11[%arg0, %mul3A_635, %dma_wait3A_644] : memref<2x10000x128xf32, #tpu.memory_space<hbm>> -> memref<1x40x128xf32, #tpu.memory_space<hbm>>
        %dma_wait3A_646 = tpu.memref_squeeze %dma_wait3A_645 : memref<1x40x128xf32, #tpu.memory_space<hbm>> -> memref<40x128xf32, #tpu.memory_space<hbm>>
        tpu.wait_dma2 semaphore(%run_scoped3A : memref<!tpu.dma_semaphore, #tpu.memory_space<semaphore_mem>>) src(%arg23 : memref<40x128xf32, #tpu.memory_space<vmem>>) dst(%dma_wait3A_646 : memref<40x128xf32, #tpu.memory_space<hbm>>)
        tpu.yield
      }) : () -> ()
    } else {
    }
    %mul3A_182 = arith.constant 16 : i32
    %mul3A_183 = arith.muli %arg1, %mul3A_182 : i32
    %add3A_184 = arith.constant 2 : i32
    %add3A_185 = arith.addi %mul3A_183, %add3A_184 : i32
    %lt3A_186 = arith.constant 250 : i32
    %lt3A_187 = arith.cmpi slt, %add3A_185, %lt3A_186 : i32
    %convert_element_type3A_188 = arith.extui %lt3A_187 : i1 to i32
    %cond3A_189 = arith.constant 0 : i32
    %cond3A_190 = arith.cmpi ne, %convert_element_type3A_188, %cond3A_189 : i32
    scf.if %cond3A_190 {
      %mul3A_632 = arith.constant 40 : i32
      %mul3A_633 = arith.muli %add3A_185, %mul3A_632 : i32
      "tpu.region"() ({
        %run_scoped3A = tpu.sem_alloc : memref<!tpu.dma_semaphore, #tpu.memory_space<semaphore_mem>>
        %dma_start3A = arith.constant 0 : i32
        %dma_start3A_636 = tpu.memref_slice %arg25[%mul3A_633, %dma_start3A] : memref<10000x128xf32, #tpu.memory_space<vmem_shared>> -> memref<40x128xf32, #tpu.memory_space<vmem_shared>>
        %dma_start3A_637 = arith.constant 0 : i32
        %dma_start3A_638 = tpu.memref_slice %arg25[%mul3A_633, %dma_start3A_637] : memref<10000x128xf32, #tpu.memory_space<vmem_shared>> -> memref<40x128xf32, #tpu.memory_space<vmem_shared>>
        tpu.enqueue_dma source(%dma_start3A_638 : memref<40x128xf32, #tpu.memory_space<vmem_shared>>) target(%arg23 : memref<40x128xf32, #tpu.memory_space<vmem>>) target_semaphore(%run_scoped3A : memref<!tpu.dma_semaphore, #tpu.memory_space<semaphore_mem>>)
        %dma_wait3A_639 = arith.constant 0 : i32
        %dma_wait3A_640 = tpu.memref_slice %arg25[%mul3A_633, %dma_wait3A_639] : memref<10000x128xf32, #tpu.memory_space<vmem_shared>> -> memref<40x128xf32, #tpu.memory_space<vmem_shared>>
        %dma_wait3A_641 = arith.constant 0 : i32
        %dma_wait3A_642 = tpu.memref_slice %arg25[%mul3A_633, %dma_wait3A_641] : memref<10000x128xf32, #tpu.memory_space<vmem_shared>> -> memref<40x128xf32, #tpu.memory_space<vmem_shared>>
        tpu.wait_dma2 semaphore(%run_scoped3A : memref<!tpu.dma_semaphore, #tpu.memory_space<semaphore_mem>>) src(%dma_wait3A_642 : memref<40x128xf32, #tpu.memory_space<vmem_shared>>) dst(%arg23 : memref<40x128xf32, #tpu.memory_space<vmem>>)
        tpu.yield
      }) : () -> ()
      %mul3A_634 = arith.constant 40 : i32
      %mul3A_635 = arith.muli %add3A_185, %mul3A_634 : i32
      "tpu.region"() ({
        %run_scoped3A = tpu.sem_alloc : memref<!tpu.dma_semaphore, #tpu.memory_space<semaphore_mem>>
        %dma_start3A = arith.constant 0 : i32
        %dma_start3A_636 = tpu.memref_slice %arg11[%arg0, %mul3A_635, %dma_start3A] : memref<2x10000x128xf32, #tpu.memory_space<hbm>> -> memref<1x40x128xf32, #tpu.memory_space<hbm>>
        %dma_start3A_637 = tpu.memref_squeeze %dma_start3A_636 : memref<1x40x128xf32, #tpu.memory_space<hbm>> -> memref<40x128xf32, #tpu.memory_space<hbm>>
        %dma_start3A_638 = arith.constant 0 : i32
        %dma_start3A_639 = tpu.memref_slice %arg11[%arg0, %mul3A_635, %dma_start3A_638] : memref<2x10000x128xf32, #tpu.memory_space<hbm>> -> memref<1x40x128xf32, #tpu.memory_space<hbm>>
        %dma_start3A_640 = tpu.memref_squeeze %dma_start3A_639 : memref<1x40x128xf32, #tpu.memory_space<hbm>> -> memref<40x128xf32, #tpu.memory_space<hbm>>
        tpu.enqueue_dma source(%arg23 : memref<40x128xf32, #tpu.memory_space<vmem>>) target(%dma_start3A_640 : memref<40x128xf32, #tpu.memory_space<hbm>>) target_semaphore(%run_scoped3A : memref<!tpu.dma_semaphore, #tpu.memory_space<semaphore_mem>>)
        %dma_wait3A_641 = arith.constant 0 : i32
        %dma_wait3A_642 = tpu.memref_slice %arg11[%arg0, %mul3A_635, %dma_wait3A_641] : memref<2x10000x128xf32, #tpu.memory_space<hbm>> -> memref<1x40x128xf32, #tpu.memory_space<hbm>>
        %dma_wait3A_643 = tpu.memref_squeeze %dma_wait3A_642 : memref<1x40x128xf32, #tpu.memory_space<hbm>> -> memref<40x128xf32, #tpu.memory_space<hbm>>
        %dma_wait3A_644 = arith.constant 0 : i32
        %dma_wait3A_645 = tpu.memref_slice %arg11[%arg0, %mul3A_635, %dma_wait3A_644] : memref<2x10000x128xf32, #tpu.memory_space<hbm>> -> memref<1x40x128xf32, #tpu.memory_space<hbm>>
        %dma_wait3A_646 = tpu.memref_squeeze %dma_wait3A_645 : memref<1x40x128xf32, #tpu.memory_space<hbm>> -> memref<40x128xf32, #tpu.memory_space<hbm>>
        tpu.wait_dma2 semaphore(%run_scoped3A : memref<!tpu.dma_semaphore, #tpu.memory_space<semaphore_mem>>) src(%arg23 : memref<40x128xf32, #tpu.memory_space<vmem>>) dst(%dma_wait3A_646 : memref<40x128xf32, #tpu.memory_space<hbm>>)
        tpu.yield
      }) : () -> ()
    } else {
    }
    %mul3A_191 = arith.constant 16 : i32
    %mul3A_192 = arith.muli %arg1, %mul3A_191 : i32
    %add3A_193 = arith.constant 3 : i32
    %add3A_194 = arith.addi %mul3A_192, %add3A_193 : i32
    %lt3A_195 = arith.constant 250 : i32
    %lt3A_196 = arith.cmpi slt, %add3A_194, %lt3A_195 : i32
    %convert_element_type3A_197 = arith.extui %lt3A_196 : i1 to i32
    %cond3A_198 = arith.constant 0 : i32
    %cond3A_199 = arith.cmpi ne, %convert_element_type3A_197, %cond3A_198 : i32
    scf.if %cond3A_199 {
      %mul3A_632 = arith.constant 40 : i32
      %mul3A_633 = arith.muli %add3A_194, %mul3A_632 : i32
      "tpu.region"() ({
        %run_scoped3A = tpu.sem_alloc : memref<!tpu.dma_semaphore, #tpu.memory_space<semaphore_mem>>
        %dma_start3A = arith.constant 0 : i32
        %dma_start3A_636 = tpu.memref_slice %arg25[%mul3A_633, %dma_start3A] : memref<10000x128xf32, #tpu.memory_space<vmem_shared>> -> memref<40x128xf32, #tpu.memory_space<vmem_shared>>
        %dma_start3A_637 = arith.constant 0 : i32
        %dma_start3A_638 = tpu.memref_slice %arg25[%mul3A_633, %dma_start3A_637] : memref<10000x128xf32, #tpu.memory_space<vmem_shared>> -> memref<40x128xf32, #tpu.memory_space<vmem_shared>>
        tpu.enqueue_dma source(%dma_start3A_638 : memref<40x128xf32, #tpu.memory_space<vmem_shared>>) target(%arg23 : memref<40x128xf32, #tpu.memory_space<vmem>>) target_semaphore(%run_scoped3A : memref<!tpu.dma_semaphore, #tpu.memory_space<semaphore_mem>>)
        %dma_wait3A_639 = arith.constant 0 : i32
        %dma_wait3A_640 = tpu.memref_slice %arg25[%mul3A_633, %dma_wait3A_639] : memref<10000x128xf32, #tpu.memory_space<vmem_shared>> -> memref<40x128xf32, #tpu.memory_space<vmem_shared>>
        %dma_wait3A_641 = arith.constant 0 : i32
        %dma_wait3A_642 = tpu.memref_slice %arg25[%mul3A_633, %dma_wait3A_641] : memref<10000x128xf32, #tpu.memory_space<vmem_shared>> -> memref<40x128xf32, #tpu.memory_space<vmem_shared>>
        tpu.wait_dma2 semaphore(%run_scoped3A : memref<!tpu.dma_semaphore, #tpu.memory_space<semaphore_mem>>) src(%dma_wait3A_642 : memref<40x128xf32, #tpu.memory_space<vmem_shared>>) dst(%arg23 : memref<40x128xf32, #tpu.memory_space<vmem>>)
        tpu.yield
      }) : () -> ()
      %mul3A_634 = arith.constant 40 : i32
      %mul3A_635 = arith.muli %add3A_194, %mul3A_634 : i32
      "tpu.region"() ({
        %run_scoped3A = tpu.sem_alloc : memref<!tpu.dma_semaphore, #tpu.memory_space<semaphore_mem>>
        %dma_start3A = arith.constant 0 : i32
        %dma_start3A_636 = tpu.memref_slice %arg11[%arg0, %mul3A_635, %dma_start3A] : memref<2x10000x128xf32, #tpu.memory_space<hbm>> -> memref<1x40x128xf32, #tpu.memory_space<hbm>>
        %dma_start3A_637 = tpu.memref_squeeze %dma_start3A_636 : memref<1x40x128xf32, #tpu.memory_space<hbm>> -> memref<40x128xf32, #tpu.memory_space<hbm>>
        %dma_start3A_638 = arith.constant 0 : i32
        %dma_start3A_639 = tpu.memref_slice %arg11[%arg0, %mul3A_635, %dma_start3A_638] : memref<2x10000x128xf32, #tpu.memory_space<hbm>> -> memref<1x40x128xf32, #tpu.memory_space<hbm>>
        %dma_start3A_640 = tpu.memref_squeeze %dma_start3A_639 : memref<1x40x128xf32, #tpu.memory_space<hbm>> -> memref<40x128xf32, #tpu.memory_space<hbm>>
        tpu.enqueue_dma source(%arg23 : memref<40x128xf32, #tpu.memory_space<vmem>>) target(%dma_start3A_640 : memref<40x128xf32, #tpu.memory_space<hbm>>) target_semaphore(%run_scoped3A : memref<!tpu.dma_semaphore, #tpu.memory_space<semaphore_mem>>)
        %dma_wait3A_641 = arith.constant 0 : i32
        %dma_wait3A_642 = tpu.memref_slice %arg11[%arg0, %mul3A_635, %dma_wait3A_641] : memref<2x10000x128xf32, #tpu.memory_space<hbm>> -> memref<1x40x128xf32, #tpu.memory_space<hbm>>
        %dma_wait3A_643 = tpu.memref_squeeze %dma_wait3A_642 : memref<1x40x128xf32, #tpu.memory_space<hbm>> -> memref<40x128xf32, #tpu.memory_space<hbm>>
        %dma_wait3A_644 = arith.constant 0 : i32
        %dma_wait3A_645 = tpu.memref_slice %arg11[%arg0, %mul3A_635, %dma_wait3A_644] : memref<2x10000x128xf32, #tpu.memory_space<hbm>> -> memref<1x40x128xf32, #tpu.memory_space<hbm>>
        %dma_wait3A_646 = tpu.memref_squeeze %dma_wait3A_645 : memref<1x40x128xf32, #tpu.memory_space<hbm>> -> memref<40x128xf32, #tpu.memory_space<hbm>>
        tpu.wait_dma2 semaphore(%run_scoped3A : memref<!tpu.dma_semaphore, #tpu.memory_space<semaphore_mem>>) src(%arg23 : memref<40x128xf32, #tpu.memory_space<vmem>>) dst(%dma_wait3A_646 : memref<40x128xf32, #tpu.memory_space<hbm>>)
        tpu.yield
      }) : () -> ()
    } else {
    }
    %mul3A_200 = arith.constant 16 : i32
    %mul3A_201 = arith.muli %arg1, %mul3A_200 : i32
    %add3A_202 = arith.constant 4 : i32
    %add3A_203 = arith.addi %mul3A_201, %add3A_202 : i32
    %lt3A_204 = arith.constant 250 : i32
    %lt3A_205 = arith.cmpi slt, %add3A_203, %lt3A_204 : i32
    %convert_element_type3A_206 = arith.extui %lt3A_205 : i1 to i32
    %cond3A_207 = arith.constant 0 : i32
    %cond3A_208 = arith.cmpi ne, %convert_element_type3A_206, %cond3A_207 : i32
    scf.if %cond3A_208 {
      %mul3A_632 = arith.constant 40 : i32
      %mul3A_633 = arith.muli %add3A_203, %mul3A_632 : i32
      "tpu.region"() ({
        %run_scoped3A = tpu.sem_alloc : memref<!tpu.dma_semaphore, #tpu.memory_space<semaphore_mem>>
        %dma_start3A = arith.constant 0 : i32
        %dma_start3A_636 = tpu.memref_slice %arg25[%mul3A_633, %dma_start3A] : memref<10000x128xf32, #tpu.memory_space<vmem_shared>> -> memref<40x128xf32, #tpu.memory_space<vmem_shared>>
        %dma_start3A_637 = arith.constant 0 : i32
        %dma_start3A_638 = tpu.memref_slice %arg25[%mul3A_633, %dma_start3A_637] : memref<10000x128xf32, #tpu.memory_space<vmem_shared>> -> memref<40x128xf32, #tpu.memory_space<vmem_shared>>
        tpu.enqueue_dma source(%dma_start3A_638 : memref<40x128xf32, #tpu.memory_space<vmem_shared>>) target(%arg23 : memref<40x128xf32, #tpu.memory_space<vmem>>) target_semaphore(%run_scoped3A : memref<!tpu.dma_semaphore, #tpu.memory_space<semaphore_mem>>)
        %dma_wait3A_639 = arith.constant 0 : i32
        %dma_wait3A_640 = tpu.memref_slice %arg25[%mul3A_633, %dma_wait3A_639] : memref<10000x128xf32, #tpu.memory_space<vmem_shared>> -> memref<40x128xf32, #tpu.memory_space<vmem_shared>>
        %dma_wait3A_641 = arith.constant 0 : i32
        %dma_wait3A_642 = tpu.memref_slice %arg25[%mul3A_633, %dma_wait3A_641] : memref<10000x128xf32, #tpu.memory_space<vmem_shared>> -> memref<40x128xf32, #tpu.memory_space<vmem_shared>>
        tpu.wait_dma2 semaphore(%run_scoped3A : memref<!tpu.dma_semaphore, #tpu.memory_space<semaphore_mem>>) src(%dma_wait3A_642 : memref<40x128xf32, #tpu.memory_space<vmem_shared>>) dst(%arg23 : memref<40x128xf32, #tpu.memory_space<vmem>>)
        tpu.yield
      }) : () -> ()
      %mul3A_634 = arith.constant 40 : i32
      %mul3A_635 = arith.muli %add3A_203, %mul3A_634 : i32
      "tpu.region"() ({
        %run_scoped3A = tpu.sem_alloc : memref<!tpu.dma_semaphore, #tpu.memory_space<semaphore_mem>>
        %dma_start3A = arith.constant 0 : i32
        %dma_start3A_636 = tpu.memref_slice %arg11[%arg0, %mul3A_635, %dma_start3A] : memref<2x10000x128xf32, #tpu.memory_space<hbm>> -> memref<1x40x128xf32, #tpu.memory_space<hbm>>
        %dma_start3A_637 = tpu.memref_squeeze %dma_start3A_636 : memref<1x40x128xf32, #tpu.memory_space<hbm>> -> memref<40x128xf32, #tpu.memory_space<hbm>>
        %dma_start3A_638 = arith.constant 0 : i32
        %dma_start3A_639 = tpu.memref_slice %arg11[%arg0, %mul3A_635, %dma_start3A_638] : memref<2x10000x128xf32, #tpu.memory_space<hbm>> -> memref<1x40x128xf32, #tpu.memory_space<hbm>>
        %dma_start3A_640 = tpu.memref_squeeze %dma_start3A_639 : memref<1x40x128xf32, #tpu.memory_space<hbm>> -> memref<40x128xf32, #tpu.memory_space<hbm>>
        tpu.enqueue_dma source(%arg23 : memref<40x128xf32, #tpu.memory_space<vmem>>) target(%dma_start3A_640 : memref<40x128xf32, #tpu.memory_space<hbm>>) target_semaphore(%run_scoped3A : memref<!tpu.dma_semaphore, #tpu.memory_space<semaphore_mem>>)
        %dma_wait3A_641 = arith.constant 0 : i32
        %dma_wait3A_642 = tpu.memref_slice %arg11[%arg0, %mul3A_635, %dma_wait3A_641] : memref<2x10000x128xf32, #tpu.memory_space<hbm>> -> memref<1x40x128xf32, #tpu.memory_space<hbm>>
        %dma_wait3A_643 = tpu.memref_squeeze %dma_wait3A_642 : memref<1x40x128xf32, #tpu.memory_space<hbm>> -> memref<40x128xf32, #tpu.memory_space<hbm>>
        %dma_wait3A_644 = arith.constant 0 : i32
        %dma_wait3A_645 = tpu.memref_slice %arg11[%arg0, %mul3A_635, %dma_wait3A_644] : memref<2x10000x128xf32, #tpu.memory_space<hbm>> -> memref<1x40x128xf32, #tpu.memory_space<hbm>>
        %dma_wait3A_646 = tpu.memref_squeeze %dma_wait3A_645 : memref<1x40x128xf32, #tpu.memory_space<hbm>> -> memref<40x128xf32, #tpu.memory_space<hbm>>
        tpu.wait_dma2 semaphore(%run_scoped3A : memref<!tpu.dma_semaphore, #tpu.memory_space<semaphore_mem>>) src(%arg23 : memref<40x128xf32, #tpu.memory_space<vmem>>) dst(%dma_wait3A_646 : memref<40x128xf32, #tpu.memory_space<hbm>>)
        tpu.yield
      }) : () -> ()
    } else {
    }
    %mul3A_209 = arith.constant 16 : i32
    %mul3A_210 = arith.muli %arg1, %mul3A_209 : i32
    %add3A_211 = arith.constant 5 : i32
    %add3A_212 = arith.addi %mul3A_210, %add3A_211 : i32
    %lt3A_213 = arith.constant 250 : i32
    %lt3A_214 = arith.cmpi slt, %add3A_212, %lt3A_213 : i32
    %convert_element_type3A_215 = arith.extui %lt3A_214 : i1 to i32
    %cond3A_216 = arith.constant 0 : i32
    %cond3A_217 = arith.cmpi ne, %convert_element_type3A_215, %cond3A_216 : i32
    scf.if %cond3A_217 {
      %mul3A_632 = arith.constant 40 : i32
      %mul3A_633 = arith.muli %add3A_212, %mul3A_632 : i32
      "tpu.region"() ({
        %run_scoped3A = tpu.sem_alloc : memref<!tpu.dma_semaphore, #tpu.memory_space<semaphore_mem>>
        %dma_start3A = arith.constant 0 : i32
        %dma_start3A_636 = tpu.memref_slice %arg25[%mul3A_633, %dma_start3A] : memref<10000x128xf32, #tpu.memory_space<vmem_shared>> -> memref<40x128xf32, #tpu.memory_space<vmem_shared>>
        %dma_start3A_637 = arith.constant 0 : i32
        %dma_start3A_638 = tpu.memref_slice %arg25[%mul3A_633, %dma_start3A_637] : memref<10000x128xf32, #tpu.memory_space<vmem_shared>> -> memref<40x128xf32, #tpu.memory_space<vmem_shared>>
        tpu.enqueue_dma source(%dma_start3A_638 : memref<40x128xf32, #tpu.memory_space<vmem_shared>>) target(%arg23 : memref<40x128xf32, #tpu.memory_space<vmem>>) target_semaphore(%run_scoped3A : memref<!tpu.dma_semaphore, #tpu.memory_space<semaphore_mem>>)
        %dma_wait3A_639 = arith.constant 0 : i32
        %dma_wait3A_640 = tpu.memref_slice %arg25[%mul3A_633, %dma_wait3A_639] : memref<10000x128xf32, #tpu.memory_space<vmem_shared>> -> memref<40x128xf32, #tpu.memory_space<vmem_shared>>
        %dma_wait3A_641 = arith.constant 0 : i32
        %dma_wait3A_642 = tpu.memref_slice %arg25[%mul3A_633, %dma_wait3A_641] : memref<10000x128xf32, #tpu.memory_space<vmem_shared>> -> memref<40x128xf32, #tpu.memory_space<vmem_shared>>
        tpu.wait_dma2 semaphore(%run_scoped3A : memref<!tpu.dma_semaphore, #tpu.memory_space<semaphore_mem>>) src(%dma_wait3A_642 : memref<40x128xf32, #tpu.memory_space<vmem_shared>>) dst(%arg23 : memref<40x128xf32, #tpu.memory_space<vmem>>)
        tpu.yield
      }) : () -> ()
      %mul3A_634 = arith.constant 40 : i32
      %mul3A_635 = arith.muli %add3A_212, %mul3A_634 : i32
      "tpu.region"() ({
        %run_scoped3A = tpu.sem_alloc : memref<!tpu.dma_semaphore, #tpu.memory_space<semaphore_mem>>
        %dma_start3A = arith.constant 0 : i32
        %dma_start3A_636 = tpu.memref_slice %arg11[%arg0, %mul3A_635, %dma_start3A] : memref<2x10000x128xf32, #tpu.memory_space<hbm>> -> memref<1x40x128xf32, #tpu.memory_space<hbm>>
        %dma_start3A_637 = tpu.memref_squeeze %dma_start3A_636 : memref<1x40x128xf32, #tpu.memory_space<hbm>> -> memref<40x128xf32, #tpu.memory_space<hbm>>
        %dma_start3A_638 = arith.constant 0 : i32
        %dma_start3A_639 = tpu.memref_slice %arg11[%arg0, %mul3A_635, %dma_start3A_638] : memref<2x10000x128xf32, #tpu.memory_space<hbm>> -> memref<1x40x128xf32, #tpu.memory_space<hbm>>
        %dma_start3A_640 = tpu.memref_squeeze %dma_start3A_639 : memref<1x40x128xf32, #tpu.memory_space<hbm>> -> memref<40x128xf32, #tpu.memory_space<hbm>>
        tpu.enqueue_dma source(%arg23 : memref<40x128xf32, #tpu.memory_space<vmem>>) target(%dma_start3A_640 : memref<40x128xf32, #tpu.memory_space<hbm>>) target_semaphore(%run_scoped3A : memref<!tpu.dma_semaphore, #tpu.memory_space<semaphore_mem>>)
        %dma_wait3A_641 = arith.constant 0 : i32
        %dma_wait3A_642 = tpu.memref_slice %arg11[%arg0, %mul3A_635, %dma_wait3A_641] : memref<2x10000x128xf32, #tpu.memory_space<hbm>> -> memref<1x40x128xf32, #tpu.memory_space<hbm>>
        %dma_wait3A_643 = tpu.memref_squeeze %dma_wait3A_642 : memref<1x40x128xf32, #tpu.memory_space<hbm>> -> memref<40x128xf32, #tpu.memory_space<hbm>>
        %dma_wait3A_644 = arith.constant 0 : i32
        %dma_wait3A_645 = tpu.memref_slice %arg11[%arg0, %mul3A_635, %dma_wait3A_644] : memref<2x10000x128xf32, #tpu.memory_space<hbm>> -> memref<1x40x128xf32, #tpu.memory_space<hbm>>
        %dma_wait3A_646 = tpu.memref_squeeze %dma_wait3A_645 : memref<1x40x128xf32, #tpu.memory_space<hbm>> -> memref<40x128xf32, #tpu.memory_space<hbm>>
        tpu.wait_dma2 semaphore(%run_scoped3A : memref<!tpu.dma_semaphore, #tpu.memory_space<semaphore_mem>>) src(%arg23 : memref<40x128xf32, #tpu.memory_space<vmem>>) dst(%dma_wait3A_646 : memref<40x128xf32, #tpu.memory_space<hbm>>)
        tpu.yield
      }) : () -> ()
    } else {
    }
    %mul3A_218 = arith.constant 16 : i32
    %mul3A_219 = arith.muli %arg1, %mul3A_218 : i32
    %add3A_220 = arith.constant 6 : i32
    %add3A_221 = arith.addi %mul3A_219, %add3A_220 : i32
    %lt3A_222 = arith.constant 250 : i32
    %lt3A_223 = arith.cmpi slt, %add3A_221, %lt3A_222 : i32
    %convert_element_type3A_224 = arith.extui %lt3A_223 : i1 to i32
    %cond3A_225 = arith.constant 0 : i32
    %cond3A_226 = arith.cmpi ne, %convert_element_type3A_224, %cond3A_225 : i32
    scf.if %cond3A_226 {
      %mul3A_632 = arith.constant 40 : i32
      %mul3A_633 = arith.muli %add3A_221, %mul3A_632 : i32
      "tpu.region"() ({
        %run_scoped3A = tpu.sem_alloc : memref<!tpu.dma_semaphore, #tpu.memory_space<semaphore_mem>>
        %dma_start3A = arith.constant 0 : i32
        %dma_start3A_636 = tpu.memref_slice %arg25[%mul3A_633, %dma_start3A] : memref<10000x128xf32, #tpu.memory_space<vmem_shared>> -> memref<40x128xf32, #tpu.memory_space<vmem_shared>>
        %dma_start3A_637 = arith.constant 0 : i32
        %dma_start3A_638 = tpu.memref_slice %arg25[%mul3A_633, %dma_start3A_637] : memref<10000x128xf32, #tpu.memory_space<vmem_shared>> -> memref<40x128xf32, #tpu.memory_space<vmem_shared>>
        tpu.enqueue_dma source(%dma_start3A_638 : memref<40x128xf32, #tpu.memory_space<vmem_shared>>) target(%arg23 : memref<40x128xf32, #tpu.memory_space<vmem>>) target_semaphore(%run_scoped3A : memref<!tpu.dma_semaphore, #tpu.memory_space<semaphore_mem>>)
        %dma_wait3A_639 = arith.constant 0 : i32
        %dma_wait3A_640 = tpu.memref_slice %arg25[%mul3A_633, %dma_wait3A_639] : memref<10000x128xf32, #tpu.memory_space<vmem_shared>> -> memref<40x128xf32, #tpu.memory_space<vmem_shared>>
        %dma_wait3A_641 = arith.constant 0 : i32
        %dma_wait3A_642 = tpu.memref_slice %arg25[%mul3A_633, %dma_wait3A_641] : memref<10000x128xf32, #tpu.memory_space<vmem_shared>> -> memref<40x128xf32, #tpu.memory_space<vmem_shared>>
        tpu.wait_dma2 semaphore(%run_scoped3A : memref<!tpu.dma_semaphore, #tpu.memory_space<semaphore_mem>>) src(%dma_wait3A_642 : memref<40x128xf32, #tpu.memory_space<vmem_shared>>) dst(%arg23 : memref<40x128xf32, #tpu.memory_space<vmem>>)
        tpu.yield
      }) : () -> ()
      %mul3A_634 = arith.constant 40 : i32
      %mul3A_635 = arith.muli %add3A_221, %mul3A_634 : i32
      "tpu.region"() ({
        %run_scoped3A = tpu.sem_alloc : memref<!tpu.dma_semaphore, #tpu.memory_space<semaphore_mem>>
        %dma_start3A = arith.constant 0 : i32
        %dma_start3A_636 = tpu.memref_slice %arg11[%arg0, %mul3A_635, %dma_start3A] : memref<2x10000x128xf32, #tpu.memory_space<hbm>> -> memref<1x40x128xf32, #tpu.memory_space<hbm>>
        %dma_start3A_637 = tpu.memref_squeeze %dma_start3A_636 : memref<1x40x128xf32, #tpu.memory_space<hbm>> -> memref<40x128xf32, #tpu.memory_space<hbm>>
        %dma_start3A_638 = arith.constant 0 : i32
        %dma_start3A_639 = tpu.memref_slice %arg11[%arg0, %mul3A_635, %dma_start3A_638] : memref<2x10000x128xf32, #tpu.memory_space<hbm>> -> memref<1x40x128xf32, #tpu.memory_space<hbm>>
        %dma_start3A_640 = tpu.memref_squeeze %dma_start3A_639 : memref<1x40x128xf32, #tpu.memory_space<hbm>> -> memref<40x128xf32, #tpu.memory_space<hbm>>
        tpu.enqueue_dma source(%arg23 : memref<40x128xf32, #tpu.memory_space<vmem>>) target(%dma_start3A_640 : memref<40x128xf32, #tpu.memory_space<hbm>>) target_semaphore(%run_scoped3A : memref<!tpu.dma_semaphore, #tpu.memory_space<semaphore_mem>>)
        %dma_wait3A_641 = arith.constant 0 : i32
        %dma_wait3A_642 = tpu.memref_slice %arg11[%arg0, %mul3A_635, %dma_wait3A_641] : memref<2x10000x128xf32, #tpu.memory_space<hbm>> -> memref<1x40x128xf32, #tpu.memory_space<hbm>>
        %dma_wait3A_643 = tpu.memref_squeeze %dma_wait3A_642 : memref<1x40x128xf32, #tpu.memory_space<hbm>> -> memref<40x128xf32, #tpu.memory_space<hbm>>
        %dma_wait3A_644 = arith.constant 0 : i32
        %dma_wait3A_645 = tpu.memref_slice %arg11[%arg0, %mul3A_635, %dma_wait3A_644] : memref<2x10000x128xf32, #tpu.memory_space<hbm>> -> memref<1x40x128xf32, #tpu.memory_space<hbm>>
        %dma_wait3A_646 = tpu.memref_squeeze %dma_wait3A_645 : memref<1x40x128xf32, #tpu.memory_space<hbm>> -> memref<40x128xf32, #tpu.memory_space<hbm>>
        tpu.wait_dma2 semaphore(%run_scoped3A : memref<!tpu.dma_semaphore, #tpu.memory_space<semaphore_mem>>) src(%arg23 : memref<40x128xf32, #tpu.memory_space<vmem>>) dst(%dma_wait3A_646 : memref<40x128xf32, #tpu.memory_space<hbm>>)
        tpu.yield
      }) : () -> ()
    } else {
    }
    %mul3A_227 = arith.constant 16 : i32
    %mul3A_228 = arith.muli %arg1, %mul3A_227 : i32
    %add3A_229 = arith.constant 7 : i32
    %add3A_230 = arith.addi %mul3A_228, %add3A_229 : i32
    %lt3A_231 = arith.constant 250 : i32
    %lt3A_232 = arith.cmpi slt, %add3A_230, %lt3A_231 : i32
    %convert_element_type3A_233 = arith.extui %lt3A_232 : i1 to i32
    %cond3A_234 = arith.constant 0 : i32
    %cond3A_235 = arith.cmpi ne, %convert_element_type3A_233, %cond3A_234 : i32
    scf.if %cond3A_235 {
      %mul3A_632 = arith.constant 40 : i32
      %mul3A_633 = arith.muli %add3A_230, %mul3A_632 : i32
      "tpu.region"() ({
        %run_scoped3A = tpu.sem_alloc : memref<!tpu.dma_semaphore, #tpu.memory_space<semaphore_mem>>
        %dma_start3A = arith.constant 0 : i32
        %dma_start3A_636 = tpu.memref_slice %arg25[%mul3A_633, %dma_start3A] : memref<10000x128xf32, #tpu.memory_space<vmem_shared>> -> memref<40x128xf32, #tpu.memory_space<vmem_shared>>
        %dma_start3A_637 = arith.constant 0 : i32
        %dma_start3A_638 = tpu.memref_slice %arg25[%mul3A_633, %dma_start3A_637] : memref<10000x128xf32, #tpu.memory_space<vmem_shared>> -> memref<40x128xf32, #tpu.memory_space<vmem_shared>>
        tpu.enqueue_dma source(%dma_start3A_638 : memref<40x128xf32, #tpu.memory_space<vmem_shared>>) target(%arg23 : memref<40x128xf32, #tpu.memory_space<vmem>>) target_semaphore(%run_scoped3A : memref<!tpu.dma_semaphore, #tpu.memory_space<semaphore_mem>>)
        %dma_wait3A_639 = arith.constant 0 : i32
        %dma_wait3A_640 = tpu.memref_slice %arg25[%mul3A_633, %dma_wait3A_639] : memref<10000x128xf32, #tpu.memory_space<vmem_shared>> -> memref<40x128xf32, #tpu.memory_space<vmem_shared>>
        %dma_wait3A_641 = arith.constant 0 : i32
        %dma_wait3A_642 = tpu.memref_slice %arg25[%mul3A_633, %dma_wait3A_641] : memref<10000x128xf32, #tpu.memory_space<vmem_shared>> -> memref<40x128xf32, #tpu.memory_space<vmem_shared>>
        tpu.wait_dma2 semaphore(%run_scoped3A : memref<!tpu.dma_semaphore, #tpu.memory_space<semaphore_mem>>) src(%dma_wait3A_642 : memref<40x128xf32, #tpu.memory_space<vmem_shared>>) dst(%arg23 : memref<40x128xf32, #tpu.memory_space<vmem>>)
        tpu.yield
      }) : () -> ()
      %mul3A_634 = arith.constant 40 : i32
      %mul3A_635 = arith.muli %add3A_230, %mul3A_634 : i32
      "tpu.region"() ({
        %run_scoped3A = tpu.sem_alloc : memref<!tpu.dma_semaphore, #tpu.memory_space<semaphore_mem>>
        %dma_start3A = arith.constant 0 : i32
        %dma_start3A_636 = tpu.memref_slice %arg11[%arg0, %mul3A_635, %dma_start3A] : memref<2x10000x128xf32, #tpu.memory_space<hbm>> -> memref<1x40x128xf32, #tpu.memory_space<hbm>>
        %dma_start3A_637 = tpu.memref_squeeze %dma_start3A_636 : memref<1x40x128xf32, #tpu.memory_space<hbm>> -> memref<40x128xf32, #tpu.memory_space<hbm>>
        %dma_start3A_638 = arith.constant 0 : i32
        %dma_start3A_639 = tpu.memref_slice %arg11[%arg0, %mul3A_635, %dma_start3A_638] : memref<2x10000x128xf32, #tpu.memory_space<hbm>> -> memref<1x40x128xf32, #tpu.memory_space<hbm>>
        %dma_start3A_640 = tpu.memref_squeeze %dma_start3A_639 : memref<1x40x128xf32, #tpu.memory_space<hbm>> -> memref<40x128xf32, #tpu.memory_space<hbm>>
        tpu.enqueue_dma source(%arg23 : memref<40x128xf32, #tpu.memory_space<vmem>>) target(%dma_start3A_640 : memref<40x128xf32, #tpu.memory_space<hbm>>) target_semaphore(%run_scoped3A : memref<!tpu.dma_semaphore, #tpu.memory_space<semaphore_mem>>)
        %dma_wait3A_641 = arith.constant 0 : i32
        %dma_wait3A_642 = tpu.memref_slice %arg11[%arg0, %mul3A_635, %dma_wait3A_641] : memref<2x10000x128xf32, #tpu.memory_space<hbm>> -> memref<1x40x128xf32, #tpu.memory_space<hbm>>
        %dma_wait3A_643 = tpu.memref_squeeze %dma_wait3A_642 : memref<1x40x128xf32, #tpu.memory_space<hbm>> -> memref<40x128xf32, #tpu.memory_space<hbm>>
        %dma_wait3A_644 = arith.constant 0 : i32
        %dma_wait3A_645 = tpu.memref_slice %arg11[%arg0, %mul3A_635, %dma_wait3A_644] : memref<2x10000x128xf32, #tpu.memory_space<hbm>> -> memref<1x40x128xf32, #tpu.memory_space<hbm>>
        %dma_wait3A_646 = tpu.memref_squeeze %dma_wait3A_645 : memref<1x40x128xf32, #tpu.memory_space<hbm>> -> memref<40x128xf32, #tpu.memory_space<hbm>>
        tpu.wait_dma2 semaphore(%run_scoped3A : memref<!tpu.dma_semaphore, #tpu.memory_space<semaphore_mem>>) src(%arg23 : memref<40x128xf32, #tpu.memory_space<vmem>>) dst(%dma_wait3A_646 : memref<40x128xf32, #tpu.memory_space<hbm>>)
        tpu.yield
      }) : () -> ()
    } else {
    }
    %mul3A_236 = arith.constant 16 : i32
    %mul3A_237 = arith.muli %arg1, %mul3A_236 : i32
    %add3A_238 = arith.constant 8 : i32
    %add3A_239 = arith.addi %mul3A_237, %add3A_238 : i32
    %lt3A_240 = arith.constant 250 : i32
    %lt3A_241 = arith.cmpi slt, %add3A_239, %lt3A_240 : i32
    %convert_element_type3A_242 = arith.extui %lt3A_241 : i1 to i32
    %cond3A_243 = arith.constant 0 : i32
    %cond3A_244 = arith.cmpi ne, %convert_element_type3A_242, %cond3A_243 : i32
    scf.if %cond3A_244 {
      %mul3A_632 = arith.constant 40 : i32
      %mul3A_633 = arith.muli %add3A_239, %mul3A_632 : i32
      "tpu.region"() ({
        %run_scoped3A = tpu.sem_alloc : memref<!tpu.dma_semaphore, #tpu.memory_space<semaphore_mem>>
        %dma_start3A = arith.constant 0 : i32
        %dma_start3A_636 = tpu.memref_slice %arg25[%mul3A_633, %dma_start3A] : memref<10000x128xf32, #tpu.memory_space<vmem_shared>> -> memref<40x128xf32, #tpu.memory_space<vmem_shared>>
        %dma_start3A_637 = arith.constant 0 : i32
        %dma_start3A_638 = tpu.memref_slice %arg25[%mul3A_633, %dma_start3A_637] : memref<10000x128xf32, #tpu.memory_space<vmem_shared>> -> memref<40x128xf32, #tpu.memory_space<vmem_shared>>
        tpu.enqueue_dma source(%dma_start3A_638 : memref<40x128xf32, #tpu.memory_space<vmem_shared>>) target(%arg23 : memref<40x128xf32, #tpu.memory_space<vmem>>) target_semaphore(%run_scoped3A : memref<!tpu.dma_semaphore, #tpu.memory_space<semaphore_mem>>)
        %dma_wait3A_639 = arith.constant 0 : i32
        %dma_wait3A_640 = tpu.memref_slice %arg25[%mul3A_633, %dma_wait3A_639] : memref<10000x128xf32, #tpu.memory_space<vmem_shared>> -> memref<40x128xf32, #tpu.memory_space<vmem_shared>>
        %dma_wait3A_641 = arith.constant 0 : i32
        %dma_wait3A_642 = tpu.memref_slice %arg25[%mul3A_633, %dma_wait3A_641] : memref<10000x128xf32, #tpu.memory_space<vmem_shared>> -> memref<40x128xf32, #tpu.memory_space<vmem_shared>>
        tpu.wait_dma2 semaphore(%run_scoped3A : memref<!tpu.dma_semaphore, #tpu.memory_space<semaphore_mem>>) src(%dma_wait3A_642 : memref<40x128xf32, #tpu.memory_space<vmem_shared>>) dst(%arg23 : memref<40x128xf32, #tpu.memory_space<vmem>>)
        tpu.yield
      }) : () -> ()
      %mul3A_634 = arith.constant 40 : i32
      %mul3A_635 = arith.muli %add3A_239, %mul3A_634 : i32
      "tpu.region"() ({
        %run_scoped3A = tpu.sem_alloc : memref<!tpu.dma_semaphore, #tpu.memory_space<semaphore_mem>>
        %dma_start3A = arith.constant 0 : i32
        %dma_start3A_636 = tpu.memref_slice %arg11[%arg0, %mul3A_635, %dma_start3A] : memref<2x10000x128xf32, #tpu.memory_space<hbm>> -> memref<1x40x128xf32, #tpu.memory_space<hbm>>
        %dma_start3A_637 = tpu.memref_squeeze %dma_start3A_636 : memref<1x40x128xf32, #tpu.memory_space<hbm>> -> memref<40x128xf32, #tpu.memory_space<hbm>>
        %dma_start3A_638 = arith.constant 0 : i32
        %dma_start3A_639 = tpu.memref_slice %arg11[%arg0, %mul3A_635, %dma_start3A_638] : memref<2x10000x128xf32, #tpu.memory_space<hbm>> -> memref<1x40x128xf32, #tpu.memory_space<hbm>>
        %dma_start3A_640 = tpu.memref_squeeze %dma_start3A_639 : memref<1x40x128xf32, #tpu.memory_space<hbm>> -> memref<40x128xf32, #tpu.memory_space<hbm>>
        tpu.enqueue_dma source(%arg23 : memref<40x128xf32, #tpu.memory_space<vmem>>) target(%dma_start3A_640 : memref<40x128xf32, #tpu.memory_space<hbm>>) target_semaphore(%run_scoped3A : memref<!tpu.dma_semaphore, #tpu.memory_space<semaphore_mem>>)
        %dma_wait3A_641 = arith.constant 0 : i32
        %dma_wait3A_642 = tpu.memref_slice %arg11[%arg0, %mul3A_635, %dma_wait3A_641] : memref<2x10000x128xf32, #tpu.memory_space<hbm>> -> memref<1x40x128xf32, #tpu.memory_space<hbm>>
        %dma_wait3A_643 = tpu.memref_squeeze %dma_wait3A_642 : memref<1x40x128xf32, #tpu.memory_space<hbm>> -> memref<40x128xf32, #tpu.memory_space<hbm>>
        %dma_wait3A_644 = arith.constant 0 : i32
        %dma_wait3A_645 = tpu.memref_slice %arg11[%arg0, %mul3A_635, %dma_wait3A_644] : memref<2x10000x128xf32, #tpu.memory_space<hbm>> -> memref<1x40x128xf32, #tpu.memory_space<hbm>>
        %dma_wait3A_646 = tpu.memref_squeeze %dma_wait3A_645 : memref<1x40x128xf32, #tpu.memory_space<hbm>> -> memref<40x128xf32, #tpu.memory_space<hbm>>
        tpu.wait_dma2 semaphore(%run_scoped3A : memref<!tpu.dma_semaphore, #tpu.memory_space<semaphore_mem>>) src(%arg23 : memref<40x128xf32, #tpu.memory_space<vmem>>) dst(%dma_wait3A_646 : memref<40x128xf32, #tpu.memory_space<hbm>>)
        tpu.yield
      }) : () -> ()
    } else {
    }
    %mul3A_245 = arith.constant 16 : i32
    %mul3A_246 = arith.muli %arg1, %mul3A_245 : i32
    %add3A_247 = arith.constant 9 : i32
    %add3A_248 = arith.addi %mul3A_246, %add3A_247 : i32
    %lt3A_249 = arith.constant 250 : i32
    %lt3A_250 = arith.cmpi slt, %add3A_248, %lt3A_249 : i32
    %convert_element_type3A_251 = arith.extui %lt3A_250 : i1 to i32
    %cond3A_252 = arith.constant 0 : i32
    %cond3A_253 = arith.cmpi ne, %convert_element_type3A_251, %cond3A_252 : i32
    scf.if %cond3A_253 {
      %mul3A_632 = arith.constant 40 : i32
      %mul3A_633 = arith.muli %add3A_248, %mul3A_632 : i32
      "tpu.region"() ({
        %run_scoped3A = tpu.sem_alloc : memref<!tpu.dma_semaphore, #tpu.memory_space<semaphore_mem>>
        %dma_start3A = arith.constant 0 : i32
        %dma_start3A_636 = tpu.memref_slice %arg25[%mul3A_633, %dma_start3A] : memref<10000x128xf32, #tpu.memory_space<vmem_shared>> -> memref<40x128xf32, #tpu.memory_space<vmem_shared>>
        %dma_start3A_637 = arith.constant 0 : i32
        %dma_start3A_638 = tpu.memref_slice %arg25[%mul3A_633, %dma_start3A_637] : memref<10000x128xf32, #tpu.memory_space<vmem_shared>> -> memref<40x128xf32, #tpu.memory_space<vmem_shared>>
        tpu.enqueue_dma source(%dma_start3A_638 : memref<40x128xf32, #tpu.memory_space<vmem_shared>>) target(%arg23 : memref<40x128xf32, #tpu.memory_space<vmem>>) target_semaphore(%run_scoped3A : memref<!tpu.dma_semaphore, #tpu.memory_space<semaphore_mem>>)
        %dma_wait3A_639 = arith.constant 0 : i32
        %dma_wait3A_640 = tpu.memref_slice %arg25[%mul3A_633, %dma_wait3A_639] : memref<10000x128xf32, #tpu.memory_space<vmem_shared>> -> memref<40x128xf32, #tpu.memory_space<vmem_shared>>
        %dma_wait3A_641 = arith.constant 0 : i32
        %dma_wait3A_642 = tpu.memref_slice %arg25[%mul3A_633, %dma_wait3A_641] : memref<10000x128xf32, #tpu.memory_space<vmem_shared>> -> memref<40x128xf32, #tpu.memory_space<vmem_shared>>
        tpu.wait_dma2 semaphore(%run_scoped3A : memref<!tpu.dma_semaphore, #tpu.memory_space<semaphore_mem>>) src(%dma_wait3A_642 : memref<40x128xf32, #tpu.memory_space<vmem_shared>>) dst(%arg23 : memref<40x128xf32, #tpu.memory_space<vmem>>)
        tpu.yield
      }) : () -> ()
      %mul3A_634 = arith.constant 40 : i32
      %mul3A_635 = arith.muli %add3A_248, %mul3A_634 : i32
      "tpu.region"() ({
        %run_scoped3A = tpu.sem_alloc : memref<!tpu.dma_semaphore, #tpu.memory_space<semaphore_mem>>
        %dma_start3A = arith.constant 0 : i32
        %dma_start3A_636 = tpu.memref_slice %arg11[%arg0, %mul3A_635, %dma_start3A] : memref<2x10000x128xf32, #tpu.memory_space<hbm>> -> memref<1x40x128xf32, #tpu.memory_space<hbm>>
        %dma_start3A_637 = tpu.memref_squeeze %dma_start3A_636 : memref<1x40x128xf32, #tpu.memory_space<hbm>> -> memref<40x128xf32, #tpu.memory_space<hbm>>
        %dma_start3A_638 = arith.constant 0 : i32
        %dma_start3A_639 = tpu.memref_slice %arg11[%arg0, %mul3A_635, %dma_start3A_638] : memref<2x10000x128xf32, #tpu.memory_space<hbm>> -> memref<1x40x128xf32, #tpu.memory_space<hbm>>
        %dma_start3A_640 = tpu.memref_squeeze %dma_start3A_639 : memref<1x40x128xf32, #tpu.memory_space<hbm>> -> memref<40x128xf32, #tpu.memory_space<hbm>>
        tpu.enqueue_dma source(%arg23 : memref<40x128xf32, #tpu.memory_space<vmem>>) target(%dma_start3A_640 : memref<40x128xf32, #tpu.memory_space<hbm>>) target_semaphore(%run_scoped3A : memref<!tpu.dma_semaphore, #tpu.memory_space<semaphore_mem>>)
        %dma_wait3A_641 = arith.constant 0 : i32
        %dma_wait3A_642 = tpu.memref_slice %arg11[%arg0, %mul3A_635, %dma_wait3A_641] : memref<2x10000x128xf32, #tpu.memory_space<hbm>> -> memref<1x40x128xf32, #tpu.memory_space<hbm>>
        %dma_wait3A_643 = tpu.memref_squeeze %dma_wait3A_642 : memref<1x40x128xf32, #tpu.memory_space<hbm>> -> memref<40x128xf32, #tpu.memory_space<hbm>>
        %dma_wait3A_644 = arith.constant 0 : i32
        %dma_wait3A_645 = tpu.memref_slice %arg11[%arg0, %mul3A_635, %dma_wait3A_644] : memref<2x10000x128xf32, #tpu.memory_space<hbm>> -> memref<1x40x128xf32, #tpu.memory_space<hbm>>
        %dma_wait3A_646 = tpu.memref_squeeze %dma_wait3A_645 : memref<1x40x128xf32, #tpu.memory_space<hbm>> -> memref<40x128xf32, #tpu.memory_space<hbm>>
        tpu.wait_dma2 semaphore(%run_scoped3A : memref<!tpu.dma_semaphore, #tpu.memory_space<semaphore_mem>>) src(%arg23 : memref<40x128xf32, #tpu.memory_space<vmem>>) dst(%dma_wait3A_646 : memref<40x128xf32, #tpu.memory_space<hbm>>)
        tpu.yield
      }) : () -> ()
    } else {
    }
    %mul3A_254 = arith.constant 16 : i32
    %mul3A_255 = arith.muli %arg1, %mul3A_254 : i32
    %add3A_256 = arith.constant 10 : i32
    %add3A_257 = arith.addi %mul3A_255, %add3A_256 : i32
    %lt3A_258 = arith.constant 250 : i32
    %lt3A_259 = arith.cmpi slt, %add3A_257, %lt3A_258 : i32
    %convert_element_type3A_260 = arith.extui %lt3A_259 : i1 to i32
    %cond3A_261 = arith.constant 0 : i32
    %cond3A_262 = arith.cmpi ne, %convert_element_type3A_260, %cond3A_261 : i32
    scf.if %cond3A_262 {
      %mul3A_632 = arith.constant 40 : i32
      %mul3A_633 = arith.muli %add3A_257, %mul3A_632 : i32
      "tpu.region"() ({
        %run_scoped3A = tpu.sem_alloc : memref<!tpu.dma_semaphore, #tpu.memory_space<semaphore_mem>>
        %dma_start3A = arith.constant 0 : i32
        %dma_start3A_636 = tpu.memref_slice %arg25[%mul3A_633, %dma_start3A] : memref<10000x128xf32, #tpu.memory_space<vmem_shared>> -> memref<40x128xf32, #tpu.memory_space<vmem_shared>>
        %dma_start3A_637 = arith.constant 0 : i32
        %dma_start3A_638 = tpu.memref_slice %arg25[%mul3A_633, %dma_start3A_637] : memref<10000x128xf32, #tpu.memory_space<vmem_shared>> -> memref<40x128xf32, #tpu.memory_space<vmem_shared>>
        tpu.enqueue_dma source(%dma_start3A_638 : memref<40x128xf32, #tpu.memory_space<vmem_shared>>) target(%arg23 : memref<40x128xf32, #tpu.memory_space<vmem>>) target_semaphore(%run_scoped3A : memref<!tpu.dma_semaphore, #tpu.memory_space<semaphore_mem>>)
        %dma_wait3A_639 = arith.constant 0 : i32
        %dma_wait3A_640 = tpu.memref_slice %arg25[%mul3A_633, %dma_wait3A_639] : memref<10000x128xf32, #tpu.memory_space<vmem_shared>> -> memref<40x128xf32, #tpu.memory_space<vmem_shared>>
        %dma_wait3A_641 = arith.constant 0 : i32
        %dma_wait3A_642 = tpu.memref_slice %arg25[%mul3A_633, %dma_wait3A_641] : memref<10000x128xf32, #tpu.memory_space<vmem_shared>> -> memref<40x128xf32, #tpu.memory_space<vmem_shared>>
        tpu.wait_dma2 semaphore(%run_scoped3A : memref<!tpu.dma_semaphore, #tpu.memory_space<semaphore_mem>>) src(%dma_wait3A_642 : memref<40x128xf32, #tpu.memory_space<vmem_shared>>) dst(%arg23 : memref<40x128xf32, #tpu.memory_space<vmem>>)
        tpu.yield
      }) : () -> ()
      %mul3A_634 = arith.constant 40 : i32
      %mul3A_635 = arith.muli %add3A_257, %mul3A_634 : i32
      "tpu.region"() ({
        %run_scoped3A = tpu.sem_alloc : memref<!tpu.dma_semaphore, #tpu.memory_space<semaphore_mem>>
        %dma_start3A = arith.constant 0 : i32
        %dma_start3A_636 = tpu.memref_slice %arg11[%arg0, %mul3A_635, %dma_start3A] : memref<2x10000x128xf32, #tpu.memory_space<hbm>> -> memref<1x40x128xf32, #tpu.memory_space<hbm>>
        %dma_start3A_637 = tpu.memref_squeeze %dma_start3A_636 : memref<1x40x128xf32, #tpu.memory_space<hbm>> -> memref<40x128xf32, #tpu.memory_space<hbm>>
        %dma_start3A_638 = arith.constant 0 : i32
        %dma_start3A_639 = tpu.memref_slice %arg11[%arg0, %mul3A_635, %dma_start3A_638] : memref<2x10000x128xf32, #tpu.memory_space<hbm>> -> memref<1x40x128xf32, #tpu.memory_space<hbm>>
        %dma_start3A_640 = tpu.memref_squeeze %dma_start3A_639 : memref<1x40x128xf32, #tpu.memory_space<hbm>> -> memref<40x128xf32, #tpu.memory_space<hbm>>
        tpu.enqueue_dma source(%arg23 : memref<40x128xf32, #tpu.memory_space<vmem>>) target(%dma_start3A_640 : memref<40x128xf32, #tpu.memory_space<hbm>>) target_semaphore(%run_scoped3A : memref<!tpu.dma_semaphore, #tpu.memory_space<semaphore_mem>>)
        %dma_wait3A_641 = arith.constant 0 : i32
        %dma_wait3A_642 = tpu.memref_slice %arg11[%arg0, %mul3A_635, %dma_wait3A_641] : memref<2x10000x128xf32, #tpu.memory_space<hbm>> -> memref<1x40x128xf32, #tpu.memory_space<hbm>>
        %dma_wait3A_643 = tpu.memref_squeeze %dma_wait3A_642 : memref<1x40x128xf32, #tpu.memory_space<hbm>> -> memref<40x128xf32, #tpu.memory_space<hbm>>
        %dma_wait3A_644 = arith.constant 0 : i32
        %dma_wait3A_645 = tpu.memref_slice %arg11[%arg0, %mul3A_635, %dma_wait3A_644] : memref<2x10000x128xf32, #tpu.memory_space<hbm>> -> memref<1x40x128xf32, #tpu.memory_space<hbm>>
        %dma_wait3A_646 = tpu.memref_squeeze %dma_wait3A_645 : memref<1x40x128xf32, #tpu.memory_space<hbm>> -> memref<40x128xf32, #tpu.memory_space<hbm>>
        tpu.wait_dma2 semaphore(%run_scoped3A : memref<!tpu.dma_semaphore, #tpu.memory_space<semaphore_mem>>) src(%arg23 : memref<40x128xf32, #tpu.memory_space<vmem>>) dst(%dma_wait3A_646 : memref<40x128xf32, #tpu.memory_space<hbm>>)
        tpu.yield
      }) : () -> ()
    } else {
    }
    %mul3A_263 = arith.constant 16 : i32
    %mul3A_264 = arith.muli %arg1, %mul3A_263 : i32
    %add3A_265 = arith.constant 11 : i32
    %add3A_266 = arith.addi %mul3A_264, %add3A_265 : i32
    %lt3A_267 = arith.constant 250 : i32
    %lt3A_268 = arith.cmpi slt, %add3A_266, %lt3A_267 : i32
    %convert_element_type3A_269 = arith.extui %lt3A_268 : i1 to i32
    %cond3A_270 = arith.constant 0 : i32
    %cond3A_271 = arith.cmpi ne, %convert_element_type3A_269, %cond3A_270 : i32
    scf.if %cond3A_271 {
      %mul3A_632 = arith.constant 40 : i32
      %mul3A_633 = arith.muli %add3A_266, %mul3A_632 : i32
      "tpu.region"() ({
        %run_scoped3A = tpu.sem_alloc : memref<!tpu.dma_semaphore, #tpu.memory_space<semaphore_mem>>
        %dma_start3A = arith.constant 0 : i32
        %dma_start3A_636 = tpu.memref_slice %arg25[%mul3A_633, %dma_start3A] : memref<10000x128xf32, #tpu.memory_space<vmem_shared>> -> memref<40x128xf32, #tpu.memory_space<vmem_shared>>
        %dma_start3A_637 = arith.constant 0 : i32
        %dma_start3A_638 = tpu.memref_slice %arg25[%mul3A_633, %dma_start3A_637] : memref<10000x128xf32, #tpu.memory_space<vmem_shared>> -> memref<40x128xf32, #tpu.memory_space<vmem_shared>>
        tpu.enqueue_dma source(%dma_start3A_638 : memref<40x128xf32, #tpu.memory_space<vmem_shared>>) target(%arg23 : memref<40x128xf32, #tpu.memory_space<vmem>>) target_semaphore(%run_scoped3A : memref<!tpu.dma_semaphore, #tpu.memory_space<semaphore_mem>>)
        %dma_wait3A_639 = arith.constant 0 : i32
        %dma_wait3A_640 = tpu.memref_slice %arg25[%mul3A_633, %dma_wait3A_639] : memref<10000x128xf32, #tpu.memory_space<vmem_shared>> -> memref<40x128xf32, #tpu.memory_space<vmem_shared>>
        %dma_wait3A_641 = arith.constant 0 : i32
        %dma_wait3A_642 = tpu.memref_slice %arg25[%mul3A_633, %dma_wait3A_641] : memref<10000x128xf32, #tpu.memory_space<vmem_shared>> -> memref<40x128xf32, #tpu.memory_space<vmem_shared>>
        tpu.wait_dma2 semaphore(%run_scoped3A : memref<!tpu.dma_semaphore, #tpu.memory_space<semaphore_mem>>) src(%dma_wait3A_642 : memref<40x128xf32, #tpu.memory_space<vmem_shared>>) dst(%arg23 : memref<40x128xf32, #tpu.memory_space<vmem>>)
        tpu.yield
      }) : () -> ()
      %mul3A_634 = arith.constant 40 : i32
      %mul3A_635 = arith.muli %add3A_266, %mul3A_634 : i32
      "tpu.region"() ({
        %run_scoped3A = tpu.sem_alloc : memref<!tpu.dma_semaphore, #tpu.memory_space<semaphore_mem>>
        %dma_start3A = arith.constant 0 : i32
        %dma_start3A_636 = tpu.memref_slice %arg11[%arg0, %mul3A_635, %dma_start3A] : memref<2x10000x128xf32, #tpu.memory_space<hbm>> -> memref<1x40x128xf32, #tpu.memory_space<hbm>>
        %dma_start3A_637 = tpu.memref_squeeze %dma_start3A_636 : memref<1x40x128xf32, #tpu.memory_space<hbm>> -> memref<40x128xf32, #tpu.memory_space<hbm>>
        %dma_start3A_638 = arith.constant 0 : i32
        %dma_start3A_639 = tpu.memref_slice %arg11[%arg0, %mul3A_635, %dma_start3A_638] : memref<2x10000x128xf32, #tpu.memory_space<hbm>> -> memref<1x40x128xf32, #tpu.memory_space<hbm>>
        %dma_start3A_640 = tpu.memref_squeeze %dma_start3A_639 : memref<1x40x128xf32, #tpu.memory_space<hbm>> -> memref<40x128xf32, #tpu.memory_space<hbm>>
        tpu.enqueue_dma source(%arg23 : memref<40x128xf32, #tpu.memory_space<vmem>>) target(%dma_start3A_640 : memref<40x128xf32, #tpu.memory_space<hbm>>) target_semaphore(%run_scoped3A : memref<!tpu.dma_semaphore, #tpu.memory_space<semaphore_mem>>)
        %dma_wait3A_641 = arith.constant 0 : i32
        %dma_wait3A_642 = tpu.memref_slice %arg11[%arg0, %mul3A_635, %dma_wait3A_641] : memref<2x10000x128xf32, #tpu.memory_space<hbm>> -> memref<1x40x128xf32, #tpu.memory_space<hbm>>
        %dma_wait3A_643 = tpu.memref_squeeze %dma_wait3A_642 : memref<1x40x128xf32, #tpu.memory_space<hbm>> -> memref<40x128xf32, #tpu.memory_space<hbm>>
        %dma_wait3A_644 = arith.constant 0 : i32
        %dma_wait3A_645 = tpu.memref_slice %arg11[%arg0, %mul3A_635, %dma_wait3A_644] : memref<2x10000x128xf32, #tpu.memory_space<hbm>> -> memref<1x40x128xf32, #tpu.memory_space<hbm>>
        %dma_wait3A_646 = tpu.memref_squeeze %dma_wait3A_645 : memref<1x40x128xf32, #tpu.memory_space<hbm>> -> memref<40x128xf32, #tpu.memory_space<hbm>>
        tpu.wait_dma2 semaphore(%run_scoped3A : memref<!tpu.dma_semaphore, #tpu.memory_space<semaphore_mem>>) src(%arg23 : memref<40x128xf32, #tpu.memory_space<vmem>>) dst(%dma_wait3A_646 : memref<40x128xf32, #tpu.memory_space<hbm>>)
        tpu.yield
      }) : () -> ()
    } else {
    }
    %mul3A_272 = arith.constant 16 : i32
    %mul3A_273 = arith.muli %arg1, %mul3A_272 : i32
    %add3A_274 = arith.constant 12 : i32
    %add3A_275 = arith.addi %mul3A_273, %add3A_274 : i32
    %lt3A_276 = arith.constant 250 : i32
    %lt3A_277 = arith.cmpi slt, %add3A_275, %lt3A_276 : i32
    %convert_element_type3A_278 = arith.extui %lt3A_277 : i1 to i32
    %cond3A_279 = arith.constant 0 : i32
    %cond3A_280 = arith.cmpi ne, %convert_element_type3A_278, %cond3A_279 : i32
    scf.if %cond3A_280 {
      %mul3A_632 = arith.constant 40 : i32
      %mul3A_633 = arith.muli %add3A_275, %mul3A_632 : i32
      "tpu.region"() ({
        %run_scoped3A = tpu.sem_alloc : memref<!tpu.dma_semaphore, #tpu.memory_space<semaphore_mem>>
        %dma_start3A = arith.constant 0 : i32
        %dma_start3A_636 = tpu.memref_slice %arg25[%mul3A_633, %dma_start3A] : memref<10000x128xf32, #tpu.memory_space<vmem_shared>> -> memref<40x128xf32, #tpu.memory_space<vmem_shared>>
        %dma_start3A_637 = arith.constant 0 : i32
        %dma_start3A_638 = tpu.memref_slice %arg25[%mul3A_633, %dma_start3A_637] : memref<10000x128xf32, #tpu.memory_space<vmem_shared>> -> memref<40x128xf32, #tpu.memory_space<vmem_shared>>
        tpu.enqueue_dma source(%dma_start3A_638 : memref<40x128xf32, #tpu.memory_space<vmem_shared>>) target(%arg23 : memref<40x128xf32, #tpu.memory_space<vmem>>) target_semaphore(%run_scoped3A : memref<!tpu.dma_semaphore, #tpu.memory_space<semaphore_mem>>)
        %dma_wait3A_639 = arith.constant 0 : i32
        %dma_wait3A_640 = tpu.memref_slice %arg25[%mul3A_633, %dma_wait3A_639] : memref<10000x128xf32, #tpu.memory_space<vmem_shared>> -> memref<40x128xf32, #tpu.memory_space<vmem_shared>>
        %dma_wait3A_641 = arith.constant 0 : i32
        %dma_wait3A_642 = tpu.memref_slice %arg25[%mul3A_633, %dma_wait3A_641] : memref<10000x128xf32, #tpu.memory_space<vmem_shared>> -> memref<40x128xf32, #tpu.memory_space<vmem_shared>>
        tpu.wait_dma2 semaphore(%run_scoped3A : memref<!tpu.dma_semaphore, #tpu.memory_space<semaphore_mem>>) src(%dma_wait3A_642 : memref<40x128xf32, #tpu.memory_space<vmem_shared>>) dst(%arg23 : memref<40x128xf32, #tpu.memory_space<vmem>>)
        tpu.yield
      }) : () -> ()
      %mul3A_634 = arith.constant 40 : i32
      %mul3A_635 = arith.muli %add3A_275, %mul3A_634 : i32
      "tpu.region"() ({
        %run_scoped3A = tpu.sem_alloc : memref<!tpu.dma_semaphore, #tpu.memory_space<semaphore_mem>>
        %dma_start3A = arith.constant 0 : i32
        %dma_start3A_636 = tpu.memref_slice %arg11[%arg0, %mul3A_635, %dma_start3A] : memref<2x10000x128xf32, #tpu.memory_space<hbm>> -> memref<1x40x128xf32, #tpu.memory_space<hbm>>
        %dma_start3A_637 = tpu.memref_squeeze %dma_start3A_636 : memref<1x40x128xf32, #tpu.memory_space<hbm>> -> memref<40x128xf32, #tpu.memory_space<hbm>>
        %dma_start3A_638 = arith.constant 0 : i32
        %dma_start3A_639 = tpu.memref_slice %arg11[%arg0, %mul3A_635, %dma_start3A_638] : memref<2x10000x128xf32, #tpu.memory_space<hbm>> -> memref<1x40x128xf32, #tpu.memory_space<hbm>>
        %dma_start3A_640 = tpu.memref_squeeze %dma_start3A_639 : memref<1x40x128xf32, #tpu.memory_space<hbm>> -> memref<40x128xf32, #tpu.memory_space<hbm>>
        tpu.enqueue_dma source(%arg23 : memref<40x128xf32, #tpu.memory_space<vmem>>) target(%dma_start3A_640 : memref<40x128xf32, #tpu.memory_space<hbm>>) target_semaphore(%run_scoped3A : memref<!tpu.dma_semaphore, #tpu.memory_space<semaphore_mem>>)
        %dma_wait3A_641 = arith.constant 0 : i32
        %dma_wait3A_642 = tpu.memref_slice %arg11[%arg0, %mul3A_635, %dma_wait3A_641] : memref<2x10000x128xf32, #tpu.memory_space<hbm>> -> memref<1x40x128xf32, #tpu.memory_space<hbm>>
        %dma_wait3A_643 = tpu.memref_squeeze %dma_wait3A_642 : memref<1x40x128xf32, #tpu.memory_space<hbm>> -> memref<40x128xf32, #tpu.memory_space<hbm>>
        %dma_wait3A_644 = arith.constant 0 : i32
        %dma_wait3A_645 = tpu.memref_slice %arg11[%arg0, %mul3A_635, %dma_wait3A_644] : memref<2x10000x128xf32, #tpu.memory_space<hbm>> -> memref<1x40x128xf32, #tpu.memory_space<hbm>>
        %dma_wait3A_646 = tpu.memref_squeeze %dma_wait3A_645 : memref<1x40x128xf32, #tpu.memory_space<hbm>> -> memref<40x128xf32, #tpu.memory_space<hbm>>
        tpu.wait_dma2 semaphore(%run_scoped3A : memref<!tpu.dma_semaphore, #tpu.memory_space<semaphore_mem>>) src(%arg23 : memref<40x128xf32, #tpu.memory_space<vmem>>) dst(%dma_wait3A_646 : memref<40x128xf32, #tpu.memory_space<hbm>>)
        tpu.yield
      }) : () -> ()
    } else {
    }
    %mul3A_281 = arith.constant 16 : i32
    %mul3A_282 = arith.muli %arg1, %mul3A_281 : i32
    %add3A_283 = arith.constant 13 : i32
    %add3A_284 = arith.addi %mul3A_282, %add3A_283 : i32
    %lt3A_285 = arith.constant 250 : i32
    %lt3A_286 = arith.cmpi slt, %add3A_284, %lt3A_285 : i32
    %convert_element_type3A_287 = arith.extui %lt3A_286 : i1 to i32
    %cond3A_288 = arith.constant 0 : i32
    %cond3A_289 = arith.cmpi ne, %convert_element_type3A_287, %cond3A_288 : i32
    scf.if %cond3A_289 {
      %mul3A_632 = arith.constant 40 : i32
      %mul3A_633 = arith.muli %add3A_284, %mul3A_632 : i32
      "tpu.region"() ({
        %run_scoped3A = tpu.sem_alloc : memref<!tpu.dma_semaphore, #tpu.memory_space<semaphore_mem>>
        %dma_start3A = arith.constant 0 : i32
        %dma_start3A_636 = tpu.memref_slice %arg25[%mul3A_633, %dma_start3A] : memref<10000x128xf32, #tpu.memory_space<vmem_shared>> -> memref<40x128xf32, #tpu.memory_space<vmem_shared>>
        %dma_start3A_637 = arith.constant 0 : i32
        %dma_start3A_638 = tpu.memref_slice %arg25[%mul3A_633, %dma_start3A_637] : memref<10000x128xf32, #tpu.memory_space<vmem_shared>> -> memref<40x128xf32, #tpu.memory_space<vmem_shared>>
        tpu.enqueue_dma source(%dma_start3A_638 : memref<40x128xf32, #tpu.memory_space<vmem_shared>>) target(%arg23 : memref<40x128xf32, #tpu.memory_space<vmem>>) target_semaphore(%run_scoped3A : memref<!tpu.dma_semaphore, #tpu.memory_space<semaphore_mem>>)
        %dma_wait3A_639 = arith.constant 0 : i32
        %dma_wait3A_640 = tpu.memref_slice %arg25[%mul3A_633, %dma_wait3A_639] : memref<10000x128xf32, #tpu.memory_space<vmem_shared>> -> memref<40x128xf32, #tpu.memory_space<vmem_shared>>
        %dma_wait3A_641 = arith.constant 0 : i32
        %dma_wait3A_642 = tpu.memref_slice %arg25[%mul3A_633, %dma_wait3A_641] : memref<10000x128xf32, #tpu.memory_space<vmem_shared>> -> memref<40x128xf32, #tpu.memory_space<vmem_shared>>
        tpu.wait_dma2 semaphore(%run_scoped3A : memref<!tpu.dma_semaphore, #tpu.memory_space<semaphore_mem>>) src(%dma_wait3A_642 : memref<40x128xf32, #tpu.memory_space<vmem_shared>>) dst(%arg23 : memref<40x128xf32, #tpu.memory_space<vmem>>)
        tpu.yield
      }) : () -> ()
      %mul3A_634 = arith.constant 40 : i32
      %mul3A_635 = arith.muli %add3A_284, %mul3A_634 : i32
      "tpu.region"() ({
        %run_scoped3A = tpu.sem_alloc : memref<!tpu.dma_semaphore, #tpu.memory_space<semaphore_mem>>
        %dma_start3A = arith.constant 0 : i32
        %dma_start3A_636 = tpu.memref_slice %arg11[%arg0, %mul3A_635, %dma_start3A] : memref<2x10000x128xf32, #tpu.memory_space<hbm>> -> memref<1x40x128xf32, #tpu.memory_space<hbm>>
        %dma_start3A_637 = tpu.memref_squeeze %dma_start3A_636 : memref<1x40x128xf32, #tpu.memory_space<hbm>> -> memref<40x128xf32, #tpu.memory_space<hbm>>
        %dma_start3A_638 = arith.constant 0 : i32
        %dma_start3A_639 = tpu.memref_slice %arg11[%arg0, %mul3A_635, %dma_start3A_638] : memref<2x10000x128xf32, #tpu.memory_space<hbm>> -> memref<1x40x128xf32, #tpu.memory_space<hbm>>
        %dma_start3A_640 = tpu.memref_squeeze %dma_start3A_639 : memref<1x40x128xf32, #tpu.memory_space<hbm>> -> memref<40x128xf32, #tpu.memory_space<hbm>>
        tpu.enqueue_dma source(%arg23 : memref<40x128xf32, #tpu.memory_space<vmem>>) target(%dma_start3A_640 : memref<40x128xf32, #tpu.memory_space<hbm>>) target_semaphore(%run_scoped3A : memref<!tpu.dma_semaphore, #tpu.memory_space<semaphore_mem>>)
        %dma_wait3A_641 = arith.constant 0 : i32
        %dma_wait3A_642 = tpu.memref_slice %arg11[%arg0, %mul3A_635, %dma_wait3A_641] : memref<2x10000x128xf32, #tpu.memory_space<hbm>> -> memref<1x40x128xf32, #tpu.memory_space<hbm>>
        %dma_wait3A_643 = tpu.memref_squeeze %dma_wait3A_642 : memref<1x40x128xf32, #tpu.memory_space<hbm>> -> memref<40x128xf32, #tpu.memory_space<hbm>>
        %dma_wait3A_644 = arith.constant 0 : i32
        %dma_wait3A_645 = tpu.memref_slice %arg11[%arg0, %mul3A_635, %dma_wait3A_644] : memref<2x10000x128xf32, #tpu.memory_space<hbm>> -> memref<1x40x128xf32, #tpu.memory_space<hbm>>
        %dma_wait3A_646 = tpu.memref_squeeze %dma_wait3A_645 : memref<1x40x128xf32, #tpu.memory_space<hbm>> -> memref<40x128xf32, #tpu.memory_space<hbm>>
        tpu.wait_dma2 semaphore(%run_scoped3A : memref<!tpu.dma_semaphore, #tpu.memory_space<semaphore_mem>>) src(%arg23 : memref<40x128xf32, #tpu.memory_space<vmem>>) dst(%dma_wait3A_646 : memref<40x128xf32, #tpu.memory_space<hbm>>)
        tpu.yield
      }) : () -> ()
    } else {
    }
    %mul3A_290 = arith.constant 16 : i32
    %mul3A_291 = arith.muli %arg1, %mul3A_290 : i32
    %add3A_292 = arith.constant 14 : i32
    %add3A_293 = arith.addi %mul3A_291, %add3A_292 : i32
    %lt3A_294 = arith.constant 250 : i32
    %lt3A_295 = arith.cmpi slt, %add3A_293, %lt3A_294 : i32
    %convert_element_type3A_296 = arith.extui %lt3A_295 : i1 to i32
    %cond3A_297 = arith.constant 0 : i32
    %cond3A_298 = arith.cmpi ne, %convert_element_type3A_296, %cond3A_297 : i32
    scf.if %cond3A_298 {
      %mul3A_632 = arith.constant 40 : i32
      %mul3A_633 = arith.muli %add3A_293, %mul3A_632 : i32
      "tpu.region"() ({
        %run_scoped3A = tpu.sem_alloc : memref<!tpu.dma_semaphore, #tpu.memory_space<semaphore_mem>>
        %dma_start3A = arith.constant 0 : i32
        %dma_start3A_636 = tpu.memref_slice %arg25[%mul3A_633, %dma_start3A] : memref<10000x128xf32, #tpu.memory_space<vmem_shared>> -> memref<40x128xf32, #tpu.memory_space<vmem_shared>>
        %dma_start3A_637 = arith.constant 0 : i32
        %dma_start3A_638 = tpu.memref_slice %arg25[%mul3A_633, %dma_start3A_637] : memref<10000x128xf32, #tpu.memory_space<vmem_shared>> -> memref<40x128xf32, #tpu.memory_space<vmem_shared>>
        tpu.enqueue_dma source(%dma_start3A_638 : memref<40x128xf32, #tpu.memory_space<vmem_shared>>) target(%arg23 : memref<40x128xf32, #tpu.memory_space<vmem>>) target_semaphore(%run_scoped3A : memref<!tpu.dma_semaphore, #tpu.memory_space<semaphore_mem>>)
        %dma_wait3A_639 = arith.constant 0 : i32
        %dma_wait3A_640 = tpu.memref_slice %arg25[%mul3A_633, %dma_wait3A_639] : memref<10000x128xf32, #tpu.memory_space<vmem_shared>> -> memref<40x128xf32, #tpu.memory_space<vmem_shared>>
        %dma_wait3A_641 = arith.constant 0 : i32
        %dma_wait3A_642 = tpu.memref_slice %arg25[%mul3A_633, %dma_wait3A_641] : memref<10000x128xf32, #tpu.memory_space<vmem_shared>> -> memref<40x128xf32, #tpu.memory_space<vmem_shared>>
        tpu.wait_dma2 semaphore(%run_scoped3A : memref<!tpu.dma_semaphore, #tpu.memory_space<semaphore_mem>>) src(%dma_wait3A_642 : memref<40x128xf32, #tpu.memory_space<vmem_shared>>) dst(%arg23 : memref<40x128xf32, #tpu.memory_space<vmem>>)
        tpu.yield
      }) : () -> ()
      %mul3A_634 = arith.constant 40 : i32
      %mul3A_635 = arith.muli %add3A_293, %mul3A_634 : i32
      "tpu.region"() ({
        %run_scoped3A = tpu.sem_alloc : memref<!tpu.dma_semaphore, #tpu.memory_space<semaphore_mem>>
        %dma_start3A = arith.constant 0 : i32
        %dma_start3A_636 = tpu.memref_slice %arg11[%arg0, %mul3A_635, %dma_start3A] : memref<2x10000x128xf32, #tpu.memory_space<hbm>> -> memref<1x40x128xf32, #tpu.memory_space<hbm>>
        %dma_start3A_637 = tpu.memref_squeeze %dma_start3A_636 : memref<1x40x128xf32, #tpu.memory_space<hbm>> -> memref<40x128xf32, #tpu.memory_space<hbm>>
        %dma_start3A_638 = arith.constant 0 : i32
        %dma_start3A_639 = tpu.memref_slice %arg11[%arg0, %mul3A_635, %dma_start3A_638] : memref<2x10000x128xf32, #tpu.memory_space<hbm>> -> memref<1x40x128xf32, #tpu.memory_space<hbm>>
        %dma_start3A_640 = tpu.memref_squeeze %dma_start3A_639 : memref<1x40x128xf32, #tpu.memory_space<hbm>> -> memref<40x128xf32, #tpu.memory_space<hbm>>
        tpu.enqueue_dma source(%arg23 : memref<40x128xf32, #tpu.memory_space<vmem>>) target(%dma_start3A_640 : memref<40x128xf32, #tpu.memory_space<hbm>>) target_semaphore(%run_scoped3A : memref<!tpu.dma_semaphore, #tpu.memory_space<semaphore_mem>>)
        %dma_wait3A_641 = arith.constant 0 : i32
        %dma_wait3A_642 = tpu.memref_slice %arg11[%arg0, %mul3A_635, %dma_wait3A_641] : memref<2x10000x128xf32, #tpu.memory_space<hbm>> -> memref<1x40x128xf32, #tpu.memory_space<hbm>>
        %dma_wait3A_643 = tpu.memref_squeeze %dma_wait3A_642 : memref<1x40x128xf32, #tpu.memory_space<hbm>> -> memref<40x128xf32, #tpu.memory_space<hbm>>
        %dma_wait3A_644 = arith.constant 0 : i32
        %dma_wait3A_645 = tpu.memref_slice %arg11[%arg0, %mul3A_635, %dma_wait3A_644] : memref<2x10000x128xf32, #tpu.memory_space<hbm>> -> memref<1x40x128xf32, #tpu.memory_space<hbm>>
        %dma_wait3A_646 = tpu.memref_squeeze %dma_wait3A_645 : memref<1x40x128xf32, #tpu.memory_space<hbm>> -> memref<40x128xf32, #tpu.memory_space<hbm>>
        tpu.wait_dma2 semaphore(%run_scoped3A : memref<!tpu.dma_semaphore, #tpu.memory_space<semaphore_mem>>) src(%arg23 : memref<40x128xf32, #tpu.memory_space<vmem>>) dst(%dma_wait3A_646 : memref<40x128xf32, #tpu.memory_space<hbm>>)
        tpu.yield
      }) : () -> ()
    } else {
    }
    %mul3A_299 = arith.constant 16 : i32
    %mul3A_300 = arith.muli %arg1, %mul3A_299 : i32
    %add3A_301 = arith.constant 15 : i32
    %add3A_302 = arith.addi %mul3A_300, %add3A_301 : i32
    %lt3A_303 = arith.constant 250 : i32
    %lt3A_304 = arith.cmpi slt, %add3A_302, %lt3A_303 : i32
    %convert_element_type3A_305 = arith.extui %lt3A_304 : i1 to i32
    %cond3A_306 = arith.constant 0 : i32
    %cond3A_307 = arith.cmpi ne, %convert_element_type3A_305, %cond3A_306 : i32
    scf.if %cond3A_307 {
      %mul3A_632 = arith.constant 40 : i32
      %mul3A_633 = arith.muli %add3A_302, %mul3A_632 : i32
      "tpu.region"() ({
        %run_scoped3A = tpu.sem_alloc : memref<!tpu.dma_semaphore, #tpu.memory_space<semaphore_mem>>
        %dma_start3A = arith.constant 0 : i32
        %dma_start3A_636 = tpu.memref_slice %arg25[%mul3A_633, %dma_start3A] : memref<10000x128xf32, #tpu.memory_space<vmem_shared>> -> memref<40x128xf32, #tpu.memory_space<vmem_shared>>
        %dma_start3A_637 = arith.constant 0 : i32
        %dma_start3A_638 = tpu.memref_slice %arg25[%mul3A_633, %dma_start3A_637] : memref<10000x128xf32, #tpu.memory_space<vmem_shared>> -> memref<40x128xf32, #tpu.memory_space<vmem_shared>>
        tpu.enqueue_dma source(%dma_start3A_638 : memref<40x128xf32, #tpu.memory_space<vmem_shared>>) target(%arg23 : memref<40x128xf32, #tpu.memory_space<vmem>>) target_semaphore(%run_scoped3A : memref<!tpu.dma_semaphore, #tpu.memory_space<semaphore_mem>>)
        %dma_wait3A_639 = arith.constant 0 : i32
        %dma_wait3A_640 = tpu.memref_slice %arg25[%mul3A_633, %dma_wait3A_639] : memref<10000x128xf32, #tpu.memory_space<vmem_shared>> -> memref<40x128xf32, #tpu.memory_space<vmem_shared>>
        %dma_wait3A_641 = arith.constant 0 : i32
        %dma_wait3A_642 = tpu.memref_slice %arg25[%mul3A_633, %dma_wait3A_641] : memref<10000x128xf32, #tpu.memory_space<vmem_shared>> -> memref<40x128xf32, #tpu.memory_space<vmem_shared>>
        tpu.wait_dma2 semaphore(%run_scoped3A : memref<!tpu.dma_semaphore, #tpu.memory_space<semaphore_mem>>) src(%dma_wait3A_642 : memref<40x128xf32, #tpu.memory_space<vmem_shared>>) dst(%arg23 : memref<40x128xf32, #tpu.memory_space<vmem>>)
        tpu.yield
      }) : () -> ()
      %mul3A_634 = arith.constant 40 : i32
      %mul3A_635 = arith.muli %add3A_302, %mul3A_634 : i32
      "tpu.region"() ({
        %run_scoped3A = tpu.sem_alloc : memref<!tpu.dma_semaphore, #tpu.memory_space<semaphore_mem>>
        %dma_start3A = arith.constant 0 : i32
        %dma_start3A_636 = tpu.memref_slice %arg11[%arg0, %mul3A_635, %dma_start3A] : memref<2x10000x128xf32, #tpu.memory_space<hbm>> -> memref<1x40x128xf32, #tpu.memory_space<hbm>>
        %dma_start3A_637 = tpu.memref_squeeze %dma_start3A_636 : memref<1x40x128xf32, #tpu.memory_space<hbm>> -> memref<40x128xf32, #tpu.memory_space<hbm>>
        %dma_start3A_638 = arith.constant 0 : i32
        %dma_start3A_639 = tpu.memref_slice %arg11[%arg0, %mul3A_635, %dma_start3A_638] : memref<2x10000x128xf32, #tpu.memory_space<hbm>> -> memref<1x40x128xf32, #tpu.memory_space<hbm>>
        %dma_start3A_640 = tpu.memref_squeeze %dma_start3A_639 : memref<1x40x128xf32, #tpu.memory_space<hbm>> -> memref<40x128xf32, #tpu.memory_space<hbm>>
        tpu.enqueue_dma source(%arg23 : memref<40x128xf32, #tpu.memory_space<vmem>>) target(%dma_start3A_640 : memref<40x128xf32, #tpu.memory_space<hbm>>) target_semaphore(%run_scoped3A : memref<!tpu.dma_semaphore, #tpu.memory_space<semaphore_mem>>)
        %dma_wait3A_641 = arith.constant 0 : i32
        %dma_wait3A_642 = tpu.memref_slice %arg11[%arg0, %mul3A_635, %dma_wait3A_641] : memref<2x10000x128xf32, #tpu.memory_space<hbm>> -> memref<1x40x128xf32, #tpu.memory_space<hbm>>
        %dma_wait3A_643 = tpu.memref_squeeze %dma_wait3A_642 : memref<1x40x128xf32, #tpu.memory_space<hbm>> -> memref<40x128xf32, #tpu.memory_space<hbm>>
        %dma_wait3A_644 = arith.constant 0 : i32
        %dma_wait3A_645 = tpu.memref_slice %arg11[%arg0, %mul3A_635, %dma_wait3A_644] : memref<2x10000x128xf32, #tpu.memory_space<hbm>> -> memref<1x40x128xf32, #tpu.memory_space<hbm>>
        %dma_wait3A_646 = tpu.memref_squeeze %dma_wait3A_645 : memref<1x40x128xf32, #tpu.memory_space<hbm>> -> memref<40x128xf32, #tpu.memory_space<hbm>>
        tpu.wait_dma2 semaphore(%run_scoped3A : memref<!tpu.dma_semaphore, #tpu.memory_space<semaphore_mem>>) src(%arg23 : memref<40x128xf32, #tpu.memory_space<vmem>>) dst(%dma_wait3A_646 : memref<40x128xf32, #tpu.memory_space<hbm>>)
        tpu.yield
      }) : () -> ()
    } else {
    }
    %barrier3A_308 = arith.constant 0 : index
    tpu.barrier barrier_id(%barrier3A_308)
    %scan3A_309 = arith.constant 0 : i32
    %scan3A_310 = arith.constant 0 : i32
    %scan3A_311 = arith.constant 40 : i32
    %scan3A_312 = arith.addi %scan3A_310, %scan3A_311 : i32
    %scan3A_313 = arith.constant 1 : i32
    %scan3A_314 = scf.for %scan3A_632 = %scan3A_310 to %scan3A_312 step %scan3A_313 iter_args(%scan3A_633 = %scan3A_309) -> (i32)  : i32 {
      %swap3A = arith.index_cast %scan3A_632 : i32 to index
      %swap3A_634 = arith.constant 0 : index
      %swap3A_635 = tpu.vector_load %arg23[%swap3A, %swap3A_634] {strides = array<i32>} : memref<40x128xf32, #tpu.memory_space<vmem>>, vector<1x16xf32>,
      %swap3A_636 = vector.shape_cast %swap3A_635 : vector<1x16xf32> to vector<16xf32>
      %swap3A_637 = vector.shape_cast %broadcast_in_dim3A_3 : vector<16xf32> to vector<1x16xf32>
      tpu.vector_store %arg23[%swap3A, %swap3A_634], %swap3A_637 {strides = array<i32>} : memref<40x128xf32, #tpu.memory_space<vmem>>, vector<1x16xf32>,
      %swap3A_638 = arith.index_cast %scan3A_632 : i32 to index
      %swap3A_639 = arith.constant 16 : index
      %swap3A_640 = tpu.vector_load %arg23[%swap3A_638, %swap3A_639] {strides = array<i32>} : memref<40x128xf32, #tpu.memory_space<vmem>>, vector<1x16xf32>,
      %swap3A_641 = vector.shape_cast %swap3A_640 : vector<1x16xf32> to vector<16xf32>
      %swap3A_642 = vector.shape_cast %broadcast_in_dim3A_3 : vector<16xf32> to vector<1x16xf32>
      tpu.vector_store %arg23[%swap3A_638, %swap3A_639], %swap3A_642 {strides = array<i32>} : memref<40x128xf32, #tpu.memory_space<vmem>>, vector<1x16xf32>,
      %swap3A_643 = arith.index_cast %scan3A_632 : i32 to index
      %swap3A_644 = arith.constant 32 : index
      %swap3A_645 = tpu.vector_load %arg23[%swap3A_643, %swap3A_644] {strides = array<i32>} : memref<40x128xf32, #tpu.memory_space<vmem>>, vector<1x16xf32>,
      %swap3A_646 = vector.shape_cast %swap3A_645 : vector<1x16xf32> to vector<16xf32>
      %swap3A_647 = vector.shape_cast %broadcast_in_dim3A_3 : vector<16xf32> to vector<1x16xf32>
      tpu.vector_store %arg23[%swap3A_643, %swap3A_644], %swap3A_647 {strides = array<i32>} : memref<40x128xf32, #tpu.memory_space<vmem>>, vector<1x16xf32>,
      %swap3A_648 = arith.index_cast %scan3A_632 : i32 to index
      %swap3A_649 = arith.constant 48 : index
      %swap3A_650 = tpu.vector_load %arg23[%swap3A_648, %swap3A_649] {strides = array<i32>} : memref<40x128xf32, #tpu.memory_space<vmem>>, vector<1x16xf32>,
      %swap3A_651 = vector.shape_cast %swap3A_650 : vector<1x16xf32> to vector<16xf32>
      %swap3A_652 = vector.shape_cast %broadcast_in_dim3A_3 : vector<16xf32> to vector<1x16xf32>
      tpu.vector_store %arg23[%swap3A_648, %swap3A_649], %swap3A_652 {strides = array<i32>} : memref<40x128xf32, #tpu.memory_space<vmem>>, vector<1x16xf32>,
      %swap3A_653 = arith.index_cast %scan3A_632 : i32 to index
      %swap3A_654 = arith.constant 64 : index
      %swap3A_655 = tpu.vector_load %arg23[%swap3A_653, %swap3A_654] {strides = array<i32>} : memref<40x128xf32, #tpu.memory_space<vmem>>, vector<1x16xf32>,
      %swap3A_656 = vector.shape_cast %swap3A_655 : vector<1x16xf32> to vector<16xf32>
      %swap3A_657 = vector.shape_cast %broadcast_in_dim3A_3 : vector<16xf32> to vector<1x16xf32>
      tpu.vector_store %arg23[%swap3A_653, %swap3A_654], %swap3A_657 {strides = array<i32>} : memref<40x128xf32, #tpu.memory_space<vmem>>, vector<1x16xf32>,
      %swap3A_658 = arith.index_cast %scan3A_632 : i32 to index
      %swap3A_659 = arith.constant 80 : index
      %swap3A_660 = tpu.vector_load %arg23[%swap3A_658, %swap3A_659] {strides = array<i32>} : memref<40x128xf32, #tpu.memory_space<vmem>>, vector<1x16xf32>,
      %swap3A_661 = vector.shape_cast %swap3A_660 : vector<1x16xf32> to vector<16xf32>
      %swap3A_662 = vector.shape_cast %broadcast_in_dim3A_3 : vector<16xf32> to vector<1x16xf32>
      tpu.vector_store %arg23[%swap3A_658, %swap3A_659], %swap3A_662 {strides = array<i32>} : memref<40x128xf32, #tpu.memory_space<vmem>>, vector<1x16xf32>,
      %swap3A_663 = arith.index_cast %scan3A_632 : i32 to index
      %swap3A_664 = arith.constant 96 : index
      %swap3A_665 = tpu.vector_load %arg23[%swap3A_663, %swap3A_664] {strides = array<i32>} : memref<40x128xf32, #tpu.memory_space<vmem>>, vector<1x16xf32>,
      %swap3A_666 = vector.shape_cast %swap3A_665 : vector<1x16xf32> to vector<16xf32>
      %swap3A_667 = vector.shape_cast %broadcast_in_dim3A_3 : vector<16xf32> to vector<1x16xf32>
      tpu.vector_store %arg23[%swap3A_663, %swap3A_664], %swap3A_667 {strides = array<i32>} : memref<40x128xf32, #tpu.memory_space<vmem>>, vector<1x16xf32>,
      %swap3A_668 = arith.index_cast %scan3A_632 : i32 to index
      %swap3A_669 = arith.constant 112 : index
      %swap3A_670 = tpu.vector_load %arg23[%swap3A_668, %swap3A_669] {strides = array<i32>} : memref<40x128xf32, #tpu.memory_space<vmem>>, vector<1x16xf32>,
      %swap3A_671 = vector.shape_cast %swap3A_670 : vector<1x16xf32> to vector<16xf32>
      %swap3A_672 = vector.shape_cast %broadcast_in_dim3A_3 : vector<16xf32> to vector<1x16xf32>
      tpu.vector_store %arg23[%swap3A_668, %swap3A_669], %swap3A_672 {strides = array<i32>} : memref<40x128xf32, #tpu.memory_space<vmem>>, vector<1x16xf32>,
      %scan3A_673 = arith.constant 0 : i32
      scf.yield %scan3A_673 : i32
    }
    %scan3A_315 = arith.constant 40 : i32
    %mul3A_316 = arith.constant 16 : i32
    %mul3A_317 = arith.muli %arg1, %mul3A_316 : i32
    %add3A_318 = arith.constant 0 : i32
    %add3A_319 = arith.addi %mul3A_317, %add3A_318 : i32
    %lt3A_320 = arith.constant 250 : i32
    %lt3A_321 = arith.cmpi slt, %add3A_319, %lt3A_320 : i32
    %convert_element_type3A_322 = arith.extui %lt3A_321 : i1 to i32
    %cond3A_323 = arith.constant 0 : i32
    %cond3A_324 = arith.cmpi ne, %convert_element_type3A_322, %cond3A_323 : i32
    scf.if %cond3A_324 {
      %mul3A_632 = arith.constant 40 : i32
      %mul3A_633 = arith.muli %add3A_319, %mul3A_632 : i32
      "tpu.region"() ({
        %run_scoped3A = tpu.sem_alloc : memref<!tpu.dma_semaphore, #tpu.memory_space<semaphore_mem>>
        %dma_start3A = arith.constant 0 : i32
        %dma_start3A_634 = tpu.memref_slice %arg25[%mul3A_633, %dma_start3A] : memref<10000x128xf32, #tpu.memory_space<vmem_shared>> -> memref<40x128xf32, #tpu.memory_space<vmem_shared>>
        %dma_start3A_635 = arith.constant 0 : i32
        %dma_start3A_636 = tpu.memref_slice %arg25[%mul3A_633, %dma_start3A_635] : memref<10000x128xf32, #tpu.memory_space<vmem_shared>> -> memref<40x128xf32, #tpu.memory_space<vmem_shared>>
        tpu.enqueue_dma source(%arg23 : memref<40x128xf32, #tpu.memory_space<vmem>>) target(%dma_start3A_636 : memref<40x128xf32, #tpu.memory_space<vmem_shared>>) target_semaphore(%run_scoped3A : memref<!tpu.dma_semaphore, #tpu.memory_space<semaphore_mem>>)
        %dma_wait3A_637 = arith.constant 0 : i32
        %dma_wait3A_638 = tpu.memref_slice %arg25[%mul3A_633, %dma_wait3A_637] : memref<10000x128xf32, #tpu.memory_space<vmem_shared>> -> memref<40x128xf32, #tpu.memory_space<vmem_shared>>
        %dma_wait3A_639 = arith.constant 0 : i32
        %dma_wait3A_640 = tpu.memref_slice %arg25[%mul3A_633, %dma_wait3A_639] : memref<10000x128xf32, #tpu.memory_space<vmem_shared>> -> memref<40x128xf32, #tpu.memory_space<vmem_shared>>
        tpu.wait_dma2 semaphore(%run_scoped3A : memref<!tpu.dma_semaphore, #tpu.memory_space<semaphore_mem>>) src(%arg23 : memref<40x128xf32, #tpu.memory_space<vmem>>) dst(%dma_wait3A_640 : memref<40x128xf32, #tpu.memory_space<vmem_shared>>)
        tpu.yield
      }) : () -> ()
    } else {
    }
    %mul3A_325 = arith.constant 16 : i32
    %mul3A_326 = arith.muli %arg1, %mul3A_325 : i32
    %add3A_327 = arith.constant 1 : i32
    %add3A_328 = arith.addi %mul3A_326, %add3A_327 : i32
    %lt3A_329 = arith.constant 250 : i32
    %lt3A_330 = arith.cmpi slt, %add3A_328, %lt3A_329 : i32
    %convert_element_type3A_331 = arith.extui %lt3A_330 : i1 to i32
    %cond3A_332 = arith.constant 0 : i32
    %cond3A_333 = arith.cmpi ne, %convert_element_type3A_331, %cond3A_332 : i32
    scf.if %cond3A_333 {
      %mul3A_632 = arith.constant 40 : i32
      %mul3A_633 = arith.muli %add3A_328, %mul3A_632 : i32
      "tpu.region"() ({
        %run_scoped3A = tpu.sem_alloc : memref<!tpu.dma_semaphore, #tpu.memory_space<semaphore_mem>>
        %dma_start3A = arith.constant 0 : i32
        %dma_start3A_634 = tpu.memref_slice %arg25[%mul3A_633, %dma_start3A] : memref<10000x128xf32, #tpu.memory_space<vmem_shared>> -> memref<40x128xf32, #tpu.memory_space<vmem_shared>>
        %dma_start3A_635 = arith.constant 0 : i32
        %dma_start3A_636 = tpu.memref_slice %arg25[%mul3A_633, %dma_start3A_635] : memref<10000x128xf32, #tpu.memory_space<vmem_shared>> -> memref<40x128xf32, #tpu.memory_space<vmem_shared>>
        tpu.enqueue_dma source(%arg23 : memref<40x128xf32, #tpu.memory_space<vmem>>) target(%dma_start3A_636 : memref<40x128xf32, #tpu.memory_space<vmem_shared>>) target_semaphore(%run_scoped3A : memref<!tpu.dma_semaphore, #tpu.memory_space<semaphore_mem>>)
        %dma_wait3A_637 = arith.constant 0 : i32
        %dma_wait3A_638 = tpu.memref_slice %arg25[%mul3A_633, %dma_wait3A_637] : memref<10000x128xf32, #tpu.memory_space<vmem_shared>> -> memref<40x128xf32, #tpu.memory_space<vmem_shared>>
        %dma_wait3A_639 = arith.constant 0 : i32
        %dma_wait3A_640 = tpu.memref_slice %arg25[%mul3A_633, %dma_wait3A_639] : memref<10000x128xf32, #tpu.memory_space<vmem_shared>> -> memref<40x128xf32, #tpu.memory_space<vmem_shared>>
        tpu.wait_dma2 semaphore(%run_scoped3A : memref<!tpu.dma_semaphore, #tpu.memory_space<semaphore_mem>>) src(%arg23 : memref<40x128xf32, #tpu.memory_space<vmem>>) dst(%dma_wait3A_640 : memref<40x128xf32, #tpu.memory_space<vmem_shared>>)
        tpu.yield
      }) : () -> ()
    } else {
    }
    %mul3A_334 = arith.constant 16 : i32
    %mul3A_335 = arith.muli %arg1, %mul3A_334 : i32
    %add3A_336 = arith.constant 2 : i32
    %add3A_337 = arith.addi %mul3A_335, %add3A_336 : i32
    %lt3A_338 = arith.constant 250 : i32
    %lt3A_339 = arith.cmpi slt, %add3A_337, %lt3A_338 : i32
    %convert_element_type3A_340 = arith.extui %lt3A_339 : i1 to i32
    %cond3A_341 = arith.constant 0 : i32
    %cond3A_342 = arith.cmpi ne, %convert_element_type3A_340, %cond3A_341 : i32
    scf.if %cond3A_342 {
      %mul3A_632 = arith.constant 40 : i32
      %mul3A_633 = arith.muli %add3A_337, %mul3A_632 : i32
      "tpu.region"() ({
        %run_scoped3A = tpu.sem_alloc : memref<!tpu.dma_semaphore, #tpu.memory_space<semaphore_mem>>
        %dma_start3A = arith.constant 0 : i32
        %dma_start3A_634 = tpu.memref_slice %arg25[%mul3A_633, %dma_start3A] : memref<10000x128xf32, #tpu.memory_space<vmem_shared>> -> memref<40x128xf32, #tpu.memory_space<vmem_shared>>
        %dma_start3A_635 = arith.constant 0 : i32
        %dma_start3A_636 = tpu.memref_slice %arg25[%mul3A_633, %dma_start3A_635] : memref<10000x128xf32, #tpu.memory_space<vmem_shared>> -> memref<40x128xf32, #tpu.memory_space<vmem_shared>>
        tpu.enqueue_dma source(%arg23 : memref<40x128xf32, #tpu.memory_space<vmem>>) target(%dma_start3A_636 : memref<40x128xf32, #tpu.memory_space<vmem_shared>>) target_semaphore(%run_scoped3A : memref<!tpu.dma_semaphore, #tpu.memory_space<semaphore_mem>>)
        %dma_wait3A_637 = arith.constant 0 : i32
        %dma_wait3A_638 = tpu.memref_slice %arg25[%mul3A_633, %dma_wait3A_637] : memref<10000x128xf32, #tpu.memory_space<vmem_shared>> -> memref<40x128xf32, #tpu.memory_space<vmem_shared>>
        %dma_wait3A_639 = arith.constant 0 : i32
        %dma_wait3A_640 = tpu.memref_slice %arg25[%mul3A_633, %dma_wait3A_639] : memref<10000x128xf32, #tpu.memory_space<vmem_shared>> -> memref<40x128xf32, #tpu.memory_space<vmem_shared>>
        tpu.wait_dma2 semaphore(%run_scoped3A : memref<!tpu.dma_semaphore, #tpu.memory_space<semaphore_mem>>) src(%arg23 : memref<40x128xf32, #tpu.memory_space<vmem>>) dst(%dma_wait3A_640 : memref<40x128xf32, #tpu.memory_space<vmem_shared>>)
        tpu.yield
      }) : () -> ()
    } else {
    }
    %mul3A_343 = arith.constant 16 : i32
    %mul3A_344 = arith.muli %arg1, %mul3A_343 : i32
    %add3A_345 = arith.constant 3 : i32
    %add3A_346 = arith.addi %mul3A_344, %add3A_345 : i32
    %lt3A_347 = arith.constant 250 : i32
    %lt3A_348 = arith.cmpi slt, %add3A_346, %lt3A_347 : i32
    %convert_element_type3A_349 = arith.extui %lt3A_348 : i1 to i32
    %cond3A_350 = arith.constant 0 : i32
    %cond3A_351 = arith.cmpi ne, %convert_element_type3A_349, %cond3A_350 : i32
    scf.if %cond3A_351 {
      %mul3A_632 = arith.constant 40 : i32
      %mul3A_633 = arith.muli %add3A_346, %mul3A_632 : i32
      "tpu.region"() ({
        %run_scoped3A = tpu.sem_alloc : memref<!tpu.dma_semaphore, #tpu.memory_space<semaphore_mem>>
        %dma_start3A = arith.constant 0 : i32
        %dma_start3A_634 = tpu.memref_slice %arg25[%mul3A_633, %dma_start3A] : memref<10000x128xf32, #tpu.memory_space<vmem_shared>> -> memref<40x128xf32, #tpu.memory_space<vmem_shared>>
        %dma_start3A_635 = arith.constant 0 : i32
        %dma_start3A_636 = tpu.memref_slice %arg25[%mul3A_633, %dma_start3A_635] : memref<10000x128xf32, #tpu.memory_space<vmem_shared>> -> memref<40x128xf32, #tpu.memory_space<vmem_shared>>
        tpu.enqueue_dma source(%arg23 : memref<40x128xf32, #tpu.memory_space<vmem>>) target(%dma_start3A_636 : memref<40x128xf32, #tpu.memory_space<vmem_shared>>) target_semaphore(%run_scoped3A : memref<!tpu.dma_semaphore, #tpu.memory_space<semaphore_mem>>)
        %dma_wait3A_637 = arith.constant 0 : i32
        %dma_wait3A_638 = tpu.memref_slice %arg25[%mul3A_633, %dma_wait3A_637] : memref<10000x128xf32, #tpu.memory_space<vmem_shared>> -> memref<40x128xf32, #tpu.memory_space<vmem_shared>>
        %dma_wait3A_639 = arith.constant 0 : i32
        %dma_wait3A_640 = tpu.memref_slice %arg25[%mul3A_633, %dma_wait3A_639] : memref<10000x128xf32, #tpu.memory_space<vmem_shared>> -> memref<40x128xf32, #tpu.memory_space<vmem_shared>>
        tpu.wait_dma2 semaphore(%run_scoped3A : memref<!tpu.dma_semaphore, #tpu.memory_space<semaphore_mem>>) src(%arg23 : memref<40x128xf32, #tpu.memory_space<vmem>>) dst(%dma_wait3A_640 : memref<40x128xf32, #tpu.memory_space<vmem_shared>>)
        tpu.yield
      }) : () -> ()
    } else {
    }
    %mul3A_352 = arith.constant 16 : i32
    %mul3A_353 = arith.muli %arg1, %mul3A_352 : i32
    %add3A_354 = arith.constant 4 : i32
    %add3A_355 = arith.addi %mul3A_353, %add3A_354 : i32
    %lt3A_356 = arith.constant 250 : i32
    %lt3A_357 = arith.cmpi slt, %add3A_355, %lt3A_356 : i32
    %convert_element_type3A_358 = arith.extui %lt3A_357 : i1 to i32
    %cond3A_359 = arith.constant 0 : i32
    %cond3A_360 = arith.cmpi ne, %convert_element_type3A_358, %cond3A_359 : i32
    scf.if %cond3A_360 {
      %mul3A_632 = arith.constant 40 : i32
      %mul3A_633 = arith.muli %add3A_355, %mul3A_632 : i32
      "tpu.region"() ({
        %run_scoped3A = tpu.sem_alloc : memref<!tpu.dma_semaphore, #tpu.memory_space<semaphore_mem>>
        %dma_start3A = arith.constant 0 : i32
        %dma_start3A_634 = tpu.memref_slice %arg25[%mul3A_633, %dma_start3A] : memref<10000x128xf32, #tpu.memory_space<vmem_shared>> -> memref<40x128xf32, #tpu.memory_space<vmem_shared>>
        %dma_start3A_635 = arith.constant 0 : i32
        %dma_start3A_636 = tpu.memref_slice %arg25[%mul3A_633, %dma_start3A_635] : memref<10000x128xf32, #tpu.memory_space<vmem_shared>> -> memref<40x128xf32, #tpu.memory_space<vmem_shared>>
        tpu.enqueue_dma source(%arg23 : memref<40x128xf32, #tpu.memory_space<vmem>>) target(%dma_start3A_636 : memref<40x128xf32, #tpu.memory_space<vmem_shared>>) target_semaphore(%run_scoped3A : memref<!tpu.dma_semaphore, #tpu.memory_space<semaphore_mem>>)
        %dma_wait3A_637 = arith.constant 0 : i32
        %dma_wait3A_638 = tpu.memref_slice %arg25[%mul3A_633, %dma_wait3A_637] : memref<10000x128xf32, #tpu.memory_space<vmem_shared>> -> memref<40x128xf32, #tpu.memory_space<vmem_shared>>
        %dma_wait3A_639 = arith.constant 0 : i32
        %dma_wait3A_640 = tpu.memref_slice %arg25[%mul3A_633, %dma_wait3A_639] : memref<10000x128xf32, #tpu.memory_space<vmem_shared>> -> memref<40x128xf32, #tpu.memory_space<vmem_shared>>
        tpu.wait_dma2 semaphore(%run_scoped3A : memref<!tpu.dma_semaphore, #tpu.memory_space<semaphore_mem>>) src(%arg23 : memref<40x128xf32, #tpu.memory_space<vmem>>) dst(%dma_wait3A_640 : memref<40x128xf32, #tpu.memory_space<vmem_shared>>)
        tpu.yield
      }) : () -> ()
    } else {
    }
    %mul3A_361 = arith.constant 16 : i32
    %mul3A_362 = arith.muli %arg1, %mul3A_361 : i32
    %add3A_363 = arith.constant 5 : i32
    %add3A_364 = arith.addi %mul3A_362, %add3A_363 : i32
    %lt3A_365 = arith.constant 250 : i32
    %lt3A_366 = arith.cmpi slt, %add3A_364, %lt3A_365 : i32
    %convert_element_type3A_367 = arith.extui %lt3A_366 : i1 to i32
    %cond3A_368 = arith.constant 0 : i32
    %cond3A_369 = arith.cmpi ne, %convert_element_type3A_367, %cond3A_368 : i32
    scf.if %cond3A_369 {
      %mul3A_632 = arith.constant 40 : i32
      %mul3A_633 = arith.muli %add3A_364, %mul3A_632 : i32
      "tpu.region"() ({
        %run_scoped3A = tpu.sem_alloc : memref<!tpu.dma_semaphore, #tpu.memory_space<semaphore_mem>>
        %dma_start3A = arith.constant 0 : i32
        %dma_start3A_634 = tpu.memref_slice %arg25[%mul3A_633, %dma_start3A] : memref<10000x128xf32, #tpu.memory_space<vmem_shared>> -> memref<40x128xf32, #tpu.memory_space<vmem_shared>>
        %dma_start3A_635 = arith.constant 0 : i32
        %dma_start3A_636 = tpu.memref_slice %arg25[%mul3A_633, %dma_start3A_635] : memref<10000x128xf32, #tpu.memory_space<vmem_shared>> -> memref<40x128xf32, #tpu.memory_space<vmem_shared>>
        tpu.enqueue_dma source(%arg23 : memref<40x128xf32, #tpu.memory_space<vmem>>) target(%dma_start3A_636 : memref<40x128xf32, #tpu.memory_space<vmem_shared>>) target_semaphore(%run_scoped3A : memref<!tpu.dma_semaphore, #tpu.memory_space<semaphore_mem>>)
        %dma_wait3A_637 = arith.constant 0 : i32
        %dma_wait3A_638 = tpu.memref_slice %arg25[%mul3A_633, %dma_wait3A_637] : memref<10000x128xf32, #tpu.memory_space<vmem_shared>> -> memref<40x128xf32, #tpu.memory_space<vmem_shared>>
        %dma_wait3A_639 = arith.constant 0 : i32
        %dma_wait3A_640 = tpu.memref_slice %arg25[%mul3A_633, %dma_wait3A_639] : memref<10000x128xf32, #tpu.memory_space<vmem_shared>> -> memref<40x128xf32, #tpu.memory_space<vmem_shared>>
        tpu.wait_dma2 semaphore(%run_scoped3A : memref<!tpu.dma_semaphore, #tpu.memory_space<semaphore_mem>>) src(%arg23 : memref<40x128xf32, #tpu.memory_space<vmem>>) dst(%dma_wait3A_640 : memref<40x128xf32, #tpu.memory_space<vmem_shared>>)
        tpu.yield
      }) : () -> ()
    } else {
    }
    %mul3A_370 = arith.constant 16 : i32
    %mul3A_371 = arith.muli %arg1, %mul3A_370 : i32
    %add3A_372 = arith.constant 6 : i32
    %add3A_373 = arith.addi %mul3A_371, %add3A_372 : i32
    %lt3A_374 = arith.constant 250 : i32
    %lt3A_375 = arith.cmpi slt, %add3A_373, %lt3A_374 : i32
    %convert_element_type3A_376 = arith.extui %lt3A_375 : i1 to i32
    %cond3A_377 = arith.constant 0 : i32
    %cond3A_378 = arith.cmpi ne, %convert_element_type3A_376, %cond3A_377 : i32
    scf.if %cond3A_378 {
      %mul3A_632 = arith.constant 40 : i32
      %mul3A_633 = arith.muli %add3A_373, %mul3A_632 : i32
      "tpu.region"() ({
        %run_scoped3A = tpu.sem_alloc : memref<!tpu.dma_semaphore, #tpu.memory_space<semaphore_mem>>
        %dma_start3A = arith.constant 0 : i32
        %dma_start3A_634 = tpu.memref_slice %arg25[%mul3A_633, %dma_start3A] : memref<10000x128xf32, #tpu.memory_space<vmem_shared>> -> memref<40x128xf32, #tpu.memory_space<vmem_shared>>
        %dma_start3A_635 = arith.constant 0 : i32
        %dma_start3A_636 = tpu.memref_slice %arg25[%mul3A_633, %dma_start3A_635] : memref<10000x128xf32, #tpu.memory_space<vmem_shared>> -> memref<40x128xf32, #tpu.memory_space<vmem_shared>>
        tpu.enqueue_dma source(%arg23 : memref<40x128xf32, #tpu.memory_space<vmem>>) target(%dma_start3A_636 : memref<40x128xf32, #tpu.memory_space<vmem_shared>>) target_semaphore(%run_scoped3A : memref<!tpu.dma_semaphore, #tpu.memory_space<semaphore_mem>>)
        %dma_wait3A_637 = arith.constant 0 : i32
        %dma_wait3A_638 = tpu.memref_slice %arg25[%mul3A_633, %dma_wait3A_637] : memref<10000x128xf32, #tpu.memory_space<vmem_shared>> -> memref<40x128xf32, #tpu.memory_space<vmem_shared>>
        %dma_wait3A_639 = arith.constant 0 : i32
        %dma_wait3A_640 = tpu.memref_slice %arg25[%mul3A_633, %dma_wait3A_639] : memref<10000x128xf32, #tpu.memory_space<vmem_shared>> -> memref<40x128xf32, #tpu.memory_space<vmem_shared>>
        tpu.wait_dma2 semaphore(%run_scoped3A : memref<!tpu.dma_semaphore, #tpu.memory_space<semaphore_mem>>) src(%arg23 : memref<40x128xf32, #tpu.memory_space<vmem>>) dst(%dma_wait3A_640 : memref<40x128xf32, #tpu.memory_space<vmem_shared>>)
        tpu.yield
      }) : () -> ()
    } else {
    }
    %mul3A_379 = arith.constant 16 : i32
    %mul3A_380 = arith.muli %arg1, %mul3A_379 : i32
    %add3A_381 = arith.constant 7 : i32
    %add3A_382 = arith.addi %mul3A_380, %add3A_381 : i32
    %lt3A_383 = arith.constant 250 : i32
    %lt3A_384 = arith.cmpi slt, %add3A_382, %lt3A_383 : i32
    %convert_element_type3A_385 = arith.extui %lt3A_384 : i1 to i32
    %cond3A_386 = arith.constant 0 : i32
    %cond3A_387 = arith.cmpi ne, %convert_element_type3A_385, %cond3A_386 : i32
    scf.if %cond3A_387 {
      %mul3A_632 = arith.constant 40 : i32
      %mul3A_633 = arith.muli %add3A_382, %mul3A_632 : i32
      "tpu.region"() ({
        %run_scoped3A = tpu.sem_alloc : memref<!tpu.dma_semaphore, #tpu.memory_space<semaphore_mem>>
        %dma_start3A = arith.constant 0 : i32
        %dma_start3A_634 = tpu.memref_slice %arg25[%mul3A_633, %dma_start3A] : memref<10000x128xf32, #tpu.memory_space<vmem_shared>> -> memref<40x128xf32, #tpu.memory_space<vmem_shared>>
        %dma_start3A_635 = arith.constant 0 : i32
        %dma_start3A_636 = tpu.memref_slice %arg25[%mul3A_633, %dma_start3A_635] : memref<10000x128xf32, #tpu.memory_space<vmem_shared>> -> memref<40x128xf32, #tpu.memory_space<vmem_shared>>
        tpu.enqueue_dma source(%arg23 : memref<40x128xf32, #tpu.memory_space<vmem>>) target(%dma_start3A_636 : memref<40x128xf32, #tpu.memory_space<vmem_shared>>) target_semaphore(%run_scoped3A : memref<!tpu.dma_semaphore, #tpu.memory_space<semaphore_mem>>)
        %dma_wait3A_637 = arith.constant 0 : i32
        %dma_wait3A_638 = tpu.memref_slice %arg25[%mul3A_633, %dma_wait3A_637] : memref<10000x128xf32, #tpu.memory_space<vmem_shared>> -> memref<40x128xf32, #tpu.memory_space<vmem_shared>>
        %dma_wait3A_639 = arith.constant 0 : i32
        %dma_wait3A_640 = tpu.memref_slice %arg25[%mul3A_633, %dma_wait3A_639] : memref<10000x128xf32, #tpu.memory_space<vmem_shared>> -> memref<40x128xf32, #tpu.memory_space<vmem_shared>>
        tpu.wait_dma2 semaphore(%run_scoped3A : memref<!tpu.dma_semaphore, #tpu.memory_space<semaphore_mem>>) src(%arg23 : memref<40x128xf32, #tpu.memory_space<vmem>>) dst(%dma_wait3A_640 : memref<40x128xf32, #tpu.memory_space<vmem_shared>>)
        tpu.yield
      }) : () -> ()
    } else {
    }
    %mul3A_388 = arith.constant 16 : i32
    %mul3A_389 = arith.muli %arg1, %mul3A_388 : i32
    %add3A_390 = arith.constant 8 : i32
    %add3A_391 = arith.addi %mul3A_389, %add3A_390 : i32
    %lt3A_392 = arith.constant 250 : i32
    %lt3A_393 = arith.cmpi slt, %add3A_391, %lt3A_392 : i32
    %convert_element_type3A_394 = arith.extui %lt3A_393 : i1 to i32
    %cond3A_395 = arith.constant 0 : i32
    %cond3A_396 = arith.cmpi ne, %convert_element_type3A_394, %cond3A_395 : i32
    scf.if %cond3A_396 {
      %mul3A_632 = arith.constant 40 : i32
      %mul3A_633 = arith.muli %add3A_391, %mul3A_632 : i32
      "tpu.region"() ({
        %run_scoped3A = tpu.sem_alloc : memref<!tpu.dma_semaphore, #tpu.memory_space<semaphore_mem>>
        %dma_start3A = arith.constant 0 : i32
        %dma_start3A_634 = tpu.memref_slice %arg25[%mul3A_633, %dma_start3A] : memref<10000x128xf32, #tpu.memory_space<vmem_shared>> -> memref<40x128xf32, #tpu.memory_space<vmem_shared>>
        %dma_start3A_635 = arith.constant 0 : i32
        %dma_start3A_636 = tpu.memref_slice %arg25[%mul3A_633, %dma_start3A_635] : memref<10000x128xf32, #tpu.memory_space<vmem_shared>> -> memref<40x128xf32, #tpu.memory_space<vmem_shared>>
        tpu.enqueue_dma source(%arg23 : memref<40x128xf32, #tpu.memory_space<vmem>>) target(%dma_start3A_636 : memref<40x128xf32, #tpu.memory_space<vmem_shared>>) target_semaphore(%run_scoped3A : memref<!tpu.dma_semaphore, #tpu.memory_space<semaphore_mem>>)
        %dma_wait3A_637 = arith.constant 0 : i32
        %dma_wait3A_638 = tpu.memref_slice %arg25[%mul3A_633, %dma_wait3A_637] : memref<10000x128xf32, #tpu.memory_space<vmem_shared>> -> memref<40x128xf32, #tpu.memory_space<vmem_shared>>
        %dma_wait3A_639 = arith.constant 0 : i32
        %dma_wait3A_640 = tpu.memref_slice %arg25[%mul3A_633, %dma_wait3A_639] : memref<10000x128xf32, #tpu.memory_space<vmem_shared>> -> memref<40x128xf32, #tpu.memory_space<vmem_shared>>
        tpu.wait_dma2 semaphore(%run_scoped3A : memref<!tpu.dma_semaphore, #tpu.memory_space<semaphore_mem>>) src(%arg23 : memref<40x128xf32, #tpu.memory_space<vmem>>) dst(%dma_wait3A_640 : memref<40x128xf32, #tpu.memory_space<vmem_shared>>)
        tpu.yield
      }) : () -> ()
    } else {
    }
    %mul3A_397 = arith.constant 16 : i32
    %mul3A_398 = arith.muli %arg1, %mul3A_397 : i32
    %add3A_399 = arith.constant 9 : i32
    %add3A_400 = arith.addi %mul3A_398, %add3A_399 : i32
    %lt3A_401 = arith.constant 250 : i32
    %lt3A_402 = arith.cmpi slt, %add3A_400, %lt3A_401 : i32
    %convert_element_type3A_403 = arith.extui %lt3A_402 : i1 to i32
    %cond3A_404 = arith.constant 0 : i32
    %cond3A_405 = arith.cmpi ne, %convert_element_type3A_403, %cond3A_404 : i32
    scf.if %cond3A_405 {
      %mul3A_632 = arith.constant 40 : i32
      %mul3A_633 = arith.muli %add3A_400, %mul3A_632 : i32
      "tpu.region"() ({
        %run_scoped3A = tpu.sem_alloc : memref<!tpu.dma_semaphore, #tpu.memory_space<semaphore_mem>>
        %dma_start3A = arith.constant 0 : i32
        %dma_start3A_634 = tpu.memref_slice %arg25[%mul3A_633, %dma_start3A] : memref<10000x128xf32, #tpu.memory_space<vmem_shared>> -> memref<40x128xf32, #tpu.memory_space<vmem_shared>>
        %dma_start3A_635 = arith.constant 0 : i32
        %dma_start3A_636 = tpu.memref_slice %arg25[%mul3A_633, %dma_start3A_635] : memref<10000x128xf32, #tpu.memory_space<vmem_shared>> -> memref<40x128xf32, #tpu.memory_space<vmem_shared>>
        tpu.enqueue_dma source(%arg23 : memref<40x128xf32, #tpu.memory_space<vmem>>) target(%dma_start3A_636 : memref<40x128xf32, #tpu.memory_space<vmem_shared>>) target_semaphore(%run_scoped3A : memref<!tpu.dma_semaphore, #tpu.memory_space<semaphore_mem>>)
        %dma_wait3A_637 = arith.constant 0 : i32
        %dma_wait3A_638 = tpu.memref_slice %arg25[%mul3A_633, %dma_wait3A_637] : memref<10000x128xf32, #tpu.memory_space<vmem_shared>> -> memref<40x128xf32, #tpu.memory_space<vmem_shared>>
        %dma_wait3A_639 = arith.constant 0 : i32
        %dma_wait3A_640 = tpu.memref_slice %arg25[%mul3A_633, %dma_wait3A_639] : memref<10000x128xf32, #tpu.memory_space<vmem_shared>> -> memref<40x128xf32, #tpu.memory_space<vmem_shared>>
        tpu.wait_dma2 semaphore(%run_scoped3A : memref<!tpu.dma_semaphore, #tpu.memory_space<semaphore_mem>>) src(%arg23 : memref<40x128xf32, #tpu.memory_space<vmem>>) dst(%dma_wait3A_640 : memref<40x128xf32, #tpu.memory_space<vmem_shared>>)
        tpu.yield
      }) : () -> ()
    } else {
    }
    %mul3A_406 = arith.constant 16 : i32
    %mul3A_407 = arith.muli %arg1, %mul3A_406 : i32
    %add3A_408 = arith.constant 10 : i32
    %add3A_409 = arith.addi %mul3A_407, %add3A_408 : i32
    %lt3A_410 = arith.constant 250 : i32
    %lt3A_411 = arith.cmpi slt, %add3A_409, %lt3A_410 : i32
    %convert_element_type3A_412 = arith.extui %lt3A_411 : i1 to i32
    %cond3A_413 = arith.constant 0 : i32
    %cond3A_414 = arith.cmpi ne, %convert_element_type3A_412, %cond3A_413 : i32
    scf.if %cond3A_414 {
      %mul3A_632 = arith.constant 40 : i32
      %mul3A_633 = arith.muli %add3A_409, %mul3A_632 : i32
      "tpu.region"() ({
        %run_scoped3A = tpu.sem_alloc : memref<!tpu.dma_semaphore, #tpu.memory_space<semaphore_mem>>
        %dma_start3A = arith.constant 0 : i32
        %dma_start3A_634 = tpu.memref_slice %arg25[%mul3A_633, %dma_start3A] : memref<10000x128xf32, #tpu.memory_space<vmem_shared>> -> memref<40x128xf32, #tpu.memory_space<vmem_shared>>
        %dma_start3A_635 = arith.constant 0 : i32
        %dma_start3A_636 = tpu.memref_slice %arg25[%mul3A_633, %dma_start3A_635] : memref<10000x128xf32, #tpu.memory_space<vmem_shared>> -> memref<40x128xf32, #tpu.memory_space<vmem_shared>>
        tpu.enqueue_dma source(%arg23 : memref<40x128xf32, #tpu.memory_space<vmem>>) target(%dma_start3A_636 : memref<40x128xf32, #tpu.memory_space<vmem_shared>>) target_semaphore(%run_scoped3A : memref<!tpu.dma_semaphore, #tpu.memory_space<semaphore_mem>>)
        %dma_wait3A_637 = arith.constant 0 : i32
        %dma_wait3A_638 = tpu.memref_slice %arg25[%mul3A_633, %dma_wait3A_637] : memref<10000x128xf32, #tpu.memory_space<vmem_shared>> -> memref<40x128xf32, #tpu.memory_space<vmem_shared>>
        %dma_wait3A_639 = arith.constant 0 : i32
        %dma_wait3A_640 = tpu.memref_slice %arg25[%mul3A_633, %dma_wait3A_639] : memref<10000x128xf32, #tpu.memory_space<vmem_shared>> -> memref<40x128xf32, #tpu.memory_space<vmem_shared>>
        tpu.wait_dma2 semaphore(%run_scoped3A : memref<!tpu.dma_semaphore, #tpu.memory_space<semaphore_mem>>) src(%arg23 : memref<40x128xf32, #tpu.memory_space<vmem>>) dst(%dma_wait3A_640 : memref<40x128xf32, #tpu.memory_space<vmem_shared>>)
        tpu.yield
      }) : () -> ()
    } else {
    }
    %mul3A_415 = arith.constant 16 : i32
    %mul3A_416 = arith.muli %arg1, %mul3A_415 : i32
    %add3A_417 = arith.constant 11 : i32
    %add3A_418 = arith.addi %mul3A_416, %add3A_417 : i32
    %lt3A_419 = arith.constant 250 : i32
    %lt3A_420 = arith.cmpi slt, %add3A_418, %lt3A_419 : i32
    %convert_element_type3A_421 = arith.extui %lt3A_420 : i1 to i32
    %cond3A_422 = arith.constant 0 : i32
    %cond3A_423 = arith.cmpi ne, %convert_element_type3A_421, %cond3A_422 : i32
    scf.if %cond3A_423 {
      %mul3A_632 = arith.constant 40 : i32
      %mul3A_633 = arith.muli %add3A_418, %mul3A_632 : i32
      "tpu.region"() ({
        %run_scoped3A = tpu.sem_alloc : memref<!tpu.dma_semaphore, #tpu.memory_space<semaphore_mem>>
        %dma_start3A = arith.constant 0 : i32
        %dma_start3A_634 = tpu.memref_slice %arg25[%mul3A_633, %dma_start3A] : memref<10000x128xf32, #tpu.memory_space<vmem_shared>> -> memref<40x128xf32, #tpu.memory_space<vmem_shared>>
        %dma_start3A_635 = arith.constant 0 : i32
        %dma_start3A_636 = tpu.memref_slice %arg25[%mul3A_633, %dma_start3A_635] : memref<10000x128xf32, #tpu.memory_space<vmem_shared>> -> memref<40x128xf32, #tpu.memory_space<vmem_shared>>
        tpu.enqueue_dma source(%arg23 : memref<40x128xf32, #tpu.memory_space<vmem>>) target(%dma_start3A_636 : memref<40x128xf32, #tpu.memory_space<vmem_shared>>) target_semaphore(%run_scoped3A : memref<!tpu.dma_semaphore, #tpu.memory_space<semaphore_mem>>)
        %dma_wait3A_637 = arith.constant 0 : i32
        %dma_wait3A_638 = tpu.memref_slice %arg25[%mul3A_633, %dma_wait3A_637] : memref<10000x128xf32, #tpu.memory_space<vmem_shared>> -> memref<40x128xf32, #tpu.memory_space<vmem_shared>>
        %dma_wait3A_639 = arith.constant 0 : i32
        %dma_wait3A_640 = tpu.memref_slice %arg25[%mul3A_633, %dma_wait3A_639] : memref<10000x128xf32, #tpu.memory_space<vmem_shared>> -> memref<40x128xf32, #tpu.memory_space<vmem_shared>>
        tpu.wait_dma2 semaphore(%run_scoped3A : memref<!tpu.dma_semaphore, #tpu.memory_space<semaphore_mem>>) src(%arg23 : memref<40x128xf32, #tpu.memory_space<vmem>>) dst(%dma_wait3A_640 : memref<40x128xf32, #tpu.memory_space<vmem_shared>>)
        tpu.yield
      }) : () -> ()
    } else {
    }
    %mul3A_424 = arith.constant 16 : i32
    %mul3A_425 = arith.muli %arg1, %mul3A_424 : i32
    %add3A_426 = arith.constant 12 : i32
    %add3A_427 = arith.addi %mul3A_425, %add3A_426 : i32
    %lt3A_428 = arith.constant 250 : i32
    %lt3A_429 = arith.cmpi slt, %add3A_427, %lt3A_428 : i32
    %convert_element_type3A_430 = arith.extui %lt3A_429 : i1 to i32
    %cond3A_431 = arith.constant 0 : i32
    %cond3A_432 = arith.cmpi ne, %convert_element_type3A_430, %cond3A_431 : i32
    scf.if %cond3A_432 {
      %mul3A_632 = arith.constant 40 : i32
      %mul3A_633 = arith.muli %add3A_427, %mul3A_632 : i32
      "tpu.region"() ({
        %run_scoped3A = tpu.sem_alloc : memref<!tpu.dma_semaphore, #tpu.memory_space<semaphore_mem>>
        %dma_start3A = arith.constant 0 : i32
        %dma_start3A_634 = tpu.memref_slice %arg25[%mul3A_633, %dma_start3A] : memref<10000x128xf32, #tpu.memory_space<vmem_shared>> -> memref<40x128xf32, #tpu.memory_space<vmem_shared>>
        %dma_start3A_635 = arith.constant 0 : i32
        %dma_start3A_636 = tpu.memref_slice %arg25[%mul3A_633, %dma_start3A_635] : memref<10000x128xf32, #tpu.memory_space<vmem_shared>> -> memref<40x128xf32, #tpu.memory_space<vmem_shared>>
        tpu.enqueue_dma source(%arg23 : memref<40x128xf32, #tpu.memory_space<vmem>>) target(%dma_start3A_636 : memref<40x128xf32, #tpu.memory_space<vmem_shared>>) target_semaphore(%run_scoped3A : memref<!tpu.dma_semaphore, #tpu.memory_space<semaphore_mem>>)
        %dma_wait3A_637 = arith.constant 0 : i32
        %dma_wait3A_638 = tpu.memref_slice %arg25[%mul3A_633, %dma_wait3A_637] : memref<10000x128xf32, #tpu.memory_space<vmem_shared>> -> memref<40x128xf32, #tpu.memory_space<vmem_shared>>
        %dma_wait3A_639 = arith.constant 0 : i32
        %dma_wait3A_640 = tpu.memref_slice %arg25[%mul3A_633, %dma_wait3A_639] : memref<10000x128xf32, #tpu.memory_space<vmem_shared>> -> memref<40x128xf32, #tpu.memory_space<vmem_shared>>
        tpu.wait_dma2 semaphore(%run_scoped3A : memref<!tpu.dma_semaphore, #tpu.memory_space<semaphore_mem>>) src(%arg23 : memref<40x128xf32, #tpu.memory_space<vmem>>) dst(%dma_wait3A_640 : memref<40x128xf32, #tpu.memory_space<vmem_shared>>)
        tpu.yield
      }) : () -> ()
    } else {
    }
    %mul3A_433 = arith.constant 16 : i32
    %mul3A_434 = arith.muli %arg1, %mul3A_433 : i32
    %add3A_435 = arith.constant 13 : i32
    %add3A_436 = arith.addi %mul3A_434, %add3A_435 : i32
    %lt3A_437 = arith.constant 250 : i32
    %lt3A_438 = arith.cmpi slt, %add3A_436, %lt3A_437 : i32
    %convert_element_type3A_439 = arith.extui %lt3A_438 : i1 to i32
    %cond3A_440 = arith.constant 0 : i32
    %cond3A_441 = arith.cmpi ne, %convert_element_type3A_439, %cond3A_440 : i32
    scf.if %cond3A_441 {
      %mul3A_632 = arith.constant 40 : i32
      %mul3A_633 = arith.muli %add3A_436, %mul3A_632 : i32
      "tpu.region"() ({
        %run_scoped3A = tpu.sem_alloc : memref<!tpu.dma_semaphore, #tpu.memory_space<semaphore_mem>>
        %dma_start3A = arith.constant 0 : i32
        %dma_start3A_634 = tpu.memref_slice %arg25[%mul3A_633, %dma_start3A] : memref<10000x128xf32, #tpu.memory_space<vmem_shared>> -> memref<40x128xf32, #tpu.memory_space<vmem_shared>>
        %dma_start3A_635 = arith.constant 0 : i32
        %dma_start3A_636 = tpu.memref_slice %arg25[%mul3A_633, %dma_start3A_635] : memref<10000x128xf32, #tpu.memory_space<vmem_shared>> -> memref<40x128xf32, #tpu.memory_space<vmem_shared>>
        tpu.enqueue_dma source(%arg23 : memref<40x128xf32, #tpu.memory_space<vmem>>) target(%dma_start3A_636 : memref<40x128xf32, #tpu.memory_space<vmem_shared>>) target_semaphore(%run_scoped3A : memref<!tpu.dma_semaphore, #tpu.memory_space<semaphore_mem>>)
        %dma_wait3A_637 = arith.constant 0 : i32
        %dma_wait3A_638 = tpu.memref_slice %arg25[%mul3A_633, %dma_wait3A_637] : memref<10000x128xf32, #tpu.memory_space<vmem_shared>> -> memref<40x128xf32, #tpu.memory_space<vmem_shared>>
        %dma_wait3A_639 = arith.constant 0 : i32
        %dma_wait3A_640 = tpu.memref_slice %arg25[%mul3A_633, %dma_wait3A_639] : memref<10000x128xf32, #tpu.memory_space<vmem_shared>> -> memref<40x128xf32, #tpu.memory_space<vmem_shared>>
        tpu.wait_dma2 semaphore(%run_scoped3A : memref<!tpu.dma_semaphore, #tpu.memory_space<semaphore_mem>>) src(%arg23 : memref<40x128xf32, #tpu.memory_space<vmem>>) dst(%dma_wait3A_640 : memref<40x128xf32, #tpu.memory_space<vmem_shared>>)
        tpu.yield
      }) : () -> ()
    } else {
    }
    %mul3A_442 = arith.constant 16 : i32
    %mul3A_443 = arith.muli %arg1, %mul3A_442 : i32
    %add3A_444 = arith.constant 14 : i32
    %add3A_445 = arith.addi %mul3A_443, %add3A_444 : i32
    %lt3A_446 = arith.constant 250 : i32
    %lt3A_447 = arith.cmpi slt, %add3A_445, %lt3A_446 : i32
    %convert_element_type3A_448 = arith.extui %lt3A_447 : i1 to i32
    %cond3A_449 = arith.constant 0 : i32
    %cond3A_450 = arith.cmpi ne, %convert_element_type3A_448, %cond3A_449 : i32
    scf.if %cond3A_450 {
      %mul3A_632 = arith.constant 40 : i32
      %mul3A_633 = arith.muli %add3A_445, %mul3A_632 : i32
      "tpu.region"() ({
        %run_scoped3A = tpu.sem_alloc : memref<!tpu.dma_semaphore, #tpu.memory_space<semaphore_mem>>
        %dma_start3A = arith.constant 0 : i32
        %dma_start3A_634 = tpu.memref_slice %arg25[%mul3A_633, %dma_start3A] : memref<10000x128xf32, #tpu.memory_space<vmem_shared>> -> memref<40x128xf32, #tpu.memory_space<vmem_shared>>
        %dma_start3A_635 = arith.constant 0 : i32
        %dma_start3A_636 = tpu.memref_slice %arg25[%mul3A_633, %dma_start3A_635] : memref<10000x128xf32, #tpu.memory_space<vmem_shared>> -> memref<40x128xf32, #tpu.memory_space<vmem_shared>>
        tpu.enqueue_dma source(%arg23 : memref<40x128xf32, #tpu.memory_space<vmem>>) target(%dma_start3A_636 : memref<40x128xf32, #tpu.memory_space<vmem_shared>>) target_semaphore(%run_scoped3A : memref<!tpu.dma_semaphore, #tpu.memory_space<semaphore_mem>>)
        %dma_wait3A_637 = arith.constant 0 : i32
        %dma_wait3A_638 = tpu.memref_slice %arg25[%mul3A_633, %dma_wait3A_637] : memref<10000x128xf32, #tpu.memory_space<vmem_shared>> -> memref<40x128xf32, #tpu.memory_space<vmem_shared>>
        %dma_wait3A_639 = arith.constant 0 : i32
        %dma_wait3A_640 = tpu.memref_slice %arg25[%mul3A_633, %dma_wait3A_639] : memref<10000x128xf32, #tpu.memory_space<vmem_shared>> -> memref<40x128xf32, #tpu.memory_space<vmem_shared>>
        tpu.wait_dma2 semaphore(%run_scoped3A : memref<!tpu.dma_semaphore, #tpu.memory_space<semaphore_mem>>) src(%arg23 : memref<40x128xf32, #tpu.memory_space<vmem>>) dst(%dma_wait3A_640 : memref<40x128xf32, #tpu.memory_space<vmem_shared>>)
        tpu.yield
      }) : () -> ()
    } else {
    }
    %mul3A_451 = arith.constant 16 : i32
    %mul3A_452 = arith.muli %arg1, %mul3A_451 : i32
    %add3A_453 = arith.constant 15 : i32
    %add3A_454 = arith.addi %mul3A_452, %add3A_453 : i32
    %lt3A_455 = arith.constant 250 : i32
    %lt3A_456 = arith.cmpi slt, %add3A_454, %lt3A_455 : i32
    %convert_element_type3A_457 = arith.extui %lt3A_456 : i1 to i32
    %cond3A_458 = arith.constant 0 : i32
    %cond3A_459 = arith.cmpi ne, %convert_element_type3A_457, %cond3A_458 : i32
    scf.if %cond3A_459 {
      %mul3A_632 = arith.constant 40 : i32
      %mul3A_633 = arith.muli %add3A_454, %mul3A_632 : i32
      "tpu.region"() ({
        %run_scoped3A = tpu.sem_alloc : memref<!tpu.dma_semaphore, #tpu.memory_space<semaphore_mem>>
        %dma_start3A = arith.constant 0 : i32
        %dma_start3A_634 = tpu.memref_slice %arg25[%mul3A_633, %dma_start3A] : memref<10000x128xf32, #tpu.memory_space<vmem_shared>> -> memref<40x128xf32, #tpu.memory_space<vmem_shared>>
        %dma_start3A_635 = arith.constant 0 : i32
        %dma_start3A_636 = tpu.memref_slice %arg25[%mul3A_633, %dma_start3A_635] : memref<10000x128xf32, #tpu.memory_space<vmem_shared>> -> memref<40x128xf32, #tpu.memory_space<vmem_shared>>
        tpu.enqueue_dma source(%arg23 : memref<40x128xf32, #tpu.memory_space<vmem>>) target(%dma_start3A_636 : memref<40x128xf32, #tpu.memory_space<vmem_shared>>) target_semaphore(%run_scoped3A : memref<!tpu.dma_semaphore, #tpu.memory_space<semaphore_mem>>)
        %dma_wait3A_637 = arith.constant 0 : i32
        %dma_wait3A_638 = tpu.memref_slice %arg25[%mul3A_633, %dma_wait3A_637] : memref<10000x128xf32, #tpu.memory_space<vmem_shared>> -> memref<40x128xf32, #tpu.memory_space<vmem_shared>>
        %dma_wait3A_639 = arith.constant 0 : i32
        %dma_wait3A_640 = tpu.memref_slice %arg25[%mul3A_633, %dma_wait3A_639] : memref<10000x128xf32, #tpu.memory_space<vmem_shared>> -> memref<40x128xf32, #tpu.memory_space<vmem_shared>>
        tpu.wait_dma2 semaphore(%run_scoped3A : memref<!tpu.dma_semaphore, #tpu.memory_space<semaphore_mem>>) src(%arg23 : memref<40x128xf32, #tpu.memory_space<vmem>>) dst(%dma_wait3A_640 : memref<40x128xf32, #tpu.memory_space<vmem_shared>>)
        tpu.yield
      }) : () -> ()
    } else {
    }
    %barrier3A_460 = arith.constant 0 : index
    tpu.barrier barrier_id(%barrier3A_460)
    %scan3A_461 = arith.constant 0 : i32
    %scan3A_462 = arith.constant 0 : i32
    %scan3A_463 = arith.constant 25 : i32
    %scan3A_464 = arith.addi %scan3A_462, %scan3A_463 : i32
    %scan3A_465 = arith.constant 1 : i32
    %scan3A_466 = scf.for %scan3A_632 = %scan3A_462 to %scan3A_464 step %scan3A_465 iter_args(%scan3A_633 = %scan3A_461) -> (i32)  : i32 {
      %mul3A_634 = arith.constant 400 : i32
      %mul3A_635 = arith.muli %scan3A_632, %mul3A_634 : i32
      %add3A_636 = arith.addi %mul3A_2, %mul3A_635 : i32
      "tpu.region"() ({
        %run_scoped3A = tpu.sem_alloc : memref<!tpu.dma_semaphore, #tpu.memory_space<semaphore_mem>>
        %dma_start3A_660 = tpu.memref_slice %arg10[%add3A_636] : memref<320000xi32, #tpu.memory_space<hbm>> -> memref<400xi32, #tpu.memory_space<hbm>>
        %dma_start3A_661 = tpu.memref_slice %arg10[%add3A_636] : memref<320000xi32, #tpu.memory_space<hbm>> -> memref<400xi32, #tpu.memory_space<hbm>>
        tpu.enqueue_dma source(%dma_start3A_661 : memref<400xi32, #tpu.memory_space<hbm>>) target(%arg14 : memref<400xi32, #tpu.memory_space<vmem>>) target_semaphore(%run_scoped3A : memref<!tpu.dma_semaphore, #tpu.memory_space<semaphore_mem>>)
        %dma_wait3A_662 = tpu.memref_slice %arg10[%add3A_636] : memref<320000xi32, #tpu.memory_space<hbm>> -> memref<400xi32, #tpu.memory_space<hbm>>
        %dma_wait3A_663 = tpu.memref_slice %arg10[%add3A_636] : memref<320000xi32, #tpu.memory_space<hbm>> -> memref<400xi32, #tpu.memory_space<hbm>>
        tpu.wait_dma2 semaphore(%run_scoped3A : memref<!tpu.dma_semaphore, #tpu.memory_space<semaphore_mem>>) src(%dma_wait3A_663 : memref<400xi32, #tpu.memory_space<hbm>>) dst(%arg14 : memref<400xi32, #tpu.memory_space<vmem>>)
        tpu.yield
      }) : () -> ()
      "tpu.region"() ({
        %run_scoped3A = tpu.sem_alloc : memref<!tpu.dma_semaphore, #tpu.memory_space<semaphore_mem>>
        %dma_start3A_660 = tpu.memref_slice %arg9[%add3A_636] : memref<320000xi32, #tpu.memory_space<hbm>> -> memref<400xi32, #tpu.memory_space<hbm>>
        %dma_start3A_661 = tpu.memref_slice %arg9[%add3A_636] : memref<320000xi32, #tpu.memory_space<hbm>> -> memref<400xi32, #tpu.memory_space<hbm>>
        tpu.enqueue_dma source(%dma_start3A_661 : memref<400xi32, #tpu.memory_space<hbm>>) target(%arg13 : memref<400xi32, #tpu.memory_space<vmem>>) target_semaphore(%run_scoped3A : memref<!tpu.dma_semaphore, #tpu.memory_space<semaphore_mem>>)
        %dma_wait3A_662 = tpu.memref_slice %arg9[%add3A_636] : memref<320000xi32, #tpu.memory_space<hbm>> -> memref<400xi32, #tpu.memory_space<hbm>>
        %dma_wait3A_663 = tpu.memref_slice %arg9[%add3A_636] : memref<320000xi32, #tpu.memory_space<hbm>> -> memref<400xi32, #tpu.memory_space<hbm>>
        tpu.wait_dma2 semaphore(%run_scoped3A : memref<!tpu.dma_semaphore, #tpu.memory_space<semaphore_mem>>) src(%dma_wait3A_663 : memref<400xi32, #tpu.memory_space<hbm>>) dst(%arg13 : memref<400xi32, #tpu.memory_space<vmem>>)
        tpu.yield
      }) : () -> ()
      %dma_start3A = arith.constant 0 : i32
      %dma_start3A_637 = tpu.memref_slice %arg14[%dma_start3A] : memref<400xi32, #tpu.memory_space<vmem>> -> memref<40xi32, #tpu.memory_space<vmem>>
      %dma_start3A_638 = arith.constant 0 : i32
      %dma_start3A_639 = arith.constant 0 : i32
      %dma_start3A_640 = tpu.memref_slice %arg3[%dma_start3A_638, %dma_start3A_639] : memref<10000x128xf32, #tpu.memory_space<hbm>> -> memref<10000x128xf32, #tpu.memory_space<hbm>>
      tpu.enqueue_indirect_dma source(%dma_start3A_640 : memref<10000x128xf32, #tpu.memory_space<hbm>>) target(%arg17 : memref<40x128xf32, #tpu.memory_space<vmem>>) offsets(%dma_start3A_637 : memref<40xi32, #tpu.memory_space<vmem>>) semaphore(%arg26 : memref<!tpu.dma_semaphore, #tpu.memory_space<semaphore_mem>>)
      %dma_start3A_641 = arith.constant 0 : i32
      %dma_start3A_642 = tpu.memref_slice %arg14[%dma_start3A_641] : memref<400xi32, #tpu.memory_space<vmem>> -> memref<40xi32, #tpu.memory_space<vmem>>
      %dma_start3A_643 = arith.constant 0 : i32
      %dma_start3A_644 = arith.constant 0 : i32
      %dma_start3A_645 = tpu.memref_slice %arg5[%dma_start3A_643, %dma_start3A_644] : memref<10000x128xf32, #tpu.memory_space<hbm>> -> memref<10000x128xf32, #tpu.memory_space<hbm>>
      tpu.enqueue_indirect_dma source(%dma_start3A_645 : memref<10000x128xf32, #tpu.memory_space<hbm>>) target(%arg19 : memref<40x128xf32, #tpu.memory_space<vmem>>) offsets(%dma_start3A_642 : memref<40xi32, #tpu.memory_space<vmem>>) semaphore(%arg26 : memref<!tpu.dma_semaphore, #tpu.memory_space<semaphore_mem>>)
      %add3A_646 = arith.constant 0 : i32
      %add3A_647 = arith.addi %add3A_636, %add3A_646 : i32
      %dma_start3A_648 = arith.constant 0 : i32
      %dma_start3A_649 = tpu.memref_slice %arg7[%add3A_647, %dma_start3A_648] : memref<320000x128xf32, #tpu.memory_space<hbm>> -> memref<40x128xf32, #tpu.memory_space<hbm>>
      %dma_start3A_650 = arith.constant 0 : i32
      %dma_start3A_651 = tpu.memref_slice %arg7[%add3A_647, %dma_start3A_650] : memref<320000x128xf32, #tpu.memory_space<hbm>> -> memref<40x128xf32, #tpu.memory_space<hbm>>
      tpu.enqueue_dma source(%dma_start3A_651 : memref<40x128xf32, #tpu.memory_space<hbm>>) target(%arg21 : memref<40x128xf32, #tpu.memory_space<vmem>>) target_semaphore(%arg28 : memref<!tpu.dma_semaphore, #tpu.memory_space<semaphore_mem>>)
      %scan3A_652 = arith.constant 0 : i32
      %scan3A_653 = arith.constant 0 : i32
      %scan3A_654 = arith.constant 5 : i32
      %scan3A_655 = arith.addi %scan3A_653, %scan3A_654 : i32
      %scan3A_656 = arith.constant 1 : i32
      %scan3A_657 = scf.for %scan3A_660 = %scan3A_653 to %scan3A_655 step %scan3A_656 iter_args(%scan3A_661 = %scan3A_652) -> (i32)  : i32 {
        %eq3A = arith.constant 0 : i32
        %eq3A_662 = arith.cmpi eq, %scan3A_632, %eq3A : i32
        %eq3A_663 = arith.constant 0 : i32
        %eq3A_664 = arith.cmpi eq, %scan3A_660, %eq3A_663 : i32
        %and3A = arith.andi %eq3A_662, %eq3A_664 : i1
        %mul3A_665 = arith.constant 2 : i32
        %mul3A_666 = arith.muli %mul3A_665, %scan3A_660 : i32
        %add3A_667 = arith.constant 1 : i32
        %add3A_668 = arith.addi %mul3A_666, %add3A_667 : i32
        %mul3A_669 = arith.constant 40 : i32
        %mul3A_670 = arith.muli %add3A_668, %mul3A_669 : i32
        %dma_start3A_671 = tpu.memref_slice %arg14[%mul3A_670] : memref<400xi32, #tpu.memory_space<vmem>> -> memref<40xi32, #tpu.memory_space<vmem>>
        %dma_start3A_672 = arith.constant 0 : i32
        %dma_start3A_673 = arith.constant 0 : i32
        %dma_start3A_674 = tpu.memref_slice %arg3[%dma_start3A_672, %dma_start3A_673] : memref<10000x128xf32, #tpu.memory_space<hbm>> -> memref<10000x128xf32, #tpu.memory_space<hbm>>
        tpu.enqueue_indirect_dma source(%dma_start3A_674 : memref<10000x128xf32, #tpu.memory_space<hbm>>) target(%arg18 : memref<40x128xf32, #tpu.memory_space<vmem>>) offsets(%dma_start3A_671 : memref<40xi32, #tpu.memory_space<vmem>>) semaphore(%arg27 : memref<!tpu.dma_semaphore, #tpu.memory_space<semaphore_mem>>)
        %dma_start3A_675 = tpu.memref_slice %arg14[%mul3A_670] : memref<400xi32, #tpu.memory_space<vmem>> -> memref<40xi32, #tpu.memory_space<vmem>>
        %dma_start3A_676 = arith.constant 0 : i32
        %dma_start3A_677 = arith.constant 0 : i32
        %dma_start3A_678 = tpu.memref_slice %arg5[%dma_start3A_676, %dma_start3A_677] : memref<10000x128xf32, #tpu.memory_space<hbm>> -> memref<10000x128xf32, #tpu.memory_space<hbm>>
        tpu.enqueue_indirect_dma source(%dma_start3A_678 : memref<10000x128xf32, #tpu.memory_space<hbm>>) target(%arg20 : memref<40x128xf32, #tpu.memory_space<vmem>>) offsets(%dma_start3A_675 : memref<40xi32, #tpu.memory_space<vmem>>) semaphore(%arg27 : memref<!tpu.dma_semaphore, #tpu.memory_space<semaphore_mem>>)
        %add3A_679 = arith.addi %add3A_636, %mul3A_670 : i32
        %dma_start3A_680 = arith.constant 0 : i32
        %dma_start3A_681 = tpu.memref_slice %arg7[%add3A_679, %dma_start3A_680] : memref<320000x128xf32, #tpu.memory_space<hbm>> -> memref<40x128xf32, #tpu.memory_space<hbm>>
        %dma_start3A_682 = arith.constant 0 : i32
        %dma_start3A_683 = tpu.memref_slice %arg7[%add3A_679, %dma_start3A_682] : memref<320000x128xf32, #tpu.memory_space<hbm>> -> memref<40x128xf32, #tpu.memory_space<hbm>>
        tpu.enqueue_dma source(%dma_start3A_683 : memref<40x128xf32, #tpu.memory_space<hbm>>) target(%arg22 : memref<40x128xf32, #tpu.memory_space<vmem>>) target_semaphore(%arg29 : memref<!tpu.dma_semaphore, #tpu.memory_space<semaphore_mem>>)
        %dma_wait3A_684 = arith.constant 0 : i32
        %dma_wait3A_685 = tpu.memref_slice %arg14[%dma_wait3A_684] : memref<400xi32, #tpu.memory_space<vmem>> -> memref<40xi32, #tpu.memory_space<vmem>>
        %dma_wait3A_686 = arith.constant 0 : i32
        %dma_wait3A_687 = arith.constant 0 : i32
        %dma_wait3A_688 = tpu.memref_slice %arg3[%dma_wait3A_686, %dma_wait3A_687] : memref<10000x128xf32, #tpu.memory_space<hbm>> -> memref<10000x128xf32, #tpu.memory_space<hbm>>
        tpu.wait_indirect_dma semaphore(%arg26 : memref<!tpu.dma_semaphore, #tpu.memory_space<semaphore_mem>>) src(%dma_wait3A_688 : memref<10000x128xf32, #tpu.memory_space<hbm>>) dst(%arg17 : memref<40x128xf32, #tpu.memory_space<vmem>>)
        %dma_wait3A_689 = arith.constant 0 : i32
        %dma_wait3A_690 = tpu.memref_slice %arg14[%dma_wait3A_689] : memref<400xi32, #tpu.memory_space<vmem>> -> memref<40xi32, #tpu.memory_space<vmem>>
        %dma_wait3A_691 = arith.constant 0 : i32
        %dma_wait3A_692 = arith.constant 0 : i32
        %dma_wait3A_693 = tpu.memref_slice %arg5[%dma_wait3A_691, %dma_wait3A_692] : memref<10000x128xf32, #tpu.memory_space<hbm>> -> memref<10000x128xf32, #tpu.memory_space<hbm>>
        tpu.wait_indirect_dma semaphore(%arg26 : memref<!tpu.dma_semaphore, #tpu.memory_space<semaphore_mem>>) src(%dma_wait3A_693 : memref<10000x128xf32, #tpu.memory_space<hbm>>) dst(%arg19 : memref<40x128xf32, #tpu.memory_space<vmem>>)
        %dma_wait3A_694 = arith.constant 0 : i32
        %dma_wait3A_695 = arith.constant 0 : i32
        %dma_wait3A_696 = tpu.memref_slice %arg7[%dma_wait3A_694, %dma_wait3A_695] : memref<320000x128xf32, #tpu.memory_space<hbm>> -> memref<40x128xf32, #tpu.memory_space<hbm>>
        %dma_wait3A_697 = arith.constant 0 : i32
        %dma_wait3A_698 = arith.constant 0 : i32
        %dma_wait3A_699 = tpu.memref_slice %arg7[%dma_wait3A_697, %dma_wait3A_698] : memref<320000x128xf32, #tpu.memory_space<hbm>> -> memref<40x128xf32, #tpu.memory_space<hbm>>
        tpu.wait_dma2 semaphore(%arg28 : memref<!tpu.dma_semaphore, #tpu.memory_space<semaphore_mem>>) src(%dma_wait3A_699 : memref<40x128xf32, #tpu.memory_space<hbm>>) dst(%arg21 : memref<40x128xf32, #tpu.memory_space<vmem>>)
        %mul3A_700 = arith.constant 2 : i32
        %mul3A_701 = arith.muli %mul3A_700, %scan3A_660 : i32
        %not3A = arith.constant true
        %not3A_702 = arith.xori %and3A, %not3A : i1
        %convert_element_type3A_703 = arith.extui %not3A_702 : i1 to i32
        %cond3A_704 = arith.constant 0 : i32
        %cond3A_705 = arith.cmpi ne, %convert_element_type3A_703, %cond3A_704 : i32
        scf.if %cond3A_705 {
          %dma_wait3A_799 = arith.constant 0 : i32
          %dma_wait3A_800 = arith.constant 0 : i32
          %dma_wait3A_801 = tpu.memref_slice %arg25[%dma_wait3A_799, %dma_wait3A_800] : memref<10000x128xf32, #tpu.memory_space<vmem_shared>> -> memref<10000x128xf32, #tpu.memory_space<vmem_shared>>
          tpu.wait_indirect_dma semaphore(%arg30 : memref<!tpu.dma_semaphore, #tpu.memory_space<semaphore_mem>>) src(%arg23 : memref<40x128xf32, #tpu.memory_space<vmem>>) dst(%dma_wait3A_801 : memref<10000x128xf32, #tpu.memory_space<vmem_shared>>)
        } else {
        }
        %mul3A_706 = arith.constant 40 : i32
        %mul3A_707 = arith.muli %mul3A_701, %mul3A_706 : i32
        %add3A_708 = arith.constant 0 : i32
        %add3A_709 = arith.addi %mul3A_707, %add3A_708 : i32
        %get3A = arith.index_cast %add3A_709 : i32 to index
        %get3A_710 = tpu.vector_load %arg13[%get3A] {strides = array<i32>} : memref<400xi32, #tpu.memory_space<vmem>>, vector<16xi32>,
        %get3A_711 = vector.shape_cast %get3A_710 : vector<16xi32> to vector<16xi32>
        %swap3A = arith.constant 0 : index
        %swap3A_712 = tpu.vector_load %arg15[%swap3A] {strides = array<i32>} : memref<40xi32, #tpu.memory_space<vmem>>, vector<16xi32>,
        %swap3A_713 = vector.shape_cast %swap3A_712 : vector<16xi32> to vector<16xi32>
        %swap3A_714 = vector.shape_cast %get3A_711 : vector<16xi32> to vector<16xi32>
        tpu.vector_store %arg15[%swap3A], %swap3A_714 {strides = array<i32>} : memref<40xi32, #tpu.memory_space<vmem>>, vector<16xi32>,
        %add3A_715 = arith.constant 16 : i32
        %add3A_716 = arith.addi %mul3A_707, %add3A_715 : i32
        %get3A_717 = arith.index_cast %add3A_716 : i32 to index
        %get3A_718 = tpu.vector_load %arg13[%get3A_717] {strides = array<i32>} : memref<400xi32, #tpu.memory_space<vmem>>, vector<16xi32>,
        %get3A_719 = vector.shape_cast %get3A_718 : vector<16xi32> to vector<16xi32>
        %swap3A_720 = arith.constant 16 : index
        %swap3A_721 = tpu.vector_load %arg15[%swap3A_720] {strides = array<i32>} : memref<40xi32, #tpu.memory_space<vmem>>, vector<16xi32>,
        %swap3A_722 = vector.shape_cast %swap3A_721 : vector<16xi32> to vector<16xi32>
        %swap3A_723 = vector.shape_cast %get3A_719 : vector<16xi32> to vector<16xi32>
        tpu.vector_store %arg15[%swap3A_720], %swap3A_723 {strides = array<i32>} : memref<40xi32, #tpu.memory_space<vmem>>, vector<16xi32>,
        %add3A_724 = arith.constant 24 : i32
        %add3A_725 = arith.addi %mul3A_707, %add3A_724 : i32
        %get3A_726 = arith.index_cast %add3A_725 : i32 to index
        %get3A_727 = tpu.vector_load %arg13[%get3A_726] {strides = array<i32>} : memref<400xi32, #tpu.memory_space<vmem>>, vector<16xi32>,
        %get3A_728 = vector.shape_cast %get3A_727 : vector<16xi32> to vector<16xi32>
        %swap3A_729 = arith.constant 24 : index
        %swap3A_730 = tpu.vector_load %arg15[%swap3A_729] {strides = array<i32>} : memref<40xi32, #tpu.memory_space<vmem>>, vector<16xi32>,
        %swap3A_731 = vector.shape_cast %swap3A_730 : vector<16xi32> to vector<16xi32>
        %swap3A_732 = vector.shape_cast %get3A_728 : vector<16xi32> to vector<16xi32>
        tpu.vector_store %arg15[%swap3A_729], %swap3A_732 {strides = array<i32>} : memref<40xi32, #tpu.memory_space<vmem>>, vector<16xi32>,
        %dma_start3A_733 = arith.constant 0 : i32
        %dma_start3A_734 = arith.constant 0 : i32
        %dma_start3A_735 = tpu.memref_slice %arg25[%dma_start3A_733, %dma_start3A_734] : memref<10000x128xf32, #tpu.memory_space<vmem_shared>> -> memref<10000x128xf32, #tpu.memory_space<vmem_shared>>
        tpu.enqueue_indirect_dma source(%arg23 : memref<40x128xf32, #tpu.memory_space<vmem>>) target(%dma_start3A_735 : memref<10000x128xf32, #tpu.memory_space<vmem_shared>>) offsets(%arg15 : memref<40xi32, #tpu.memory_space<vmem>>) semaphore(%arg30 : memref<!tpu.dma_semaphore, #tpu.memory_space<semaphore_mem>>) {add = true}
        %lt3A_736 = arith.constant 4 : i32
        %lt3A_737 = arith.cmpi slt, %scan3A_660, %lt3A_736 : i32
        %convert_element_type3A_738 = arith.extui %lt3A_737 : i1 to i32
        %cond3A_739 = arith.constant 0 : i32
        %cond3A_740 = arith.cmpi ne, %convert_element_type3A_738, %cond3A_739 : i32
        scf.if %cond3A_740 {
          %mul3A_799 = arith.constant 2 : i32
          %mul3A_800 = arith.muli %mul3A_799, %scan3A_660 : i32
          %add3A_801 = arith.constant 2 : i32
          %add3A_802 = arith.addi %mul3A_800, %add3A_801 : i32
          %mul3A_803 = arith.constant 40 : i32
          %mul3A_804 = arith.muli %add3A_802, %mul3A_803 : i32
          %dma_start3A_805 = tpu.memref_slice %arg14[%mul3A_804] : memref<400xi32, #tpu.memory_space<vmem>> -> memref<40xi32, #tpu.memory_space<vmem>>
          %dma_start3A_806 = arith.constant 0 : i32
          %dma_start3A_807 = arith.constant 0 : i32
          %dma_start3A_808 = tpu.memref_slice %arg3[%dma_start3A_806, %dma_start3A_807] : memref<10000x128xf32, #tpu.memory_space<hbm>> -> memref<10000x128xf32, #tpu.memory_space<hbm>>
          tpu.enqueue_indirect_dma source(%dma_start3A_808 : memref<10000x128xf32, #tpu.memory_space<hbm>>) target(%arg17 : memref<40x128xf32, #tpu.memory_space<vmem>>) offsets(%dma_start3A_805 : memref<40xi32, #tpu.memory_space<vmem>>) semaphore(%arg26 : memref<!tpu.dma_semaphore, #tpu.memory_space<semaphore_mem>>)
          %dma_start3A_809 = tpu.memref_slice %arg14[%mul3A_804] : memref<400xi32, #tpu.memory_space<vmem>> -> memref<40xi32, #tpu.memory_space<vmem>>
          %dma_start3A_810 = arith.constant 0 : i32
          %dma_start3A_811 = arith.constant 0 : i32
          %dma_start3A_812 = tpu.memref_slice %arg5[%dma_start3A_810, %dma_start3A_811] : memref<10000x128xf32, #tpu.memory_space<hbm>> -> memref<10000x128xf32, #tpu.memory_space<hbm>>
          tpu.enqueue_indirect_dma source(%dma_start3A_812 : memref<10000x128xf32, #tpu.memory_space<hbm>>) target(%arg19 : memref<40x128xf32, #tpu.memory_space<vmem>>) offsets(%dma_start3A_809 : memref<40xi32, #tpu.memory_space<vmem>>) semaphore(%arg26 : memref<!tpu.dma_semaphore, #tpu.memory_space<semaphore_mem>>)
          %add3A_813 = arith.addi %add3A_636, %mul3A_804 : i32
          %dma_start3A_814 = arith.constant 0 : i32
          %dma_start3A_815 = tpu.memref_slice %arg7[%add3A_813, %dma_start3A_814] : memref<320000x128xf32, #tpu.memory_space<hbm>> -> memref<40x128xf32, #tpu.memory_space<hbm>>
          %dma_start3A_816 = arith.constant 0 : i32
          %dma_start3A_817 = tpu.memref_slice %arg7[%add3A_813, %dma_start3A_816] : memref<320000x128xf32, #tpu.memory_space<hbm>> -> memref<40x128xf32, #tpu.memory_space<hbm>>
          tpu.enqueue_dma source(%dma_start3A_817 : memref<40x128xf32, #tpu.memory_space<hbm>>) target(%arg21 : memref<40x128xf32, #tpu.memory_space<vmem>>) target_semaphore(%arg28 : memref<!tpu.dma_semaphore, #tpu.memory_space<semaphore_mem>>)
        } else {
        }
        %dma_wait3A_741 = arith.constant 0 : i32
        %dma_wait3A_742 = tpu.memref_slice %arg14[%dma_wait3A_741] : memref<400xi32, #tpu.memory_space<vmem>> -> memref<40xi32, #tpu.memory_space<vmem>>
        %dma_wait3A_743 = arith.constant 0 : i32
        %dma_wait3A_744 = arith.constant 0 : i32
        %dma_wait3A_745 = tpu.memref_slice %arg3[%dma_wait3A_743, %dma_wait3A_744] : memref<10000x128xf32, #tpu.memory_space<hbm>> -> memref<10000x128xf32, #tpu.memory_space<hbm>>
        tpu.wait_indirect_dma semaphore(%arg27 : memref<!tpu.dma_semaphore, #tpu.memory_space<semaphore_mem>>) src(%dma_wait3A_745 : memref<10000x128xf32, #tpu.memory_space<hbm>>) dst(%arg18 : memref<40x128xf32, #tpu.memory_space<vmem>>)
        %dma_wait3A_746 = arith.constant 0 : i32
        %dma_wait3A_747 = tpu.memref_slice %arg14[%dma_wait3A_746] : memref<400xi32, #tpu.memory_space<vmem>> -> memref<40xi32, #tpu.memory_space<vmem>>
        %dma_wait3A_748 = arith.constant 0 : i32
        %dma_wait3A_749 = arith.constant 0 : i32
        %dma_wait3A_750 = tpu.memref_slice %arg5[%dma_wait3A_748, %dma_wait3A_749] : memref<10000x128xf32, #tpu.memory_space<hbm>> -> memref<10000x128xf32, #tpu.memory_space<hbm>>
        tpu.wait_indirect_dma semaphore(%arg27 : memref<!tpu.dma_semaphore, #tpu.memory_space<semaphore_mem>>) src(%dma_wait3A_750 : memref<10000x128xf32, #tpu.memory_space<hbm>>) dst(%arg20 : memref<40x128xf32, #tpu.memory_space<vmem>>)
        %dma_wait3A_751 = arith.constant 0 : i32
        %dma_wait3A_752 = arith.constant 0 : i32
        %dma_wait3A_753 = tpu.memref_slice %arg7[%dma_wait3A_751, %dma_wait3A_752] : memref<320000x128xf32, #tpu.memory_space<hbm>> -> memref<40x128xf32, #tpu.memory_space<hbm>>
        %dma_wait3A_754 = arith.constant 0 : i32
        %dma_wait3A_755 = arith.constant 0 : i32
        %dma_wait3A_756 = tpu.memref_slice %arg7[%dma_wait3A_754, %dma_wait3A_755] : memref<320000x128xf32, #tpu.memory_space<hbm>> -> memref<40x128xf32, #tpu.memory_space<hbm>>
        tpu.wait_dma2 semaphore(%arg29 : memref<!tpu.dma_semaphore, #tpu.memory_space<semaphore_mem>>) src(%dma_wait3A_756 : memref<40x128xf32, #tpu.memory_space<hbm>>) dst(%arg22 : memref<40x128xf32, #tpu.memory_space<vmem>>)
        %mul3A_757 = arith.constant 2 : i32
        %mul3A_758 = arith.muli %mul3A_757, %scan3A_660 : i32
        %add3A_759 = arith.constant 1 : i32
        %add3A_760 = arith.addi %mul3A_758, %add3A_759 : i32
        %not3A_761 = arith.constant true
        %not3A_762 = arith.xori %and3A, %not3A_761 : i1
        %convert_element_type3A_763 = arith.extui %not3A_762 : i1 to i32
        %cond3A_764 = arith.constant 0 : i32
        %cond3A_765 = arith.cmpi ne, %convert_element_type3A_763, %cond3A_764 : i32
        scf.if %cond3A_765 {
          %dma_wait3A_799 = arith.constant 0 : i32
          %dma_wait3A_800 = arith.constant 0 : i32
          %dma_wait3A_801 = tpu.memref_slice %arg25[%dma_wait3A_799, %dma_wait3A_800] : memref<10000x128xf32, #tpu.memory_space<vmem_shared>> -> memref<10000x128xf32, #tpu.memory_space<vmem_shared>>
          tpu.wait_indirect_dma semaphore(%arg31 : memref<!tpu.dma_semaphore, #tpu.memory_space<semaphore_mem>>) src(%arg24 : memref<40x128xf32, #tpu.memory_space<vmem>>) dst(%dma_wait3A_801 : memref<10000x128xf32, #tpu.memory_space<vmem_shared>>)
        } else {
        }
        %mul3A_766 = arith.constant 40 : i32
        %mul3A_767 = arith.muli %add3A_760, %mul3A_766 : i32
        %add3A_768 = arith.constant 0 : i32
        %add3A_769 = arith.addi %mul3A_767, %add3A_768 : i32
        %get3A_770 = arith.index_cast %add3A_769 : i32 to index
        %get3A_771 = tpu.vector_load %arg13[%get3A_770] {strides = array<i32>} : memref<400xi32, #tpu.memory_space<vmem>>, vector<16xi32>,
        %get3A_772 = vector.shape_cast %get3A_771 : vector<16xi32> to vector<16xi32>
        %swap3A_773 = arith.constant 0 : index
        %swap3A_774 = tpu.vector_load %arg16[%swap3A_773] {strides = array<i32>} : memref<40xi32, #tpu.memory_space<vmem>>, vector<16xi32>,
        %swap3A_775 = vector.shape_cast %swap3A_774 : vector<16xi32> to vector<16xi32>
        %swap3A_776 = vector.shape_cast %get3A_772 : vector<16xi32> to vector<16xi32>
        tpu.vector_store %arg16[%swap3A_773], %swap3A_776 {strides = array<i32>} : memref<40xi32, #tpu.memory_space<vmem>>, vector<16xi32>,
        %add3A_777 = arith.constant 16 : i32
        %add3A_778 = arith.addi %mul3A_767, %add3A_777 : i32
        %get3A_779 = arith.index_cast %add3A_778 : i32 to index
        %get3A_780 = tpu.vector_load %arg13[%get3A_779] {strides = array<i32>} : memref<400xi32, #tpu.memory_space<vmem>>, vector<16xi32>,
        %get3A_781 = vector.shape_cast %get3A_780 : vector<16xi32> to vector<16xi32>
        %swap3A_782 = arith.constant 16 : index
        %swap3A_783 = tpu.vector_load %arg16[%swap3A_782] {strides = array<i32>} : memref<40xi32, #tpu.memory_space<vmem>>, vector<16xi32>,
        %swap3A_784 = vector.shape_cast %swap3A_783 : vector<16xi32> to vector<16xi32>
        %swap3A_785 = vector.shape_cast %get3A_781 : vector<16xi32> to vector<16xi32>
        tpu.vector_store %arg16[%swap3A_782], %swap3A_785 {strides = array<i32>} : memref<40xi32, #tpu.memory_space<vmem>>, vector<16xi32>,
        %add3A_786 = arith.constant 24 : i32
        %add3A_787 = arith.addi %mul3A_767, %add3A_786 : i32
        %get3A_788 = arith.index_cast %add3A_787 : i32 to index
        %get3A_789 = tpu.vector_load %arg13[%get3A_788] {strides = array<i32>} : memref<400xi32, #tpu.memory_space<vmem>>, vector<16xi32>,
        %get3A_790 = vector.shape_cast %get3A_789 : vector<16xi32> to vector<16xi32>
        %swap3A_791 = arith.constant 24 : index
        %swap3A_792 = tpu.vector_load %arg16[%swap3A_791] {strides = array<i32>} : memref<40xi32, #tpu.memory_space<vmem>>, vector<16xi32>,
        %swap3A_793 = vector.shape_cast %swap3A_792 : vector<16xi32> to vector<16xi32>
        %swap3A_794 = vector.shape_cast %get3A_790 : vector<16xi32> to vector<16xi32>
        tpu.vector_store %arg16[%swap3A_791], %swap3A_794 {strides = array<i32>} : memref<40xi32, #tpu.memory_space<vmem>>, vector<16xi32>,
        %dma_start3A_795 = arith.constant 0 : i32
        %dma_start3A_796 = arith.constant 0 : i32
        %dma_start3A_797 = tpu.memref_slice %arg25[%dma_start3A_795, %dma_start3A_796] : memref<10000x128xf32, #tpu.memory_space<vmem_shared>> -> memref<10000x128xf32, #tpu.memory_space<vmem_shared>>
        tpu.enqueue_indirect_dma source(%arg24 : memref<40x128xf32, #tpu.memory_space<vmem>>) target(%dma_start3A_797 : memref<10000x128xf32, #tpu.memory_space<vmem_shared>>) offsets(%arg16 : memref<40xi32, #tpu.memory_space<vmem>>) semaphore(%arg31 : memref<!tpu.dma_semaphore, #tpu.memory_space<semaphore_mem>>) {add = true}
        %scan3A_798 = arith.constant 0 : i32
        scf.yield %scan3A_798 : i32
      }
      %scan3A_658 = arith.constant 5 : i32
      %scan3A_659 = arith.constant 0 : i32
      scf.yield %scan3A_659 : i32
    }
    %scan3A_467 = arith.constant 25 : i32
    %dma_wait3A_468 = arith.constant 0 : i32
    %dma_wait3A_469 = arith.constant 0 : i32
    %dma_wait3A_470 = tpu.memref_slice %arg25[%dma_wait3A_468, %dma_wait3A_469] : memref<10000x128xf32, #tpu.memory_space<vmem_shared>> -> memref<10000x128xf32, #tpu.memory_space<vmem_shared>>
    tpu.wait_indirect_dma semaphore(%arg30 : memref<!tpu.dma_semaphore, #tpu.memory_space<semaphore_mem>>) src(%arg23 : memref<40x128xf32, #tpu.memory_space<vmem>>) dst(%dma_wait3A_470 : memref<10000x128xf32, #tpu.memory_space<vmem_shared>>)
    %dma_wait3A_471 = arith.constant 0 : i32
    %dma_wait3A_472 = arith.constant 0 : i32
    %dma_wait3A_473 = tpu.memref_slice %arg25[%dma_wait3A_471, %dma_wait3A_472] : memref<10000x128xf32, #tpu.memory_space<vmem_shared>> -> memref<10000x128xf32, #tpu.memory_space<vmem_shared>>
    tpu.wait_indirect_dma semaphore(%arg31 : memref<!tpu.dma_semaphore, #tpu.memory_space<semaphore_mem>>) src(%arg24 : memref<40x128xf32, #tpu.memory_space<vmem>>) dst(%dma_wait3A_473 : memref<10000x128xf32, #tpu.memory_space<vmem_shared>>)
    %scan3A_474 = arith.constant 0 : i32
    %scan3A_475 = arith.constant 0 : i32
    %scan3A_476 = arith.constant 25 : i32
    %scan3A_477 = arith.addi %scan3A_475, %scan3A_476 : i32
    %scan3A_478 = arith.constant 1 : i32
    %scan3A_479 = scf.for %scan3A_632 = %scan3A_475 to %scan3A_477 step %scan3A_478 iter_args(%scan3A_633 = %scan3A_474) -> (i32)  : i32 {
      %mul3A_634 = arith.constant 400 : i32
      %mul3A_635 = arith.muli %scan3A_632, %mul3A_634 : i32
      %add3A_636 = arith.addi %mul3A_2, %mul3A_635 : i32
      "tpu.region"() ({
        %run_scoped3A = tpu.sem_alloc : memref<!tpu.dma_semaphore, #tpu.memory_space<semaphore_mem>>
        %dma_start3A_655 = tpu.memref_slice %arg10[%add3A_636] : memref<320000xi32, #tpu.memory_space<hbm>> -> memref<400xi32, #tpu.memory_space<hbm>>
        %dma_start3A_656 = tpu.memref_slice %arg10[%add3A_636] : memref<320000xi32, #tpu.memory_space<hbm>> -> memref<400xi32, #tpu.memory_space<hbm>>
        tpu.enqueue_dma source(%dma_start3A_656 : memref<400xi32, #tpu.memory_space<hbm>>) target(%arg14 : memref<400xi32, #tpu.memory_space<vmem>>) target_semaphore(%run_scoped3A : memref<!tpu.dma_semaphore, #tpu.memory_space<semaphore_mem>>)
        %dma_wait3A_657 = tpu.memref_slice %arg10[%add3A_636] : memref<320000xi32, #tpu.memory_space<hbm>> -> memref<400xi32, #tpu.memory_space<hbm>>
        %dma_wait3A_658 = tpu.memref_slice %arg10[%add3A_636] : memref<320000xi32, #tpu.memory_space<hbm>> -> memref<400xi32, #tpu.memory_space<hbm>>
        tpu.wait_dma2 semaphore(%run_scoped3A : memref<!tpu.dma_semaphore, #tpu.memory_space<semaphore_mem>>) src(%dma_wait3A_658 : memref<400xi32, #tpu.memory_space<hbm>>) dst(%arg14 : memref<400xi32, #tpu.memory_space<vmem>>)
        tpu.yield
      }) : () -> ()
      "tpu.region"() ({
        %run_scoped3A = tpu.sem_alloc : memref<!tpu.dma_semaphore, #tpu.memory_space<semaphore_mem>>
        %dma_start3A_655 = tpu.memref_slice %arg9[%add3A_636] : memref<320000xi32, #tpu.memory_space<hbm>> -> memref<400xi32, #tpu.memory_space<hbm>>
        %dma_start3A_656 = tpu.memref_slice %arg9[%add3A_636] : memref<320000xi32, #tpu.memory_space<hbm>> -> memref<400xi32, #tpu.memory_space<hbm>>
        tpu.enqueue_dma source(%dma_start3A_656 : memref<400xi32, #tpu.memory_space<hbm>>) target(%arg13 : memref<400xi32, #tpu.memory_space<vmem>>) target_semaphore(%run_scoped3A : memref<!tpu.dma_semaphore, #tpu.memory_space<semaphore_mem>>)
        %dma_wait3A_657 = tpu.memref_slice %arg9[%add3A_636] : memref<320000xi32, #tpu.memory_space<hbm>> -> memref<400xi32, #tpu.memory_space<hbm>>
        %dma_wait3A_658 = tpu.memref_slice %arg9[%add3A_636] : memref<320000xi32, #tpu.memory_space<hbm>> -> memref<400xi32, #tpu.memory_space<hbm>>
        tpu.wait_dma2 semaphore(%run_scoped3A : memref<!tpu.dma_semaphore, #tpu.memory_space<semaphore_mem>>) src(%dma_wait3A_658 : memref<400xi32, #tpu.memory_space<hbm>>) dst(%arg13 : memref<400xi32, #tpu.memory_space<vmem>>)
        tpu.yield
      }) : () -> ()
      %dma_start3A = arith.constant 0 : i32
      %dma_start3A_637 = tpu.memref_slice %arg14[%dma_start3A] : memref<400xi32, #tpu.memory_space<vmem>> -> memref<40xi32, #tpu.memory_space<vmem>>
      %dma_start3A_638 = arith.constant 0 : i32
      %dma_start3A_639 = arith.constant 0 : i32
      %dma_start3A_640 = tpu.memref_slice %arg4[%dma_start3A_638, %dma_start3A_639] : memref<10000x128xf32, #tpu.memory_space<hbm>> -> memref<10000x128xf32, #tpu.memory_space<hbm>>
      tpu.enqueue_indirect_dma source(%dma_start3A_640 : memref<10000x128xf32, #tpu.memory_space<hbm>>) target(%arg17 : memref<40x128xf32, #tpu.memory_space<vmem>>) offsets(%dma_start3A_637 : memref<40xi32, #tpu.memory_space<vmem>>) semaphore(%arg26 : memref<!tpu.dma_semaphore, #tpu.memory_space<semaphore_mem>>)
      %add3A_641 = arith.constant 0 : i32
      %add3A_642 = arith.addi %add3A_636, %add3A_641 : i32
      %dma_start3A_643 = arith.constant 0 : i32
      %dma_start3A_644 = tpu.memref_slice %arg8[%add3A_642, %dma_start3A_643] : memref<320000x128xf32, #tpu.memory_space<hbm>> -> memref<40x128xf32, #tpu.memory_space<hbm>>
      %dma_start3A_645 = arith.constant 0 : i32
      %dma_start3A_646 = tpu.memref_slice %arg8[%add3A_642, %dma_start3A_645] : memref<320000x128xf32, #tpu.memory_space<hbm>> -> memref<40x128xf32, #tpu.memory_space<hbm>>
      tpu.enqueue_dma source(%dma_start3A_646 : memref<40x128xf32, #tpu.memory_space<hbm>>) target(%arg21 : memref<40x128xf32, #tpu.memory_space<vmem>>) target_semaphore(%arg28 : memref<!tpu.dma_semaphore, #tpu.memory_space<semaphore_mem>>)
      %scan3A_647 = arith.constant 0 : i32
      %scan3A_648 = arith.constant 0 : i32
      %scan3A_649 = arith.constant 5 : i32
      %scan3A_650 = arith.addi %scan3A_648, %scan3A_649 : i32
      %scan3A_651 = arith.constant 1 : i32
      %scan3A_652 = scf.for %scan3A_655 = %scan3A_648 to %scan3A_650 step %scan3A_651 iter_args(%scan3A_656 = %scan3A_647) -> (i32)  : i32 {
        %eq3A = arith.constant 0 : i32
        %eq3A_657 = arith.cmpi eq, %scan3A_632, %eq3A : i32
        %eq3A_658 = arith.constant 0 : i32
        %eq3A_659 = arith.cmpi eq, %scan3A_655, %eq3A_658 : i32
        %and3A = arith.andi %eq3A_657, %eq3A_659 : i1
        %mul3A_660 = arith.constant 2 : i32
        %mul3A_661 = arith.muli %mul3A_660, %scan3A_655 : i32
        %add3A_662 = arith.constant 1 : i32
        %add3A_663 = arith.addi %mul3A_661, %add3A_662 : i32
        %mul3A_664 = arith.constant 40 : i32
        %mul3A_665 = arith.muli %add3A_663, %mul3A_664 : i32
        %dma_start3A_666 = tpu.memref_slice %arg14[%mul3A_665] : memref<400xi32, #tpu.memory_space<vmem>> -> memref<40xi32, #tpu.memory_space<vmem>>
        %dma_start3A_667 = arith.constant 0 : i32
        %dma_start3A_668 = arith.constant 0 : i32
        %dma_start3A_669 = tpu.memref_slice %arg4[%dma_start3A_667, %dma_start3A_668] : memref<10000x128xf32, #tpu.memory_space<hbm>> -> memref<10000x128xf32, #tpu.memory_space<hbm>>
        tpu.enqueue_indirect_dma source(%dma_start3A_669 : memref<10000x128xf32, #tpu.memory_space<hbm>>) target(%arg18 : memref<40x128xf32, #tpu.memory_space<vmem>>) offsets(%dma_start3A_666 : memref<40xi32, #tpu.memory_space<vmem>>) semaphore(%arg27 : memref<!tpu.dma_semaphore, #tpu.memory_space<semaphore_mem>>)
        %add3A_670 = arith.addi %add3A_636, %mul3A_665 : i32
        %dma_start3A_671 = arith.constant 0 : i32
        %dma_start3A_672 = tpu.memref_slice %arg8[%add3A_670, %dma_start3A_671] : memref<320000x128xf32, #tpu.memory_space<hbm>> -> memref<40x128xf32, #tpu.memory_space<hbm>>
        %dma_start3A_673 = arith.constant 0 : i32
        %dma_start3A_674 = tpu.memref_slice %arg8[%add3A_670, %dma_start3A_673] : memref<320000x128xf32, #tpu.memory_space<hbm>> -> memref<40x128xf32, #tpu.memory_space<hbm>>
        tpu.enqueue_dma source(%dma_start3A_674 : memref<40x128xf32, #tpu.memory_space<hbm>>) target(%arg22 : memref<40x128xf32, #tpu.memory_space<vmem>>) target_semaphore(%arg29 : memref<!tpu.dma_semaphore, #tpu.memory_space<semaphore_mem>>)
        %dma_wait3A_675 = arith.constant 0 : i32
        %dma_wait3A_676 = tpu.memref_slice %arg14[%dma_wait3A_675] : memref<400xi32, #tpu.memory_space<vmem>> -> memref<40xi32, #tpu.memory_space<vmem>>
        %dma_wait3A_677 = arith.constant 0 : i32
        %dma_wait3A_678 = arith.constant 0 : i32
        %dma_wait3A_679 = tpu.memref_slice %arg4[%dma_wait3A_677, %dma_wait3A_678] : memref<10000x128xf32, #tpu.memory_space<hbm>> -> memref<10000x128xf32, #tpu.memory_space<hbm>>
        tpu.wait_indirect_dma semaphore(%arg26 : memref<!tpu.dma_semaphore, #tpu.memory_space<semaphore_mem>>) src(%dma_wait3A_679 : memref<10000x128xf32, #tpu.memory_space<hbm>>) dst(%arg17 : memref<40x128xf32, #tpu.memory_space<vmem>>)
        %dma_wait3A_680 = arith.constant 0 : i32
        %dma_wait3A_681 = arith.constant 0 : i32
        %dma_wait3A_682 = tpu.memref_slice %arg8[%dma_wait3A_680, %dma_wait3A_681] : memref<320000x128xf32, #tpu.memory_space<hbm>> -> memref<40x128xf32, #tpu.memory_space<hbm>>
        %dma_wait3A_683 = arith.constant 0 : i32
        %dma_wait3A_684 = arith.constant 0 : i32
        %dma_wait3A_685 = tpu.memref_slice %arg8[%dma_wait3A_683, %dma_wait3A_684] : memref<320000x128xf32, #tpu.memory_space<hbm>> -> memref<40x128xf32, #tpu.memory_space<hbm>>
        tpu.wait_dma2 semaphore(%arg28 : memref<!tpu.dma_semaphore, #tpu.memory_space<semaphore_mem>>) src(%dma_wait3A_685 : memref<40x128xf32, #tpu.memory_space<hbm>>) dst(%arg21 : memref<40x128xf32, #tpu.memory_space<vmem>>)
        %mul3A_686 = arith.constant 2 : i32
        %mul3A_687 = arith.muli %mul3A_686, %scan3A_655 : i32
        %not3A = arith.constant true
        %not3A_688 = arith.xori %and3A, %not3A : i1
        %convert_element_type3A_689 = arith.extui %not3A_688 : i1 to i32
        %cond3A_690 = arith.constant 0 : i32
        %cond3A_691 = arith.cmpi ne, %convert_element_type3A_689, %cond3A_690 : i32
        scf.if %cond3A_691 {
          %dma_wait3A_780 = arith.constant 0 : i32
          %dma_wait3A_781 = arith.constant 0 : i32
          %dma_wait3A_782 = tpu.memref_slice %arg25[%dma_wait3A_780, %dma_wait3A_781] : memref<10000x128xf32, #tpu.memory_space<vmem_shared>> -> memref<10000x128xf32, #tpu.memory_space<vmem_shared>>
          tpu.wait_indirect_dma semaphore(%arg30 : memref<!tpu.dma_semaphore, #tpu.memory_space<semaphore_mem>>) src(%arg23 : memref<40x128xf32, #tpu.memory_space<vmem>>) dst(%dma_wait3A_782 : memref<10000x128xf32, #tpu.memory_space<vmem_shared>>)
        } else {
        }
        %mul3A_692 = arith.constant 40 : i32
        %mul3A_693 = arith.muli %mul3A_687, %mul3A_692 : i32
        %add3A_694 = arith.constant 0 : i32
        %add3A_695 = arith.addi %mul3A_693, %add3A_694 : i32
        %get3A = arith.index_cast %add3A_695 : i32 to index
        %get3A_696 = tpu.vector_load %arg13[%get3A] {strides = array<i32>} : memref<400xi32, #tpu.memory_space<vmem>>, vector<16xi32>,
        %get3A_697 = vector.shape_cast %get3A_696 : vector<16xi32> to vector<16xi32>
        %swap3A = arith.constant 0 : index
        %swap3A_698 = tpu.vector_load %arg15[%swap3A] {strides = array<i32>} : memref<40xi32, #tpu.memory_space<vmem>>, vector<16xi32>,
        %swap3A_699 = vector.shape_cast %swap3A_698 : vector<16xi32> to vector<16xi32>
        %swap3A_700 = vector.shape_cast %get3A_697 : vector<16xi32> to vector<16xi32>
        tpu.vector_store %arg15[%swap3A], %swap3A_700 {strides = array<i32>} : memref<40xi32, #tpu.memory_space<vmem>>, vector<16xi32>,
        %add3A_701 = arith.constant 16 : i32
        %add3A_702 = arith.addi %mul3A_693, %add3A_701 : i32
        %get3A_703 = arith.index_cast %add3A_702 : i32 to index
        %get3A_704 = tpu.vector_load %arg13[%get3A_703] {strides = array<i32>} : memref<400xi32, #tpu.memory_space<vmem>>, vector<16xi32>,
        %get3A_705 = vector.shape_cast %get3A_704 : vector<16xi32> to vector<16xi32>
        %swap3A_706 = arith.constant 16 : index
        %swap3A_707 = tpu.vector_load %arg15[%swap3A_706] {strides = array<i32>} : memref<40xi32, #tpu.memory_space<vmem>>, vector<16xi32>,
        %swap3A_708 = vector.shape_cast %swap3A_707 : vector<16xi32> to vector<16xi32>
        %swap3A_709 = vector.shape_cast %get3A_705 : vector<16xi32> to vector<16xi32>
        tpu.vector_store %arg15[%swap3A_706], %swap3A_709 {strides = array<i32>} : memref<40xi32, #tpu.memory_space<vmem>>, vector<16xi32>,
        %add3A_710 = arith.constant 24 : i32
        %add3A_711 = arith.addi %mul3A_693, %add3A_710 : i32
        %get3A_712 = arith.index_cast %add3A_711 : i32 to index
        %get3A_713 = tpu.vector_load %arg13[%get3A_712] {strides = array<i32>} : memref<400xi32, #tpu.memory_space<vmem>>, vector<16xi32>,
        %get3A_714 = vector.shape_cast %get3A_713 : vector<16xi32> to vector<16xi32>
        %swap3A_715 = arith.constant 24 : index
        %swap3A_716 = tpu.vector_load %arg15[%swap3A_715] {strides = array<i32>} : memref<40xi32, #tpu.memory_space<vmem>>, vector<16xi32>,
        %swap3A_717 = vector.shape_cast %swap3A_716 : vector<16xi32> to vector<16xi32>
        %swap3A_718 = vector.shape_cast %get3A_714 : vector<16xi32> to vector<16xi32>
        tpu.vector_store %arg15[%swap3A_715], %swap3A_718 {strides = array<i32>} : memref<40xi32, #tpu.memory_space<vmem>>, vector<16xi32>,
        %dma_start3A_719 = arith.constant 0 : i32
        %dma_start3A_720 = arith.constant 0 : i32
        %dma_start3A_721 = tpu.memref_slice %arg25[%dma_start3A_719, %dma_start3A_720] : memref<10000x128xf32, #tpu.memory_space<vmem_shared>> -> memref<10000x128xf32, #tpu.memory_space<vmem_shared>>
        tpu.enqueue_indirect_dma source(%arg23 : memref<40x128xf32, #tpu.memory_space<vmem>>) target(%dma_start3A_721 : memref<10000x128xf32, #tpu.memory_space<vmem_shared>>) offsets(%arg15 : memref<40xi32, #tpu.memory_space<vmem>>) semaphore(%arg30 : memref<!tpu.dma_semaphore, #tpu.memory_space<semaphore_mem>>) {add = true}
        %lt3A_722 = arith.constant 4 : i32
        %lt3A_723 = arith.cmpi slt, %scan3A_655, %lt3A_722 : i32
        %convert_element_type3A_724 = arith.extui %lt3A_723 : i1 to i32
        %cond3A_725 = arith.constant 0 : i32
        %cond3A_726 = arith.cmpi ne, %convert_element_type3A_724, %cond3A_725 : i32
        scf.if %cond3A_726 {
          %mul3A_780 = arith.constant 2 : i32
          %mul3A_781 = arith.muli %mul3A_780, %scan3A_655 : i32
          %add3A_782 = arith.constant 2 : i32
          %add3A_783 = arith.addi %mul3A_781, %add3A_782 : i32
          %mul3A_784 = arith.constant 40 : i32
          %mul3A_785 = arith.muli %add3A_783, %mul3A_784 : i32
          %dma_start3A_786 = tpu.memref_slice %arg14[%mul3A_785] : memref<400xi32, #tpu.memory_space<vmem>> -> memref<40xi32, #tpu.memory_space<vmem>>
          %dma_start3A_787 = arith.constant 0 : i32
          %dma_start3A_788 = arith.constant 0 : i32
          %dma_start3A_789 = tpu.memref_slice %arg4[%dma_start3A_787, %dma_start3A_788] : memref<10000x128xf32, #tpu.memory_space<hbm>> -> memref<10000x128xf32, #tpu.memory_space<hbm>>
          tpu.enqueue_indirect_dma source(%dma_start3A_789 : memref<10000x128xf32, #tpu.memory_space<hbm>>) target(%arg17 : memref<40x128xf32, #tpu.memory_space<vmem>>) offsets(%dma_start3A_786 : memref<40xi32, #tpu.memory_space<vmem>>) semaphore(%arg26 : memref<!tpu.dma_semaphore, #tpu.memory_space<semaphore_mem>>)
          %add3A_790 = arith.addi %add3A_636, %mul3A_785 : i32
          %dma_start3A_791 = arith.constant 0 : i32
          %dma_start3A_792 = tpu.memref_slice %arg8[%add3A_790, %dma_start3A_791] : memref<320000x128xf32, #tpu.memory_space<hbm>> -> memref<40x128xf32, #tpu.memory_space<hbm>>
          %dma_start3A_793 = arith.constant 0 : i32
          %dma_start3A_794 = tpu.memref_slice %arg8[%add3A_790, %dma_start3A_793] : memref<320000x128xf32, #tpu.memory_space<hbm>> -> memref<40x128xf32, #tpu.memory_space<hbm>>
          tpu.enqueue_dma source(%dma_start3A_794 : memref<40x128xf32, #tpu.memory_space<hbm>>) target(%arg21 : memref<40x128xf32, #tpu.memory_space<vmem>>) target_semaphore(%arg28 : memref<!tpu.dma_semaphore, #tpu.memory_space<semaphore_mem>>)
        } else {
        }
        %dma_wait3A_727 = arith.constant 0 : i32
        %dma_wait3A_728 = tpu.memref_slice %arg14[%dma_wait3A_727] : memref<400xi32, #tpu.memory_space<vmem>> -> memref<40xi32, #tpu.memory_space<vmem>>
        %dma_wait3A_729 = arith.constant 0 : i32
        %dma_wait3A_730 = arith.constant 0 : i32
        %dma_wait3A_731 = tpu.memref_slice %arg4[%dma_wait3A_729, %dma_wait3A_730] : memref<10000x128xf32, #tpu.memory_space<hbm>> -> memref<10000x128xf32, #tpu.memory_space<hbm>>
        tpu.wait_indirect_dma semaphore(%arg27 : memref<!tpu.dma_semaphore, #tpu.memory_space<semaphore_mem>>) src(%dma_wait3A_731 : memref<10000x128xf32, #tpu.memory_space<hbm>>) dst(%arg18 : memref<40x128xf32, #tpu.memory_space<vmem>>)
        %dma_wait3A_732 = arith.constant 0 : i32
        %dma_wait3A_733 = arith.constant 0 : i32
        %dma_wait3A_734 = tpu.memref_slice %arg8[%dma_wait3A_732, %dma_wait3A_733] : memref<320000x128xf32, #tpu.memory_space<hbm>> -> memref<40x128xf32, #tpu.memory_space<hbm>>
        %dma_wait3A_735 = arith.constant 0 : i32
        %dma_wait3A_736 = arith.constant 0 : i32
        %dma_wait3A_737 = tpu.memref_slice %arg8[%dma_wait3A_735, %dma_wait3A_736] : memref<320000x128xf32, #tpu.memory_space<hbm>> -> memref<40x128xf32, #tpu.memory_space<hbm>>
        tpu.wait_dma2 semaphore(%arg29 : memref<!tpu.dma_semaphore, #tpu.memory_space<semaphore_mem>>) src(%dma_wait3A_737 : memref<40x128xf32, #tpu.memory_space<hbm>>) dst(%arg22 : memref<40x128xf32, #tpu.memory_space<vmem>>)
        %mul3A_738 = arith.constant 2 : i32
        %mul3A_739 = arith.muli %mul3A_738, %scan3A_655 : i32
        %add3A_740 = arith.constant 1 : i32
        %add3A_741 = arith.addi %mul3A_739, %add3A_740 : i32
        %not3A_742 = arith.constant true
        %not3A_743 = arith.xori %and3A, %not3A_742 : i1
        %convert_element_type3A_744 = arith.extui %not3A_743 : i1 to i32
        %cond3A_745 = arith.constant 0 : i32
        %cond3A_746 = arith.cmpi ne, %convert_element_type3A_744, %cond3A_745 : i32
        scf.if %cond3A_746 {
          %dma_wait3A_780 = arith.constant 0 : i32
          %dma_wait3A_781 = arith.constant 0 : i32
          %dma_wait3A_782 = tpu.memref_slice %arg25[%dma_wait3A_780, %dma_wait3A_781] : memref<10000x128xf32, #tpu.memory_space<vmem_shared>> -> memref<10000x128xf32, #tpu.memory_space<vmem_shared>>
          tpu.wait_indirect_dma semaphore(%arg31 : memref<!tpu.dma_semaphore, #tpu.memory_space<semaphore_mem>>) src(%arg24 : memref<40x128xf32, #tpu.memory_space<vmem>>) dst(%dma_wait3A_782 : memref<10000x128xf32, #tpu.memory_space<vmem_shared>>)
        } else {
        }
        %mul3A_747 = arith.constant 40 : i32
        %mul3A_748 = arith.muli %add3A_741, %mul3A_747 : i32
        %add3A_749 = arith.constant 0 : i32
        %add3A_750 = arith.addi %mul3A_748, %add3A_749 : i32
        %get3A_751 = arith.index_cast %add3A_750 : i32 to index
        %get3A_752 = tpu.vector_load %arg13[%get3A_751] {strides = array<i32>} : memref<400xi32, #tpu.memory_space<vmem>>, vector<16xi32>,
        %get3A_753 = vector.shape_cast %get3A_752 : vector<16xi32> to vector<16xi32>
        %swap3A_754 = arith.constant 0 : index
        %swap3A_755 = tpu.vector_load %arg16[%swap3A_754] {strides = array<i32>} : memref<40xi32, #tpu.memory_space<vmem>>, vector<16xi32>,
        %swap3A_756 = vector.shape_cast %swap3A_755 : vector<16xi32> to vector<16xi32>
        %swap3A_757 = vector.shape_cast %get3A_753 : vector<16xi32> to vector<16xi32>
        tpu.vector_store %arg16[%swap3A_754], %swap3A_757 {strides = array<i32>} : memref<40xi32, #tpu.memory_space<vmem>>, vector<16xi32>,
        %add3A_758 = arith.constant 16 : i32
        %add3A_759 = arith.addi %mul3A_748, %add3A_758 : i32
        %get3A_760 = arith.index_cast %add3A_759 : i32 to index
        %get3A_761 = tpu.vector_load %arg13[%get3A_760] {strides = array<i32>} : memref<400xi32, #tpu.memory_space<vmem>>, vector<16xi32>,
        %get3A_762 = vector.shape_cast %get3A_761 : vector<16xi32> to vector<16xi32>
        %swap3A_763 = arith.constant 16 : index
        %swap3A_764 = tpu.vector_load %arg16[%swap3A_763] {strides = array<i32>} : memref<40xi32, #tpu.memory_space<vmem>>, vector<16xi32>,
        %swap3A_765 = vector.shape_cast %swap3A_764 : vector<16xi32> to vector<16xi32>
        %swap3A_766 = vector.shape_cast %get3A_762 : vector<16xi32> to vector<16xi32>
        tpu.vector_store %arg16[%swap3A_763], %swap3A_766 {strides = array<i32>} : memref<40xi32, #tpu.memory_space<vmem>>, vector<16xi32>,
        %add3A_767 = arith.constant 24 : i32
        %add3A_768 = arith.addi %mul3A_748, %add3A_767 : i32
        %get3A_769 = arith.index_cast %add3A_768 : i32 to index
        %get3A_770 = tpu.vector_load %arg13[%get3A_769] {strides = array<i32>} : memref<400xi32, #tpu.memory_space<vmem>>, vector<16xi32>,
        %get3A_771 = vector.shape_cast %get3A_770 : vector<16xi32> to vector<16xi32>
        %swap3A_772 = arith.constant 24 : index
        %swap3A_773 = tpu.vector_load %arg16[%swap3A_772] {strides = array<i32>} : memref<40xi32, #tpu.memory_space<vmem>>, vector<16xi32>,
        %swap3A_774 = vector.shape_cast %swap3A_773 : vector<16xi32> to vector<16xi32>
        %swap3A_775 = vector.shape_cast %get3A_771 : vector<16xi32> to vector<16xi32>
        tpu.vector_store %arg16[%swap3A_772], %swap3A_775 {strides = array<i32>} : memref<40xi32, #tpu.memory_space<vmem>>, vector<16xi32>,
        %dma_start3A_776 = arith.constant 0 : i32
        %dma_start3A_777 = arith.constant 0 : i32
        %dma_start3A_778 = tpu.memref_slice %arg25[%dma_start3A_776, %dma_start3A_777] : memref<10000x128xf32, #tpu.memory_space<vmem_shared>> -> memref<10000x128xf32, #tpu.memory_space<vmem_shared>>
        tpu.enqueue_indirect_dma source(%arg24 : memref<40x128xf32, #tpu.memory_space<vmem>>) target(%dma_start3A_778 : memref<10000x128xf32, #tpu.memory_space<vmem_shared>>) offsets(%arg16 : memref<40xi32, #tpu.memory_space<vmem>>) semaphore(%arg31 : memref<!tpu.dma_semaphore, #tpu.memory_space<semaphore_mem>>) {add = true}
        %scan3A_779 = arith.constant 0 : i32
        scf.yield %scan3A_779 : i32
      }
      %scan3A_653 = arith.constant 5 : i32
      %scan3A_654 = arith.constant 0 : i32
      scf.yield %scan3A_654 : i32
    }
    %scan3A_480 = arith.constant 25 : i32
    %dma_wait3A_481 = arith.constant 0 : i32
    %dma_wait3A_482 = arith.constant 0 : i32
    %dma_wait3A_483 = tpu.memref_slice %arg25[%dma_wait3A_481, %dma_wait3A_482] : memref<10000x128xf32, #tpu.memory_space<vmem_shared>> -> memref<10000x128xf32, #tpu.memory_space<vmem_shared>>
    tpu.wait_indirect_dma semaphore(%arg30 : memref<!tpu.dma_semaphore, #tpu.memory_space<semaphore_mem>>) src(%arg23 : memref<40x128xf32, #tpu.memory_space<vmem>>) dst(%dma_wait3A_483 : memref<10000x128xf32, #tpu.memory_space<vmem_shared>>)
    %dma_wait3A_484 = arith.constant 0 : i32
    %dma_wait3A_485 = arith.constant 0 : i32
    %dma_wait3A_486 = tpu.memref_slice %arg25[%dma_wait3A_484, %dma_wait3A_485] : memref<10000x128xf32, #tpu.memory_space<vmem_shared>> -> memref<10000x128xf32, #tpu.memory_space<vmem_shared>>
    tpu.wait_indirect_dma semaphore(%arg31 : memref<!tpu.dma_semaphore, #tpu.memory_space<semaphore_mem>>) src(%arg24 : memref<40x128xf32, #tpu.memory_space<vmem>>) dst(%dma_wait3A_486 : memref<10000x128xf32, #tpu.memory_space<vmem_shared>>)
    %barrier3A_487 = arith.constant 0 : index
    tpu.barrier barrier_id(%barrier3A_487)
    %mul3A_488 = arith.constant 16 : i32
    %mul3A_489 = arith.muli %arg1, %mul3A_488 : i32
    %add3A_490 = arith.constant 0 : i32
    %add3A_491 = arith.addi %mul3A_489, %add3A_490 : i32
    %lt3A_492 = arith.constant 250 : i32
    %lt3A_493 = arith.cmpi slt, %add3A_491, %lt3A_492 : i32
    %convert_element_type3A_494 = arith.extui %lt3A_493 : i1 to i32
    %cond3A_495 = arith.constant 0 : i32
    %cond3A_496 = arith.cmpi ne, %convert_element_type3A_494, %cond3A_495 : i32
    scf.if %cond3A_496 {
      %mul3A_632 = arith.constant 40 : i32
      %mul3A_633 = arith.muli %add3A_491, %mul3A_632 : i32
      "tpu.region"() ({
        %run_scoped3A = tpu.sem_alloc : memref<!tpu.dma_semaphore, #tpu.memory_space<semaphore_mem>>
        %dma_start3A = arith.constant 0 : i32
        %dma_start3A_636 = tpu.memref_slice %arg25[%mul3A_633, %dma_start3A] : memref<10000x128xf32, #tpu.memory_space<vmem_shared>> -> memref<40x128xf32, #tpu.memory_space<vmem_shared>>
        %dma_start3A_637 = arith.constant 0 : i32
        %dma_start3A_638 = tpu.memref_slice %arg25[%mul3A_633, %dma_start3A_637] : memref<10000x128xf32, #tpu.memory_space<vmem_shared>> -> memref<40x128xf32, #tpu.memory_space<vmem_shared>>
        tpu.enqueue_dma source(%dma_start3A_638 : memref<40x128xf32, #tpu.memory_space<vmem_shared>>) target(%arg23 : memref<40x128xf32, #tpu.memory_space<vmem>>) target_semaphore(%run_scoped3A : memref<!tpu.dma_semaphore, #tpu.memory_space<semaphore_mem>>)
        %dma_wait3A_639 = arith.constant 0 : i32
        %dma_wait3A_640 = tpu.memref_slice %arg25[%mul3A_633, %dma_wait3A_639] : memref<10000x128xf32, #tpu.memory_space<vmem_shared>> -> memref<40x128xf32, #tpu.memory_space<vmem_shared>>
        %dma_wait3A_641 = arith.constant 0 : i32
        %dma_wait3A_642 = tpu.memref_slice %arg25[%mul3A_633, %dma_wait3A_641] : memref<10000x128xf32, #tpu.memory_space<vmem_shared>> -> memref<40x128xf32, #tpu.memory_space<vmem_shared>>
        tpu.wait_dma2 semaphore(%run_scoped3A : memref<!tpu.dma_semaphore, #tpu.memory_space<semaphore_mem>>) src(%dma_wait3A_642 : memref<40x128xf32, #tpu.memory_space<vmem_shared>>) dst(%arg23 : memref<40x128xf32, #tpu.memory_space<vmem>>)
        tpu.yield
      }) : () -> ()
      %mul3A_634 = arith.constant 40 : i32
      %mul3A_635 = arith.muli %add3A_491, %mul3A_634 : i32
      "tpu.region"() ({
        %run_scoped3A = tpu.sem_alloc : memref<!tpu.dma_semaphore, #tpu.memory_space<semaphore_mem>>
        %dma_start3A = arith.constant 0 : i32
        %dma_start3A_636 = tpu.memref_slice %arg12[%arg0, %mul3A_635, %dma_start3A] : memref<2x10000x128xf32, #tpu.memory_space<hbm>> -> memref<1x40x128xf32, #tpu.memory_space<hbm>>
        %dma_start3A_637 = tpu.memref_squeeze %dma_start3A_636 : memref<1x40x128xf32, #tpu.memory_space<hbm>> -> memref<40x128xf32, #tpu.memory_space<hbm>>
        %dma_start3A_638 = arith.constant 0 : i32
        %dma_start3A_639 = tpu.memref_slice %arg12[%arg0, %mul3A_635, %dma_start3A_638] : memref<2x10000x128xf32, #tpu.memory_space<hbm>> -> memref<1x40x128xf32, #tpu.memory_space<hbm>>
        %dma_start3A_640 = tpu.memref_squeeze %dma_start3A_639 : memref<1x40x128xf32, #tpu.memory_space<hbm>> -> memref<40x128xf32, #tpu.memory_space<hbm>>
        tpu.enqueue_dma source(%arg23 : memref<40x128xf32, #tpu.memory_space<vmem>>) target(%dma_start3A_640 : memref<40x128xf32, #tpu.memory_space<hbm>>) target_semaphore(%run_scoped3A : memref<!tpu.dma_semaphore, #tpu.memory_space<semaphore_mem>>)
        %dma_wait3A_641 = arith.constant 0 : i32
        %dma_wait3A_642 = tpu.memref_slice %arg12[%arg0, %mul3A_635, %dma_wait3A_641] : memref<2x10000x128xf32, #tpu.memory_space<hbm>> -> memref<1x40x128xf32, #tpu.memory_space<hbm>>
        %dma_wait3A_643 = tpu.memref_squeeze %dma_wait3A_642 : memref<1x40x128xf32, #tpu.memory_space<hbm>> -> memref<40x128xf32, #tpu.memory_space<hbm>>
        %dma_wait3A_644 = arith.constant 0 : i32
        %dma_wait3A_645 = tpu.memref_slice %arg12[%arg0, %mul3A_635, %dma_wait3A_644] : memref<2x10000x128xf32, #tpu.memory_space<hbm>> -> memref<1x40x128xf32, #tpu.memory_space<hbm>>
        %dma_wait3A_646 = tpu.memref_squeeze %dma_wait3A_645 : memref<1x40x128xf32, #tpu.memory_space<hbm>> -> memref<40x128xf32, #tpu.memory_space<hbm>>
        tpu.wait_dma2 semaphore(%run_scoped3A : memref<!tpu.dma_semaphore, #tpu.memory_space<semaphore_mem>>) src(%arg23 : memref<40x128xf32, #tpu.memory_space<vmem>>) dst(%dma_wait3A_646 : memref<40x128xf32, #tpu.memory_space<hbm>>)
        tpu.yield
      }) : () -> ()
    } else {
    }
    %mul3A_497 = arith.constant 16 : i32
    %mul3A_498 = arith.muli %arg1, %mul3A_497 : i32
    %add3A_499 = arith.constant 1 : i32
    %add3A_500 = arith.addi %mul3A_498, %add3A_499 : i32
    %lt3A_501 = arith.constant 250 : i32
    %lt3A_502 = arith.cmpi slt, %add3A_500, %lt3A_501 : i32
    %convert_element_type3A_503 = arith.extui %lt3A_502 : i1 to i32
    %cond3A_504 = arith.constant 0 : i32
    %cond3A_505 = arith.cmpi ne, %convert_element_type3A_503, %cond3A_504 : i32
    scf.if %cond3A_505 {
      %mul3A_632 = arith.constant 40 : i32
      %mul3A_633 = arith.muli %add3A_500, %mul3A_632 : i32
      "tpu.region"() ({
        %run_scoped3A = tpu.sem_alloc : memref<!tpu.dma_semaphore, #tpu.memory_space<semaphore_mem>>
        %dma_start3A = arith.constant 0 : i32
        %dma_start3A_636 = tpu.memref_slice %arg25[%mul3A_633, %dma_start3A] : memref<10000x128xf32, #tpu.memory_space<vmem_shared>> -> memref<40x128xf32, #tpu.memory_space<vmem_shared>>
        %dma_start3A_637 = arith.constant 0 : i32
        %dma_start3A_638 = tpu.memref_slice %arg25[%mul3A_633, %dma_start3A_637] : memref<10000x128xf32, #tpu.memory_space<vmem_shared>> -> memref<40x128xf32, #tpu.memory_space<vmem_shared>>
        tpu.enqueue_dma source(%dma_start3A_638 : memref<40x128xf32, #tpu.memory_space<vmem_shared>>) target(%arg23 : memref<40x128xf32, #tpu.memory_space<vmem>>) target_semaphore(%run_scoped3A : memref<!tpu.dma_semaphore, #tpu.memory_space<semaphore_mem>>)
        %dma_wait3A_639 = arith.constant 0 : i32
        %dma_wait3A_640 = tpu.memref_slice %arg25[%mul3A_633, %dma_wait3A_639] : memref<10000x128xf32, #tpu.memory_space<vmem_shared>> -> memref<40x128xf32, #tpu.memory_space<vmem_shared>>
        %dma_wait3A_641 = arith.constant 0 : i32
        %dma_wait3A_642 = tpu.memref_slice %arg25[%mul3A_633, %dma_wait3A_641] : memref<10000x128xf32, #tpu.memory_space<vmem_shared>> -> memref<40x128xf32, #tpu.memory_space<vmem_shared>>
        tpu.wait_dma2 semaphore(%run_scoped3A : memref<!tpu.dma_semaphore, #tpu.memory_space<semaphore_mem>>) src(%dma_wait3A_642 : memref<40x128xf32, #tpu.memory_space<vmem_shared>>) dst(%arg23 : memref<40x128xf32, #tpu.memory_space<vmem>>)
        tpu.yield
      }) : () -> ()
      %mul3A_634 = arith.constant 40 : i32
      %mul3A_635 = arith.muli %add3A_500, %mul3A_634 : i32
      "tpu.region"() ({
        %run_scoped3A = tpu.sem_alloc : memref<!tpu.dma_semaphore, #tpu.memory_space<semaphore_mem>>
        %dma_start3A = arith.constant 0 : i32
        %dma_start3A_636 = tpu.memref_slice %arg12[%arg0, %mul3A_635, %dma_start3A] : memref<2x10000x128xf32, #tpu.memory_space<hbm>> -> memref<1x40x128xf32, #tpu.memory_space<hbm>>
        %dma_start3A_637 = tpu.memref_squeeze %dma_start3A_636 : memref<1x40x128xf32, #tpu.memory_space<hbm>> -> memref<40x128xf32, #tpu.memory_space<hbm>>
        %dma_start3A_638 = arith.constant 0 : i32
        %dma_start3A_639 = tpu.memref_slice %arg12[%arg0, %mul3A_635, %dma_start3A_638] : memref<2x10000x128xf32, #tpu.memory_space<hbm>> -> memref<1x40x128xf32, #tpu.memory_space<hbm>>
        %dma_start3A_640 = tpu.memref_squeeze %dma_start3A_639 : memref<1x40x128xf32, #tpu.memory_space<hbm>> -> memref<40x128xf32, #tpu.memory_space<hbm>>
        tpu.enqueue_dma source(%arg23 : memref<40x128xf32, #tpu.memory_space<vmem>>) target(%dma_start3A_640 : memref<40x128xf32, #tpu.memory_space<hbm>>) target_semaphore(%run_scoped3A : memref<!tpu.dma_semaphore, #tpu.memory_space<semaphore_mem>>)
        %dma_wait3A_641 = arith.constant 0 : i32
        %dma_wait3A_642 = tpu.memref_slice %arg12[%arg0, %mul3A_635, %dma_wait3A_641] : memref<2x10000x128xf32, #tpu.memory_space<hbm>> -> memref<1x40x128xf32, #tpu.memory_space<hbm>>
        %dma_wait3A_643 = tpu.memref_squeeze %dma_wait3A_642 : memref<1x40x128xf32, #tpu.memory_space<hbm>> -> memref<40x128xf32, #tpu.memory_space<hbm>>
        %dma_wait3A_644 = arith.constant 0 : i32
        %dma_wait3A_645 = tpu.memref_slice %arg12[%arg0, %mul3A_635, %dma_wait3A_644] : memref<2x10000x128xf32, #tpu.memory_space<hbm>> -> memref<1x40x128xf32, #tpu.memory_space<hbm>>
        %dma_wait3A_646 = tpu.memref_squeeze %dma_wait3A_645 : memref<1x40x128xf32, #tpu.memory_space<hbm>> -> memref<40x128xf32, #tpu.memory_space<hbm>>
        tpu.wait_dma2 semaphore(%run_scoped3A : memref<!tpu.dma_semaphore, #tpu.memory_space<semaphore_mem>>) src(%arg23 : memref<40x128xf32, #tpu.memory_space<vmem>>) dst(%dma_wait3A_646 : memref<40x128xf32, #tpu.memory_space<hbm>>)
        tpu.yield
      }) : () -> ()
    } else {
    }
    %mul3A_506 = arith.constant 16 : i32
    %mul3A_507 = arith.muli %arg1, %mul3A_506 : i32
    %add3A_508 = arith.constant 2 : i32
    %add3A_509 = arith.addi %mul3A_507, %add3A_508 : i32
    %lt3A_510 = arith.constant 250 : i32
    %lt3A_511 = arith.cmpi slt, %add3A_509, %lt3A_510 : i32
    %convert_element_type3A_512 = arith.extui %lt3A_511 : i1 to i32
    %cond3A_513 = arith.constant 0 : i32
    %cond3A_514 = arith.cmpi ne, %convert_element_type3A_512, %cond3A_513 : i32
    scf.if %cond3A_514 {
      %mul3A_632 = arith.constant 40 : i32
      %mul3A_633 = arith.muli %add3A_509, %mul3A_632 : i32
      "tpu.region"() ({
        %run_scoped3A = tpu.sem_alloc : memref<!tpu.dma_semaphore, #tpu.memory_space<semaphore_mem>>
        %dma_start3A = arith.constant 0 : i32
        %dma_start3A_636 = tpu.memref_slice %arg25[%mul3A_633, %dma_start3A] : memref<10000x128xf32, #tpu.memory_space<vmem_shared>> -> memref<40x128xf32, #tpu.memory_space<vmem_shared>>
        %dma_start3A_637 = arith.constant 0 : i32
        %dma_start3A_638 = tpu.memref_slice %arg25[%mul3A_633, %dma_start3A_637] : memref<10000x128xf32, #tpu.memory_space<vmem_shared>> -> memref<40x128xf32, #tpu.memory_space<vmem_shared>>
        tpu.enqueue_dma source(%dma_start3A_638 : memref<40x128xf32, #tpu.memory_space<vmem_shared>>) target(%arg23 : memref<40x128xf32, #tpu.memory_space<vmem>>) target_semaphore(%run_scoped3A : memref<!tpu.dma_semaphore, #tpu.memory_space<semaphore_mem>>)
        %dma_wait3A_639 = arith.constant 0 : i32
        %dma_wait3A_640 = tpu.memref_slice %arg25[%mul3A_633, %dma_wait3A_639] : memref<10000x128xf32, #tpu.memory_space<vmem_shared>> -> memref<40x128xf32, #tpu.memory_space<vmem_shared>>
        %dma_wait3A_641 = arith.constant 0 : i32
        %dma_wait3A_642 = tpu.memref_slice %arg25[%mul3A_633, %dma_wait3A_641] : memref<10000x128xf32, #tpu.memory_space<vmem_shared>> -> memref<40x128xf32, #tpu.memory_space<vmem_shared>>
        tpu.wait_dma2 semaphore(%run_scoped3A : memref<!tpu.dma_semaphore, #tpu.memory_space<semaphore_mem>>) src(%dma_wait3A_642 : memref<40x128xf32, #tpu.memory_space<vmem_shared>>) dst(%arg23 : memref<40x128xf32, #tpu.memory_space<vmem>>)
        tpu.yield
      }) : () -> ()
      %mul3A_634 = arith.constant 40 : i32
      %mul3A_635 = arith.muli %add3A_509, %mul3A_634 : i32
      "tpu.region"() ({
        %run_scoped3A = tpu.sem_alloc : memref<!tpu.dma_semaphore, #tpu.memory_space<semaphore_mem>>
        %dma_start3A = arith.constant 0 : i32
        %dma_start3A_636 = tpu.memref_slice %arg12[%arg0, %mul3A_635, %dma_start3A] : memref<2x10000x128xf32, #tpu.memory_space<hbm>> -> memref<1x40x128xf32, #tpu.memory_space<hbm>>
        %dma_start3A_637 = tpu.memref_squeeze %dma_start3A_636 : memref<1x40x128xf32, #tpu.memory_space<hbm>> -> memref<40x128xf32, #tpu.memory_space<hbm>>
        %dma_start3A_638 = arith.constant 0 : i32
        %dma_start3A_639 = tpu.memref_slice %arg12[%arg0, %mul3A_635, %dma_start3A_638] : memref<2x10000x128xf32, #tpu.memory_space<hbm>> -> memref<1x40x128xf32, #tpu.memory_space<hbm>>
        %dma_start3A_640 = tpu.memref_squeeze %dma_start3A_639 : memref<1x40x128xf32, #tpu.memory_space<hbm>> -> memref<40x128xf32, #tpu.memory_space<hbm>>
        tpu.enqueue_dma source(%arg23 : memref<40x128xf32, #tpu.memory_space<vmem>>) target(%dma_start3A_640 : memref<40x128xf32, #tpu.memory_space<hbm>>) target_semaphore(%run_scoped3A : memref<!tpu.dma_semaphore, #tpu.memory_space<semaphore_mem>>)
        %dma_wait3A_641 = arith.constant 0 : i32
        %dma_wait3A_642 = tpu.memref_slice %arg12[%arg0, %mul3A_635, %dma_wait3A_641] : memref<2x10000x128xf32, #tpu.memory_space<hbm>> -> memref<1x40x128xf32, #tpu.memory_space<hbm>>
        %dma_wait3A_643 = tpu.memref_squeeze %dma_wait3A_642 : memref<1x40x128xf32, #tpu.memory_space<hbm>> -> memref<40x128xf32, #tpu.memory_space<hbm>>
        %dma_wait3A_644 = arith.constant 0 : i32
        %dma_wait3A_645 = tpu.memref_slice %arg12[%arg0, %mul3A_635, %dma_wait3A_644] : memref<2x10000x128xf32, #tpu.memory_space<hbm>> -> memref<1x40x128xf32, #tpu.memory_space<hbm>>
        %dma_wait3A_646 = tpu.memref_squeeze %dma_wait3A_645 : memref<1x40x128xf32, #tpu.memory_space<hbm>> -> memref<40x128xf32, #tpu.memory_space<hbm>>
        tpu.wait_dma2 semaphore(%run_scoped3A : memref<!tpu.dma_semaphore, #tpu.memory_space<semaphore_mem>>) src(%arg23 : memref<40x128xf32, #tpu.memory_space<vmem>>) dst(%dma_wait3A_646 : memref<40x128xf32, #tpu.memory_space<hbm>>)
        tpu.yield
      }) : () -> ()
    } else {
    }
    %mul3A_515 = arith.constant 16 : i32
    %mul3A_516 = arith.muli %arg1, %mul3A_515 : i32
    %add3A_517 = arith.constant 3 : i32
    %add3A_518 = arith.addi %mul3A_516, %add3A_517 : i32
    %lt3A_519 = arith.constant 250 : i32
    %lt3A_520 = arith.cmpi slt, %add3A_518, %lt3A_519 : i32
    %convert_element_type3A_521 = arith.extui %lt3A_520 : i1 to i32
    %cond3A_522 = arith.constant 0 : i32
    %cond3A_523 = arith.cmpi ne, %convert_element_type3A_521, %cond3A_522 : i32
    scf.if %cond3A_523 {
      %mul3A_632 = arith.constant 40 : i32
      %mul3A_633 = arith.muli %add3A_518, %mul3A_632 : i32
      "tpu.region"() ({
        %run_scoped3A = tpu.sem_alloc : memref<!tpu.dma_semaphore, #tpu.memory_space<semaphore_mem>>
        %dma_start3A = arith.constant 0 : i32
        %dma_start3A_636 = tpu.memref_slice %arg25[%mul3A_633, %dma_start3A] : memref<10000x128xf32, #tpu.memory_space<vmem_shared>> -> memref<40x128xf32, #tpu.memory_space<vmem_shared>>
        %dma_start3A_637 = arith.constant 0 : i32
        %dma_start3A_638 = tpu.memref_slice %arg25[%mul3A_633, %dma_start3A_637] : memref<10000x128xf32, #tpu.memory_space<vmem_shared>> -> memref<40x128xf32, #tpu.memory_space<vmem_shared>>
        tpu.enqueue_dma source(%dma_start3A_638 : memref<40x128xf32, #tpu.memory_space<vmem_shared>>) target(%arg23 : memref<40x128xf32, #tpu.memory_space<vmem>>) target_semaphore(%run_scoped3A : memref<!tpu.dma_semaphore, #tpu.memory_space<semaphore_mem>>)
        %dma_wait3A_639 = arith.constant 0 : i32
        %dma_wait3A_640 = tpu.memref_slice %arg25[%mul3A_633, %dma_wait3A_639] : memref<10000x128xf32, #tpu.memory_space<vmem_shared>> -> memref<40x128xf32, #tpu.memory_space<vmem_shared>>
        %dma_wait3A_641 = arith.constant 0 : i32
        %dma_wait3A_642 = tpu.memref_slice %arg25[%mul3A_633, %dma_wait3A_641] : memref<10000x128xf32, #tpu.memory_space<vmem_shared>> -> memref<40x128xf32, #tpu.memory_space<vmem_shared>>
        tpu.wait_dma2 semaphore(%run_scoped3A : memref<!tpu.dma_semaphore, #tpu.memory_space<semaphore_mem>>) src(%dma_wait3A_642 : memref<40x128xf32, #tpu.memory_space<vmem_shared>>) dst(%arg23 : memref<40x128xf32, #tpu.memory_space<vmem>>)
        tpu.yield
      }) : () -> ()
      %mul3A_634 = arith.constant 40 : i32
      %mul3A_635 = arith.muli %add3A_518, %mul3A_634 : i32
      "tpu.region"() ({
        %run_scoped3A = tpu.sem_alloc : memref<!tpu.dma_semaphore, #tpu.memory_space<semaphore_mem>>
        %dma_start3A = arith.constant 0 : i32
        %dma_start3A_636 = tpu.memref_slice %arg12[%arg0, %mul3A_635, %dma_start3A] : memref<2x10000x128xf32, #tpu.memory_space<hbm>> -> memref<1x40x128xf32, #tpu.memory_space<hbm>>
        %dma_start3A_637 = tpu.memref_squeeze %dma_start3A_636 : memref<1x40x128xf32, #tpu.memory_space<hbm>> -> memref<40x128xf32, #tpu.memory_space<hbm>>
        %dma_start3A_638 = arith.constant 0 : i32
        %dma_start3A_639 = tpu.memref_slice %arg12[%arg0, %mul3A_635, %dma_start3A_638] : memref<2x10000x128xf32, #tpu.memory_space<hbm>> -> memref<1x40x128xf32, #tpu.memory_space<hbm>>
        %dma_start3A_640 = tpu.memref_squeeze %dma_start3A_639 : memref<1x40x128xf32, #tpu.memory_space<hbm>> -> memref<40x128xf32, #tpu.memory_space<hbm>>
        tpu.enqueue_dma source(%arg23 : memref<40x128xf32, #tpu.memory_space<vmem>>) target(%dma_start3A_640 : memref<40x128xf32, #tpu.memory_space<hbm>>) target_semaphore(%run_scoped3A : memref<!tpu.dma_semaphore, #tpu.memory_space<semaphore_mem>>)
        %dma_wait3A_641 = arith.constant 0 : i32
        %dma_wait3A_642 = tpu.memref_slice %arg12[%arg0, %mul3A_635, %dma_wait3A_641] : memref<2x10000x128xf32, #tpu.memory_space<hbm>> -> memref<1x40x128xf32, #tpu.memory_space<hbm>>
        %dma_wait3A_643 = tpu.memref_squeeze %dma_wait3A_642 : memref<1x40x128xf32, #tpu.memory_space<hbm>> -> memref<40x128xf32, #tpu.memory_space<hbm>>
        %dma_wait3A_644 = arith.constant 0 : i32
        %dma_wait3A_645 = tpu.memref_slice %arg12[%arg0, %mul3A_635, %dma_wait3A_644] : memref<2x10000x128xf32, #tpu.memory_space<hbm>> -> memref<1x40x128xf32, #tpu.memory_space<hbm>>
        %dma_wait3A_646 = tpu.memref_squeeze %dma_wait3A_645 : memref<1x40x128xf32, #tpu.memory_space<hbm>> -> memref<40x128xf32, #tpu.memory_space<hbm>>
        tpu.wait_dma2 semaphore(%run_scoped3A : memref<!tpu.dma_semaphore, #tpu.memory_space<semaphore_mem>>) src(%arg23 : memref<40x128xf32, #tpu.memory_space<vmem>>) dst(%dma_wait3A_646 : memref<40x128xf32, #tpu.memory_space<hbm>>)
        tpu.yield
      }) : () -> ()
    } else {
    }
    %mul3A_524 = arith.constant 16 : i32
    %mul3A_525 = arith.muli %arg1, %mul3A_524 : i32
    %add3A_526 = arith.constant 4 : i32
    %add3A_527 = arith.addi %mul3A_525, %add3A_526 : i32
    %lt3A_528 = arith.constant 250 : i32
    %lt3A_529 = arith.cmpi slt, %add3A_527, %lt3A_528 : i32
    %convert_element_type3A_530 = arith.extui %lt3A_529 : i1 to i32
    %cond3A_531 = arith.constant 0 : i32
    %cond3A_532 = arith.cmpi ne, %convert_element_type3A_530, %cond3A_531 : i32
    scf.if %cond3A_532 {
      %mul3A_632 = arith.constant 40 : i32
      %mul3A_633 = arith.muli %add3A_527, %mul3A_632 : i32
      "tpu.region"() ({
        %run_scoped3A = tpu.sem_alloc : memref<!tpu.dma_semaphore, #tpu.memory_space<semaphore_mem>>
        %dma_start3A = arith.constant 0 : i32
        %dma_start3A_636 = tpu.memref_slice %arg25[%mul3A_633, %dma_start3A] : memref<10000x128xf32, #tpu.memory_space<vmem_shared>> -> memref<40x128xf32, #tpu.memory_space<vmem_shared>>
        %dma_start3A_637 = arith.constant 0 : i32
        %dma_start3A_638 = tpu.memref_slice %arg25[%mul3A_633, %dma_start3A_637] : memref<10000x128xf32, #tpu.memory_space<vmem_shared>> -> memref<40x128xf32, #tpu.memory_space<vmem_shared>>
        tpu.enqueue_dma source(%dma_start3A_638 : memref<40x128xf32, #tpu.memory_space<vmem_shared>>) target(%arg23 : memref<40x128xf32, #tpu.memory_space<vmem>>) target_semaphore(%run_scoped3A : memref<!tpu.dma_semaphore, #tpu.memory_space<semaphore_mem>>)
        %dma_wait3A_639 = arith.constant 0 : i32
        %dma_wait3A_640 = tpu.memref_slice %arg25[%mul3A_633, %dma_wait3A_639] : memref<10000x128xf32, #tpu.memory_space<vmem_shared>> -> memref<40x128xf32, #tpu.memory_space<vmem_shared>>
        %dma_wait3A_641 = arith.constant 0 : i32
        %dma_wait3A_642 = tpu.memref_slice %arg25[%mul3A_633, %dma_wait3A_641] : memref<10000x128xf32, #tpu.memory_space<vmem_shared>> -> memref<40x128xf32, #tpu.memory_space<vmem_shared>>
        tpu.wait_dma2 semaphore(%run_scoped3A : memref<!tpu.dma_semaphore, #tpu.memory_space<semaphore_mem>>) src(%dma_wait3A_642 : memref<40x128xf32, #tpu.memory_space<vmem_shared>>) dst(%arg23 : memref<40x128xf32, #tpu.memory_space<vmem>>)
        tpu.yield
      }) : () -> ()
      %mul3A_634 = arith.constant 40 : i32
      %mul3A_635 = arith.muli %add3A_527, %mul3A_634 : i32
      "tpu.region"() ({
        %run_scoped3A = tpu.sem_alloc : memref<!tpu.dma_semaphore, #tpu.memory_space<semaphore_mem>>
        %dma_start3A = arith.constant 0 : i32
        %dma_start3A_636 = tpu.memref_slice %arg12[%arg0, %mul3A_635, %dma_start3A] : memref<2x10000x128xf32, #tpu.memory_space<hbm>> -> memref<1x40x128xf32, #tpu.memory_space<hbm>>
        %dma_start3A_637 = tpu.memref_squeeze %dma_start3A_636 : memref<1x40x128xf32, #tpu.memory_space<hbm>> -> memref<40x128xf32, #tpu.memory_space<hbm>>
        %dma_start3A_638 = arith.constant 0 : i32
        %dma_start3A_639 = tpu.memref_slice %arg12[%arg0, %mul3A_635, %dma_start3A_638] : memref<2x10000x128xf32, #tpu.memory_space<hbm>> -> memref<1x40x128xf32, #tpu.memory_space<hbm>>
        %dma_start3A_640 = tpu.memref_squeeze %dma_start3A_639 : memref<1x40x128xf32, #tpu.memory_space<hbm>> -> memref<40x128xf32, #tpu.memory_space<hbm>>
        tpu.enqueue_dma source(%arg23 : memref<40x128xf32, #tpu.memory_space<vmem>>) target(%dma_start3A_640 : memref<40x128xf32, #tpu.memory_space<hbm>>) target_semaphore(%run_scoped3A : memref<!tpu.dma_semaphore, #tpu.memory_space<semaphore_mem>>)
        %dma_wait3A_641 = arith.constant 0 : i32
        %dma_wait3A_642 = tpu.memref_slice %arg12[%arg0, %mul3A_635, %dma_wait3A_641] : memref<2x10000x128xf32, #tpu.memory_space<hbm>> -> memref<1x40x128xf32, #tpu.memory_space<hbm>>
        %dma_wait3A_643 = tpu.memref_squeeze %dma_wait3A_642 : memref<1x40x128xf32, #tpu.memory_space<hbm>> -> memref<40x128xf32, #tpu.memory_space<hbm>>
        %dma_wait3A_644 = arith.constant 0 : i32
        %dma_wait3A_645 = tpu.memref_slice %arg12[%arg0, %mul3A_635, %dma_wait3A_644] : memref<2x10000x128xf32, #tpu.memory_space<hbm>> -> memref<1x40x128xf32, #tpu.memory_space<hbm>>
        %dma_wait3A_646 = tpu.memref_squeeze %dma_wait3A_645 : memref<1x40x128xf32, #tpu.memory_space<hbm>> -> memref<40x128xf32, #tpu.memory_space<hbm>>
        tpu.wait_dma2 semaphore(%run_scoped3A : memref<!tpu.dma_semaphore, #tpu.memory_space<semaphore_mem>>) src(%arg23 : memref<40x128xf32, #tpu.memory_space<vmem>>) dst(%dma_wait3A_646 : memref<40x128xf32, #tpu.memory_space<hbm>>)
        tpu.yield
      }) : () -> ()
    } else {
    }
    %mul3A_533 = arith.constant 16 : i32
    %mul3A_534 = arith.muli %arg1, %mul3A_533 : i32
    %add3A_535 = arith.constant 5 : i32
    %add3A_536 = arith.addi %mul3A_534, %add3A_535 : i32
    %lt3A_537 = arith.constant 250 : i32
    %lt3A_538 = arith.cmpi slt, %add3A_536, %lt3A_537 : i32
    %convert_element_type3A_539 = arith.extui %lt3A_538 : i1 to i32
    %cond3A_540 = arith.constant 0 : i32
    %cond3A_541 = arith.cmpi ne, %convert_element_type3A_539, %cond3A_540 : i32
    scf.if %cond3A_541 {
      %mul3A_632 = arith.constant 40 : i32
      %mul3A_633 = arith.muli %add3A_536, %mul3A_632 : i32
      "tpu.region"() ({
        %run_scoped3A = tpu.sem_alloc : memref<!tpu.dma_semaphore, #tpu.memory_space<semaphore_mem>>
        %dma_start3A = arith.constant 0 : i32
        %dma_start3A_636 = tpu.memref_slice %arg25[%mul3A_633, %dma_start3A] : memref<10000x128xf32, #tpu.memory_space<vmem_shared>> -> memref<40x128xf32, #tpu.memory_space<vmem_shared>>
        %dma_start3A_637 = arith.constant 0 : i32
        %dma_start3A_638 = tpu.memref_slice %arg25[%mul3A_633, %dma_start3A_637] : memref<10000x128xf32, #tpu.memory_space<vmem_shared>> -> memref<40x128xf32, #tpu.memory_space<vmem_shared>>
        tpu.enqueue_dma source(%dma_start3A_638 : memref<40x128xf32, #tpu.memory_space<vmem_shared>>) target(%arg23 : memref<40x128xf32, #tpu.memory_space<vmem>>) target_semaphore(%run_scoped3A : memref<!tpu.dma_semaphore, #tpu.memory_space<semaphore_mem>>)
        %dma_wait3A_639 = arith.constant 0 : i32
        %dma_wait3A_640 = tpu.memref_slice %arg25[%mul3A_633, %dma_wait3A_639] : memref<10000x128xf32, #tpu.memory_space<vmem_shared>> -> memref<40x128xf32, #tpu.memory_space<vmem_shared>>
        %dma_wait3A_641 = arith.constant 0 : i32
        %dma_wait3A_642 = tpu.memref_slice %arg25[%mul3A_633, %dma_wait3A_641] : memref<10000x128xf32, #tpu.memory_space<vmem_shared>> -> memref<40x128xf32, #tpu.memory_space<vmem_shared>>
        tpu.wait_dma2 semaphore(%run_scoped3A : memref<!tpu.dma_semaphore, #tpu.memory_space<semaphore_mem>>) src(%dma_wait3A_642 : memref<40x128xf32, #tpu.memory_space<vmem_shared>>) dst(%arg23 : memref<40x128xf32, #tpu.memory_space<vmem>>)
        tpu.yield
      }) : () -> ()
      %mul3A_634 = arith.constant 40 : i32
      %mul3A_635 = arith.muli %add3A_536, %mul3A_634 : i32
      "tpu.region"() ({
        %run_scoped3A = tpu.sem_alloc : memref<!tpu.dma_semaphore, #tpu.memory_space<semaphore_mem>>
        %dma_start3A = arith.constant 0 : i32
        %dma_start3A_636 = tpu.memref_slice %arg12[%arg0, %mul3A_635, %dma_start3A] : memref<2x10000x128xf32, #tpu.memory_space<hbm>> -> memref<1x40x128xf32, #tpu.memory_space<hbm>>
        %dma_start3A_637 = tpu.memref_squeeze %dma_start3A_636 : memref<1x40x128xf32, #tpu.memory_space<hbm>> -> memref<40x128xf32, #tpu.memory_space<hbm>>
        %dma_start3A_638 = arith.constant 0 : i32
        %dma_start3A_639 = tpu.memref_slice %arg12[%arg0, %mul3A_635, %dma_start3A_638] : memref<2x10000x128xf32, #tpu.memory_space<hbm>> -> memref<1x40x128xf32, #tpu.memory_space<hbm>>
        %dma_start3A_640 = tpu.memref_squeeze %dma_start3A_639 : memref<1x40x128xf32, #tpu.memory_space<hbm>> -> memref<40x128xf32, #tpu.memory_space<hbm>>
        tpu.enqueue_dma source(%arg23 : memref<40x128xf32, #tpu.memory_space<vmem>>) target(%dma_start3A_640 : memref<40x128xf32, #tpu.memory_space<hbm>>) target_semaphore(%run_scoped3A : memref<!tpu.dma_semaphore, #tpu.memory_space<semaphore_mem>>)
        %dma_wait3A_641 = arith.constant 0 : i32
        %dma_wait3A_642 = tpu.memref_slice %arg12[%arg0, %mul3A_635, %dma_wait3A_641] : memref<2x10000x128xf32, #tpu.memory_space<hbm>> -> memref<1x40x128xf32, #tpu.memory_space<hbm>>
        %dma_wait3A_643 = tpu.memref_squeeze %dma_wait3A_642 : memref<1x40x128xf32, #tpu.memory_space<hbm>> -> memref<40x128xf32, #tpu.memory_space<hbm>>
        %dma_wait3A_644 = arith.constant 0 : i32
        %dma_wait3A_645 = tpu.memref_slice %arg12[%arg0, %mul3A_635, %dma_wait3A_644] : memref<2x10000x128xf32, #tpu.memory_space<hbm>> -> memref<1x40x128xf32, #tpu.memory_space<hbm>>
        %dma_wait3A_646 = tpu.memref_squeeze %dma_wait3A_645 : memref<1x40x128xf32, #tpu.memory_space<hbm>> -> memref<40x128xf32, #tpu.memory_space<hbm>>
        tpu.wait_dma2 semaphore(%run_scoped3A : memref<!tpu.dma_semaphore, #tpu.memory_space<semaphore_mem>>) src(%arg23 : memref<40x128xf32, #tpu.memory_space<vmem>>) dst(%dma_wait3A_646 : memref<40x128xf32, #tpu.memory_space<hbm>>)
        tpu.yield
      }) : () -> ()
    } else {
    }
    %mul3A_542 = arith.constant 16 : i32
    %mul3A_543 = arith.muli %arg1, %mul3A_542 : i32
    %add3A_544 = arith.constant 6 : i32
    %add3A_545 = arith.addi %mul3A_543, %add3A_544 : i32
    %lt3A_546 = arith.constant 250 : i32
    %lt3A_547 = arith.cmpi slt, %add3A_545, %lt3A_546 : i32
    %convert_element_type3A_548 = arith.extui %lt3A_547 : i1 to i32
    %cond3A_549 = arith.constant 0 : i32
    %cond3A_550 = arith.cmpi ne, %convert_element_type3A_548, %cond3A_549 : i32
    scf.if %cond3A_550 {
      %mul3A_632 = arith.constant 40 : i32
      %mul3A_633 = arith.muli %add3A_545, %mul3A_632 : i32
      "tpu.region"() ({
        %run_scoped3A = tpu.sem_alloc : memref<!tpu.dma_semaphore, #tpu.memory_space<semaphore_mem>>
        %dma_start3A = arith.constant 0 : i32
        %dma_start3A_636 = tpu.memref_slice %arg25[%mul3A_633, %dma_start3A] : memref<10000x128xf32, #tpu.memory_space<vmem_shared>> -> memref<40x128xf32, #tpu.memory_space<vmem_shared>>
        %dma_start3A_637 = arith.constant 0 : i32
        %dma_start3A_638 = tpu.memref_slice %arg25[%mul3A_633, %dma_start3A_637] : memref<10000x128xf32, #tpu.memory_space<vmem_shared>> -> memref<40x128xf32, #tpu.memory_space<vmem_shared>>
        tpu.enqueue_dma source(%dma_start3A_638 : memref<40x128xf32, #tpu.memory_space<vmem_shared>>) target(%arg23 : memref<40x128xf32, #tpu.memory_space<vmem>>) target_semaphore(%run_scoped3A : memref<!tpu.dma_semaphore, #tpu.memory_space<semaphore_mem>>)
        %dma_wait3A_639 = arith.constant 0 : i32
        %dma_wait3A_640 = tpu.memref_slice %arg25[%mul3A_633, %dma_wait3A_639] : memref<10000x128xf32, #tpu.memory_space<vmem_shared>> -> memref<40x128xf32, #tpu.memory_space<vmem_shared>>
        %dma_wait3A_641 = arith.constant 0 : i32
        %dma_wait3A_642 = tpu.memref_slice %arg25[%mul3A_633, %dma_wait3A_641] : memref<10000x128xf32, #tpu.memory_space<vmem_shared>> -> memref<40x128xf32, #tpu.memory_space<vmem_shared>>
        tpu.wait_dma2 semaphore(%run_scoped3A : memref<!tpu.dma_semaphore, #tpu.memory_space<semaphore_mem>>) src(%dma_wait3A_642 : memref<40x128xf32, #tpu.memory_space<vmem_shared>>) dst(%arg23 : memref<40x128xf32, #tpu.memory_space<vmem>>)
        tpu.yield
      }) : () -> ()
      %mul3A_634 = arith.constant 40 : i32
      %mul3A_635 = arith.muli %add3A_545, %mul3A_634 : i32
      "tpu.region"() ({
        %run_scoped3A = tpu.sem_alloc : memref<!tpu.dma_semaphore, #tpu.memory_space<semaphore_mem>>
        %dma_start3A = arith.constant 0 : i32
        %dma_start3A_636 = tpu.memref_slice %arg12[%arg0, %mul3A_635, %dma_start3A] : memref<2x10000x128xf32, #tpu.memory_space<hbm>> -> memref<1x40x128xf32, #tpu.memory_space<hbm>>
        %dma_start3A_637 = tpu.memref_squeeze %dma_start3A_636 : memref<1x40x128xf32, #tpu.memory_space<hbm>> -> memref<40x128xf32, #tpu.memory_space<hbm>>
        %dma_start3A_638 = arith.constant 0 : i32
        %dma_start3A_639 = tpu.memref_slice %arg12[%arg0, %mul3A_635, %dma_start3A_638] : memref<2x10000x128xf32, #tpu.memory_space<hbm>> -> memref<1x40x128xf32, #tpu.memory_space<hbm>>
        %dma_start3A_640 = tpu.memref_squeeze %dma_start3A_639 : memref<1x40x128xf32, #tpu.memory_space<hbm>> -> memref<40x128xf32, #tpu.memory_space<hbm>>
        tpu.enqueue_dma source(%arg23 : memref<40x128xf32, #tpu.memory_space<vmem>>) target(%dma_start3A_640 : memref<40x128xf32, #tpu.memory_space<hbm>>) target_semaphore(%run_scoped3A : memref<!tpu.dma_semaphore, #tpu.memory_space<semaphore_mem>>)
        %dma_wait3A_641 = arith.constant 0 : i32
        %dma_wait3A_642 = tpu.memref_slice %arg12[%arg0, %mul3A_635, %dma_wait3A_641] : memref<2x10000x128xf32, #tpu.memory_space<hbm>> -> memref<1x40x128xf32, #tpu.memory_space<hbm>>
        %dma_wait3A_643 = tpu.memref_squeeze %dma_wait3A_642 : memref<1x40x128xf32, #tpu.memory_space<hbm>> -> memref<40x128xf32, #tpu.memory_space<hbm>>
        %dma_wait3A_644 = arith.constant 0 : i32
        %dma_wait3A_645 = tpu.memref_slice %arg12[%arg0, %mul3A_635, %dma_wait3A_644] : memref<2x10000x128xf32, #tpu.memory_space<hbm>> -> memref<1x40x128xf32, #tpu.memory_space<hbm>>
        %dma_wait3A_646 = tpu.memref_squeeze %dma_wait3A_645 : memref<1x40x128xf32, #tpu.memory_space<hbm>> -> memref<40x128xf32, #tpu.memory_space<hbm>>
        tpu.wait_dma2 semaphore(%run_scoped3A : memref<!tpu.dma_semaphore, #tpu.memory_space<semaphore_mem>>) src(%arg23 : memref<40x128xf32, #tpu.memory_space<vmem>>) dst(%dma_wait3A_646 : memref<40x128xf32, #tpu.memory_space<hbm>>)
        tpu.yield
      }) : () -> ()
    } else {
    }
    %mul3A_551 = arith.constant 16 : i32
    %mul3A_552 = arith.muli %arg1, %mul3A_551 : i32
    %add3A_553 = arith.constant 7 : i32
    %add3A_554 = arith.addi %mul3A_552, %add3A_553 : i32
    %lt3A_555 = arith.constant 250 : i32
    %lt3A_556 = arith.cmpi slt, %add3A_554, %lt3A_555 : i32
    %convert_element_type3A_557 = arith.extui %lt3A_556 : i1 to i32
    %cond3A_558 = arith.constant 0 : i32
    %cond3A_559 = arith.cmpi ne, %convert_element_type3A_557, %cond3A_558 : i32
    scf.if %cond3A_559 {
      %mul3A_632 = arith.constant 40 : i32
      %mul3A_633 = arith.muli %add3A_554, %mul3A_632 : i32
      "tpu.region"() ({
        %run_scoped3A = tpu.sem_alloc : memref<!tpu.dma_semaphore, #tpu.memory_space<semaphore_mem>>
        %dma_start3A = arith.constant 0 : i32
        %dma_start3A_636 = tpu.memref_slice %arg25[%mul3A_633, %dma_start3A] : memref<10000x128xf32, #tpu.memory_space<vmem_shared>> -> memref<40x128xf32, #tpu.memory_space<vmem_shared>>
        %dma_start3A_637 = arith.constant 0 : i32
        %dma_start3A_638 = tpu.memref_slice %arg25[%mul3A_633, %dma_start3A_637] : memref<10000x128xf32, #tpu.memory_space<vmem_shared>> -> memref<40x128xf32, #tpu.memory_space<vmem_shared>>
        tpu.enqueue_dma source(%dma_start3A_638 : memref<40x128xf32, #tpu.memory_space<vmem_shared>>) target(%arg23 : memref<40x128xf32, #tpu.memory_space<vmem>>) target_semaphore(%run_scoped3A : memref<!tpu.dma_semaphore, #tpu.memory_space<semaphore_mem>>)
        %dma_wait3A_639 = arith.constant 0 : i32
        %dma_wait3A_640 = tpu.memref_slice %arg25[%mul3A_633, %dma_wait3A_639] : memref<10000x128xf32, #tpu.memory_space<vmem_shared>> -> memref<40x128xf32, #tpu.memory_space<vmem_shared>>
        %dma_wait3A_641 = arith.constant 0 : i32
        %dma_wait3A_642 = tpu.memref_slice %arg25[%mul3A_633, %dma_wait3A_641] : memref<10000x128xf32, #tpu.memory_space<vmem_shared>> -> memref<40x128xf32, #tpu.memory_space<vmem_shared>>
        tpu.wait_dma2 semaphore(%run_scoped3A : memref<!tpu.dma_semaphore, #tpu.memory_space<semaphore_mem>>) src(%dma_wait3A_642 : memref<40x128xf32, #tpu.memory_space<vmem_shared>>) dst(%arg23 : memref<40x128xf32, #tpu.memory_space<vmem>>)
        tpu.yield
      }) : () -> ()
      %mul3A_634 = arith.constant 40 : i32
      %mul3A_635 = arith.muli %add3A_554, %mul3A_634 : i32
      "tpu.region"() ({
        %run_scoped3A = tpu.sem_alloc : memref<!tpu.dma_semaphore, #tpu.memory_space<semaphore_mem>>
        %dma_start3A = arith.constant 0 : i32
        %dma_start3A_636 = tpu.memref_slice %arg12[%arg0, %mul3A_635, %dma_start3A] : memref<2x10000x128xf32, #tpu.memory_space<hbm>> -> memref<1x40x128xf32, #tpu.memory_space<hbm>>
        %dma_start3A_637 = tpu.memref_squeeze %dma_start3A_636 : memref<1x40x128xf32, #tpu.memory_space<hbm>> -> memref<40x128xf32, #tpu.memory_space<hbm>>
        %dma_start3A_638 = arith.constant 0 : i32
        %dma_start3A_639 = tpu.memref_slice %arg12[%arg0, %mul3A_635, %dma_start3A_638] : memref<2x10000x128xf32, #tpu.memory_space<hbm>> -> memref<1x40x128xf32, #tpu.memory_space<hbm>>
        %dma_start3A_640 = tpu.memref_squeeze %dma_start3A_639 : memref<1x40x128xf32, #tpu.memory_space<hbm>> -> memref<40x128xf32, #tpu.memory_space<hbm>>
        tpu.enqueue_dma source(%arg23 : memref<40x128xf32, #tpu.memory_space<vmem>>) target(%dma_start3A_640 : memref<40x128xf32, #tpu.memory_space<hbm>>) target_semaphore(%run_scoped3A : memref<!tpu.dma_semaphore, #tpu.memory_space<semaphore_mem>>)
        %dma_wait3A_641 = arith.constant 0 : i32
        %dma_wait3A_642 = tpu.memref_slice %arg12[%arg0, %mul3A_635, %dma_wait3A_641] : memref<2x10000x128xf32, #tpu.memory_space<hbm>> -> memref<1x40x128xf32, #tpu.memory_space<hbm>>
        %dma_wait3A_643 = tpu.memref_squeeze %dma_wait3A_642 : memref<1x40x128xf32, #tpu.memory_space<hbm>> -> memref<40x128xf32, #tpu.memory_space<hbm>>
        %dma_wait3A_644 = arith.constant 0 : i32
        %dma_wait3A_645 = tpu.memref_slice %arg12[%arg0, %mul3A_635, %dma_wait3A_644] : memref<2x10000x128xf32, #tpu.memory_space<hbm>> -> memref<1x40x128xf32, #tpu.memory_space<hbm>>
        %dma_wait3A_646 = tpu.memref_squeeze %dma_wait3A_645 : memref<1x40x128xf32, #tpu.memory_space<hbm>> -> memref<40x128xf32, #tpu.memory_space<hbm>>
        tpu.wait_dma2 semaphore(%run_scoped3A : memref<!tpu.dma_semaphore, #tpu.memory_space<semaphore_mem>>) src(%arg23 : memref<40x128xf32, #tpu.memory_space<vmem>>) dst(%dma_wait3A_646 : memref<40x128xf32, #tpu.memory_space<hbm>>)
        tpu.yield
      }) : () -> ()
    } else {
    }
    %mul3A_560 = arith.constant 16 : i32
    %mul3A_561 = arith.muli %arg1, %mul3A_560 : i32
    %add3A_562 = arith.constant 8 : i32
    %add3A_563 = arith.addi %mul3A_561, %add3A_562 : i32
    %lt3A_564 = arith.constant 250 : i32
    %lt3A_565 = arith.cmpi slt, %add3A_563, %lt3A_564 : i32
    %convert_element_type3A_566 = arith.extui %lt3A_565 : i1 to i32
    %cond3A_567 = arith.constant 0 : i32
    %cond3A_568 = arith.cmpi ne, %convert_element_type3A_566, %cond3A_567 : i32
    scf.if %cond3A_568 {
      %mul3A_632 = arith.constant 40 : i32
      %mul3A_633 = arith.muli %add3A_563, %mul3A_632 : i32
      "tpu.region"() ({
        %run_scoped3A = tpu.sem_alloc : memref<!tpu.dma_semaphore, #tpu.memory_space<semaphore_mem>>
        %dma_start3A = arith.constant 0 : i32
        %dma_start3A_636 = tpu.memref_slice %arg25[%mul3A_633, %dma_start3A] : memref<10000x128xf32, #tpu.memory_space<vmem_shared>> -> memref<40x128xf32, #tpu.memory_space<vmem_shared>>
        %dma_start3A_637 = arith.constant 0 : i32
        %dma_start3A_638 = tpu.memref_slice %arg25[%mul3A_633, %dma_start3A_637] : memref<10000x128xf32, #tpu.memory_space<vmem_shared>> -> memref<40x128xf32, #tpu.memory_space<vmem_shared>>
        tpu.enqueue_dma source(%dma_start3A_638 : memref<40x128xf32, #tpu.memory_space<vmem_shared>>) target(%arg23 : memref<40x128xf32, #tpu.memory_space<vmem>>) target_semaphore(%run_scoped3A : memref<!tpu.dma_semaphore, #tpu.memory_space<semaphore_mem>>)
        %dma_wait3A_639 = arith.constant 0 : i32
        %dma_wait3A_640 = tpu.memref_slice %arg25[%mul3A_633, %dma_wait3A_639] : memref<10000x128xf32, #tpu.memory_space<vmem_shared>> -> memref<40x128xf32, #tpu.memory_space<vmem_shared>>
        %dma_wait3A_641 = arith.constant 0 : i32
        %dma_wait3A_642 = tpu.memref_slice %arg25[%mul3A_633, %dma_wait3A_641] : memref<10000x128xf32, #tpu.memory_space<vmem_shared>> -> memref<40x128xf32, #tpu.memory_space<vmem_shared>>
        tpu.wait_dma2 semaphore(%run_scoped3A : memref<!tpu.dma_semaphore, #tpu.memory_space<semaphore_mem>>) src(%dma_wait3A_642 : memref<40x128xf32, #tpu.memory_space<vmem_shared>>) dst(%arg23 : memref<40x128xf32, #tpu.memory_space<vmem>>)
        tpu.yield
      }) : () -> ()
      %mul3A_634 = arith.constant 40 : i32
      %mul3A_635 = arith.muli %add3A_563, %mul3A_634 : i32
      "tpu.region"() ({
        %run_scoped3A = tpu.sem_alloc : memref<!tpu.dma_semaphore, #tpu.memory_space<semaphore_mem>>
        %dma_start3A = arith.constant 0 : i32
        %dma_start3A_636 = tpu.memref_slice %arg12[%arg0, %mul3A_635, %dma_start3A] : memref<2x10000x128xf32, #tpu.memory_space<hbm>> -> memref<1x40x128xf32, #tpu.memory_space<hbm>>
        %dma_start3A_637 = tpu.memref_squeeze %dma_start3A_636 : memref<1x40x128xf32, #tpu.memory_space<hbm>> -> memref<40x128xf32, #tpu.memory_space<hbm>>
        %dma_start3A_638 = arith.constant 0 : i32
        %dma_start3A_639 = tpu.memref_slice %arg12[%arg0, %mul3A_635, %dma_start3A_638] : memref<2x10000x128xf32, #tpu.memory_space<hbm>> -> memref<1x40x128xf32, #tpu.memory_space<hbm>>
        %dma_start3A_640 = tpu.memref_squeeze %dma_start3A_639 : memref<1x40x128xf32, #tpu.memory_space<hbm>> -> memref<40x128xf32, #tpu.memory_space<hbm>>
        tpu.enqueue_dma source(%arg23 : memref<40x128xf32, #tpu.memory_space<vmem>>) target(%dma_start3A_640 : memref<40x128xf32, #tpu.memory_space<hbm>>) target_semaphore(%run_scoped3A : memref<!tpu.dma_semaphore, #tpu.memory_space<semaphore_mem>>)
        %dma_wait3A_641 = arith.constant 0 : i32
        %dma_wait3A_642 = tpu.memref_slice %arg12[%arg0, %mul3A_635, %dma_wait3A_641] : memref<2x10000x128xf32, #tpu.memory_space<hbm>> -> memref<1x40x128xf32, #tpu.memory_space<hbm>>
        %dma_wait3A_643 = tpu.memref_squeeze %dma_wait3A_642 : memref<1x40x128xf32, #tpu.memory_space<hbm>> -> memref<40x128xf32, #tpu.memory_space<hbm>>
        %dma_wait3A_644 = arith.constant 0 : i32
        %dma_wait3A_645 = tpu.memref_slice %arg12[%arg0, %mul3A_635, %dma_wait3A_644] : memref<2x10000x128xf32, #tpu.memory_space<hbm>> -> memref<1x40x128xf32, #tpu.memory_space<hbm>>
        %dma_wait3A_646 = tpu.memref_squeeze %dma_wait3A_645 : memref<1x40x128xf32, #tpu.memory_space<hbm>> -> memref<40x128xf32, #tpu.memory_space<hbm>>
        tpu.wait_dma2 semaphore(%run_scoped3A : memref<!tpu.dma_semaphore, #tpu.memory_space<semaphore_mem>>) src(%arg23 : memref<40x128xf32, #tpu.memory_space<vmem>>) dst(%dma_wait3A_646 : memref<40x128xf32, #tpu.memory_space<hbm>>)
        tpu.yield
      }) : () -> ()
    } else {
    }
    %mul3A_569 = arith.constant 16 : i32
    %mul3A_570 = arith.muli %arg1, %mul3A_569 : i32
    %add3A_571 = arith.constant 9 : i32
    %add3A_572 = arith.addi %mul3A_570, %add3A_571 : i32
    %lt3A_573 = arith.constant 250 : i32
    %lt3A_574 = arith.cmpi slt, %add3A_572, %lt3A_573 : i32
    %convert_element_type3A_575 = arith.extui %lt3A_574 : i1 to i32
    %cond3A_576 = arith.constant 0 : i32
    %cond3A_577 = arith.cmpi ne, %convert_element_type3A_575, %cond3A_576 : i32
    scf.if %cond3A_577 {
      %mul3A_632 = arith.constant 40 : i32
      %mul3A_633 = arith.muli %add3A_572, %mul3A_632 : i32
      "tpu.region"() ({
        %run_scoped3A = tpu.sem_alloc : memref<!tpu.dma_semaphore, #tpu.memory_space<semaphore_mem>>
        %dma_start3A = arith.constant 0 : i32
        %dma_start3A_636 = tpu.memref_slice %arg25[%mul3A_633, %dma_start3A] : memref<10000x128xf32, #tpu.memory_space<vmem_shared>> -> memref<40x128xf32, #tpu.memory_space<vmem_shared>>
        %dma_start3A_637 = arith.constant 0 : i32
        %dma_start3A_638 = tpu.memref_slice %arg25[%mul3A_633, %dma_start3A_637] : memref<10000x128xf32, #tpu.memory_space<vmem_shared>> -> memref<40x128xf32, #tpu.memory_space<vmem_shared>>
        tpu.enqueue_dma source(%dma_start3A_638 : memref<40x128xf32, #tpu.memory_space<vmem_shared>>) target(%arg23 : memref<40x128xf32, #tpu.memory_space<vmem>>) target_semaphore(%run_scoped3A : memref<!tpu.dma_semaphore, #tpu.memory_space<semaphore_mem>>)
        %dma_wait3A_639 = arith.constant 0 : i32
        %dma_wait3A_640 = tpu.memref_slice %arg25[%mul3A_633, %dma_wait3A_639] : memref<10000x128xf32, #tpu.memory_space<vmem_shared>> -> memref<40x128xf32, #tpu.memory_space<vmem_shared>>
        %dma_wait3A_641 = arith.constant 0 : i32
        %dma_wait3A_642 = tpu.memref_slice %arg25[%mul3A_633, %dma_wait3A_641] : memref<10000x128xf32, #tpu.memory_space<vmem_shared>> -> memref<40x128xf32, #tpu.memory_space<vmem_shared>>
        tpu.wait_dma2 semaphore(%run_scoped3A : memref<!tpu.dma_semaphore, #tpu.memory_space<semaphore_mem>>) src(%dma_wait3A_642 : memref<40x128xf32, #tpu.memory_space<vmem_shared>>) dst(%arg23 : memref<40x128xf32, #tpu.memory_space<vmem>>)
        tpu.yield
      }) : () -> ()
      %mul3A_634 = arith.constant 40 : i32
      %mul3A_635 = arith.muli %add3A_572, %mul3A_634 : i32
      "tpu.region"() ({
        %run_scoped3A = tpu.sem_alloc : memref<!tpu.dma_semaphore, #tpu.memory_space<semaphore_mem>>
        %dma_start3A = arith.constant 0 : i32
        %dma_start3A_636 = tpu.memref_slice %arg12[%arg0, %mul3A_635, %dma_start3A] : memref<2x10000x128xf32, #tpu.memory_space<hbm>> -> memref<1x40x128xf32, #tpu.memory_space<hbm>>
        %dma_start3A_637 = tpu.memref_squeeze %dma_start3A_636 : memref<1x40x128xf32, #tpu.memory_space<hbm>> -> memref<40x128xf32, #tpu.memory_space<hbm>>
        %dma_start3A_638 = arith.constant 0 : i32
        %dma_start3A_639 = tpu.memref_slice %arg12[%arg0, %mul3A_635, %dma_start3A_638] : memref<2x10000x128xf32, #tpu.memory_space<hbm>> -> memref<1x40x128xf32, #tpu.memory_space<hbm>>
        %dma_start3A_640 = tpu.memref_squeeze %dma_start3A_639 : memref<1x40x128xf32, #tpu.memory_space<hbm>> -> memref<40x128xf32, #tpu.memory_space<hbm>>
        tpu.enqueue_dma source(%arg23 : memref<40x128xf32, #tpu.memory_space<vmem>>) target(%dma_start3A_640 : memref<40x128xf32, #tpu.memory_space<hbm>>) target_semaphore(%run_scoped3A : memref<!tpu.dma_semaphore, #tpu.memory_space<semaphore_mem>>)
        %dma_wait3A_641 = arith.constant 0 : i32
        %dma_wait3A_642 = tpu.memref_slice %arg12[%arg0, %mul3A_635, %dma_wait3A_641] : memref<2x10000x128xf32, #tpu.memory_space<hbm>> -> memref<1x40x128xf32, #tpu.memory_space<hbm>>
        %dma_wait3A_643 = tpu.memref_squeeze %dma_wait3A_642 : memref<1x40x128xf32, #tpu.memory_space<hbm>> -> memref<40x128xf32, #tpu.memory_space<hbm>>
        %dma_wait3A_644 = arith.constant 0 : i32
        %dma_wait3A_645 = tpu.memref_slice %arg12[%arg0, %mul3A_635, %dma_wait3A_644] : memref<2x10000x128xf32, #tpu.memory_space<hbm>> -> memref<1x40x128xf32, #tpu.memory_space<hbm>>
        %dma_wait3A_646 = tpu.memref_squeeze %dma_wait3A_645 : memref<1x40x128xf32, #tpu.memory_space<hbm>> -> memref<40x128xf32, #tpu.memory_space<hbm>>
        tpu.wait_dma2 semaphore(%run_scoped3A : memref<!tpu.dma_semaphore, #tpu.memory_space<semaphore_mem>>) src(%arg23 : memref<40x128xf32, #tpu.memory_space<vmem>>) dst(%dma_wait3A_646 : memref<40x128xf32, #tpu.memory_space<hbm>>)
        tpu.yield
      }) : () -> ()
    } else {
    }
    %mul3A_578 = arith.constant 16 : i32
    %mul3A_579 = arith.muli %arg1, %mul3A_578 : i32
    %add3A_580 = arith.constant 10 : i32
    %add3A_581 = arith.addi %mul3A_579, %add3A_580 : i32
    %lt3A_582 = arith.constant 250 : i32
    %lt3A_583 = arith.cmpi slt, %add3A_581, %lt3A_582 : i32
    %convert_element_type3A_584 = arith.extui %lt3A_583 : i1 to i32
    %cond3A_585 = arith.constant 0 : i32
    %cond3A_586 = arith.cmpi ne, %convert_element_type3A_584, %cond3A_585 : i32
    scf.if %cond3A_586 {
      %mul3A_632 = arith.constant 40 : i32
      %mul3A_633 = arith.muli %add3A_581, %mul3A_632 : i32
      "tpu.region"() ({
        %run_scoped3A = tpu.sem_alloc : memref<!tpu.dma_semaphore, #tpu.memory_space<semaphore_mem>>
        %dma_start3A = arith.constant 0 : i32
        %dma_start3A_636 = tpu.memref_slice %arg25[%mul3A_633, %dma_start3A] : memref<10000x128xf32, #tpu.memory_space<vmem_shared>> -> memref<40x128xf32, #tpu.memory_space<vmem_shared>>
        %dma_start3A_637 = arith.constant 0 : i32
        %dma_start3A_638 = tpu.memref_slice %arg25[%mul3A_633, %dma_start3A_637] : memref<10000x128xf32, #tpu.memory_space<vmem_shared>> -> memref<40x128xf32, #tpu.memory_space<vmem_shared>>
        tpu.enqueue_dma source(%dma_start3A_638 : memref<40x128xf32, #tpu.memory_space<vmem_shared>>) target(%arg23 : memref<40x128xf32, #tpu.memory_space<vmem>>) target_semaphore(%run_scoped3A : memref<!tpu.dma_semaphore, #tpu.memory_space<semaphore_mem>>)
        %dma_wait3A_639 = arith.constant 0 : i32
        %dma_wait3A_640 = tpu.memref_slice %arg25[%mul3A_633, %dma_wait3A_639] : memref<10000x128xf32, #tpu.memory_space<vmem_shared>> -> memref<40x128xf32, #tpu.memory_space<vmem_shared>>
        %dma_wait3A_641 = arith.constant 0 : i32
        %dma_wait3A_642 = tpu.memref_slice %arg25[%mul3A_633, %dma_wait3A_641] : memref<10000x128xf32, #tpu.memory_space<vmem_shared>> -> memref<40x128xf32, #tpu.memory_space<vmem_shared>>
        tpu.wait_dma2 semaphore(%run_scoped3A : memref<!tpu.dma_semaphore, #tpu.memory_space<semaphore_mem>>) src(%dma_wait3A_642 : memref<40x128xf32, #tpu.memory_space<vmem_shared>>) dst(%arg23 : memref<40x128xf32, #tpu.memory_space<vmem>>)
        tpu.yield
      }) : () -> ()
      %mul3A_634 = arith.constant 40 : i32
      %mul3A_635 = arith.muli %add3A_581, %mul3A_634 : i32
      "tpu.region"() ({
        %run_scoped3A = tpu.sem_alloc : memref<!tpu.dma_semaphore, #tpu.memory_space<semaphore_mem>>
        %dma_start3A = arith.constant 0 : i32
        %dma_start3A_636 = tpu.memref_slice %arg12[%arg0, %mul3A_635, %dma_start3A] : memref<2x10000x128xf32, #tpu.memory_space<hbm>> -> memref<1x40x128xf32, #tpu.memory_space<hbm>>
        %dma_start3A_637 = tpu.memref_squeeze %dma_start3A_636 : memref<1x40x128xf32, #tpu.memory_space<hbm>> -> memref<40x128xf32, #tpu.memory_space<hbm>>
        %dma_start3A_638 = arith.constant 0 : i32
        %dma_start3A_639 = tpu.memref_slice %arg12[%arg0, %mul3A_635, %dma_start3A_638] : memref<2x10000x128xf32, #tpu.memory_space<hbm>> -> memref<1x40x128xf32, #tpu.memory_space<hbm>>
        %dma_start3A_640 = tpu.memref_squeeze %dma_start3A_639 : memref<1x40x128xf32, #tpu.memory_space<hbm>> -> memref<40x128xf32, #tpu.memory_space<hbm>>
        tpu.enqueue_dma source(%arg23 : memref<40x128xf32, #tpu.memory_space<vmem>>) target(%dma_start3A_640 : memref<40x128xf32, #tpu.memory_space<hbm>>) target_semaphore(%run_scoped3A : memref<!tpu.dma_semaphore, #tpu.memory_space<semaphore_mem>>)
        %dma_wait3A_641 = arith.constant 0 : i32
        %dma_wait3A_642 = tpu.memref_slice %arg12[%arg0, %mul3A_635, %dma_wait3A_641] : memref<2x10000x128xf32, #tpu.memory_space<hbm>> -> memref<1x40x128xf32, #tpu.memory_space<hbm>>
        %dma_wait3A_643 = tpu.memref_squeeze %dma_wait3A_642 : memref<1x40x128xf32, #tpu.memory_space<hbm>> -> memref<40x128xf32, #tpu.memory_space<hbm>>
        %dma_wait3A_644 = arith.constant 0 : i32
        %dma_wait3A_645 = tpu.memref_slice %arg12[%arg0, %mul3A_635, %dma_wait3A_644] : memref<2x10000x128xf32, #tpu.memory_space<hbm>> -> memref<1x40x128xf32, #tpu.memory_space<hbm>>
        %dma_wait3A_646 = tpu.memref_squeeze %dma_wait3A_645 : memref<1x40x128xf32, #tpu.memory_space<hbm>> -> memref<40x128xf32, #tpu.memory_space<hbm>>
        tpu.wait_dma2 semaphore(%run_scoped3A : memref<!tpu.dma_semaphore, #tpu.memory_space<semaphore_mem>>) src(%arg23 : memref<40x128xf32, #tpu.memory_space<vmem>>) dst(%dma_wait3A_646 : memref<40x128xf32, #tpu.memory_space<hbm>>)
        tpu.yield
      }) : () -> ()
    } else {
    }
    %mul3A_587 = arith.constant 16 : i32
    %mul3A_588 = arith.muli %arg1, %mul3A_587 : i32
    %add3A_589 = arith.constant 11 : i32
    %add3A_590 = arith.addi %mul3A_588, %add3A_589 : i32
    %lt3A_591 = arith.constant 250 : i32
    %lt3A_592 = arith.cmpi slt, %add3A_590, %lt3A_591 : i32
    %convert_element_type3A_593 = arith.extui %lt3A_592 : i1 to i32
    %cond3A_594 = arith.constant 0 : i32
    %cond3A_595 = arith.cmpi ne, %convert_element_type3A_593, %cond3A_594 : i32
    scf.if %cond3A_595 {
      %mul3A_632 = arith.constant 40 : i32
      %mul3A_633 = arith.muli %add3A_590, %mul3A_632 : i32
      "tpu.region"() ({
        %run_scoped3A = tpu.sem_alloc : memref<!tpu.dma_semaphore, #tpu.memory_space<semaphore_mem>>
        %dma_start3A = arith.constant 0 : i32
        %dma_start3A_636 = tpu.memref_slice %arg25[%mul3A_633, %dma_start3A] : memref<10000x128xf32, #tpu.memory_space<vmem_shared>> -> memref<40x128xf32, #tpu.memory_space<vmem_shared>>
        %dma_start3A_637 = arith.constant 0 : i32
        %dma_start3A_638 = tpu.memref_slice %arg25[%mul3A_633, %dma_start3A_637] : memref<10000x128xf32, #tpu.memory_space<vmem_shared>> -> memref<40x128xf32, #tpu.memory_space<vmem_shared>>
        tpu.enqueue_dma source(%dma_start3A_638 : memref<40x128xf32, #tpu.memory_space<vmem_shared>>) target(%arg23 : memref<40x128xf32, #tpu.memory_space<vmem>>) target_semaphore(%run_scoped3A : memref<!tpu.dma_semaphore, #tpu.memory_space<semaphore_mem>>)
        %dma_wait3A_639 = arith.constant 0 : i32
        %dma_wait3A_640 = tpu.memref_slice %arg25[%mul3A_633, %dma_wait3A_639] : memref<10000x128xf32, #tpu.memory_space<vmem_shared>> -> memref<40x128xf32, #tpu.memory_space<vmem_shared>>
        %dma_wait3A_641 = arith.constant 0 : i32
        %dma_wait3A_642 = tpu.memref_slice %arg25[%mul3A_633, %dma_wait3A_641] : memref<10000x128xf32, #tpu.memory_space<vmem_shared>> -> memref<40x128xf32, #tpu.memory_space<vmem_shared>>
        tpu.wait_dma2 semaphore(%run_scoped3A : memref<!tpu.dma_semaphore, #tpu.memory_space<semaphore_mem>>) src(%dma_wait3A_642 : memref<40x128xf32, #tpu.memory_space<vmem_shared>>) dst(%arg23 : memref<40x128xf32, #tpu.memory_space<vmem>>)
        tpu.yield
      }) : () -> ()
      %mul3A_634 = arith.constant 40 : i32
      %mul3A_635 = arith.muli %add3A_590, %mul3A_634 : i32
      "tpu.region"() ({
        %run_scoped3A = tpu.sem_alloc : memref<!tpu.dma_semaphore, #tpu.memory_space<semaphore_mem>>
        %dma_start3A = arith.constant 0 : i32
        %dma_start3A_636 = tpu.memref_slice %arg12[%arg0, %mul3A_635, %dma_start3A] : memref<2x10000x128xf32, #tpu.memory_space<hbm>> -> memref<1x40x128xf32, #tpu.memory_space<hbm>>
        %dma_start3A_637 = tpu.memref_squeeze %dma_start3A_636 : memref<1x40x128xf32, #tpu.memory_space<hbm>> -> memref<40x128xf32, #tpu.memory_space<hbm>>
        %dma_start3A_638 = arith.constant 0 : i32
        %dma_start3A_639 = tpu.memref_slice %arg12[%arg0, %mul3A_635, %dma_start3A_638] : memref<2x10000x128xf32, #tpu.memory_space<hbm>> -> memref<1x40x128xf32, #tpu.memory_space<hbm>>
        %dma_start3A_640 = tpu.memref_squeeze %dma_start3A_639 : memref<1x40x128xf32, #tpu.memory_space<hbm>> -> memref<40x128xf32, #tpu.memory_space<hbm>>
        tpu.enqueue_dma source(%arg23 : memref<40x128xf32, #tpu.memory_space<vmem>>) target(%dma_start3A_640 : memref<40x128xf32, #tpu.memory_space<hbm>>) target_semaphore(%run_scoped3A : memref<!tpu.dma_semaphore, #tpu.memory_space<semaphore_mem>>)
        %dma_wait3A_641 = arith.constant 0 : i32
        %dma_wait3A_642 = tpu.memref_slice %arg12[%arg0, %mul3A_635, %dma_wait3A_641] : memref<2x10000x128xf32, #tpu.memory_space<hbm>> -> memref<1x40x128xf32, #tpu.memory_space<hbm>>
        %dma_wait3A_643 = tpu.memref_squeeze %dma_wait3A_642 : memref<1x40x128xf32, #tpu.memory_space<hbm>> -> memref<40x128xf32, #tpu.memory_space<hbm>>
        %dma_wait3A_644 = arith.constant 0 : i32
        %dma_wait3A_645 = tpu.memref_slice %arg12[%arg0, %mul3A_635, %dma_wait3A_644] : memref<2x10000x128xf32, #tpu.memory_space<hbm>> -> memref<1x40x128xf32, #tpu.memory_space<hbm>>
        %dma_wait3A_646 = tpu.memref_squeeze %dma_wait3A_645 : memref<1x40x128xf32, #tpu.memory_space<hbm>> -> memref<40x128xf32, #tpu.memory_space<hbm>>
        tpu.wait_dma2 semaphore(%run_scoped3A : memref<!tpu.dma_semaphore, #tpu.memory_space<semaphore_mem>>) src(%arg23 : memref<40x128xf32, #tpu.memory_space<vmem>>) dst(%dma_wait3A_646 : memref<40x128xf32, #tpu.memory_space<hbm>>)
        tpu.yield
      }) : () -> ()
    } else {
    }
    %mul3A_596 = arith.constant 16 : i32
    %mul3A_597 = arith.muli %arg1, %mul3A_596 : i32
    %add3A_598 = arith.constant 12 : i32
    %add3A_599 = arith.addi %mul3A_597, %add3A_598 : i32
    %lt3A_600 = arith.constant 250 : i32
    %lt3A_601 = arith.cmpi slt, %add3A_599, %lt3A_600 : i32
    %convert_element_type3A_602 = arith.extui %lt3A_601 : i1 to i32
    %cond3A_603 = arith.constant 0 : i32
    %cond3A_604 = arith.cmpi ne, %convert_element_type3A_602, %cond3A_603 : i32
    scf.if %cond3A_604 {
      %mul3A_632 = arith.constant 40 : i32
      %mul3A_633 = arith.muli %add3A_599, %mul3A_632 : i32
      "tpu.region"() ({
        %run_scoped3A = tpu.sem_alloc : memref<!tpu.dma_semaphore, #tpu.memory_space<semaphore_mem>>
        %dma_start3A = arith.constant 0 : i32
        %dma_start3A_636 = tpu.memref_slice %arg25[%mul3A_633, %dma_start3A] : memref<10000x128xf32, #tpu.memory_space<vmem_shared>> -> memref<40x128xf32, #tpu.memory_space<vmem_shared>>
        %dma_start3A_637 = arith.constant 0 : i32
        %dma_start3A_638 = tpu.memref_slice %arg25[%mul3A_633, %dma_start3A_637] : memref<10000x128xf32, #tpu.memory_space<vmem_shared>> -> memref<40x128xf32, #tpu.memory_space<vmem_shared>>
        tpu.enqueue_dma source(%dma_start3A_638 : memref<40x128xf32, #tpu.memory_space<vmem_shared>>) target(%arg23 : memref<40x128xf32, #tpu.memory_space<vmem>>) target_semaphore(%run_scoped3A : memref<!tpu.dma_semaphore, #tpu.memory_space<semaphore_mem>>)
        %dma_wait3A_639 = arith.constant 0 : i32
        %dma_wait3A_640 = tpu.memref_slice %arg25[%mul3A_633, %dma_wait3A_639] : memref<10000x128xf32, #tpu.memory_space<vmem_shared>> -> memref<40x128xf32, #tpu.memory_space<vmem_shared>>
        %dma_wait3A_641 = arith.constant 0 : i32
        %dma_wait3A_642 = tpu.memref_slice %arg25[%mul3A_633, %dma_wait3A_641] : memref<10000x128xf32, #tpu.memory_space<vmem_shared>> -> memref<40x128xf32, #tpu.memory_space<vmem_shared>>
        tpu.wait_dma2 semaphore(%run_scoped3A : memref<!tpu.dma_semaphore, #tpu.memory_space<semaphore_mem>>) src(%dma_wait3A_642 : memref<40x128xf32, #tpu.memory_space<vmem_shared>>) dst(%arg23 : memref<40x128xf32, #tpu.memory_space<vmem>>)
        tpu.yield
      }) : () -> ()
      %mul3A_634 = arith.constant 40 : i32
      %mul3A_635 = arith.muli %add3A_599, %mul3A_634 : i32
      "tpu.region"() ({
        %run_scoped3A = tpu.sem_alloc : memref<!tpu.dma_semaphore, #tpu.memory_space<semaphore_mem>>
        %dma_start3A = arith.constant 0 : i32
        %dma_start3A_636 = tpu.memref_slice %arg12[%arg0, %mul3A_635, %dma_start3A] : memref<2x10000x128xf32, #tpu.memory_space<hbm>> -> memref<1x40x128xf32, #tpu.memory_space<hbm>>
        %dma_start3A_637 = tpu.memref_squeeze %dma_start3A_636 : memref<1x40x128xf32, #tpu.memory_space<hbm>> -> memref<40x128xf32, #tpu.memory_space<hbm>>
        %dma_start3A_638 = arith.constant 0 : i32
        %dma_start3A_639 = tpu.memref_slice %arg12[%arg0, %mul3A_635, %dma_start3A_638] : memref<2x10000x128xf32, #tpu.memory_space<hbm>> -> memref<1x40x128xf32, #tpu.memory_space<hbm>>
        %dma_start3A_640 = tpu.memref_squeeze %dma_start3A_639 : memref<1x40x128xf32, #tpu.memory_space<hbm>> -> memref<40x128xf32, #tpu.memory_space<hbm>>
        tpu.enqueue_dma source(%arg23 : memref<40x128xf32, #tpu.memory_space<vmem>>) target(%dma_start3A_640 : memref<40x128xf32, #tpu.memory_space<hbm>>) target_semaphore(%run_scoped3A : memref<!tpu.dma_semaphore, #tpu.memory_space<semaphore_mem>>)
        %dma_wait3A_641 = arith.constant 0 : i32
        %dma_wait3A_642 = tpu.memref_slice %arg12[%arg0, %mul3A_635, %dma_wait3A_641] : memref<2x10000x128xf32, #tpu.memory_space<hbm>> -> memref<1x40x128xf32, #tpu.memory_space<hbm>>
        %dma_wait3A_643 = tpu.memref_squeeze %dma_wait3A_642 : memref<1x40x128xf32, #tpu.memory_space<hbm>> -> memref<40x128xf32, #tpu.memory_space<hbm>>
        %dma_wait3A_644 = arith.constant 0 : i32
        %dma_wait3A_645 = tpu.memref_slice %arg12[%arg0, %mul3A_635, %dma_wait3A_644] : memref<2x10000x128xf32, #tpu.memory_space<hbm>> -> memref<1x40x128xf32, #tpu.memory_space<hbm>>
        %dma_wait3A_646 = tpu.memref_squeeze %dma_wait3A_645 : memref<1x40x128xf32, #tpu.memory_space<hbm>> -> memref<40x128xf32, #tpu.memory_space<hbm>>
        tpu.wait_dma2 semaphore(%run_scoped3A : memref<!tpu.dma_semaphore, #tpu.memory_space<semaphore_mem>>) src(%arg23 : memref<40x128xf32, #tpu.memory_space<vmem>>) dst(%dma_wait3A_646 : memref<40x128xf32, #tpu.memory_space<hbm>>)
        tpu.yield
      }) : () -> ()
    } else {
    }
    %mul3A_605 = arith.constant 16 : i32
    %mul3A_606 = arith.muli %arg1, %mul3A_605 : i32
    %add3A_607 = arith.constant 13 : i32
    %add3A_608 = arith.addi %mul3A_606, %add3A_607 : i32
    %lt3A_609 = arith.constant 250 : i32
    %lt3A_610 = arith.cmpi slt, %add3A_608, %lt3A_609 : i32
    %convert_element_type3A_611 = arith.extui %lt3A_610 : i1 to i32
    %cond3A_612 = arith.constant 0 : i32
    %cond3A_613 = arith.cmpi ne, %convert_element_type3A_611, %cond3A_612 : i32
    scf.if %cond3A_613 {
      %mul3A_632 = arith.constant 40 : i32
      %mul3A_633 = arith.muli %add3A_608, %mul3A_632 : i32
      "tpu.region"() ({
        %run_scoped3A = tpu.sem_alloc : memref<!tpu.dma_semaphore, #tpu.memory_space<semaphore_mem>>
        %dma_start3A = arith.constant 0 : i32
        %dma_start3A_636 = tpu.memref_slice %arg25[%mul3A_633, %dma_start3A] : memref<10000x128xf32, #tpu.memory_space<vmem_shared>> -> memref<40x128xf32, #tpu.memory_space<vmem_shared>>
        %dma_start3A_637 = arith.constant 0 : i32
        %dma_start3A_638 = tpu.memref_slice %arg25[%mul3A_633, %dma_start3A_637] : memref<10000x128xf32, #tpu.memory_space<vmem_shared>> -> memref<40x128xf32, #tpu.memory_space<vmem_shared>>
        tpu.enqueue_dma source(%dma_start3A_638 : memref<40x128xf32, #tpu.memory_space<vmem_shared>>) target(%arg23 : memref<40x128xf32, #tpu.memory_space<vmem>>) target_semaphore(%run_scoped3A : memref<!tpu.dma_semaphore, #tpu.memory_space<semaphore_mem>>)
        %dma_wait3A_639 = arith.constant 0 : i32
        %dma_wait3A_640 = tpu.memref_slice %arg25[%mul3A_633, %dma_wait3A_639] : memref<10000x128xf32, #tpu.memory_space<vmem_shared>> -> memref<40x128xf32, #tpu.memory_space<vmem_shared>>
        %dma_wait3A_641 = arith.constant 0 : i32
        %dma_wait3A_642 = tpu.memref_slice %arg25[%mul3A_633, %dma_wait3A_641] : memref<10000x128xf32, #tpu.memory_space<vmem_shared>> -> memref<40x128xf32, #tpu.memory_space<vmem_shared>>
        tpu.wait_dma2 semaphore(%run_scoped3A : memref<!tpu.dma_semaphore, #tpu.memory_space<semaphore_mem>>) src(%dma_wait3A_642 : memref<40x128xf32, #tpu.memory_space<vmem_shared>>) dst(%arg23 : memref<40x128xf32, #tpu.memory_space<vmem>>)
        tpu.yield
      }) : () -> ()
      %mul3A_634 = arith.constant 40 : i32
      %mul3A_635 = arith.muli %add3A_608, %mul3A_634 : i32
      "tpu.region"() ({
        %run_scoped3A = tpu.sem_alloc : memref<!tpu.dma_semaphore, #tpu.memory_space<semaphore_mem>>
        %dma_start3A = arith.constant 0 : i32
        %dma_start3A_636 = tpu.memref_slice %arg12[%arg0, %mul3A_635, %dma_start3A] : memref<2x10000x128xf32, #tpu.memory_space<hbm>> -> memref<1x40x128xf32, #tpu.memory_space<hbm>>
        %dma_start3A_637 = tpu.memref_squeeze %dma_start3A_636 : memref<1x40x128xf32, #tpu.memory_space<hbm>> -> memref<40x128xf32, #tpu.memory_space<hbm>>
        %dma_start3A_638 = arith.constant 0 : i32
        %dma_start3A_639 = tpu.memref_slice %arg12[%arg0, %mul3A_635, %dma_start3A_638] : memref<2x10000x128xf32, #tpu.memory_space<hbm>> -> memref<1x40x128xf32, #tpu.memory_space<hbm>>
        %dma_start3A_640 = tpu.memref_squeeze %dma_start3A_639 : memref<1x40x128xf32, #tpu.memory_space<hbm>> -> memref<40x128xf32, #tpu.memory_space<hbm>>
        tpu.enqueue_dma source(%arg23 : memref<40x128xf32, #tpu.memory_space<vmem>>) target(%dma_start3A_640 : memref<40x128xf32, #tpu.memory_space<hbm>>) target_semaphore(%run_scoped3A : memref<!tpu.dma_semaphore, #tpu.memory_space<semaphore_mem>>)
        %dma_wait3A_641 = arith.constant 0 : i32
        %dma_wait3A_642 = tpu.memref_slice %arg12[%arg0, %mul3A_635, %dma_wait3A_641] : memref<2x10000x128xf32, #tpu.memory_space<hbm>> -> memref<1x40x128xf32, #tpu.memory_space<hbm>>
        %dma_wait3A_643 = tpu.memref_squeeze %dma_wait3A_642 : memref<1x40x128xf32, #tpu.memory_space<hbm>> -> memref<40x128xf32, #tpu.memory_space<hbm>>
        %dma_wait3A_644 = arith.constant 0 : i32
        %dma_wait3A_645 = tpu.memref_slice %arg12[%arg0, %mul3A_635, %dma_wait3A_644] : memref<2x10000x128xf32, #tpu.memory_space<hbm>> -> memref<1x40x128xf32, #tpu.memory_space<hbm>>
        %dma_wait3A_646 = tpu.memref_squeeze %dma_wait3A_645 : memref<1x40x128xf32, #tpu.memory_space<hbm>> -> memref<40x128xf32, #tpu.memory_space<hbm>>
        tpu.wait_dma2 semaphore(%run_scoped3A : memref<!tpu.dma_semaphore, #tpu.memory_space<semaphore_mem>>) src(%arg23 : memref<40x128xf32, #tpu.memory_space<vmem>>) dst(%dma_wait3A_646 : memref<40x128xf32, #tpu.memory_space<hbm>>)
        tpu.yield
      }) : () -> ()
    } else {
    }
    %mul3A_614 = arith.constant 16 : i32
    %mul3A_615 = arith.muli %arg1, %mul3A_614 : i32
    %add3A_616 = arith.constant 14 : i32
    %add3A_617 = arith.addi %mul3A_615, %add3A_616 : i32
    %lt3A_618 = arith.constant 250 : i32
    %lt3A_619 = arith.cmpi slt, %add3A_617, %lt3A_618 : i32
    %convert_element_type3A_620 = arith.extui %lt3A_619 : i1 to i32
    %cond3A_621 = arith.constant 0 : i32
    %cond3A_622 = arith.cmpi ne, %convert_element_type3A_620, %cond3A_621 : i32
    scf.if %cond3A_622 {
      %mul3A_632 = arith.constant 40 : i32
      %mul3A_633 = arith.muli %add3A_617, %mul3A_632 : i32
      "tpu.region"() ({
        %run_scoped3A = tpu.sem_alloc : memref<!tpu.dma_semaphore, #tpu.memory_space<semaphore_mem>>
        %dma_start3A = arith.constant 0 : i32
        %dma_start3A_636 = tpu.memref_slice %arg25[%mul3A_633, %dma_start3A] : memref<10000x128xf32, #tpu.memory_space<vmem_shared>> -> memref<40x128xf32, #tpu.memory_space<vmem_shared>>
        %dma_start3A_637 = arith.constant 0 : i32
        %dma_start3A_638 = tpu.memref_slice %arg25[%mul3A_633, %dma_start3A_637] : memref<10000x128xf32, #tpu.memory_space<vmem_shared>> -> memref<40x128xf32, #tpu.memory_space<vmem_shared>>
        tpu.enqueue_dma source(%dma_start3A_638 : memref<40x128xf32, #tpu.memory_space<vmem_shared>>) target(%arg23 : memref<40x128xf32, #tpu.memory_space<vmem>>) target_semaphore(%run_scoped3A : memref<!tpu.dma_semaphore, #tpu.memory_space<semaphore_mem>>)
        %dma_wait3A_639 = arith.constant 0 : i32
        %dma_wait3A_640 = tpu.memref_slice %arg25[%mul3A_633, %dma_wait3A_639] : memref<10000x128xf32, #tpu.memory_space<vmem_shared>> -> memref<40x128xf32, #tpu.memory_space<vmem_shared>>
        %dma_wait3A_641 = arith.constant 0 : i32
        %dma_wait3A_642 = tpu.memref_slice %arg25[%mul3A_633, %dma_wait3A_641] : memref<10000x128xf32, #tpu.memory_space<vmem_shared>> -> memref<40x128xf32, #tpu.memory_space<vmem_shared>>
        tpu.wait_dma2 semaphore(%run_scoped3A : memref<!tpu.dma_semaphore, #tpu.memory_space<semaphore_mem>>) src(%dma_wait3A_642 : memref<40x128xf32, #tpu.memory_space<vmem_shared>>) dst(%arg23 : memref<40x128xf32, #tpu.memory_space<vmem>>)
        tpu.yield
      }) : () -> ()
      %mul3A_634 = arith.constant 40 : i32
      %mul3A_635 = arith.muli %add3A_617, %mul3A_634 : i32
      "tpu.region"() ({
        %run_scoped3A = tpu.sem_alloc : memref<!tpu.dma_semaphore, #tpu.memory_space<semaphore_mem>>
        %dma_start3A = arith.constant 0 : i32
        %dma_start3A_636 = tpu.memref_slice %arg12[%arg0, %mul3A_635, %dma_start3A] : memref<2x10000x128xf32, #tpu.memory_space<hbm>> -> memref<1x40x128xf32, #tpu.memory_space<hbm>>
        %dma_start3A_637 = tpu.memref_squeeze %dma_start3A_636 : memref<1x40x128xf32, #tpu.memory_space<hbm>> -> memref<40x128xf32, #tpu.memory_space<hbm>>
        %dma_start3A_638 = arith.constant 0 : i32
        %dma_start3A_639 = tpu.memref_slice %arg12[%arg0, %mul3A_635, %dma_start3A_638] : memref<2x10000x128xf32, #tpu.memory_space<hbm>> -> memref<1x40x128xf32, #tpu.memory_space<hbm>>
        %dma_start3A_640 = tpu.memref_squeeze %dma_start3A_639 : memref<1x40x128xf32, #tpu.memory_space<hbm>> -> memref<40x128xf32, #tpu.memory_space<hbm>>
        tpu.enqueue_dma source(%arg23 : memref<40x128xf32, #tpu.memory_space<vmem>>) target(%dma_start3A_640 : memref<40x128xf32, #tpu.memory_space<hbm>>) target_semaphore(%run_scoped3A : memref<!tpu.dma_semaphore, #tpu.memory_space<semaphore_mem>>)
        %dma_wait3A_641 = arith.constant 0 : i32
        %dma_wait3A_642 = tpu.memref_slice %arg12[%arg0, %mul3A_635, %dma_wait3A_641] : memref<2x10000x128xf32, #tpu.memory_space<hbm>> -> memref<1x40x128xf32, #tpu.memory_space<hbm>>
        %dma_wait3A_643 = tpu.memref_squeeze %dma_wait3A_642 : memref<1x40x128xf32, #tpu.memory_space<hbm>> -> memref<40x128xf32, #tpu.memory_space<hbm>>
        %dma_wait3A_644 = arith.constant 0 : i32
        %dma_wait3A_645 = tpu.memref_slice %arg12[%arg0, %mul3A_635, %dma_wait3A_644] : memref<2x10000x128xf32, #tpu.memory_space<hbm>> -> memref<1x40x128xf32, #tpu.memory_space<hbm>>
        %dma_wait3A_646 = tpu.memref_squeeze %dma_wait3A_645 : memref<1x40x128xf32, #tpu.memory_space<hbm>> -> memref<40x128xf32, #tpu.memory_space<hbm>>
        tpu.wait_dma2 semaphore(%run_scoped3A : memref<!tpu.dma_semaphore, #tpu.memory_space<semaphore_mem>>) src(%arg23 : memref<40x128xf32, #tpu.memory_space<vmem>>) dst(%dma_wait3A_646 : memref<40x128xf32, #tpu.memory_space<hbm>>)
        tpu.yield
      }) : () -> ()
    } else {
    }
    %mul3A_623 = arith.constant 16 : i32
    %mul3A_624 = arith.muli %arg1, %mul3A_623 : i32
    %add3A_625 = arith.constant 15 : i32
    %add3A_626 = arith.addi %mul3A_624, %add3A_625 : i32
    %lt3A_627 = arith.constant 250 : i32
    %lt3A_628 = arith.cmpi slt, %add3A_626, %lt3A_627 : i32
    %convert_element_type3A_629 = arith.extui %lt3A_628 : i1 to i32
    %cond3A_630 = arith.constant 0 : i32
    %cond3A_631 = arith.cmpi ne, %convert_element_type3A_629, %cond3A_630 : i32
    scf.if %cond3A_631 {
      %mul3A_632 = arith.constant 40 : i32
      %mul3A_633 = arith.muli %add3A_626, %mul3A_632 : i32
      "tpu.region"() ({
        %run_scoped3A = tpu.sem_alloc : memref<!tpu.dma_semaphore, #tpu.memory_space<semaphore_mem>>
        %dma_start3A = arith.constant 0 : i32
        %dma_start3A_636 = tpu.memref_slice %arg25[%mul3A_633, %dma_start3A] : memref<10000x128xf32, #tpu.memory_space<vmem_shared>> -> memref<40x128xf32, #tpu.memory_space<vmem_shared>>
        %dma_start3A_637 = arith.constant 0 : i32
        %dma_start3A_638 = tpu.memref_slice %arg25[%mul3A_633, %dma_start3A_637] : memref<10000x128xf32, #tpu.memory_space<vmem_shared>> -> memref<40x128xf32, #tpu.memory_space<vmem_shared>>
        tpu.enqueue_dma source(%dma_start3A_638 : memref<40x128xf32, #tpu.memory_space<vmem_shared>>) target(%arg23 : memref<40x128xf32, #tpu.memory_space<vmem>>) target_semaphore(%run_scoped3A : memref<!tpu.dma_semaphore, #tpu.memory_space<semaphore_mem>>)
        %dma_wait3A_639 = arith.constant 0 : i32
        %dma_wait3A_640 = tpu.memref_slice %arg25[%mul3A_633, %dma_wait3A_639] : memref<10000x128xf32, #tpu.memory_space<vmem_shared>> -> memref<40x128xf32, #tpu.memory_space<vmem_shared>>
        %dma_wait3A_641 = arith.constant 0 : i32
        %dma_wait3A_642 = tpu.memref_slice %arg25[%mul3A_633, %dma_wait3A_641] : memref<10000x128xf32, #tpu.memory_space<vmem_shared>> -> memref<40x128xf32, #tpu.memory_space<vmem_shared>>
        tpu.wait_dma2 semaphore(%run_scoped3A : memref<!tpu.dma_semaphore, #tpu.memory_space<semaphore_mem>>) src(%dma_wait3A_642 : memref<40x128xf32, #tpu.memory_space<vmem_shared>>) dst(%arg23 : memref<40x128xf32, #tpu.memory_space<vmem>>)
        tpu.yield
      }) : () -> ()
      %mul3A_634 = arith.constant 40 : i32
      %mul3A_635 = arith.muli %add3A_626, %mul3A_634 : i32
      "tpu.region"() ({
        %run_scoped3A = tpu.sem_alloc : memref<!tpu.dma_semaphore, #tpu.memory_space<semaphore_mem>>
        %dma_start3A = arith.constant 0 : i32
        %dma_start3A_636 = tpu.memref_slice %arg12[%arg0, %mul3A_635, %dma_start3A] : memref<2x10000x128xf32, #tpu.memory_space<hbm>> -> memref<1x40x128xf32, #tpu.memory_space<hbm>>
        %dma_start3A_637 = tpu.memref_squeeze %dma_start3A_636 : memref<1x40x128xf32, #tpu.memory_space<hbm>> -> memref<40x128xf32, #tpu.memory_space<hbm>>
        %dma_start3A_638 = arith.constant 0 : i32
        %dma_start3A_639 = tpu.memref_slice %arg12[%arg0, %mul3A_635, %dma_start3A_638] : memref<2x10000x128xf32, #tpu.memory_space<hbm>> -> memref<1x40x128xf32, #tpu.memory_space<hbm>>
        %dma_start3A_640 = tpu.memref_squeeze %dma_start3A_639 : memref<1x40x128xf32, #tpu.memory_space<hbm>> -> memref<40x128xf32, #tpu.memory_space<hbm>>
        tpu.enqueue_dma source(%arg23 : memref<40x128xf32, #tpu.memory_space<vmem>>) target(%dma_start3A_640 : memref<40x128xf32, #tpu.memory_space<hbm>>) target_semaphore(%run_scoped3A : memref<!tpu.dma_semaphore, #tpu.memory_space<semaphore_mem>>)
        %dma_wait3A_641 = arith.constant 0 : i32
        %dma_wait3A_642 = tpu.memref_slice %arg12[%arg0, %mul3A_635, %dma_wait3A_641] : memref<2x10000x128xf32, #tpu.memory_space<hbm>> -> memref<1x40x128xf32, #tpu.memory_space<hbm>>
        %dma_wait3A_643 = tpu.memref_squeeze %dma_wait3A_642 : memref<1x40x128xf32, #tpu.memory_space<hbm>> -> memref<40x128xf32, #tpu.memory_space<hbm>>
        %dma_wait3A_644 = arith.constant 0 : i32
        %dma_wait3A_645 = tpu.memref_slice %arg12[%arg0, %mul3A_635, %dma_wait3A_644] : memref<2x10000x128xf32, #tpu.memory_space<hbm>> -> memref<1x40x128xf32, #tpu.memory_space<hbm>>
        %dma_wait3A_646 = tpu.memref_squeeze %dma_wait3A_645 : memref<1x40x128xf32, #tpu.memory_space<hbm>> -> memref<40x128xf32, #tpu.memory_space<hbm>>
        tpu.wait_dma2 semaphore(%run_scoped3A : memref<!tpu.dma_semaphore, #tpu.memory_space<semaphore_mem>>) src(%arg23 : memref<40x128xf32, #tpu.memory_space<vmem>>) dst(%dma_wait3A_646 : memref<40x128xf32, #tpu.memory_space<hbm>>)
        tpu.yield
      }) : () -> ()
    } else {
    }
    return
  }
}

module attributes {stable_mosaic.version = 14 : i64} {
  func.func @_wm_kernel(%arg0: i32, %arg1: memref<20x2560xf32, #tpu.memory_space<vmem>>, %arg2: memref<1x1x2560xf32, #tpu.memory_space<vmem>>, %arg3: memref<1x1x2560xf32, #tpu.memory_space<vmem>>, %arg4: memref<20x384xf32, #tpu.memory_space<vmem>>, %arg5: memref<1x384xf32, #tpu.memory_space<vmem>>, %arg6: memref<2560x128xf32, #tpu.memory_space<vmem>>, %arg7: memref<2560x128xf32, #tpu.memory_space<vmem>>, %arg8: memref<2560x128xf32, #tpu.memory_space<vmem>>) attributes {dimension_semantics = [#tpu.dimension_semantics<arbitrary>], iteration_bounds = array<i64: 125>, scalar_prefetch = 0 : i64, scratch_operands = 0 : i64, tpu.core_type = #tpu.core_type<tc>, window_params = [{transform_indices = @transform_0, window_bounds = array<i64: 20, 2560>}, {transform_indices = @transform_1, window_bounds = array<i64: 1, 1, 2560>}, {transform_indices = @transform_2, window_bounds = array<i64: 1, 1, 2560>}, {pipeline_mode = #tpu.pipeline_mode<synchronous>, transform_indices = @transform_3, window_bounds = array<i64: 20, 384>}, {pipeline_mode = #tpu.pipeline_mode<synchronous>, transform_indices = @transform_4, window_bounds = array<i64: 1, 384>}, {transform_indices = @transform_5, window_bounds = array<i64: 2560, 128>}, {transform_indices = @transform_6, window_bounds = array<i64: 2560, 128>}, {transform_indices = @transform_7, window_bounds = array<i64: 2560, 128>}]} {
    %get3A = arith.constant 0 : index
    %get3A_0 = arith.constant 0 : index
    %get3A_1 = vector.load %arg1[%get3A, %get3A_0] : memref<20x2560xf32, #tpu.memory_space<vmem>>, vector<20x2560xf32>
    %get3A_2 = arith.constant 0 : index
    %get3A_3 = arith.constant 0 : index
    %get3A_4 = vector.load %arg4[%get3A_2, %get3A_3] : memref<20x384xf32, #tpu.memory_space<vmem>>, vector<20x384xf32>
    %dot_general3A = arith.constant dense<0.000000e+00> : vector<2560x384xf32>
    %dot_general3A_5 = tpu.matmul %get3A_1, %get3A_4, %dot_general3A {dimension_numbers = #tpu.dot_dimension_numbers<[0], [0], [1], [1], [0, 1, 1, 1], [], []>, transpose_lhs_hint = false} : vector<20x2560xf32>, vector<20x384xf32>, vector<2560x384xf32> -> vector<2560x384xf32>
    %get3A_6 = arith.constant 0 : index
    %get3A_7 = arith.constant 0 : index
    %get3A_8 = vector.load %arg5[%get3A_6, %get3A_7] : memref<1x384xf32, #tpu.memory_space<vmem>>, vector<1x384xf32>
    %add3A = vector.broadcast %get3A_8 : vector<1x384xf32> to vector<2560x384xf32>
    %add3A_9 = arith.addf %dot_general3A_5, %add3A : vector<2560x384xf32>
    %get3A_10 = arith.constant 0 : index
    %get3A_11 = arith.constant 0 : index
    %get3A_12 = arith.constant 0 : index
    %get3A_13 = vector.load %arg2[%get3A_10, %get3A_11, %get3A_12] : memref<1x1x2560xf32, #tpu.memory_space<vmem>>, vector<1x1x2560xf32>
    %get3A_14 = vector.shape_cast %get3A_13 : vector<1x1x2560xf32> to vector<1x2560xf32>
    %transpose3A = tpu.transpose %get3A_14, [1, 0] : vector<1x2560xf32> -> vector<2560x1xf32>
    %get3A_15 = arith.constant 0 : index
    %get3A_16 = arith.constant 0 : index
    %get3A_17 = arith.constant 0 : index
    %get3A_18 = vector.load %arg3[%get3A_15, %get3A_16, %get3A_17] : memref<1x1x2560xf32, #tpu.memory_space<vmem>>, vector<1x1x2560xf32>
    %get3A_19 = vector.shape_cast %get3A_18 : vector<1x1x2560xf32> to vector<1x2560xf32>
    %transpose3A_20 = tpu.transpose %get3A_19, [1, 0] : vector<1x2560xf32> -> vector<2560x1xf32>
    %slice3A = vector.extract_strided_slice %add3A_9 {offsets = [0, 0], sizes = [2560, 128], strides = [1, 1]} : vector<2560x384xf32> to vector<2560x128xf32>
    %mul3A = vector.broadcast %transpose3A : vector<2560x1xf32> to vector<2560x128xf32>
    %mul3A_21 = arith.mulf %slice3A, %mul3A : vector<2560x128xf32>
    %swap3A = arith.constant 0 : index
    %swap3A_22 = arith.constant 0 : index
    %swap3A_23 = vector.load %arg6[%swap3A, %swap3A_22] : memref<2560x128xf32, #tpu.memory_space<vmem>>, vector<2560x128xf32>
    tpu.vector_store %arg6[%swap3A, %swap3A_22], %mul3A_21 {strides = array<i32>} : memref<2560x128xf32, #tpu.memory_space<vmem>>, vector<2560x128xf32>,
    %slice3A_24 = vector.extract_strided_slice %add3A_9 {offsets = [0, 128], sizes = [2560, 128], strides = [1, 1]} : vector<2560x384xf32> to vector<2560x128xf32>
    %mul3A_25 = vector.broadcast %transpose3A : vector<2560x1xf32> to vector<2560x128xf32>
    %mul3A_26 = arith.mulf %slice3A_24, %mul3A_25 : vector<2560x128xf32>
    %swap3A_27 = arith.constant 0 : index
    %swap3A_28 = arith.constant 0 : index
    %swap3A_29 = vector.load %arg7[%swap3A_27, %swap3A_28] : memref<2560x128xf32, #tpu.memory_space<vmem>>, vector<2560x128xf32>
    tpu.vector_store %arg7[%swap3A_27, %swap3A_28], %mul3A_26 {strides = array<i32>} : memref<2560x128xf32, #tpu.memory_space<vmem>>, vector<2560x128xf32>,
    %slice3A_30 = vector.extract_strided_slice %add3A_9 {offsets = [0, 256], sizes = [2560, 128], strides = [1, 1]} : vector<2560x384xf32> to vector<2560x128xf32>
    %mul3A_31 = arith.mulf %transpose3A, %transpose3A_20 : vector<2560x1xf32>
    %mul3A_32 = vector.broadcast %mul3A_31 : vector<2560x1xf32> to vector<2560x128xf32>
    %mul3A_33 = arith.mulf %slice3A_30, %mul3A_32 : vector<2560x128xf32>
    %swap3A_34 = arith.constant 0 : index
    %swap3A_35 = arith.constant 0 : index
    %swap3A_36 = vector.load %arg8[%swap3A_34, %swap3A_35] : memref<2560x128xf32, #tpu.memory_space<vmem>>, vector<2560x128xf32>
    tpu.vector_store %arg8[%swap3A_34, %swap3A_35], %mul3A_33 {strides = array<i32>} : memref<2560x128xf32, #tpu.memory_space<vmem>>, vector<2560x128xf32>,
    return
  }
  func.func @transform_0(%arg0: i32) -> (i32, i32) {
    %c0_i32 = arith.constant 0 : i32
    %c0_i32_0 = arith.constant 0 : i32
    return %c0_i32, %arg0 : i32, i32
  }
  func.func @transform_1(%arg0: i32) -> (i32, i32, i32) {
    %c0_i32 = arith.constant 0 : i32
    %c0_i32_0 = arith.constant 0 : i32
    %c0_i32_1 = arith.constant 0 : i32
    return %arg0, %c0_i32, %c0_i32_0 : i32, i32, i32
  }
  func.func @transform_2(%arg0: i32) -> (i32, i32, i32) {
    %c0_i32 = arith.constant 0 : i32
    %c0_i32_0 = arith.constant 0 : i32
    %c0_i32_1 = arith.constant 0 : i32
    return %arg0, %c0_i32, %c0_i32_0 : i32, i32, i32
  }
  func.func @transform_3(%arg0: i32) -> (i32, i32) {
    %c0_i32 = arith.constant 0 : i32
    %c0_i32_0 = arith.constant 0 : i32
    %c0_i32_1 = arith.constant 0 : i32
    return %c0_i32, %c0_i32_0 : i32, i32
  }
  func.func @transform_4(%arg0: i32) -> (i32, i32) {
    %c0_i32 = arith.constant 0 : i32
    %c0_i32_0 = arith.constant 0 : i32
    %c0_i32_1 = arith.constant 0 : i32
    return %c0_i32, %c0_i32_0 : i32, i32
  }
  func.func @transform_5(%arg0: i32) -> (i32, i32) {
    %c0_i32 = arith.constant 0 : i32
    %c0_i32_0 = arith.constant 0 : i32
    return %arg0, %c0_i32 : i32, i32
  }
  func.func @transform_6(%arg0: i32) -> (i32, i32) {
    %c0_i32 = arith.constant 0 : i32
    %c0_i32_0 = arith.constant 0 : i32
    return %arg0, %c0_i32 : i32, i32
  }
  func.func @transform_7(%arg0: i32) -> (i32, i32) {
    %c0_i32 = arith.constant 0 : i32
    %c0_i32_0 = arith.constant 0 : i32
    return %arg0, %c0_i32 : i32, i32
  }
}

module attributes {stable_mosaic.version = 14 : i64} {
  func.func @_phi_kernel(%arg0: i32, %arg1: memref<1000x128xf32, #tpu.memory_space<vmem>>, %arg2: memref<128x128xf32, #tpu.memory_space<vmem>>, %arg3: memref<1x128xf32, #tpu.memory_space<vmem>>, %arg4: memref<128x384xf32, #tpu.memory_space<vmem>>, %arg5: memref<1x384xf32, #tpu.memory_space<vmem>>, %arg6: memref<1000x128xf32, #tpu.memory_space<vmem>>, %arg7: memref<1000x128xf32, #tpu.memory_space<vmem>>, %arg8: memref<1000x128xf32, #tpu.memory_space<vmem>>) attributes {dimension_semantics = [#tpu.dimension_semantics<arbitrary>], iteration_bounds = array<i64: 10>, scalar_prefetch = 0 : i64, scratch_operands = 0 : i64, tpu.core_type = #tpu.core_type<tc>, window_params = [{transform_indices = @transform_0, window_bounds = array<i64: 1000, 128>}, {pipeline_mode = #tpu.pipeline_mode<synchronous>, transform_indices = @transform_1, window_bounds = array<i64: 128, 128>}, {pipeline_mode = #tpu.pipeline_mode<synchronous>, transform_indices = @transform_2, window_bounds = array<i64: 1, 128>}, {pipeline_mode = #tpu.pipeline_mode<synchronous>, transform_indices = @transform_3, window_bounds = array<i64: 128, 384>}, {pipeline_mode = #tpu.pipeline_mode<synchronous>, transform_indices = @transform_4, window_bounds = array<i64: 1, 384>}, {transform_indices = @transform_5, window_bounds = array<i64: 1000, 128>}, {transform_indices = @transform_6, window_bounds = array<i64: 1000, 128>}, {transform_indices = @transform_7, window_bounds = array<i64: 1000, 128>}]} {
    %get3A = arith.constant 0 : index
    %get3A_0 = arith.constant 0 : index
    %get3A_1 = vector.load %arg1[%get3A, %get3A_0] : memref<1000x128xf32, #tpu.memory_space<vmem>>, vector<1000x128xf32>
    %get3A_2 = arith.constant 0 : index
    %get3A_3 = arith.constant 0 : index
    %get3A_4 = vector.load %arg2[%get3A_2, %get3A_3] : memref<128x128xf32, #tpu.memory_space<vmem>>, vector<128x128xf32>
    %dot_general3A = arith.constant dense<0.000000e+00> : vector<1000x128xf32>
    %dot_general3A_5 = tpu.matmul %get3A_1, %get3A_4, %dot_general3A {dimension_numbers = #tpu.dot_dimension_numbers<[1], [0], [0], [1], [0, 0, 1, 1], [], []>, transpose_lhs_hint = false} : vector<1000x128xf32>, vector<128x128xf32>, vector<1000x128xf32> -> vector<1000x128xf32>
    %get3A_6 = arith.constant 0 : index
    %get3A_7 = arith.constant 0 : index
    %get3A_8 = vector.load %arg3[%get3A_6, %get3A_7] : memref<1x128xf32, #tpu.memory_space<vmem>>, vector<1x128xf32>
    %add3A = vector.broadcast %get3A_8 : vector<1x128xf32> to vector<1000x128xf32>
    %add3A_9 = arith.addf %dot_general3A_5, %add3A : vector<1000x128xf32>
    %logistic3A = arith.negf %add3A_9 : vector<1000x128xf32>
    %logistic3A_10 = math.exp %logistic3A : vector<1000x128xf32>
    %logistic3A_11 = arith.constant 1.000000e+00 : f32
    %logistic3A_12 = vector.broadcast %logistic3A_11 : f32 to vector<1000x128xf32>
    %logistic3A_13 = arith.addf %logistic3A_12, %logistic3A_10 : vector<1000x128xf32>
    %logistic3A_14 = arith.divf %logistic3A_12, %logistic3A_13 : vector<1000x128xf32>
    %mul3A = arith.mulf %add3A_9, %logistic3A_14 : vector<1000x128xf32>
    %get3A_15 = arith.constant 0 : index
    %get3A_16 = arith.constant 0 : index
    %get3A_17 = vector.load %arg4[%get3A_15, %get3A_16] : memref<128x384xf32, #tpu.memory_space<vmem>>, vector<128x384xf32>
    %dot_general3A_18 = arith.constant dense<0.000000e+00> : vector<1000x384xf32>
    %dot_general3A_19 = tpu.matmul %mul3A, %get3A_17, %dot_general3A_18 {dimension_numbers = #tpu.dot_dimension_numbers<[1], [0], [0], [1], [0, 0, 1, 1], [], []>, transpose_lhs_hint = false} : vector<1000x128xf32>, vector<128x384xf32>, vector<1000x384xf32> -> vector<1000x384xf32>
    %get3A_20 = arith.constant 0 : index
    %get3A_21 = arith.constant 0 : index
    %get3A_22 = vector.load %arg5[%get3A_20, %get3A_21] : memref<1x384xf32, #tpu.memory_space<vmem>>, vector<1x384xf32>
    %add3A_23 = vector.broadcast %get3A_22 : vector<1x384xf32> to vector<1000x384xf32>
    %add3A_24 = arith.addf %dot_general3A_19, %add3A_23 : vector<1000x384xf32>
    %slice3A = vector.extract_strided_slice %add3A_24 {offsets = [0, 0], sizes = [1000, 128], strides = [1, 1]} : vector<1000x384xf32> to vector<1000x128xf32>
    %swap3A = arith.constant 0 : index
    %swap3A_25 = arith.constant 0 : index
    %swap3A_26 = vector.load %arg6[%swap3A, %swap3A_25] : memref<1000x128xf32, #tpu.memory_space<vmem>>, vector<1000x128xf32>
    tpu.vector_store %arg6[%swap3A, %swap3A_25], %slice3A {strides = array<i32>} : memref<1000x128xf32, #tpu.memory_space<vmem>>, vector<1000x128xf32>,
    %slice3A_27 = vector.extract_strided_slice %add3A_24 {offsets = [0, 128], sizes = [1000, 128], strides = [1, 1]} : vector<1000x384xf32> to vector<1000x128xf32>
    %swap3A_28 = arith.constant 0 : index
    %swap3A_29 = arith.constant 0 : index
    %swap3A_30 = vector.load %arg7[%swap3A_28, %swap3A_29] : memref<1000x128xf32, #tpu.memory_space<vmem>>, vector<1000x128xf32>
    tpu.vector_store %arg7[%swap3A_28, %swap3A_29], %slice3A_27 {strides = array<i32>} : memref<1000x128xf32, #tpu.memory_space<vmem>>, vector<1000x128xf32>,
    %slice3A_31 = vector.extract_strided_slice %add3A_24 {offsets = [0, 256], sizes = [1000, 128], strides = [1, 1]} : vector<1000x384xf32> to vector<1000x128xf32>
    %swap3A_32 = arith.constant 0 : index
    %swap3A_33 = arith.constant 0 : index
    %swap3A_34 = vector.load %arg8[%swap3A_32, %swap3A_33] : memref<1000x128xf32, #tpu.memory_space<vmem>>, vector<1000x128xf32>
    tpu.vector_store %arg8[%swap3A_32, %swap3A_33], %slice3A_31 {strides = array<i32>} : memref<1000x128xf32, #tpu.memory_space<vmem>>, vector<1000x128xf32>,
    return
  }
  func.func @transform_0(%arg0: i32) -> (i32, i32) {
    %c0_i32 = arith.constant 0 : i32
    %c0_i32_0 = arith.constant 0 : i32
    return %arg0, %c0_i32 : i32, i32
  }
  func.func @transform_1(%arg0: i32) -> (i32, i32) {
    %c0_i32 = arith.constant 0 : i32
    %c0_i32_0 = arith.constant 0 : i32
    %c0_i32_1 = arith.constant 0 : i32
    return %c0_i32, %c0_i32_0 : i32, i32
  }
  func.func @transform_2(%arg0: i32) -> (i32, i32) {
    %c0_i32 = arith.constant 0 : i32
    %c0_i32_0 = arith.constant 0 : i32
    %c0_i32_1 = arith.constant 0 : i32
    return %c0_i32, %c0_i32_0 : i32, i32
  }
  func.func @transform_3(%arg0: i32) -> (i32, i32) {
    %c0_i32 = arith.constant 0 : i32
    %c0_i32_0 = arith.constant 0 : i32
    %c0_i32_1 = arith.constant 0 : i32
    return %c0_i32, %c0_i32_0 : i32, i32
  }
  func.func @transform_4(%arg0: i32) -> (i32, i32) {
    %c0_i32 = arith.constant 0 : i32
    %c0_i32_0 = arith.constant 0 : i32
    %c0_i32_1 = arith.constant 0 : i32
    return %c0_i32, %c0_i32_0 : i32, i32
  }
  func.func @transform_5(%arg0: i32) -> (i32, i32) {
    %c0_i32 = arith.constant 0 : i32
    %c0_i32_0 = arith.constant 0 : i32
    return %arg0, %c0_i32 : i32, i32
  }
  func.func @transform_6(%arg0: i32) -> (i32, i32) {
    %c0_i32 = arith.constant 0 : i32
    %c0_i32_0 = arith.constant 0 : i32
    return %arg0, %c0_i32 : i32, i32
  }
  func.func @transform_7(%arg0: i32) -> (i32, i32) {
    %c0_i32 = arith.constant 0 : i32
    %c0_i32_0 = arith.constant 0 : i32
    return %arg0, %c0_i32 : i32, i32
  }
}

module attributes {stable_mosaic.version = 14 : i64} {
  func.func @_comb_kernel(%arg0: i32, %arg1: memref<1000x128xf32, #tpu.memory_space<vmem>>, %arg2: memref<1000x128xf32, #tpu.memory_space<vmem>>, %arg3: memref<1000x128xf32, #tpu.memory_space<vmem>>, %arg4: memref<1000x128xf32, #tpu.memory_space<vmem>>, %arg5: memref<1000x128xf32, #tpu.memory_space<vmem>>, %arg6: memref<1000x128xf32, #tpu.memory_space<vmem>>, %arg7: memref<1000x128xf32, #tpu.memory_space<vmem>>, %arg8: memref<1000x128xf32, #tpu.memory_space<vmem>>) attributes {dimension_semantics = [#tpu.dimension_semantics<arbitrary>], iteration_bounds = array<i64: 10>, scalar_prefetch = 0 : i64, scratch_operands = 0 : i64, tpu.core_type = #tpu.core_type<tc>, window_params = [{transform_indices = @transform_0, window_bounds = array<i64: 1000, 128>}, {transform_indices = @transform_1, window_bounds = array<i64: 1000, 128>}, {transform_indices = @transform_2, window_bounds = array<i64: 1000, 128>}, {transform_indices = @transform_3, window_bounds = array<i64: 1000, 128>}, {transform_indices = @transform_4, window_bounds = array<i64: 1000, 128>}, {transform_indices = @transform_5, window_bounds = array<i64: 1000, 128>}, {transform_indices = @transform_6, window_bounds = array<i64: 1000, 128>}, {transform_indices = @transform_7, window_bounds = array<i64: 1000, 128>}]} {
    %get3A = arith.constant 0 : index
    %get3A_0 = arith.constant 0 : index
    %get3A_1 = vector.load %arg1[%get3A, %get3A_0] : memref<1000x128xf32, #tpu.memory_space<vmem>>, vector<1000x128xf32>
    %get3A_2 = arith.constant 0 : index
    %get3A_3 = arith.constant 0 : index
    %get3A_4 = vector.load %arg2[%get3A_2, %get3A_3] : memref<1000x128xf32, #tpu.memory_space<vmem>>, vector<1000x128xf32>
    %add3A = arith.addf %get3A_1, %get3A_4 : vector<1000x128xf32>
    %get3A_5 = arith.constant 0 : index
    %get3A_6 = arith.constant 0 : index
    %get3A_7 = vector.load %arg3[%get3A_5, %get3A_6] : memref<1000x128xf32, #tpu.memory_space<vmem>>, vector<1000x128xf32>
    %add3A_8 = arith.addf %add3A, %get3A_7 : vector<1000x128xf32>
    %swap3A = arith.constant 0 : index
    %swap3A_9 = arith.constant 0 : index
    %swap3A_10 = vector.load %arg7[%swap3A, %swap3A_9] : memref<1000x128xf32, #tpu.memory_space<vmem>>, vector<1000x128xf32>
    tpu.vector_store %arg7[%swap3A, %swap3A_9], %add3A_8 {strides = array<i32>} : memref<1000x128xf32, #tpu.memory_space<vmem>>, vector<1000x128xf32>,
    %get3A_11 = arith.constant 0 : index
    %get3A_12 = arith.constant 0 : index
    %get3A_13 = vector.load %arg4[%get3A_11, %get3A_12] : memref<1000x128xf32, #tpu.memory_space<vmem>>, vector<1000x128xf32>
    %get3A_14 = arith.constant 0 : index
    %get3A_15 = arith.constant 0 : index
    %get3A_16 = vector.load %arg5[%get3A_14, %get3A_15] : memref<1000x128xf32, #tpu.memory_space<vmem>>, vector<1000x128xf32>
    %add3A_17 = arith.addf %get3A_13, %get3A_16 : vector<1000x128xf32>
    %get3A_18 = arith.constant 0 : index
    %get3A_19 = arith.constant 0 : index
    %get3A_20 = vector.load %arg6[%get3A_18, %get3A_19] : memref<1000x128xf32, #tpu.memory_space<vmem>>, vector<1000x128xf32>
    %add3A_21 = arith.addf %add3A_17, %get3A_20 : vector<1000x128xf32>
    %swap3A_22 = arith.constant 0 : index
    %swap3A_23 = arith.constant 0 : index
    %swap3A_24 = vector.load %arg8[%swap3A_22, %swap3A_23] : memref<1000x128xf32, #tpu.memory_space<vmem>>, vector<1000x128xf32>
    tpu.vector_store %arg8[%swap3A_22, %swap3A_23], %add3A_21 {strides = array<i32>} : memref<1000x128xf32, #tpu.memory_space<vmem>>, vector<1000x128xf32>,
    return
  }
  func.func @transform_0(%arg0: i32) -> (i32, i32) {
    %c0_i32 = arith.constant 0 : i32
    %c0_i32_0 = arith.constant 0 : i32
    return %arg0, %c0_i32 : i32, i32
  }
  func.func @transform_1(%arg0: i32) -> (i32, i32) {
    %c0_i32 = arith.constant 0 : i32
    %c0_i32_0 = arith.constant 0 : i32
    return %arg0, %c0_i32 : i32, i32
  }
  func.func @transform_2(%arg0: i32) -> (i32, i32) {
    %c0_i32 = arith.constant 0 : i32
    %c0_i32_0 = arith.constant 0 : i32
    return %arg0, %c0_i32 : i32, i32
  }
  func.func @transform_3(%arg0: i32) -> (i32, i32) {
    %c0_i32 = arith.constant 0 : i32
    %c0_i32_0 = arith.constant 0 : i32
    return %arg0, %c0_i32 : i32, i32
  }
  func.func @transform_4(%arg0: i32) -> (i32, i32) {
    %c0_i32 = arith.constant 0 : i32
    %c0_i32_0 = arith.constant 0 : i32
    return %arg0, %c0_i32 : i32, i32
  }
  func.func @transform_5(%arg0: i32) -> (i32, i32) {
    %c0_i32 = arith.constant 0 : i32
    %c0_i32_0 = arith.constant 0 : i32
    return %arg0, %c0_i32 : i32, i32
  }
  func.func @transform_6(%arg0: i32) -> (i32, i32) {
    %c0_i32 = arith.constant 0 : i32
    %c0_i32_0 = arith.constant 0 : i32
    return %arg0, %c0_i32 : i32, i32
  }
  func.func @transform_7(%arg0: i32) -> (i32, i32) {
    %c0_i32 = arith.constant 0 : i32
    %c0_i32_0 = arith.constant 0 : i32
    return %arg0, %c0_i32 : i32, i32
  }
}

</mosaic_0001>

<sc_bundles>
// kernel: kernel.6.cloned.1.call-start
scs
__scs_entry_jumppad:
0x0: {  	(pc) =	sbr.rel $0x88, $3  }
0x1: {  	(tag) =	ssettag $0x0;
	lr =	simm.s32 $0x1  }
0x2: {  	[smem:$0x3F95] =	sst lr;
	_ =	strace $0xD0000000  }
0x3: {  	_ = 	snop  }
0x4: {  	_ = 	snop  }
0x5: {  	_ = 	snop  }
0x6: {  	_ = 	snop  }
0x7: {  	_ = 	snop  }
__scs_overlays_trampoline_lowered:
0x8: {  	[smem:$0x3FA4] =	sst s0  }
0x9: {  	[smem:$0x3FA5] =	sst s1  }
0xa: {  	[smem:$0x3FA6] =	sst s2  }
0xb: {  	[smem:$0x3FA7] =	sst s3  }
0xc: {  	[smem:$0x3FA8] =	sst s4  }
0xd: {  	[smem:$0x3FA9] =	sst s5  }
0xe: {  	[smem:$0x3FAA] =	sst s6  }
0xf: {  	[smem:$0x3FAB] =	sst s7  }
0x10: {  	[smem:$0x3FAC] =	sst s8  }
0x11: {  	[smem:$0x3FAD] =	sst s9;
	s0 =	simm.s32 @!p0 $0x0  }
0x12: {  	s1 =	sld [smem:$0x3F93];
	s0 =	simm.s32 @p0 $0x1  }
0x13: {  	[smem:$0x3FAE] =	sst s0;
	s0 =	simm.s32 @!p1 $0x0  }
0x14: {  	s2 =	sld [smem:$0x3F92];
	s0 =	simm.s32 @p1 $0x1  }
0x15: {  	[smem:$0x3FAF] =	sst s0;
	s0 =	simm.s32 @!p2 $0x0  }
0x16: {  	s3 =	sld [smem:$0x3FDB];
	s0 =	simm.s32 @p2 $0x1  }
0x17: {  	s4 =	simm.s32 $0x1BF5;
	[smem:$0x3FB1] =	sst s0  }
0x18: {  	s0 =	sld [smem:$0x3F94];
	_ =	swait.ge [sflag:s4], $0x0  }
0x19: {  	s7 =	sld [smem:$0x3F95]  }
0x1a: {  	s8 =	sadd.s32 $0xFFFFE003, lr  }
0x1b: {  	s9 =	sadd.s32 $0xFFFFFEF7, lr;
	s5 =	simm.s32 $0xFFFFFFFF;
	p2 =	slt.u32 s8, $0xFFFFF086  }
0x1c: {  	p1 =	slt.u32 s9, $0xF7A;
	s5 =	simm.s32 @!p2 $0x0  }
0x1d: {  	s5 =	simm.s32 @p1 $0x1;
	p0 =	seq.s32 s7, s2  }
0x1e: {  	s7 =	smul.u32 @!p0 $0xF7A, s2;
	p2 =	seq.s32 @!p0 s5, $0x0  }
0x1f: {  	s9 =	smul.u32 $0xF7A, s1;
	s8 =	simm.s32 @!p0 $0x1BF5;
	p2 =	por !p2, p0  }
0x20: {  	[sflag:s8] =	ssyncset.s32 @!p0 $0xFFFFF086;
	s6 =	sadd.s32 @!p0 s3, s7;
	s7 =	simm.s32 @!p0 $0x108  }
0x21: {  	s3 =	sadd.s32 s3, s9;
	s6 =	sadd.s32 @!p0 $0x88, s6;
	s7 =	simm.s32 @p2 $0x1082  }
0x22: {  	[simem:s7], [sflag:s8] =	dma.local @!p0 [hbm:s6], $0xF7A  }
0x23: {  	s9 =	sor.u32 $0xD0000000, s2;
	s6 =	simm.s32 $0x108;
	_ =	swait.ge @!p0 [sflag:s8], $0x0  }
0x24: {  	s3 =	sadd.s32 $0x88, s3;
	s6 =	simm.s32 @!p1 $0x1082;
	[sflag:s4] =	ssyncset.s32 $0xFFFFF086  }
0x25: {  	[simem:s6], [sflag:s4] =	dma.local [hbm:s3], $0xF7A  }
0x26: {  	[smem:$0x3F95] =	sst s1;
	(tag) =	ssettag s2;
	_ =	strace s9  }
0x27: {  	s1 =	sld [smem:$0x3FA5]  }
0x28: {  	s2 =	sld [smem:$0x3FA6]  }
0x29: {  	s4 =	sld [smem:$0x3FA8]  }
0x2a: {  	p0 =	seq.s32 s5, $0x0;
	s5 =	sld [smem:$0x3FA9]  }
0x2b: {  	s6 =	sld [smem:$0x3FAA]  }
0x2c: {  	s7 =	sld [smem:$0x3FAB]  }
0x2d: {  	s3 =	simm.s32 $0x108;
	s8 =	sld [smem:$0x3FAC]  }
0x2e: {  	s3 =	simm.s32 @!p0 $0x1082;
	s9 =	sld [smem:$0x3FAD]  }
0x2f: {  	lr =	sadd.s32 s0, s3;
	s0 =	sld [smem:$0x3FA4]  }
0x30: {  	s3 =	sld [smem:$0x3FA7]  }
0x31: {  	[smem:$0x3FB0] =	sst s10  }
0x32: {  	s10 =	sld [smem:$0x3FAE];
	_ =	sdelay $0x3  }
0x33: {  	p0 =	seq.s32 s10, $0x1;
	s10 =	sld [smem:$0x3FB0];
	_ =	sdelay $0x3  }
0x34: {  	[smem:$0x3FB0] =	sst s10  }
0x35: {  	s10 =	sld [smem:$0x3FAF];
	_ =	sdelay $0x3  }
0x36: {  	p1 =	seq.s32 s10, $0x1;
	s10 =	sld [smem:$0x3FB0];
	_ =	sdelay $0x3  }
0x37: {  	[smem:$0x3FB0] =	sst s10  }
0x38: {  	s10 =	sld [smem:$0x3FB1]  }
0x39: {  	_ = 	snop;
	(pc) =	sbr.ind lr, $3  }
0x3a: {  	_ = 	snop  }
0x3b: {  	_ = 	snop  }
0x3c: {  	p2 =	seq.s32 s10, $0x1;
	s10 =	sld [smem:$0x3FB0]  }
0x3d: {  	_ =	shalt  }
0x3e: {  	_ =	shalt  }
0x3f: {  	_ =	shalt  }
0x40: {  	_ =	shalt  }
0x41: {  	_ =	shalt  }
0x42: {  	_ =	shalt  }
0x43: {  	_ =	shalt  }
0x44: {  	_ =	shalt  }
0x45: {  	_ =	shalt  }
0x46: {  	_ =	shalt  }
0x47: {  	_ =	shalt  }
0x48: {  	_ =	shalt  }
0x49: {  	_ =	shalt  }
0x4a: {  	_ =	shalt  }
0x4b: {  	_ =	shalt  }
0x4c: {  	_ =	shalt  }
0x4d: {  	_ =	shalt  }
0x4e: {  	_ =	shalt  }
0x4f: {  	_ =	shalt  }
0x50: {  	_ =	shalt  }
0x51: {  	_ =	shalt  }
0x52: {  	_ =	shalt  }
0x53: {  	_ =	shalt  }
0x54: {  	_ =	shalt  }
0x55: {  	_ =	shalt  }
0x56: {  	_ =	shalt  }
0x57: {  	_ =	shalt  }
0x58: {  	_ =	shalt  }
0x59: {  	_ =	shalt  }
0x5a: {  	_ =	shalt  }
0x5b: {  	_ =	shalt  }
0x5c: {  	_ =	shalt  }
0x5d: {  	_ =	shalt  }
0x5e: {  	_ =	shalt  }
0x5f: {  	_ =	shalt  }
0x60: {  	_ =	shalt  }
0x61: {  	_ =	shalt  }
0x62: {  	_ =	shalt  }
0x63: {  	_ =	shalt  }
0x64: {  	_ =	shalt  }
0x65: {  	_ =	shalt  }
0x66: {  	_ =	shalt  }
0x67: {  	_ =	shalt  }
0x68: {  	_ =	shalt  }
0x69: {  	_ =	shalt  }
0x6a: {  	_ =	shalt  }
0x6b: {  	_ =	shalt  }
0x6c: {  	_ =	shalt  }
0x6d: {  	_ =	shalt  }
0x6e: {  	_ =	shalt  }
0x6f: {  	_ =	shalt  }
0x70: {  	_ =	shalt  }
0x71: {  	_ =	shalt  }
0x72: {  	_ =	shalt  }
0x73: {  	_ =	shalt  }
0x74: {  	_ =	shalt  }
0x75: {  	_ =	shalt  }
0x76: {  	_ =	shalt  }
0x77: {  	_ =	shalt  }
0x78: {  	_ =	shalt  }
0x79: {  	_ =	shalt  }
0x7a: {  	_ =	shalt  }
0x7b: {  	_ =	shalt  }
0x7c: {  	_ =	shalt  }
0x7d: {  	_ =	shalt  }
0x7e: {  	_ =	shalt  }
0x7f: {  	_ =	shalt  }
0x80: {  	_ =	shalt  }
0x81: {  	_ =	shalt  }
0x82: {  	_ =	shalt  }
0x83: {  	_ =	shalt  }
0x84: {  	_ =	shalt  }
0x85: {  	_ =	shalt  }
0x86: {  	_ =	shalt  }
0x87: {  	_ =	shalt  }
.Lfunc_end0:
.L_simem_size_0:
called_computation_lowered:
.L_overlay_start_0:
0x88: {  	s2 =	sld [smem:$0x3FD9]  }
0x89: {  	s3 =	sld [smem:$0x3FFE];
	_ =	sdelay $0x1  }
0x8a: {  	s1 =	srdreg.scid  }
0x8b: {  	s0 =	sand.u32 $0x1, s1  }
0x8c: {  	s14 =	sshll.u32 s0, $0xA;
	s2 =	sadd.s32 s3, s2  }
0x8d: {  	s2 =	sadd.s32 s2, s14  }
0x8e: {  	[smem:$0x3FBC] =	sst s2  }
0x8f: {  	_ = 	snop  }
0x90: {  	s2 =	sld [smem:$0x3FD0];
	_ =	sdelay $0x2  }
0x91: {  	s4 =	simm.s32 $0xA;
	s5 =	simm.s32 $0x10;
	s15 =	sld [smem:$0x3FC8]  }
0x92: {  	[smem:s5], [sflag:s4] =	dma.local [hbm:s2], $0x1  }
0x93: {  	_ =	swait.eq [sflag:s4], $0x1  }
0x94: {  	[sflag:s4] =	ssyncset.done $0x0  }
0x95: {  	s16 =	sld [smem:$0x10];
	[sflag:s4] =	ssyncadd.s32 $0xFFFFFFFF  }
0x96: {  	s17 =	sld [smem:$0x11];
	(tm) =	ssettm $0x1  }
0x97: {  	s18 =	sld [smem:$0x3FFB];
	_ =	sdelay $0x3  }
0x98: {  	_ =	strace s18  }
0x99: {  	s5 =	sld [smem:$0x3FFC];
	_ =	sdelay $0x3  }
0x9a: {  	_ =	strace s5  }
0x9b: {  	s5 =	sld [smem:$0x3FFD];
	_ =	sdelay $0x3  }
0x9c: {  	_ =	strace s5  }
0x9d: {  	_ =	strace $0x8FFFFFFF  }
0x9e: {  	s19 =	sld [smem:$0x3FDB];
	_ =	sdelay $0x1  }
0x9f: {  	s6 =	simm.s32 $_scs_section_size  }
0xa0: {  	s7 =	simm.s32 $_size__tile_overlayer_lowered;
	s8 =	simm.s32 $_tile_overlayer_lowered  }
0xa1: {  	s22 =	simm.s32 $0x1BFF;
	s21 =	sshll.u32 s8, $0x1;
	s5 =	sadd.s32 s6, s19  }
0xa2: {  	s9 =	simm.s32 $0x0;
	s20 =	sshll.u32 s7, $0x1;
	s7 =	sadd.s32 s21, s5  }
0xa3: {  	[timem:s9], [sflag:s22] =	dma.local [hbm:s7], s20  }
0xa4: {  	_ =	swait.ge [sflag:s22], s20  }
0xa5: {  	s6 =	ssub.s32 $0x0, s20;
	[sflag:s22] =	ssyncset.done $0x0  }
0xa6: {  	[sflag:s22] =	ssyncadd.s32 s6;
	_ =	sdelay $0x1  }
0xa7: {  	s23 =	simm.s32 $0x1B8B  }
0xa8: {  	_ =	swait.ge [sflag:s23], $0x1  }
0xa9: {  	[sflag:s23] =	ssyncset.done $0x0  }
0xaa: {  	s25 =	simm.s32 $0x1B8E;
	s24 =	sld [smem:$0x3FFE];
	[sflag:s23] =	ssyncadd.s32 $0xFFFFFFFF  }
0xab: {  	s26 =	simm.s32 $execute0_lowered;
	[smem:$0x3FD2] =	sst s25  }
0xac: {  	s7 =	sshll.u32 s26, $0x1;
	_ =	strace $0x80000046;
	[dreg:$0x1] =	wrdreg $0xFFFFFFFF  }
0xad: {  	s28 =	simm.s32 $_size_execute0_lowered;
	s5 =	sadd.s32 s5, s7;
	[dreg:$0x0] =	wrdreg $0x0  }
0xae: {  	s7 =	sshll.u32 s28, $0x1;
	[dreg:$0x2] =	wrdreg s5  }
0xaf: {  	[dreg:$0x3] =	wrdreg s7  }
0xb0: {  	[dreg:$0x4] =	wrdreg $0xC0  }
0xb1: {  	_ =	task [dreg:s9], $0x5FFFF  }
0xb2: {  	[dreg:$0x1] =	wrdreg $0xFFFFFFFF  }
0xb3: {  	[dreg:$0x0] =	wrdreg $0x60  }
0xb4: {  	[dreg:$0x2] =	wrdreg s17  }
0xb5: {  	[dreg:$0x3] =	wrdreg s16  }
0xb6: {  	[dreg:$0x4] =	wrdreg s24  }
0xb7: {  	[dreg:$0x5] =	wrdreg s15  }
0xb8: {  	[dreg:$0x6] =	wrdreg $0xA5000  }
0xb9: {  	[dreg:$0x7] =	wrdreg $0x9  }
0xba: {  	_ =	task.clear_ibuf [dreg:s9], $0x8FFFF;
	_ =	strace $0x90000046  }
0xbb: {  	s29 =	simm.s32 $0x9;
	_ =	strace $0x80000048  }
0xbc: {  	_ =	swait.ge [sflag:s29], $0x1  }
0xbd: {  	[sflag:s29] =	ssyncadd.s32 $0xFFFFFFFF  }
0xbe: {  	_ =	strace $0x90000048  }
0xbf: {  	_ =	sfence  }
0xc0: {  	s30 =	sld [smem:$0x0];
	_ =	sdelay $0x2  }
0xc1: {  	s31 =	sshll.u32 s1, $0xD;
	s1 =	sshrl.u32 s1, $0x2  }
0xc2: {  	s3 =	sand.u32 $0x4000, s31;
	s1 =	sadd.s32 s1, s30  }
0xc3: {  	s0 =	sor.u32 s3, s0;
	s1 =	sshll.u32 s1, $0x11  }
0xc4: {  	s0 =	sor.u32 s1, s0  }
0xc5: {  	s0 =	sadd.s32 $0x8F2B, s0  }
0xc6: {  	[sflag:s0] =	ssyncadd.remote.s32 $0x1  }
0xc7: {  	_ =	sfence.sel $0xFFFF  }
0xc8: {  	[dreg:$0x0] =	wrdreg $0xFFFFFFFF;
	(pc) =	sbr.abs _section_cstart, $3  }
0xc9: {  	[dreg:$0x1] =	wrdreg $0xFFFFFFFF  }
0xca: {  	_ =	task.clear_ibuf [dreg:s9], $0x2FFFF;
	_ =	strace $0x9FFFFFFF  }
0xcb: {  	(tm) =	ssettm $0x7FFFFFFF  }
tec
execute0_lowered:
.L_overlay_start_1:
0x0: {  	(tag) =	ssettag $0x1  }
0x1: {  	s0 =	srdreg.scid;
	s2 =	stileid.u32  }
0x2: {  	s7 =	sand.u32 $0x1, s0;
	s1 =	sshll.u32 s2, $0x4;
	s9 =	smul.u32 $0x14000, s2  }
0x3: {  	s4 =	smul.u32 $0x138800, s7;
	s8 =	sor.u32 $0x1, s1  }
0x4: {  	s11 =	sor.u32 $0x2, s1;
	s10 =	smul.u32 $0x1400, s8  }
0x5: {  	s18 =	sor.u32 $0x3, s1;
	s19 =	smul.u32 $0x1400, s11  }
0x6: {  	s16 =	sor.u32 $0x4, s1;
	s20 =	smul.u32 $0x1400, s18  }
0x7: {  	s14 =	stileid.u32;
	s17 =	sor.u32 $0x5, s1;
	s21 =	smul.u32 $0x1400, s16  }
0x8: {  	s0 =	ssub.s32 $0x2, s7;
	s15 =	sor.u32 $0x6, s1;
	s22 =	smul.u32 $0x1400, s17  }
0x9: {  	s6 =	sor.u32 $0x7, s1;
	s3 =	sor.u32 $0x8, s1;
	s23 =	smul.u32 $0x1400, s15  }
0xa: {  	s2 =	sor.u32 $0x9, s1;
	s5 =	sor.u32 $0xB, s1;
	s24 =	smul.u32 $0x1400, s6  }
0xb: {  	s12 =	sor.u32 $0xD, s1;
	[smem:$0x7DF] =	sst s6;
	s25 =	smul.u32 $0x1400, s3  }
0xc: {  	s13 =	sor.u32 $0xE, s1;
	[smem:$0x7E2] =	sst s3;
	s3 =	smul.u32 $0x1400, s2  }
0xd: {  	s26 =	sshrl.u32 s0, $0x1;
	[smem:$0x7E3] =	sst s2;
	s29 =	smul.u32 $0x1400, s5  }
0xe: {  	s6 =	sor.u32 $0xC, s1;
	s31 =	smul.u32 $0x1400, s12;
	s0 =	ssub.s32 s0, s26  }
0xf: {  	s26 =	sadd.s32 s9, s4;
	s30 =	smul.u32 $0x1400, s6;
	s9 =	sshllo.u32 s14, $0x4  }
0x10: {  	s14 =	sshll.u32 s14, $0x1;
	[smem:$0x7F0] =	sst s0;
	s0 =	sor.u32 $0xA, s1  }
0x11: {  	s10 =	sadd.s32 s4, s10;
	s19 =	sadd.s32 s4, s19;
	s20 =	sadd.s32 s4, s20  }
0x12: {  	s21 =	sadd.s32 s4, s21;
	s22 =	sadd.s32 s4, s22;
	s1 =	smul.u32 $0x1400, s13  }
0x13: {  	s23 =	sadd.s32 s4, s23;
	s24 =	sadd.s32 s4, s24;
	s28 =	smul.u32 $0x1400, s0  }
0x14: {  	s25 =	sadd.s32 s4, s25;
	[smem:$0x7E6] =	sst s0;
	s0 =	smul.u32 $0x1400, s9  }
0x15: {  	s3 =	sadd.s32 s4, s3;
	s29 =	sadd.s32 s4, s29;
	s31 =	sadd.s32 s4, s31  }
0x16: {  	s2 =	sadd.s32 s4, s1;
	s1 =	sadd.s32 s4, s0;
	s0 =	sor.u32 s7, s14  }
0x17: {  	s30 =	sadd.s32 s4, s30;
	s28 =	sadd.s32 s4, s28;
	s0 =	smul.u32 $0x2710, s0  }
0x18: {  	s4 =	sshrl.u32 s10, $0x3;
	s10 =	sshrl.u32 s19, $0x3;
	s19 =	rddreg [dreg:$0x2]  }
0x19: {  	[dreg:$0x6] =	wrdreg s0  }
0x1a: {  	s0 =	sshrl.u32 s26, $0x3;
	s26 =	sshrl.u32 s28, $0x3;
	s28 =	sshrl.u32 s29, $0x3  }
0x1b: {  	s29 =	sshrl.u32 s30, $0x3;
	s30 =	sshrl.u32 s31, $0x3;
	s31 =	sadd.s32 $0xEE3000, s19  }
0x1c: {  	s14 =	sadd.s32 s31, s0  }
0x1d: {  	[dreg:$0x7] =	wrdreg s14;
	s14 =	sadd.s32 s31, s4  }
0x1e: {  	s20 =	sshrl.u32 s20, $0x3;
	[dreg:$0x8] =	wrdreg s14;
	s14 =	sadd.s32 s31, s10  }
0x1f: {  	s21 =	sshrl.u32 s21, $0x3;
	[dreg:$0x9] =	wrdreg s14;
	s14 =	sadd.s32 s31, s20  }
0x20: {  	s22 =	sshrl.u32 s22, $0x3;
	[dreg:$0xa] =	wrdreg s14;
	s14 =	sadd.s32 s31, s21  }
0x21: {  	s23 =	sshrl.u32 s23, $0x3;
	[dreg:$0xb] =	wrdreg s14;
	s14 =	sadd.s32 s31, s22  }
0x22: {  	s24 =	sshrl.u32 s24, $0x3;
	[dreg:$0xc] =	wrdreg s14;
	s14 =	sadd.s32 s31, s23  }
0x23: {  	s25 =	sshrl.u32 s25, $0x3;
	[dreg:$0xd] =	wrdreg s14;
	s14 =	sadd.s32 s31, s24  }
0x24: {  	s3 =	sshrl.u32 s3, $0x3;
	[dreg:$0xe] =	wrdreg s14;
	s14 =	sadd.s32 s31, s25  }
0x25: {  	[dreg:$0xf] =	wrdreg s14;
	s14 =	sadd.s32 s31, s3  }
0x26: {  	[dreg:$0x10] =	wrdreg s14;
	s14 =	sadd.s32 s31, s26  }
0x27: {  	[dreg:$0x11] =	wrdreg s14;
	s14 =	sadd.s32 s31, s28  }
0x28: {  	[dreg:$0x12] =	wrdreg s14;
	s14 =	sadd.s32 s31, s29  }
0x29: {  	s2 =	sshrl.u32 s2, $0x3;
	[dreg:$0x13] =	wrdreg s14;
	s14 =	sadd.s32 s31, s30  }
0x2a: {  	s1 =	sshrl.u32 s1, $0x3;
	[dreg:$0x14] =	wrdreg s14;
	s14 =	sadd.s32 s31, s2  }
0x2b: {  	[dreg:$0x15] =	wrdreg s14;
	s14 =	sadd.s32 s31, s1  }
0x2c: {  	s31 =	sadd.s32 $0xF31200, s19;
	[dreg:$0x16] =	wrdreg s14  }
0x2d: {  	s0 =	sadd.s32 s31, s0;
	s14 =	sadd.s32 s31, s10;
	s10 =	sadd.s32 s31, s25  }
0x2e: {  	s25 =	sadd.s32 s31, s1;
	s1 =	smul.u32 $0x27100, s7;
	s7 =	rddreg [dreg:$0x0]  }
0x2f: {  	s4 =	sadd.s32 s31, s4;
	[dreg:$0x17] =	wrdreg s0  }
0x30: {  	[dreg:$0x18] =	wrdreg s4  }
0x31: {  	s20 =	sadd.s32 s31, s20;
	[dreg:$0x19] =	wrdreg s14  }
0x32: {  	s21 =	sadd.s32 s31, s21;
	[dreg:$0x1a] =	wrdreg s20  }
0x33: {  	s22 =	sadd.s32 s31, s22;
	[dreg:$0x1b] =	wrdreg s21  }
0x34: {  	s23 =	sadd.s32 s31, s23;
	[dreg:$0x1c] =	wrdreg s22  }
0x35: {  	[dreg:$0x1d] =	wrdreg s23  }
0x36: {  	[dreg:$0x1f] =	wrdreg s10  }
0x37: {  	s4 =	sadd.s32 s31, s24;
	[smem:$0x7DB] =	sst s25  }
0x38: {  	s24 =	sadd.s32 s31, s2;
	s2 =	smul.u32 $0x5000, s8;
	s8 =	rddreg [dreg:$0x1]  }
0x39: {  	s14 =	sadd.s32 s31, s3;
	[dreg:$0x1e] =	wrdreg s4  }
0x3a: {  	s20 =	sadd.s32 s31, s26;
	[smem:$0x7D5] =	sst s14  }
0x3b: {  	s15 =	smul.u32 $0x5000, s15;
	s21 =	sadd.s32 s31, s28;
	[smem:$0x7D6] =	sst s20  }
0x3c: {  	p6 =	sgt.u32 s5, $0xF9;
	s22 =	sadd.s32 s31, s29;
	[smem:$0x7D7] =	sst s21  }
0x3d: {  	p2 =	sgt.u32 s12, $0xF9;
	s23 =	sadd.s32 s31, s30;
	[smem:$0x7D8] =	sst s22  }
0x3e: {  	p3 =	sgt.u32 s13, $0xF9;
	p1 =	sgt.u32 s6, $0xF9;
	[smem:$0x7D9] =	sst s23  }
0x3f: {  	p4 =	sgt.u32 s9, $0xF9;
	s25 =	sadd.s32 $0xA01000, s19;
	[smem:$0x7DA] =	sst s24  }
0x40: {  	s26 =	stileid.u32;
	s30 =	sadd.s32 $0x15E00, s19;
	[smem:$0x7DE] =	sst s25  }
0x41: {  	s4 =	simm.s32 $0x0;
	s14 =	smul.u32 $0x5000, s11;
	s11 =	rddreg [dreg:$0x4]  }
0x42: {  	s10 =	smul.u32 $0x4E200, s26;
	s22 =	sadd.s32 $0x3D000, s19;
	[smem:$0x7FF] =	sst s4  }
0x43: {  	s23 =	sadd.s32 $0x51F000, s19;
	s26 =	smul.u32 $0x50000, s26;
	[smem:$0x7DC] =	sst s22  }
0x44: {  	[smem:$0x7DD] =	sst s23;
	s2 =	sshrl.u32 s2, $0x2;
	s3 =	sadd.s32 s10, s22  }
0x45: {  	s24 =	sadd.s32 s10, s23;
	s0 =	sadd.s32 s10, s25;
	s10 =	rddreg [dreg:$0x3]  }
0x46: {  	s23 =	stileid.u32;
	s25 =	smul.u32 $0x5000, s18;
	_ =	strace $0x80000047  }
0x47: {  	s29 =	sadd.s32 s2, s11;
	s20 =	sadd.s32 s1, s3;
	s21 =	sadd.s32 s1, s24  }
0x48: {  	s22 =	sadd.s32 s1, s0;
	s24 =	sshrl.u32 s26, $0x2;
	s18 =	sld [smem:$0x7DF]  }
0x49: {  	s26 =	smul.u32 $0x5000, s16;
	s0 =	sshrl.u32 s14, $0x2;
	[smem:$0x7FB] =	sst s29  }
0x4a: {  	s14 =	smul.u32 $0x5000, s17;
	s28 =	sadd.s32 s24, s11;
	s24 =	sld [smem:$0x7E2]  }
0x4b: {  	s17 =	sshrl.u32 s25, $0x2;
	s1 =	sshrl.u32 s26, $0x2;
	s26 =	sld [smem:$0x7E3]  }
0x4c: {  	s2 =	sadd.s32 s17, s11;
	s25 =	sshrl.u32 s14, $0x2;
	s17 =	sld [smem:$0x7E6]  }
0x4d: {  	s3 =	smul.u32 $0x5000, s18;
	[smem:$0x7E0] =	sst s2;
	s1 =	sadd.s32 s1, s11  }
0x4e: {  	s2 =	sadd.s32 s25, s11;
	[smem:$0x7E1] =	sst s1;
	s1 =	smul.u32 $0x5000, s24  }
0x4f: {  	p5 =	seq.s32 s23, $0xF;
	[smem:$0x7E4] =	sst s2;
	s2 =	smul.u32 $0x5000, s6  }
0x50: {  	s31 =	sadd.s32 s0, s11;
	s0 =	sshrl.u32 s15, $0x2;
	s6 =	smul.u32 $0x5000, s9  }
0x51: {  	s0 =	sadd.s32 s0, s11;
	[smem:$0x7FA] =	sst s28;
	s14 =	smul.u32 $0x5000, s26  }
0x52: {  	[smem:$0x7FC] =	sst s31;
	s15 =	sshrl.u32 s3, $0x2;
	s3 =	smul.u32 $0x5000, s17  }
0x53: {  	s23 =	simm.s32 $0x2;
	[smem:$0x7E5] =	sst s0;
	s26 =	smul.u32 $0x5000, s5  }
0x54: {  	s5 =	smul.u32 $0x5000, s13;
	s17 =	sadd.s32 $0x520680, s19;
	s1 =	sshrl.u32 s1, $0x2  }
0x55: {  	s0 =	sadd.s32 s15, s11;
	s13 =	sshrl.u32 s6, $0x2;
	[smem:$0x7F4] =	sst s17  }
0x56: {  	s15 =	sadd.s32 $0xC000, s19;
	s17 =	simm.s32 $0x5500;
	[smem:$0x7E7] =	sst s0  }
0x57: {  	s16 =	sshrl.u32 s14, $0x2;
	s18 =	sadd.s32 s1, s11;
	s14 =	sld [smem:$0x7F0]  }
0x58: {  	s25 =	sshrl.u32 s3, $0x2;
	s1 =	sshrl.u32 s26, $0x2;
	[smem:$0x7F2] =	sst s15  }
0x59: {  	s3 =	smul.u32 $0x5000, s12;
	s26 =	sadd.s32 $0x500, s22;
	[smem:$0x7E8] =	sst s18  }
0x5a: {  	s15 =	simm.s32 $0x28;
	s24 =	sadd.s32 s16, s11;
	[smem:$0x7F9] =	sst s26  }
0x5b: {  	s22 =	simm.s32 $0x400;
	s0 =	sadd.s32 s25, s11;
	[smem:$0x7E9] =	sst s24  }
0x5c: {  	s1 =	sadd.s32 s1, s11;
	s16 =	sadd.s32 $0x2200, s19;
	[smem:$0x7EA] =	sst s0  }
0x5d: {  	s18 =	sadd.s32 $0x3E680, s19;
	s19 =	sadd.s32 $0xA02680, s19;
	[smem:$0x7EB] =	sst s1  }
0x5e: {  	s25 =	sadd.s32 $0x500, s21;
	s21 =	simm.s32 $0x3;
	[smem:$0x7F3] =	sst s16  }
0x5f: {  	s26 =	simm.s32 $0x9100;
	s0 =	sshrl.u32 s2, $0x2;
	[smem:$0x7F5] =	sst s18  }
0x60: {  	s9 =	sshrl.u32 s3, $0x2;
	s1 =	sshrl.u32 s5, $0x2;
	[smem:$0x7F6] =	sst s19  }
0x61: {  	s24 =	sadd.s32 $0x500, s20;
	[smem:$0x7F8] =	sst s25;
	s16 =	simm.s32 $0x500  }
0x62: {  	s18 =	simm.s32 $0x1900;
	s19 =	simm.s32 $0x6900;
	s20 =	simm.s32 $0x1  }
0x63: {  	s25 =	simm.s32 $0x480;
	s0 =	sadd.s32 s0, s11;
	[smem:$0x7F7] =	sst s24  }
0x64: {  	s2 =	simm.s32 $0x4100;
	[smem:$0x7EC] =	sst s0;
	s0 =	sadd.s32 s9, s11  }
0x65: {  	s3 =	simm.s32 $0x0;
	[smem:$0x7ED] =	sst s0;
	s0 =	sadd.s32 s13, s11  }
0x66: {  	s12 =	sadd.s32 s1, s11;
	[smem:$0x7EF] =	sst s0;
	s0 =	smax.u32 s14, $0x1  }
0x67: {  	s24 =	simm.s32 $0x4;
	[smem:$0x7F1] =	sst s0;
	s0 =	simm.s32 @!p6 $0x0  }
0x68: {  	[smem:$0x7EE] =	sst s12;
	s12 =	simm.s32 $0x7D00;
	s0 =	simm.s32 @p6 $0x1  }
0x69: {  	v0 =	vimm.f32 $0.0e+00;
	s9 =	simm.s32 $0x2D00;
	s13 =	simm.s32 $0x7;
	[smem:$0x7FD] =	sst s0  }
.LBB2_1:
0x6a: {  	[smem:$0x7D4] =	sst s3;
	s0 =	simm.s32 $0x0;
	s1 =	simm.s32 $0x200  }
.LBB2_2:
0x6b: {  	p0 =	sne.s32 s1, $0x4E00;
	[tilespmem:s0+$0x7D70] =	vst v0  }
0x6c: {  	[tilespmem:s0+$0x7D00] =	vst v0  }
0x6d: {  	[tilespmem:s0+$0x7D10] =	vst v0  }
.Ltmp0:
0x6e: {  	[tilespmem:s0+$0x7D20] =	vst v0;
	(pc) =	sbr.rel @p0 .LBB2_2-.Ltmp0, $4  }
0x6f: {  	[tilespmem:s0+$0x7D30] =	vst v0  }
0x70: {  	[tilespmem:s0+$0x7D40] =	vst v0  }
0x71: {  	[tilespmem:s0+$0x7D50] =	vst v0  }
0x72: {  	[tilespmem:s0+$0x7D60] =	vst v0;
	s0 =	sshra.s32 s1, $0x2;
	s1 =	sadd.s32 $0x200, s1  }
0x73: {  	[tilespmem:s0+$0x7D70] =	vst v0  }
0x74: {  	[tilespmem:s0+$0x7D00] =	vst v0  }
0x75: {  	[tilespmem:s0+$0x7D10] =	vst v0  }
0x76: {  	[tilespmem:s0+$0x7D20] =	vst v0  }
0x77: {  	[tilespmem:s0+$0x7D30] =	vst v0  }
0x78: {  	[tilespmem:s0+$0x7D40] =	vst v0  }
0x79: {  	[tilespmem:s0+$0x7D50] =	vst v0  }
0x7a: {  	[tilespmem:s0+$0x7D60] =	vst v0  }
0x7b: {  	[spmem:s28] =	stream.linear.scatter [tilespmem:s12], [sflag:$0x7], $0x1400, $0x38;
	[tilespmem:$0x1DD80] =	vst v63  }
0x7c: {  	_ =	swait.ge [sflag:s13], $0x1400  }
0x7d: {  	[sflag:s13] =	ssyncset.done $0x0  }
0x7e: {  	[sflag:s13] =	ssyncadd.s32 $0xFFFFEC00  }
0x7f: {  	[spmem:s29] =	stream.linear.scatter [tilespmem:s12], [sflag:$0x7], $0x1400, $0x38;
	[tilespmem:$0x1DD80] =	vst v63  }
0x80: {  	_ =	swait.ge [sflag:s13], $0x1400  }
0x81: {  	[sflag:s13] =	ssyncset.done $0x0  }
0x82: {  	[sflag:s13] =	ssyncadd.s32 $0xFFFFEC00  }
0x83: {  	[spmem:s31] =	stream.linear.scatter [tilespmem:s12], [sflag:$0x7], $0x1400, $0x38;
	[tilespmem:$0x1DD80] =	vst v63  }
0x84: {  	_ =	swait.ge [sflag:s13], $0x1400  }
0x85: {  	s31 =	sld [smem:$0x7E0]  }
0x86: {  	[sflag:s13] =	ssyncset.done $0x0  }
0x87: {  	[sflag:s13] =	ssyncadd.s32 $0xFFFFEC00  }
0x88: {  	[spmem:s31] =	stream.linear.scatter [tilespmem:s12], [sflag:$0x7], $0x1400, $0x38;
	[tilespmem:$0x1DD80] =	vst v63  }
0x89: {  	_ =	swait.ge [sflag:s13], $0x1400  }
0x8a: {  	s1 =	sld [smem:$0x7E1]  }
0x8b: {  	[sflag:s13] =	ssyncset.done $0x0  }
0x8c: {  	[sflag:s13] =	ssyncadd.s32 $0xFFFFEC00  }
0x8d: {  	[spmem:s1] =	stream.linear.scatter [tilespmem:s12], [sflag:$0x7], $0x1400, $0x38;
	[tilespmem:$0x1DD80] =	vst v63  }
0x8e: {  	_ =	swait.ge [sflag:s13], $0x1400  }
0x8f: {  	s3 =	sld [smem:$0x7E4]  }
0x90: {  	[sflag:s13] =	ssyncset.done $0x0  }
0x91: {  	[sflag:s13] =	ssyncadd.s32 $0xFFFFEC00  }
0x92: {  	[spmem:s3] =	stream.linear.scatter [tilespmem:s12], [sflag:$0x7], $0x1400, $0x38;
	[tilespmem:$0x1DD80] =	vst v63  }
0x93: {  	_ =	swait.ge [sflag:s13], $0x1400  }
0x94: {  	s5 =	sld [smem:$0x7E5]  }
0x95: {  	[sflag:s13] =	ssyncset.done $0x0  }
0x96: {  	[sflag:s13] =	ssyncadd.s32 $0xFFFFEC00  }
0x97: {  	[spmem:s5] =	stream.linear.scatter [tilespmem:s12], [sflag:$0x7], $0x1400, $0x38;
	[tilespmem:$0x1DD80] =	vst v63  }
0x98: {  	_ =	swait.ge [sflag:s13], $0x1400  }
0x99: {  	s6 =	sld [smem:$0x7E7]  }
0x9a: {  	[sflag:s13] =	ssyncset.done $0x0  }
0x9b: {  	[sflag:s13] =	ssyncadd.s32 $0xFFFFEC00  }
0x9c: {  	[spmem:s6] =	stream.linear.scatter [tilespmem:s12], [sflag:$0x7], $0x1400, $0x38;
	[tilespmem:$0x1DD80] =	vst v63  }
0x9d: {  	_ =	swait.ge [sflag:s13], $0x1400  }
0x9e: {  	s14 =	sld [smem:$0x7E8]  }
0x9f: {  	[sflag:s13] =	ssyncset.done $0x0  }
0xa0: {  	[sflag:s13] =	ssyncadd.s32 $0xFFFFEC00  }
0xa1: {  	[spmem:s14] =	stream.linear.scatter [tilespmem:s12], [sflag:$0x7], $0x1400, $0x38;
	[tilespmem:$0x1DD80] =	vst v63  }
0xa2: {  	_ =	swait.ge [sflag:s13], $0x1400  }
0xa3: {  	s31 =	sld [smem:$0x7E9]  }
0xa4: {  	[sflag:s13] =	ssyncset.done $0x0  }
0xa5: {  	[sflag:s13] =	ssyncadd.s32 $0xFFFFEC00  }
0xa6: {  	[spmem:s31] =	stream.linear.scatter [tilespmem:s12], [sflag:$0x7], $0x1400, $0x38;
	[tilespmem:$0x1DD80] =	vst v63  }
0xa7: {  	_ =	swait.ge [sflag:s13], $0x1400  }
0xa8: {  	s1 =	sld [smem:$0x7EA]  }
0xa9: {  	[sflag:s13] =	ssyncset.done $0x0  }
0xaa: {  	s0 =	simm.s32 @!p5 $0x7D00;
	[sflag:s13] =	ssyncadd.s32 $0xFFFFEC00  }
0xab: {  	[spmem:s1] =	stream.linear.scatter @!p5 [tilespmem:s0], [sflag:$0x7], $0x1400, $0x38;
	[tilespmem:$0x1DD80] =	vst v63  }
0xac: {  	s0 =	simm.s32 @!p5 $0x7  }
0xad: {  	_ =	swait.ge @!p5 [sflag:s0], $0x1400  }
0xae: {  	s1 =	sld [smem:$0x7EB]  }
0xaf: {  	[sflag:s0] =	ssyncset.done @!p5 $0x0  }
0xb0: {  	[sflag:s0] =	ssyncadd.s32 @!p5 $0xFFFFEC00;
	s0 =	simm.s32 @!p6 $0x7D00  }
0xb1: {  	[spmem:s1] =	stream.linear.scatter @!p6 [tilespmem:s0], [sflag:$0x7], $0x1400, $0x38;
	[tilespmem:$0x1DD80] =	vst v63  }
0xb2: {  	s0 =	simm.s32 @!p6 $0x7  }
0xb3: {  	_ =	swait.ge @!p6 [sflag:s0], $0x1400  }
0xb4: {  	s1 =	sld [smem:$0x7EC]  }
0xb5: {  	[sflag:s0] =	ssyncset.done @!p6 $0x0  }
0xb6: {  	[sflag:s0] =	ssyncadd.s32 @!p6 $0xFFFFEC00;
	s0 =	simm.s32 @!p1 $0x7D00  }
0xb7: {  	[spmem:s1] =	stream.linear.scatter @!p1 [tilespmem:s0], [sflag:$0x7], $0x1400, $0x38;
	[tilespmem:$0x1DD80] =	vst v63  }
0xb8: {  	s0 =	simm.s32 @!p1 $0x7  }
0xb9: {  	_ =	swait.ge @!p1 [sflag:s0], $0x1400  }
0xba: {  	s1 =	sld [smem:$0x7ED]  }
0xbb: {  	[sflag:s0] =	ssyncset.done @!p1 $0x0  }
0xbc: {  	[sflag:s0] =	ssyncadd.s32 @!p1 $0xFFFFEC00;
	s0 =	simm.s32 @!p2 $0x7D00  }
0xbd: {  	[spmem:s1] =	stream.linear.scatter @!p2 [tilespmem:s0], [sflag:$0x7], $0x1400, $0x38;
	[tilespmem:$0x1DD80] =	vst v63  }
0xbe: {  	s0 =	simm.s32 @!p2 $0x7  }
0xbf: {  	_ =	swait.ge @!p2 [sflag:s0], $0x1400  }
0xc0: {  	s1 =	sld [smem:$0x7EE]  }
0xc1: {  	[sflag:s0] =	ssyncset.done @!p2 $0x0  }
0xc2: {  	[sflag:s0] =	ssyncadd.s32 @!p2 $0xFFFFEC00;
	s0 =	simm.s32 @!p3 $0x7D00  }
0xc3: {  	[spmem:s1] =	stream.linear.scatter @!p3 [tilespmem:s0], [sflag:$0x7], $0x1400, $0x38;
	[tilespmem:$0x1DD80] =	vst v63  }
0xc4: {  	s0 =	simm.s32 @!p3 $0x7  }
0xc5: {  	_ =	swait.ge @!p3 [sflag:s0], $0x1400  }
0xc6: {  	s1 =	sld [smem:$0x7EF]  }
0xc7: {  	[sflag:s0] =	ssyncset.done @!p3 $0x0  }
0xc8: {  	[sflag:s0] =	ssyncadd.s32 @!p3 $0xFFFFEC00;
	s0 =	simm.s32 @!p4 $0x7D00  }
0xc9: {  	[spmem:s1] =	stream.linear.scatter @!p4 [tilespmem:s0], [sflag:$0x7], $0x1400, $0x38;
	[tilespmem:$0x1DD80] =	vst v63  }
0xca: {  	s0 =	simm.s32 @!p4 $0x7  }
0xcb: {  	_ =	swait.ge @!p4 [sflag:s0], $0x1400  }
0xcc: {  	[sflag:s0] =	ssyncset.done @!p4 $0x0  }
0xcd: {  	[sflag:s0] =	ssyncadd.s32 @!p4 $0xFFFFEC00  }
0xce: {  	[bflag:$0x0] =	sbarrier.arrive $0xFFFF  }
0xcf: {  	s29 =	simm.s32 $0x0;
	s28 =	sld [smem:$0x7F7]  }
.LBB2_4:
0xd0: {  	s0 =	smul.u32 $0x190, s29;
	s1 =	rddreg [dreg:$0x6]  }
0xd1: {  	s3 =	sld [smem:$0x7F3]  }
0xd2: {  	s0 =	sadd.s32 s1, s0  }
0xd3: {  	s1 =	sshrl.u32 s0, $0x3  }
0xd4: {  	s6 =	simm.s32 $0x200;
	s14 =	simm.s32 $0x0;
	s5 =	sadd.s32 s3, s1  }
0xd5: {  	[tilespmem:s6], [sflag:$0x7] =	stream.linear.gather [hbm4b:s5+s14], $0x190, $0x38;
	[tilespmem:$0x1DD80] =	vst v63  }
0xd6: {  	_ =	swait.ge [sflag:s13], $0x190  }
0xd7: {  	s5 =	sld [smem:$0x7F2];
	_ =	sdelay $0x1  }
0xd8: {  	[sflag:s13] =	ssyncset.done $0x0  }
0xd9: {  	[sflag:s13] =	ssyncadd.s32 $0xFFFFFE70;
	s1 =	sadd.s32 s5, s1  }
0xda: {  	[tilespmem:s14], [sflag:$0x7] =	stream.linear.gather [hbm4b:s1+s14], $0x190, $0x38;
	[tilespmem:$0x1DD80] =	vst v63  }
0xdb: {  	_ =	swait.ge [sflag:s13], $0x190  }
0xdc: {  	[sflag:s13] =	ssyncset.done $0x0;
	s5 =	sld [smem:$0x7DC]  }
0xdd: {  	s1 =	sshll.u32 s0, $0x4;
	[sflag:s13] =	ssyncadd.s32 $0xFFFFFE70  }
0xde: {  	[tilespmem:s16], [sflag:$0x1] =	stream.indirect.gather [hbm4b:s7+s15], $0x80, s6, s15, $0xb8;
	[tilespmem:$0x1DD80] =	vst v63  }
0xdf: {  	s0 =	sadd.s32 s5, s1  }
0xe0: {  	[tilespmem:s17], [sflag:$0x3] =	stream.linear.gather [hbm4b:s0+s14], $0x1400, $0x38;
	[tilespmem:$0x1DD80] =	vst v63  }
0xe1: {  	s6 =	simm.s32 $0x228  }
0xe2: {  	[tilespmem:s18], [sflag:$0x2] =	stream.indirect.gather [hbm4b:s7+s15], $0x80, s6, s15, $0xb8;
	[tilespmem:$0x1DD80] =	vst v63  }
0xe3: {  	s3 =	sadd.s32 $0xFFFFFD80, s28  }
0xe4: {  	[tilespmem:s19], [sflag:$0x4] =	stream.linear.gather [hbm4b:s3+s4], $0x1400, $0x38;
	[tilespmem:$0x1DD80] =	vst v63  }
0xe5: {  	_ =	swait.ge [sflag:s20], $0x1400  }
0xe6: {  	[sflag:s20] =	ssyncset.done $0x0  }
0xe7: {  	[sflag:s20] =	ssyncadd.s32 $0xFFFFEC00  }
0xe8: {  	s5 =	sor.u32 s29, s14;
	_ =	swait.ge [sflag:s21], $0x1400  }
0xe9: {  	p0 =	seq.s32 s5, $0x0;
	[sflag:s21] =	ssyncset.done $0x0  }
0xea: {  	s0 =	simm.s32 @!p0 $0x5;
	[sflag:s21] =	ssyncadd.s32 $0xFFFFEC00  }
0xeb: {  	_ =	swait.ge @!p0 [sflag:s0], $0x1400  }
0xec: {  	[sflag:s0] =	ssyncset.done @!p0 $0x0  }
0xed: {  	s6 =	simm.s32 $0x0;
	[sflag:s0] =	ssyncadd.s32 @!p0 $0xFFFFEC00  }
0xee: {  	v1 =	vld [tilespmem:s6+$0x0];
	_ =	sdelay $0x4  }
0xef: {  	[tilespmem:$0x400] =	vst v1  }
0xf0: {  	v1 =	vld [tilespmem:s6+$0x10];
	_ =	sdelay $0x4  }
0xf1: {  	[tilespmem:$0x410] =	vst v1  }
0xf2: {  	v1 =	vld [tilespmem:s6+$0x18];
	_ =	sdelay $0x4  }
0xf3: {  	[tilespmem:$0x418] =	vst v1  }
0xf4: {  	[spmem:s11] =	stream.indirect.scatter.add.f32 [tilespmem:s12], [sflag:$0x5], $0x80, s22, s15, $0xb8;
	[tilespmem:$0x1DD80] =	vst v63  }
0xf5: {  	s14 =	simm.s32 $0x250  }
0xf6: {  	[tilespmem:s16], [sflag:$0x1] =	stream.indirect.gather [hbm4b:s7+s15], $0x80, s14, s15, $0xb8;
	[tilespmem:$0x1DD80] =	vst v63  }
0xf7: {  	_ = 	snop  }
0xf8: {  	[tilespmem:s17], [sflag:$0x3] =	stream.linear.gather [hbm4b:s28+s4], $0x1400, $0x38;
	[tilespmem:$0x1DD80] =	vst v63  }
0xf9: {  	_ =	swait.ge [sflag:s23], $0x1400  }
0xfa: {  	[sflag:s23] =	ssyncset.done $0x0  }
0xfb: {  	[sflag:s23] =	ssyncadd.s32 $0xFFFFEC00  }
0xfc: {  	_ =	swait.ge [sflag:s24], $0x1400  }
0xfd: {  	[sflag:s24] =	ssyncset.done $0x0  }
0xfe: {  	s0 =	simm.s32 @!p0 $0x6;
	[sflag:s24] =	ssyncadd.s32 $0xFFFFEC00  }
0xff: {  	_ =	swait.ge @!p0 [sflag:s0], $0x1400  }
0x100: {  	[sflag:s0] =	ssyncset.done @!p0 $0x0  }
0x101: {  	[sflag:s0] =	ssyncadd.s32 @!p0 $0xFFFFEC00  }
0x102: {  	v1 =	vld [tilespmem:s6+$0x28];
	_ =	sdelay $0x4  }
0x103: {  	[tilespmem:$0x480] =	vst v1  }
0x104: {  	v1 =	vld [tilespmem:s6+$0x38];
	_ =	sdelay $0x4  }
0x105: {  	[tilespmem:$0x490] =	vst v1  }
0x106: {  	v1 =	vld [tilespmem:s6+$0x40];
	_ =	sdelay $0x3  }
0x107: {  	s31 =	simm.s32 $0x280  }
0x108: {  	s5 =	simm.s32 $0x1;
	s14 =	sadd.s32 $0x500, s28;
	s0 =	simm.s32 $0x50;
	[tilespmem:$0x498] =	vst v1  }
.LBB2_5:
0x109: {  	[spmem:s11] =	stream.indirect.scatter.add.f32 [tilespmem:s26], [sflag:$0x6], $0x80, s25, s15, $0xb8;
	[tilespmem:$0x1DD80] =	vst v63  }
0x10a: {  	s6 =	sshra.s32 s31, $0x2;
	s31 =	sadd.s32 $0x140, s31;
	s3 =	sadd.s32 $0x228, s0  }
0x10b: {  	[tilespmem:s18], [sflag:$0x2] =	stream.indirect.gather [hbm4b:s7+s15], $0x80, s3, s15, $0xb8;
	[tilespmem:$0x1DD80] =	vst v63  }
0x10c: {  	p6 =	sne.s32 s31, $0x500;
	s3 =	sadd.s32 $0xFFFFFD80, s14  }
0x10d: {  	[tilespmem:s19], [sflag:$0x4] =	stream.linear.gather [hbm4b:s3+s4], $0x1400, $0x38;
	[tilespmem:$0x1DD80] =	vst v63  }
0x10e: {  	_ =	swait.ge [sflag:s20], $0x1400  }
0x10f: {  	[sflag:s20] =	ssyncset.done $0x0  }
0x110: {  	[sflag:s20] =	ssyncadd.s32 $0xFFFFEC00  }
0x111: {  	s3 =	sor.u32 s29, s5;
	_ =	swait.ge [sflag:s21], $0x1400  }
0x112: {  	p0 =	seq.s32 s3, $0x0;
	[sflag:s21] =	ssyncset.done $0x0  }
0x113: {  	s3 =	simm.s32 @!p0 $0x5;
	[sflag:s21] =	ssyncadd.s32 $0xFFFFEC00  }
0x114: {  	_ =	swait.ge @!p0 [sflag:s3], $0x1400  }
0x115: {  	[sflag:s3] =	ssyncset.done @!p0 $0x0  }
0x116: {  	[sflag:s3] =	ssyncadd.s32 @!p0 $0xFFFFEC00  }
0x117: {  	v1 =	vld [tilespmem:s0+$0x0];
	_ =	sdelay $0x4  }
0x118: {  	[tilespmem:$0x400] =	vst v1  }
0x119: {  	v1 =	vld [tilespmem:s0+$0x10];
	_ =	sdelay $0x4  }
0x11a: {  	[tilespmem:$0x410] =	vst v1  }
0x11b: {  	v1 =	vld [tilespmem:s0+$0x18];
	_ =	sdelay $0x4  }
0x11c: {  	[tilespmem:$0x418] =	vst v1  }
0x11d: {  	[spmem:s11] =	stream.indirect.scatter.add.f32 [tilespmem:s12], [sflag:$0x5], $0x80, s22, s15, $0xb8;
	[tilespmem:$0x1DD80] =	vst v63  }
0x11e: {  	s3 =	sadd.s32 $0x250, s0  }
0x11f: {  	[tilespmem:s16], [sflag:$0x1] =	stream.indirect.gather [hbm4b:s7+s15], $0x80, s3, s15, $0xb8;
	[tilespmem:$0x1DD80] =	vst v63  }
0x120: {  	_ = 	snop  }
0x121: {  	[tilespmem:s17], [sflag:$0x3] =	stream.linear.gather [hbm4b:s14+s4], $0x1400, $0x38;
	[tilespmem:$0x1DD80] =	vst v63  }
0x122: {  	_ =	swait.ge [sflag:s23], $0x1400  }
0x123: {  	[sflag:s23] =	ssyncset.done $0x0  }
0x124: {  	[sflag:s23] =	ssyncadd.s32 $0xFFFFEC00  }
0x125: {  	_ =	swait.ge [sflag:s24], $0x1400  }
0x126: {  	[sflag:s24] =	ssyncset.done $0x0  }
0x127: {  	s3 =	simm.s32 @!p0 $0x6;
	[sflag:s24] =	ssyncadd.s32 $0xFFFFEC00  }
0x128: {  	_ =	swait.ge @!p0 [sflag:s3], $0x1400  }
0x129: {  	[sflag:s3] =	ssyncset.done @!p0 $0x0  }
0x12a: {  	[sflag:s3] =	ssyncadd.s32 @!p0 $0xFFFFEC00  }
0x12b: {  	v1 =	vld [tilespmem:s0+$0x28];
	_ =	sdelay $0x4  }
0x12c: {  	[tilespmem:$0x480] =	vst v1  }
0x12d: {  	v1 =	vld [tilespmem:s0+$0x38];
	_ =	sdelay $0x4  }
0x12e: {  	[tilespmem:$0x490] =	vst v1  }
0x12f: {  	v1 =	vld [tilespmem:s0+$0x40];
	s0 =	smov.u32 s6  }
.Ltmp1:
0x130: {  	(pc) =	sbr.rel @p6 .LBB2_5-.Ltmp1, $2  }
0x131: {  	_ =	sdelay $0x2  }
0x132: {  	s5 =	sadd.s32 $0x1, s5;
	s14 =	sadd.s32 $0x500, s14;
	[tilespmem:$0x498] =	vst v1  }
0x133: {  	[spmem:s11] =	stream.indirect.scatter.add.f32 [tilespmem:s26], [sflag:$0x6], $0x80, s25, s15, $0xb8;
	[tilespmem:$0x1DD80] =	vst v63  }
0x134: {  	s3 =	sadd.s32 $0x228, s0  }
0x135: {  	[tilespmem:s18], [sflag:$0x2] =	stream.indirect.gather [hbm4b:s7+s15], $0x80, s3, s15, $0xb8;
	[tilespmem:$0x1DD80] =	vst v63  }
0x136: {  	s31 =	sadd.s32 $0xFFFFFD80, s14  }
0x137: {  	[tilespmem:s19], [sflag:$0x4] =	stream.linear.gather [hbm4b:s31+s4], $0x1400, $0x38;
	[tilespmem:$0x1DD80] =	vst v63  }
0x138: {  	_ =	swait.ge [sflag:s20], $0x1400  }
0x139: {  	[sflag:s20] =	ssyncset.done $0x0  }
0x13a: {  	[sflag:s20] =	ssyncadd.s32 $0xFFFFEC00  }
0x13b: {  	s6 =	sor.u32 s29, s5;
	_ =	swait.ge [sflag:s21], $0x1400  }
0x13c: {  	p0 =	seq.s32 s6, $0x0;
	[sflag:s21] =	ssyncset.done $0x0  }
0x13d: {  	s3 =	simm.s32 @!p0 $0x5;
	[sflag:s21] =	ssyncadd.s32 $0xFFFFEC00  }
0x13e: {  	_ =	swait.ge @!p0 [sflag:s3], $0x1400  }
0x13f: {  	[sflag:s3] =	ssyncset.done @!p0 $0x0  }
0x140: {  	[sflag:s3] =	ssyncadd.s32 @!p0 $0xFFFFEC00  }
0x141: {  	v1 =	vld [tilespmem:s0+$0x0];
	_ =	sdelay $0x4  }
0x142: {  	[tilespmem:$0x400] =	vst v1  }
0x143: {  	v1 =	vld [tilespmem:s0+$0x10];
	_ =	sdelay $0x4  }
0x144: {  	[tilespmem:$0x410] =	vst v1  }
0x145: {  	v1 =	vld [tilespmem:s0+$0x18];
	_ =	sdelay $0x4  }
0x146: {  	[tilespmem:$0x418] =	vst v1  }
0x147: {  	[spmem:s11] =	stream.indirect.scatter.add.f32 [tilespmem:s12], [sflag:$0x5], $0x80, s22, s15, $0xb8;
	[tilespmem:$0x1DD80] =	vst v63  }
0x148: {  	s31 =	sadd.s32 $0x250, s0  }
0x149: {  	[tilespmem:s16], [sflag:$0x1] =	stream.indirect.gather [hbm4b:s7+s15], $0x80, s31, s15, $0xb8;
	[tilespmem:$0x1DD80] =	vst v63  }
0x14a: {  	_ = 	snop  }
0x14b: {  	[tilespmem:s17], [sflag:$0x3] =	stream.linear.gather [hbm4b:s14+s4], $0x1400, $0x38;
	[tilespmem:$0x1DD80] =	vst v63  }
0x14c: {  	_ =	swait.ge [sflag:s23], $0x1400  }
0x14d: {  	[sflag:s23] =	ssyncset.done $0x0  }
0x14e: {  	[sflag:s23] =	ssyncadd.s32 $0xFFFFEC00  }
0x14f: {  	_ =	swait.ge [sflag:s24], $0x1400  }
0x150: {  	[sflag:s24] =	ssyncset.done $0x0  }
0x151: {  	s3 =	simm.s32 @!p0 $0x6;
	[sflag:s24] =	ssyncadd.s32 $0xFFFFEC00  }
0x152: {  	_ =	swait.ge @!p0 [sflag:s3], $0x1400  }
0x153: {  	[sflag:s3] =	ssyncset.done @!p0 $0x0  }
0x154: {  	[sflag:s3] =	ssyncadd.s32 @!p0 $0xFFFFEC00  }
0x155: {  	v1 =	vld [tilespmem:s0+$0x28];
	_ =	sdelay $0x4  }
0x156: {  	[tilespmem:$0x480] =	vst v1  }
0x157: {  	v1 =	vld [tilespmem:s0+$0x38];
	_ =	sdelay $0x4  }
0x158: {  	[tilespmem:$0x490] =	vst v1  }
0x159: {  	v1 =	vld [tilespmem:s0+$0x40];
	_ =	sdelay $0x4  }
0x15a: {  	s6 =	sld [smem:$0x7F5];
	[tilespmem:$0x498] =	vst v1  }
0x15b: {  	[spmem:s11] =	stream.indirect.scatter.add.f32 [tilespmem:s26], [sflag:$0x6], $0x80, s25, s15, $0xb8;
	[tilespmem:$0x1DD80] =	vst v63  }
0x15c: {  	s5 =	simm.s32 $0x368  }
0x15d: {  	[tilespmem:s18], [sflag:$0x2] =	stream.indirect.gather [hbm4b:s7+s15], $0x80, s5, s15, $0xb8;
	[tilespmem:$0x1DD80] =	vst v63  }
0x15e: {  	s0 =	sadd.s32 s6, s1  }
0x15f: {  	[tilespmem:s19], [sflag:$0x4] =	stream.linear.gather [hbm4b:s0+s4], $0x1400, $0x38;
	[tilespmem:$0x1DD80] =	vst v63  }
0x160: {  	_ =	swait.ge [sflag:s20], $0x1400  }
0x161: {  	[sflag:s20] =	ssyncset.done $0x0  }
0x162: {  	[sflag:s20] =	ssyncadd.s32 $0xFFFFEC00  }
0x163: {  	_ =	swait.ge [sflag:s21], $0x1400  }
0x164: {  	[sflag:s21] =	ssyncset.done $0x0  }
0x165: {  	s14 =	simm.s32 $0x5;
	[sflag:s21] =	ssyncadd.s32 $0xFFFFEC00  }
0x166: {  	_ =	swait.ge [sflag:s14], $0x1400  }
0x167: {  	[sflag:s14] =	ssyncset.done $0x0  }
0x168: {  	[sflag:s14] =	ssyncadd.s32 $0xFFFFEC00  }
0x169: {  	v1 =	vld [tilespmem:$0x140]  }
0x16a: {  	v2 =	vld [tilespmem:$0x150]  }
0x16b: {  	v3 =	vld [tilespmem:$0x158];
	_ =	sdelay $0x2  }
0x16c: {  	[tilespmem:$0x400] =	vst v1  }
0x16d: {  	[tilespmem:$0x410] =	vst v2  }
0x16e: {  	[tilespmem:$0x418] =	vst v3  }
0x16f: {  	[spmem:s11] =	stream.indirect.scatter.add.f32 [tilespmem:s12], [sflag:$0x5], $0x80, s22, s15, $0xb8;
	[tilespmem:$0x1DD80] =	vst v63  }
0x170: {  	_ =	swait.ge [sflag:s23], $0x1400  }
0x171: {  	[sflag:s23] =	ssyncset.done $0x0  }
0x172: {  	[sflag:s23] =	ssyncadd.s32 $0xFFFFEC00  }
0x173: {  	_ =	swait.ge [sflag:s24], $0x1400  }
0x174: {  	[sflag:s24] =	ssyncset.done $0x0  }
0x175: {  	s31 =	simm.s32 $0x6;
	[sflag:s24] =	ssyncadd.s32 $0xFFFFEC00  }
0x176: {  	_ =	swait.ge [sflag:s31], $0x1400  }
0x177: {  	[sflag:s31] =	ssyncset.done $0x0  }
0x178: {  	[sflag:s31] =	ssyncadd.s32 $0xFFFFEC00  }
0x179: {  	v1 =	vld [tilespmem:$0x168]  }
0x17a: {  	v2 =	vld [tilespmem:$0x178]  }
0x17b: {  	s29 =	sadd.s32 $0x1, s29;
	v3 =	vld [tilespmem:$0x180]  }
0x17c: {  	p0 =	sne.s32 s29, $0x19  }
.Ltmp2:
0x17d: {  	_ = 	snop;
	(pc) =	sbr.rel @p0 .LBB2_4-.Ltmp2, $4  }
0x17e: {  	[tilespmem:$0x480] =	vst v1  }
0x17f: {  	[tilespmem:$0x490] =	vst v2  }
0x180: {  	s28 =	sadd.s32 $0x1900, s28;
	[tilespmem:$0x498] =	vst v3  }
0x181: {  	[spmem:s11] =	stream.indirect.scatter.add.f32 [tilespmem:s26], [sflag:$0x6], $0x80, s25, s15, $0xb8;
	[tilespmem:$0x1DD80] =	vst v63  }
0x182: {  	s0 =	simm.s32 $0x5  }
0x183: {  	_ =	swait.ge [sflag:s0], $0x1400  }
0x184: {  	[sflag:s0] =	ssyncset.done $0x0  }
0x185: {  	s6 =	simm.s32 $0x6;
	[sflag:s0] =	ssyncadd.s32 $0xFFFFEC00  }
0x186: {  	_ =	swait.ge [sflag:s6], $0x1400  }
0x187: {  	[sflag:s6] =	ssyncset.done $0x0  }
0x188: {  	[sflag:s6] =	ssyncadd.s32 $0xFFFFEC00  }
0x189: {  	[bflag:$0x0] =	sbarrier.arrive $0xFFFF  }
0x18a: {  	s6 =	sld [smem:$0x7FA];
	_ =	sdelay $0x2  }
0x18b: {  	[tilespmem:s12], [sflag:$0x7] =	stream.linear.gather [spmem:s6], $0x1400, $0x38;
	[tilespmem:$0x1DD80] =	vst v63  }
0x18c: {  	_ =	swait.ge [sflag:s13], $0x1400  }
0x18d: {  	[sflag:s13] =	ssyncset.done $0x0  }
0x18e: {  	s14 =	rddreg [dreg:$0x7];
	[sflag:s13] =	ssyncadd.s32 $0xFFFFEC00  }
0x18f: {  	[hbm4b:s14+s4] =	stream.linear.scatter [tilespmem:s12], [sflag:$0x7], $0x1400, $0x38;
	[tilespmem:$0x1DD80] =	vst v63  }
0x190: {  	_ =	swait.ge [sflag:s13], $0x1400  }
0x191: {  	s14 =	sld [smem:$0x7FB]  }
0x192: {  	[sflag:s13] =	ssyncset.done $0x0  }
0x193: {  	[sflag:s13] =	ssyncadd.s32 $0xFFFFEC00  }
0x194: {  	[tilespmem:s12], [sflag:$0x7] =	stream.linear.gather [spmem:s14], $0x1400, $0x38;
	[tilespmem:$0x1DD80] =	vst v63  }
0x195: {  	_ =	swait.ge [sflag:s13], $0x1400  }
0x196: {  	[sflag:s13] =	ssyncset.done $0x0  }
0x197: {  	s29 =	rddreg [dreg:$0x8];
	[sflag:s13] =	ssyncadd.s32 $0xFFFFEC00  }
0x198: {  	[hbm4b:s29+s4] =	stream.linear.scatter [tilespmem:s12], [sflag:$0x7], $0x1400, $0x38;
	[tilespmem:$0x1DD80] =	vst v63  }
0x199: {  	_ =	swait.ge [sflag:s13], $0x1400  }
0x19a: {  	s28 =	sld [smem:$0x7FC]  }
0x19b: {  	[sflag:s13] =	ssyncset.done $0x0  }
0x19c: {  	[sflag:s13] =	ssyncadd.s32 $0xFFFFEC00  }
0x19d: {  	[tilespmem:s12], [sflag:$0x7] =	stream.linear.gather [spmem:s28], $0x1400, $0x38;
	[tilespmem:$0x1DD80] =	vst v63  }
0x19e: {  	_ =	swait.ge [sflag:s13], $0x1400  }
0x19f: {  	[sflag:s13] =	ssyncset.done $0x0  }
0x1a0: {  	s31 =	rddreg [dreg:$0x9];
	[sflag:s13] =	ssyncadd.s32 $0xFFFFEC00  }
0x1a1: {  	[hbm4b:s31+s4] =	stream.linear.scatter [tilespmem:s12], [sflag:$0x7], $0x1400, $0x38;
	[tilespmem:$0x1DD80] =	vst v63  }
0x1a2: {  	_ =	swait.ge [sflag:s13], $0x1400  }
0x1a3: {  	s1 =	sld [smem:$0x7E0]  }
0x1a4: {  	[sflag:s13] =	ssyncset.done $0x0  }
0x1a5: {  	[sflag:s13] =	ssyncadd.s32 $0xFFFFEC00  }
0x1a6: {  	[tilespmem:s12], [sflag:$0x7] =	stream.linear.gather [spmem:s1], $0x1400, $0x38;
	[tilespmem:$0x1DD80] =	vst v63  }
0x1a7: {  	_ =	swait.ge [sflag:s13], $0x1400  }
0x1a8: {  	[sflag:s13] =	ssyncset.done $0x0  }
0x1a9: {  	s3 =	rddreg [dreg:$0xa];
	[sflag:s13] =	ssyncadd.s32 $0xFFFFEC00  }
0x1aa: {  	[hbm4b:s3+s4] =	stream.linear.scatter [tilespmem:s12], [sflag:$0x7], $0x1400, $0x38;
	[tilespmem:$0x1DD80] =	vst v63  }
0x1ab: {  	_ =	swait.ge [sflag:s13], $0x1400  }
0x1ac: {  	s5 =	sld [smem:$0x7E1]  }
0x1ad: {  	[sflag:s13] =	ssyncset.done $0x0  }
0x1ae: {  	[sflag:s13] =	ssyncadd.s32 $0xFFFFEC00  }
0x1af: {  	[tilespmem:s12], [sflag:$0x7] =	stream.linear.gather [spmem:s5], $0x1400, $0x38;
	[tilespmem:$0x1DD80] =	vst v63  }
0x1b0: {  	_ =	swait.ge [sflag:s13], $0x1400  }
0x1b1: {  	[sflag:s13] =	ssyncset.done $0x0  }
0x1b2: {  	s29 =	rddreg [dreg:$0xb];
	[sflag:s13] =	ssyncadd.s32 $0xFFFFEC00  }
0x1b3: {  	[hbm4b:s29+s4] =	stream.linear.scatter [tilespmem:s12], [sflag:$0x7], $0x1400, $0x38;
	[tilespmem:$0x1DD80] =	vst v63  }
0x1b4: {  	_ =	swait.ge [sflag:s13], $0x1400  }
0x1b5: {  	s31 =	sld [smem:$0x7E4]  }
0x1b6: {  	[sflag:s13] =	ssyncset.done $0x0  }
0x1b7: {  	[sflag:s13] =	ssyncadd.s32 $0xFFFFEC00  }
0x1b8: {  	[tilespmem:s12], [sflag:$0x7] =	stream.linear.gather [spmem:s31], $0x1400, $0x38;
	[tilespmem:$0x1DD80] =	vst v63  }
0x1b9: {  	_ =	swait.ge [sflag:s13], $0x1400  }
0x1ba: {  	[sflag:s13] =	ssyncset.done $0x0  }
0x1bb: {  	s1 =	rddreg [dreg:$0xc];
	[sflag:s13] =	ssyncadd.s32 $0xFFFFEC00  }
0x1bc: {  	[hbm4b:s1+s4] =	stream.linear.scatter [tilespmem:s12], [sflag:$0x7], $0x1400, $0x38;
	[tilespmem:$0x1DD80] =	vst v63  }
0x1bd: {  	_ =	swait.ge [sflag:s13], $0x1400  }
0x1be: {  	s3 =	sld [smem:$0x7E5]  }
0x1bf: {  	[sflag:s13] =	ssyncset.done $0x0  }
0x1c0: {  	[sflag:s13] =	ssyncadd.s32 $0xFFFFEC00  }
0x1c1: {  	[tilespmem:s12], [sflag:$0x7] =	stream.linear.gather [spmem:s3], $0x1400, $0x38;
	[tilespmem:$0x1DD80] =	vst v63  }
0x1c2: {  	_ =	swait.ge [sflag:s13], $0x1400  }
0x1c3: {  	[sflag:s13] =	ssyncset.done $0x0  }
0x1c4: {  	s5 =	rddreg [dreg:$0xd];
	[sflag:s13] =	ssyncadd.s32 $0xFFFFEC00  }
0x1c5: {  	[hbm4b:s5+s4] =	stream.linear.scatter [tilespmem:s12], [sflag:$0x7], $0x1400, $0x38;
	[tilespmem:$0x1DD80] =	vst v63  }
0x1c6: {  	_ =	swait.ge [sflag:s13], $0x1400  }
0x1c7: {  	s29 =	sld [smem:$0x7E7]  }
0x1c8: {  	[sflag:s13] =	ssyncset.done $0x0  }
0x1c9: {  	[sflag:s13] =	ssyncadd.s32 $0xFFFFEC00  }
0x1ca: {  	[tilespmem:s12], [sflag:$0x7] =	stream.linear.gather [spmem:s29], $0x1400, $0x38;
	[tilespmem:$0x1DD80] =	vst v63  }
0x1cb: {  	_ =	swait.ge [sflag:s13], $0x1400  }
0x1cc: {  	[sflag:s13] =	ssyncset.done $0x0  }
0x1cd: {  	s31 =	rddreg [dreg:$0xe];
	[sflag:s13] =	ssyncadd.s32 $0xFFFFEC00  }
0x1ce: {  	[hbm4b:s31+s4] =	stream.linear.scatter [tilespmem:s12], [sflag:$0x7], $0x1400, $0x38;
	[tilespmem:$0x1DD80] =	vst v63  }
0x1cf: {  	_ =	swait.ge [sflag:s13], $0x1400  }
0x1d0: {  	s1 =	sld [smem:$0x7E8]  }
0x1d1: {  	[sflag:s13] =	ssyncset.done $0x0  }
0x1d2: {  	[sflag:s13] =	ssyncadd.s32 $0xFFFFEC00  }
0x1d3: {  	[tilespmem:s12], [sflag:$0x7] =	stream.linear.gather [spmem:s1], $0x1400, $0x38;
	[tilespmem:$0x1DD80] =	vst v63  }
0x1d4: {  	_ =	swait.ge [sflag:s13], $0x1400  }
0x1d5: {  	[sflag:s13] =	ssyncset.done $0x0  }
0x1d6: {  	s3 =	rddreg [dreg:$0xf];
	[sflag:s13] =	ssyncadd.s32 $0xFFFFEC00  }
0x1d7: {  	[hbm4b:s3+s4] =	stream.linear.scatter [tilespmem:s12], [sflag:$0x7], $0x1400, $0x38;
	[tilespmem:$0x1DD80] =	vst v63  }
0x1d8: {  	_ =	swait.ge [sflag:s13], $0x1400  }
0x1d9: {  	s5 =	sld [smem:$0x7E9]  }
0x1da: {  	[sflag:s13] =	ssyncset.done $0x0  }
0x1db: {  	[sflag:s13] =	ssyncadd.s32 $0xFFFFEC00  }
0x1dc: {  	[tilespmem:s12], [sflag:$0x7] =	stream.linear.gather [spmem:s5], $0x1400, $0x38;
	[tilespmem:$0x1DD80] =	vst v63  }
0x1dd: {  	_ =	swait.ge [sflag:s13], $0x1400  }
0x1de: {  	[sflag:s13] =	ssyncset.done $0x0  }
0x1df: {  	s29 =	rddreg [dreg:$0x10];
	[sflag:s13] =	ssyncadd.s32 $0xFFFFEC00  }
0x1e0: {  	[hbm4b:s29+s4] =	stream.linear.scatter [tilespmem:s12], [sflag:$0x7], $0x1400, $0x38;
	[tilespmem:$0x1DD80] =	vst v63  }
0x1e1: {  	_ =	swait.ge [sflag:s13], $0x1400  }
0x1e2: {  	s1 =	sld [smem:$0x7EA]  }
0x1e3: {  	[sflag:s13] =	ssyncset.done $0x0  }
0x1e4: {  	s0 =	simm.s32 @!p5 $0x7D00;
	[sflag:s13] =	ssyncadd.s32 $0xFFFFEC00  }
0x1e5: {  	[tilespmem:s0], [sflag:$0x7] =	stream.linear.gather @!p5 [spmem:s1], $0x1400, $0x38;
	[tilespmem:$0x1DD80] =	vst v63  }
0x1e6: {  	s1 =	simm.s32 @!p5 $0x7  }
0x1e7: {  	_ =	swait.ge @!p5 [sflag:s1], $0x1400  }
0x1e8: {  	[sflag:s1] =	ssyncset.done @!p5 $0x0  }
0x1e9: {  	s3 =	simm.s32 @!p5 $0x0;
	s5 =	rddreg [dreg:$0x11];
	[sflag:s1] =	ssyncadd.s32 @!p5 $0xFFFFEC00  }
0x1ea: {  	[hbm4b:s5+s3] =	stream.linear.scatter @!p5 [tilespmem:s0], [sflag:$0x7], $0x1400, $0x38;
	[tilespmem:$0x1DD80] =	vst v63  }
0x1eb: {  	_ =	swait.ge @!p5 [sflag:s1], $0x1400  }
0x1ec: {  	s31 =	sld [smem:$0x7FD]  }
0x1ed: {  	[sflag:s1] =	ssyncset.done @!p5 $0x0  }
0x1ee: {  	[sflag:s1] =	ssyncadd.s32 @!p5 $0xFFFFEC00;
	s1 =	sld [smem:$0x7EB]  }
0x1ef: {  	p6 =	seq.s32 s31, $0x1  }
0x1f0: {  	s0 =	simm.s32 @!p6 $0x7D00  }
0x1f1: {  	[tilespmem:s0], [sflag:$0x7] =	stream.linear.gather @!p6 [spmem:s1], $0x1400, $0x38;
	[tilespmem:$0x1DD80] =	vst v63  }
0x1f2: {  	s1 =	simm.s32 @!p6 $0x7  }
0x1f3: {  	_ =	swait.ge @!p6 [sflag:s1], $0x1400  }
0x1f4: {  	[sflag:s1] =	ssyncset.done @!p6 $0x0  }
0x1f5: {  	s3 =	simm.s32 @!p6 $0x0;
	s5 =	rddreg [dreg:$0x12];
	[sflag:s1] =	ssyncadd.s32 @!p6 $0xFFFFEC00  }
0x1f6: {  	[hbm4b:s5+s3] =	stream.linear.scatter @!p6 [tilespmem:s0], [sflag:$0x7], $0x1400, $0x38;
	[tilespmem:$0x1DD80] =	vst v63  }
0x1f7: {  	_ =	swait.ge @!p6 [sflag:s1], $0x1400  }
0x1f8: {  	[sflag:s1] =	ssyncset.done @!p6 $0x0  }
0x1f9: {  	[sflag:s1] =	ssyncadd.s32 @!p6 $0xFFFFEC00;
	s1 =	sld [smem:$0x7EC];
	_ =	sdelay $0x1  }
0x1fa: {  	s0 =	simm.s32 @!p1 $0x7D00  }
0x1fb: {  	[tilespmem:s0], [sflag:$0x7] =	stream.linear.gather @!p1 [spmem:s1], $0x1400, $0x38;
	[tilespmem:$0x1DD80] =	vst v63  }
0x1fc: {  	s1 =	simm.s32 @!p1 $0x7  }
0x1fd: {  	_ =	swait.ge @!p1 [sflag:s1], $0x1400  }
0x1fe: {  	[sflag:s1] =	ssyncset.done @!p1 $0x0  }
0x1ff: {  	s3 =	simm.s32 @!p1 $0x0;
	s5 =	rddreg [dreg:$0x13];
	[sflag:s1] =	ssyncadd.s32 @!p1 $0xFFFFEC00  }
0x200: {  	[hbm4b:s5+s3] =	stream.linear.scatter @!p1 [tilespmem:s0], [sflag:$0x7], $0x1400, $0x38;
	[tilespmem:$0x1DD80] =	vst v63  }
0x201: {  	_ =	swait.ge @!p1 [sflag:s1], $0x1400  }
0x202: {  	[sflag:s1] =	ssyncset.done @!p1 $0x0  }
0x203: {  	[sflag:s1] =	ssyncadd.s32 @!p1 $0xFFFFEC00;
	s1 =	sld [smem:$0x7ED];
	_ =	sdelay $0x1  }
0x204: {  	s0 =	simm.s32 @!p2 $0x7D00  }
0x205: {  	[tilespmem:s0], [sflag:$0x7] =	stream.linear.gather @!p2 [spmem:s1], $0x1400, $0x38;
	[tilespmem:$0x1DD80] =	vst v63  }
0x206: {  	s1 =	simm.s32 @!p2 $0x7  }
0x207: {  	_ =	swait.ge @!p2 [sflag:s1], $0x1400  }
0x208: {  	[sflag:s1] =	ssyncset.done @!p2 $0x0  }
0x209: {  	s3 =	simm.s32 @!p2 $0x0;
	s5 =	rddreg [dreg:$0x14];
	[sflag:s1] =	ssyncadd.s32 @!p2 $0xFFFFEC00  }
0x20a: {  	[hbm4b:s5+s3] =	stream.linear.scatter @!p2 [tilespmem:s0], [sflag:$0x7], $0x1400, $0x38;
	[tilespmem:$0x1DD80] =	vst v63  }
0x20b: {  	_ =	swait.ge @!p2 [sflag:s1], $0x1400  }
0x20c: {  	[sflag:s1] =	ssyncset.done @!p2 $0x0  }
0x20d: {  	[sflag:s1] =	ssyncadd.s32 @!p2 $0xFFFFEC00;
	s1 =	sld [smem:$0x7EE];
	_ =	sdelay $0x1  }
0x20e: {  	s0 =	simm.s32 @!p3 $0x7D00  }
0x20f: {  	[tilespmem:s0], [sflag:$0x7] =	stream.linear.gather @!p3 [spmem:s1], $0x1400, $0x38;
	[tilespmem:$0x1DD80] =	vst v63  }
0x210: {  	s1 =	simm.s32 @!p3 $0x7  }
0x211: {  	_ =	swait.ge @!p3 [sflag:s1], $0x1400  }
0x212: {  	[sflag:s1] =	ssyncset.done @!p3 $0x0  }
0x213: {  	s3 =	simm.s32 @!p3 $0x0;
	s5 =	rddreg [dreg:$0x15];
	[sflag:s1] =	ssyncadd.s32 @!p3 $0xFFFFEC00  }
0x214: {  	[hbm4b:s5+s3] =	stream.linear.scatter @!p3 [tilespmem:s0], [sflag:$0x7], $0x1400, $0x38;
	[tilespmem:$0x1DD80] =	vst v63  }
0x215: {  	_ =	swait.ge @!p3 [sflag:s1], $0x1400  }
0x216: {  	[sflag:s1] =	ssyncset.done @!p3 $0x0  }
0x217: {  	[sflag:s1] =	ssyncadd.s32 @!p3 $0xFFFFEC00;
	s1 =	sld [smem:$0x7EF];
	_ =	sdelay $0x1  }
0x218: {  	s0 =	simm.s32 @!p4 $0x7D00  }
0x219: {  	[tilespmem:s0], [sflag:$0x7] =	stream.linear.gather @!p4 [spmem:s1], $0x1400, $0x38;
	[tilespmem:$0x1DD80] =	vst v63  }
0x21a: {  	s1 =	simm.s32 @!p4 $0x7  }
0x21b: {  	_ =	swait.ge @!p4 [sflag:s1], $0x1400  }
0x21c: {  	[sflag:s1] =	ssyncset.done @!p4 $0x0  }
0x21d: {  	s3 =	simm.s32 @!p4 $0x0;
	s5 =	rddreg [dreg:$0x16];
	[sflag:s1] =	ssyncadd.s32 @!p4 $0xFFFFEC00  }
0x21e: {  	[hbm4b:s5+s3] =	stream.linear.scatter @!p4 [tilespmem:s0], [sflag:$0x7], $0x1400, $0x38;
	[tilespmem:$0x1DD80] =	vst v63  }
0x21f: {  	_ =	swait.ge @!p4 [sflag:s1], $0x1400  }
0x220: {  	[sflag:s1] =	ssyncset.done @!p4 $0x0  }
0x221: {  	[sflag:s1] =	ssyncadd.s32 @!p4 $0xFFFFEC00  }
0x222: {  	s0 =	simm.s32 $0x0;
	s1 =	simm.s32 $0x200;
	[bflag:$0x0] =	sbarrier.arrive $0xFFFF  }
.LBB2_8:
0x223: {  	p0 =	sne.s32 s1, $0x4E00;
	[tilespmem:s0+$0x7D70] =	vst v0  }
0x224: {  	[tilespmem:s0+$0x7D00] =	vst v0  }
0x225: {  	[tilespmem:s0+$0x7D10] =	vst v0  }
.Ltmp3:
0x226: {  	[tilespmem:s0+$0x7D20] =	vst v0;
	(pc) =	sbr.rel @p0 .LBB2_8-.Ltmp3, $4  }
0x227: {  	[tilespmem:s0+$0x7D30] =	vst v0  }
0x228: {  	[tilespmem:s0+$0x7D40] =	vst v0  }
0x229: {  	[tilespmem:s0+$0x7D50] =	vst v0  }
0x22a: {  	[tilespmem:s0+$0x7D60] =	vst v0;
	s0 =	sshra.s32 s1, $0x2;
	s1 =	sadd.s32 $0x200, s1  }
0x22b: {  	[tilespmem:s0+$0x7D70] =	vst v0  }
0x22c: {  	[tilespmem:s0+$0x7D00] =	vst v0  }
0x22d: {  	[tilespmem:s0+$0x7D10] =	vst v0  }
0x22e: {  	[tilespmem:s0+$0x7D20] =	vst v0  }
0x22f: {  	[tilespmem:s0+$0x7D30] =	vst v0  }
0x230: {  	[tilespmem:s0+$0x7D40] =	vst v0  }
0x231: {  	[tilespmem:s0+$0x7D50] =	vst v0  }
0x232: {  	[tilespmem:s0+$0x7D60] =	vst v0  }
0x233: {  	[spmem:s6] =	stream.linear.scatter [tilespmem:s12], [sflag:$0x7], $0x1400, $0x38;
	[tilespmem:$0x1DD80] =	vst v63  }
0x234: {  	_ =	swait.ge [sflag:s13], $0x1400  }
0x235: {  	[sflag:s13] =	ssyncset.done $0x0  }
0x236: {  	[sflag:s13] =	ssyncadd.s32 $0xFFFFEC00  }
0x237: {  	[spmem:s14] =	stream.linear.scatter [tilespmem:s12], [sflag:$0x7], $0x1400, $0x38;
	[tilespmem:$0x1DD80] =	vst v63  }
0x238: {  	_ =	swait.ge [sflag:s13], $0x1400  }
0x239: {  	[sflag:s13] =	ssyncset.done $0x0  }
0x23a: {  	[sflag:s13] =	ssyncadd.s32 $0xFFFFEC00  }
0x23b: {  	[spmem:s28] =	stream.linear.scatter [tilespmem:s12], [sflag:$0x7], $0x1400, $0x38;
	[tilespmem:$0x1DD80] =	vst v63  }
0x23c: {  	_ =	swait.ge [sflag:s13], $0x1400  }
0x23d: {  	s31 =	sld [smem:$0x7E0]  }
0x23e: {  	[sflag:s13] =	ssyncset.done $0x0  }
0x23f: {  	[sflag:s13] =	ssyncadd.s32 $0xFFFFEC00  }
0x240: {  	[spmem:s31] =	stream.linear.scatter [tilespmem:s12], [sflag:$0x7], $0x1400, $0x38;
	[tilespmem:$0x1DD80] =	vst v63  }
0x241: {  	_ =	swait.ge [sflag:s13], $0x1400  }
0x242: {  	s1 =	sld [smem:$0x7E1]  }
0x243: {  	[sflag:s13] =	ssyncset.done $0x0  }
0x244: {  	[sflag:s13] =	ssyncadd.s32 $0xFFFFEC00  }
0x245: {  	[spmem:s1] =	stream.linear.scatter [tilespmem:s12], [sflag:$0x7], $0x1400, $0x38;
	[tilespmem:$0x1DD80] =	vst v63  }
0x246: {  	_ =	swait.ge [sflag:s13], $0x1400  }
0x247: {  	s3 =	sld [smem:$0x7E4]  }
0x248: {  	[sflag:s13] =	ssyncset.done $0x0  }
0x249: {  	[sflag:s13] =	ssyncadd.s32 $0xFFFFEC00  }
0x24a: {  	[spmem:s3] =	stream.linear.scatter [tilespmem:s12], [sflag:$0x7], $0x1400, $0x38;
	[tilespmem:$0x1DD80] =	vst v63  }
0x24b: {  	_ =	swait.ge [sflag:s13], $0x1400  }
0x24c: {  	s5 =	sld [smem:$0x7E5]  }
0x24d: {  	[sflag:s13] =	ssyncset.done $0x0  }
0x24e: {  	[sflag:s13] =	ssyncadd.s32 $0xFFFFEC00  }
0x24f: {  	[spmem:s5] =	stream.linear.scatter [tilespmem:s12], [sflag:$0x7], $0x1400, $0x38;
	[tilespmem:$0x1DD80] =	vst v63  }
0x250: {  	_ =	swait.ge [sflag:s13], $0x1400  }
0x251: {  	s6 =	sld [smem:$0x7E7]  }
0x252: {  	[sflag:s13] =	ssyncset.done $0x0  }
0x253: {  	[sflag:s13] =	ssyncadd.s32 $0xFFFFEC00  }
0x254: {  	[spmem:s6] =	stream.linear.scatter [tilespmem:s12], [sflag:$0x7], $0x1400, $0x38;
	[tilespmem:$0x1DD80] =	vst v63  }
0x255: {  	_ =	swait.ge [sflag:s13], $0x1400  }
0x256: {  	s14 =	sld [smem:$0x7E8]  }
0x257: {  	[sflag:s13] =	ssyncset.done $0x0  }
0x258: {  	[sflag:s13] =	ssyncadd.s32 $0xFFFFEC00  }
0x259: {  	[spmem:s14] =	stream.linear.scatter [tilespmem:s12], [sflag:$0x7], $0x1400, $0x38;
	[tilespmem:$0x1DD80] =	vst v63  }
0x25a: {  	_ =	swait.ge [sflag:s13], $0x1400  }
0x25b: {  	s31 =	sld [smem:$0x7E9]  }
0x25c: {  	[sflag:s13] =	ssyncset.done $0x0  }
0x25d: {  	[sflag:s13] =	ssyncadd.s32 $0xFFFFEC00  }
0x25e: {  	[spmem:s31] =	stream.linear.scatter [tilespmem:s12], [sflag:$0x7], $0x1400, $0x38;
	[tilespmem:$0x1DD80] =	vst v63  }
0x25f: {  	_ =	swait.ge [sflag:s13], $0x1400  }
0x260: {  	s1 =	sld [smem:$0x7EA]  }
0x261: {  	[sflag:s13] =	ssyncset.done $0x0  }
0x262: {  	s0 =	simm.s32 @!p5 $0x7D00;
	[sflag:s13] =	ssyncadd.s32 $0xFFFFEC00  }
0x263: {  	[spmem:s1] =	stream.linear.scatter @!p5 [tilespmem:s0], [sflag:$0x7], $0x1400, $0x38;
	[tilespmem:$0x1DD80] =	vst v63  }
0x264: {  	s0 =	simm.s32 @!p5 $0x7  }
0x265: {  	_ =	swait.ge @!p5 [sflag:s0], $0x1400  }
0x266: {  	s1 =	sld [smem:$0x7EB]  }
0x267: {  	[sflag:s0] =	ssyncset.done @!p5 $0x0  }
0x268: {  	[sflag:s0] =	ssyncadd.s32 @!p5 $0xFFFFEC00;
	s0 =	simm.s32 @!p6 $0x7D00  }
0x269: {  	[spmem:s1] =	stream.linear.scatter @!p6 [tilespmem:s0], [sflag:$0x7], $0x1400, $0x38;
	[tilespmem:$0x1DD80] =	vst v63  }
0x26a: {  	s0 =	simm.s32 @!p6 $0x7  }
0x26b: {  	_ =	swait.ge @!p6 [sflag:s0], $0x1400  }
0x26c: {  	s1 =	sld [smem:$0x7EC]  }
0x26d: {  	[sflag:s0] =	ssyncset.done @!p6 $0x0  }
0x26e: {  	[sflag:s0] =	ssyncadd.s32 @!p6 $0xFFFFEC00;
	s0 =	simm.s32 @!p1 $0x7D00  }
0x26f: {  	[spmem:s1] =	stream.linear.scatter @!p1 [tilespmem:s0], [sflag:$0x7], $0x1400, $0x38;
	[tilespmem:$0x1DD80] =	vst v63  }
0x270: {  	s0 =	simm.s32 @!p1 $0x7  }
0x271: {  	_ =	swait.ge @!p1 [sflag:s0], $0x1400  }
0x272: {  	s1 =	sld [smem:$0x7ED]  }
0x273: {  	[sflag:s0] =	ssyncset.done @!p1 $0x0  }
0x274: {  	[sflag:s0] =	ssyncadd.s32 @!p1 $0xFFFFEC00;
	s0 =	simm.s32 @!p2 $0x7D00  }
0x275: {  	[spmem:s1] =	stream.linear.scatter @!p2 [tilespmem:s0], [sflag:$0x7], $0x1400, $0x38;
	[tilespmem:$0x1DD80] =	vst v63  }
0x276: {  	s0 =	simm.s32 @!p2 $0x7  }
0x277: {  	_ =	swait.ge @!p2 [sflag:s0], $0x1400  }
0x278: {  	s1 =	sld [smem:$0x7EE]  }
0x279: {  	[sflag:s0] =	ssyncset.done @!p2 $0x0  }
0x27a: {  	[sflag:s0] =	ssyncadd.s32 @!p2 $0xFFFFEC00;
	s0 =	simm.s32 @!p3 $0x7D00  }
0x27b: {  	[spmem:s1] =	stream.linear.scatter @!p3 [tilespmem:s0], [sflag:$0x7], $0x1400, $0x38;
	[tilespmem:$0x1DD80] =	vst v63  }
0x27c: {  	s0 =	simm.s32 @!p3 $0x7  }
0x27d: {  	_ =	swait.ge @!p3 [sflag:s0], $0x1400  }
0x27e: {  	s1 =	sld [smem:$0x7EF]  }
0x27f: {  	[sflag:s0] =	ssyncset.done @!p3 $0x0  }
0x280: {  	[sflag:s0] =	ssyncadd.s32 @!p3 $0xFFFFEC00;
	s0 =	simm.s32 @!p4 $0x7D00  }
0x281: {  	[spmem:s1] =	stream.linear.scatter @!p4 [tilespmem:s0], [sflag:$0x7], $0x1400, $0x38;
	[tilespmem:$0x1DD80] =	vst v63  }
0x282: {  	s0 =	simm.s32 @!p4 $0x7  }
0x283: {  	_ =	swait.ge @!p4 [sflag:s0], $0x1400  }
0x284: {  	[sflag:s0] =	ssyncset.done @!p4 $0x0  }
0x285: {  	[sflag:s0] =	ssyncadd.s32 @!p4 $0xFFFFEC00  }
0x286: {  	[bflag:$0x0] =	sbarrier.arrive $0xFFFF  }
0x287: {  	s28 =	simm.s32 $0x0;
	s29 =	sld [smem:$0x7F8]  }
.LBB2_10:
0x288: {  	s0 =	smul.u32 $0x190, s28;
	s1 =	rddreg [dreg:$0x6]  }
0x289: {  	s3 =	sld [smem:$0x7F3]  }
0x28a: {  	s0 =	sadd.s32 s1, s0  }
0x28b: {  	s1 =	sshrl.u32 s0, $0x3  }
0x28c: {  	s6 =	simm.s32 $0x200;
	s14 =	simm.s32 $0x0;
	s5 =	sadd.s32 s3, s1  }
0x28d: {  	[tilespmem:s6], [sflag:$0x7] =	stream.linear.gather [hbm4b:s5+s14], $0x190, $0x38;
	[tilespmem:$0x1DD80] =	vst v63  }
0x28e: {  	_ =	swait.ge [sflag:s13], $0x190  }
0x28f: {  	s5 =	sld [smem:$0x7F2];
	_ =	sdelay $0x1  }
0x290: {  	[sflag:s13] =	ssyncset.done $0x0  }
0x291: {  	[sflag:s13] =	ssyncadd.s32 $0xFFFFFE70;
	s1 =	sadd.s32 s5, s1  }
0x292: {  	[tilespmem:s14], [sflag:$0x7] =	stream.linear.gather [hbm4b:s1+s14], $0x190, $0x38;
	[tilespmem:$0x1DD80] =	vst v63  }
0x293: {  	_ =	swait.ge [sflag:s13], $0x190  }
0x294: {  	[sflag:s13] =	ssyncset.done $0x0  }
0x295: {  	s5 =	sld [smem:$0x7DD];
	[sflag:s13] =	ssyncadd.s32 $0xFFFFFE70  }
0x296: {  	[tilespmem:s16], [sflag:$0x1] =	stream.indirect.gather [hbm4b:s8+s15], $0x80, s6, s15, $0xb8;
	[tilespmem:$0x1DD80] =	vst v63  }
0x297: {  	s1 =	sshll.u32 s0, $0x4  }
0x298: {  	[tilespmem:s9], [sflag:$0x1] =	stream.indirect.gather [hbm4b:s10+s15], $0x80, s6, s15, $0xb8;
	[tilespmem:$0x1DD80] =	vst v63  }
0x299: {  	s0 =	sadd.s32 s5, s1  }
0x29a: {  	[tilespmem:s17], [sflag:$0x3] =	stream.linear.gather [hbm4b:s0+s14], $0x1400, $0x38;
	[tilespmem:$0x1DD80] =	vst v63  }
0x29b: {  	s6 =	simm.s32 $0x228  }
0x29c: {  	[tilespmem:s18], [sflag:$0x2] =	stream.indirect.gather [hbm4b:s8+s15], $0x80, s6, s15, $0xb8;
	[tilespmem:$0x1DD80] =	vst v63  }
0x29d: {  	_ = 	snop  }
0x29e: {  	[tilespmem:s2], [sflag:$0x2] =	stream.indirect.gather [hbm4b:s10+s15], $0x80, s6, s15, $0xb8;
	[tilespmem:$0x1DD80] =	vst v63  }
0x29f: {  	s3 =	sadd.s32 $0xFFFFFD80, s29  }
0x2a0: {  	[tilespmem:s19], [sflag:$0x4] =	stream.linear.gather [hbm4b:s3+s4], $0x1400, $0x38;
	[tilespmem:$0x1DD80] =	vst v63  }
0x2a1: {  	_ =	swait.ge [sflag:s20], $0x1400  }
0x2a2: {  	[sflag:s20] =	ssyncset.done $0x0  }
0x2a3: {  	[sflag:s20] =	ssyncadd.s32 $0xFFFFEC00  }
0x2a4: {  	_ =	swait.ge [sflag:s20], $0x1400  }
0x2a5: {  	[sflag:s20] =	ssyncset.done $0x0  }
0x2a6: {  	[sflag:s20] =	ssyncadd.s32 $0xFFFFEC00  }
0x2a7: {  	s5 =	sor.u32 s28, s14;
	_ =	swait.ge [sflag:s21], $0x1400  }
0x2a8: {  	p0 =	seq.s32 s5, $0x0;
	[sflag:s21] =	ssyncset.done $0x0  }
0x2a9: {  	s0 =	simm.s32 @!p0 $0x5;
	[sflag:s21] =	ssyncadd.s32 $0xFFFFEC00  }
0x2aa: {  	_ =	swait.ge @!p0 [sflag:s0], $0x1400  }
0x2ab: {  	[sflag:s0] =	ssyncset.done @!p0 $0x0  }
0x2ac: {  	s6 =	simm.s32 $0x0;
	[sflag:s0] =	ssyncadd.s32 @!p0 $0xFFFFEC00  }
0x2ad: {  	v1 =	vld [tilespmem:s6+$0x0];
	_ =	sdelay $0x4  }
0x2ae: {  	[tilespmem:$0x400] =	vst v1  }
0x2af: {  	v1 =	vld [tilespmem:s6+$0x10];
	_ =	sdelay $0x4  }
0x2b0: {  	[tilespmem:$0x410] =	vst v1  }
0x2b1: {  	v1 =	vld [tilespmem:s6+$0x18];
	_ =	sdelay $0x4  }
0x2b2: {  	[tilespmem:$0x418] =	vst v1  }
0x2b3: {  	[spmem:s11] =	stream.indirect.scatter.add.f32 [tilespmem:s12], [sflag:$0x5], $0x80, s22, s15, $0xb8;
	[tilespmem:$0x1DD80] =	vst v63  }
0x2b4: {  	s14 =	simm.s32 $0x250  }
0x2b5: {  	[tilespmem:s16], [sflag:$0x1] =	stream.indirect.gather [hbm4b:s8+s15], $0x80, s14, s15, $0xb8;
	[tilespmem:$0x1DD80] =	vst v63  }
0x2b6: {  	_ = 	snop  }
0x2b7: {  	[tilespmem:s9], [sflag:$0x1] =	stream.indirect.gather [hbm4b:s10+s15], $0x80, s14, s15, $0xb8;
	[tilespmem:$0x1DD80] =	vst v63  }
0x2b8: {  	_ = 	snop  }
0x2b9: {  	[tilespmem:s17], [sflag:$0x3] =	stream.linear.gather [hbm4b:s29+s4], $0x1400, $0x38;
	[tilespmem:$0x1DD80] =	vst v63  }
0x2ba: {  	_ =	swait.ge [sflag:s23], $0x1400  }
0x2bb: {  	[sflag:s23] =	ssyncset.done $0x0  }
0x2bc: {  	[sflag:s23] =	ssyncadd.s32 $0xFFFFEC00  }
0x2bd: {  	_ =	swait.ge [sflag:s23], $0x1400  }
0x2be: {  	[sflag:s23] =	ssyncset.done $0x0  }
0x2bf: {  	[sflag:s23] =	ssyncadd.s32 $0xFFFFEC00  }
0x2c0: {  	_ =	swait.ge [sflag:s24], $0x1400  }
0x2c1: {  	[sflag:s24] =	ssyncset.done $0x0  }
0x2c2: {  	s0 =	simm.s32 @!p0 $0x6;
	[sflag:s24] =	ssyncadd.s32 $0xFFFFEC00  }
0x2c3: {  	_ =	swait.ge @!p0 [sflag:s0], $0x1400  }
0x2c4: {  	[sflag:s0] =	ssyncset.done @!p0 $0x0  }
0x2c5: {  	[sflag:s0] =	ssyncadd.s32 @!p0 $0xFFFFEC00  }
0x2c6: {  	v1 =	vld [tilespmem:s6+$0x28];
	_ =	sdelay $0x4  }
0x2c7: {  	[tilespmem:$0x480] =	vst v1  }
0x2c8: {  	v1 =	vld [tilespmem:s6+$0x38];
	_ =	sdelay $0x4  }
0x2c9: {  	[tilespmem:$0x490] =	vst v1  }
0x2ca: {  	v1 =	vld [tilespmem:s6+$0x40];
	_ =	sdelay $0x3  }
0x2cb: {  	s31 =	simm.s32 $0x50  }
0x2cc: {  	s5 =	simm.s32 $0x280;
	s14 =	simm.s32 $0x1;
	s0 =	sadd.s32 $0x500, s29;
	[tilespmem:$0x498] =	vst v1  }
.LBB2_11:
0x2cd: {  	[spmem:s11] =	stream.indirect.scatter.add.f32 [tilespmem:s26], [sflag:$0x6], $0x80, s25, s15, $0xb8;
	[tilespmem:$0x1DD80] =	vst v63  }
0x2ce: {  	s6 =	sshra.s32 s5, $0x2;
	s5 =	sadd.s32 $0x140, s5;
	s3 =	sadd.s32 $0x228, s31  }
0x2cf: {  	[tilespmem:s18], [sflag:$0x2] =	stream.indirect.gather [hbm4b:s8+s15], $0x80, s3, s15, $0xb8;
	[tilespmem:$0x1DD80] =	vst v63  }
0x2d0: {  	p6 =	sne.s32 s5, $0x500  }
0x2d1: {  	[tilespmem:s2], [sflag:$0x2] =	stream.indirect.gather [hbm4b:s10+s15], $0x80, s3, s15, $0xb8;
	[tilespmem:$0x1DD80] =	vst v63  }
0x2d2: {  	s3 =	sadd.s32 $0xFFFFFD80, s0  }
0x2d3: {  	[tilespmem:s19], [sflag:$0x4] =	stream.linear.gather [hbm4b:s3+s4], $0x1400, $0x38;
	[tilespmem:$0x1DD80] =	vst v63  }
0x2d4: {  	_ =	swait.ge [sflag:s20], $0x1400  }
0x2d5: {  	[sflag:s20] =	ssyncset.done $0x0  }
0x2d6: {  	[sflag:s20] =	ssyncadd.s32 $0xFFFFEC00  }
0x2d7: {  	_ =	swait.ge [sflag:s20], $0x1400  }
0x2d8: {  	[sflag:s20] =	ssyncset.done $0x0  }
0x2d9: {  	[sflag:s20] =	ssyncadd.s32 $0xFFFFEC00  }
0x2da: {  	s3 =	sor.u32 s28, s14;
	_ =	swait.ge [sflag:s21], $0x1400  }
0x2db: {  	p0 =	seq.s32 s3, $0x0;
	[sflag:s21] =	ssyncset.done $0x0  }
0x2dc: {  	s3 =	simm.s32 @!p0 $0x5;
	[sflag:s21] =	ssyncadd.s32 $0xFFFFEC00  }
0x2dd: {  	_ =	swait.ge @!p0 [sflag:s3], $0x1400  }
0x2de: {  	[sflag:s3] =	ssyncset.done @!p0 $0x0  }
0x2df: {  	[sflag:s3] =	ssyncadd.s32 @!p0 $0xFFFFEC00  }
0x2e0: {  	v1 =	vld [tilespmem:s31+$0x0];
	_ =	sdelay $0x4  }
0x2e1: {  	[tilespmem:$0x400] =	vst v1  }
0x2e2: {  	v1 =	vld [tilespmem:s31+$0x10];
	_ =	sdelay $0x4  }
0x2e3: {  	[tilespmem:$0x410] =	vst v1  }
0x2e4: {  	v1 =	vld [tilespmem:s31+$0x18];
	_ =	sdelay $0x4  }
0x2e5: {  	[tilespmem:$0x418] =	vst v1  }
0x2e6: {  	[spmem:s11] =	stream.indirect.scatter.add.f32 [tilespmem:s12], [sflag:$0x5], $0x80, s22, s15, $0xb8;
	[tilespmem:$0x1DD80] =	vst v63  }
0x2e7: {  	s3 =	sadd.s32 $0x250, s31  }
0x2e8: {  	[tilespmem:s16], [sflag:$0x1] =	stream.indirect.gather [hbm4b:s8+s15], $0x80, s3, s15, $0xb8;
	[tilespmem:$0x1DD80] =	vst v63  }
0x2e9: {  	_ = 	snop  }
0x2ea: {  	[tilespmem:s9], [sflag:$0x1] =	stream.indirect.gather [hbm4b:s10+s15], $0x80, s3, s15, $0xb8;
	[tilespmem:$0x1DD80] =	vst v63  }
0x2eb: {  	_ = 	snop  }
0x2ec: {  	[tilespmem:s17], [sflag:$0x3] =	stream.linear.gather [hbm4b:s0+s4], $0x1400, $0x38;
	[tilespmem:$0x1DD80] =	vst v63  }
0x2ed: {  	_ =	swait.ge [sflag:s23], $0x1400  }
0x2ee: {  	[sflag:s23] =	ssyncset.done $0x0  }
0x2ef: {  	[sflag:s23] =	ssyncadd.s32 $0xFFFFEC00  }
0x2f0: {  	_ =	swait.ge [sflag:s23], $0x1400  }
0x2f1: {  	[sflag:s23] =	ssyncset.done $0x0  }
0x2f2: {  	[sflag:s23] =	ssyncadd.s32 $0xFFFFEC00  }
0x2f3: {  	_ =	swait.ge [sflag:s24], $0x1400  }
0x2f4: {  	[sflag:s24] =	ssyncset.done $0x0  }
0x2f5: {  	s3 =	simm.s32 @!p0 $0x6;
	[sflag:s24] =	ssyncadd.s32 $0xFFFFEC00  }
0x2f6: {  	_ =	swait.ge @!p0 [sflag:s3], $0x1400  }
0x2f7: {  	[sflag:s3] =	ssyncset.done @!p0 $0x0  }
0x2f8: {  	[sflag:s3] =	ssyncadd.s32 @!p0 $0xFFFFEC00  }
0x2f9: {  	v1 =	vld [tilespmem:s31+$0x28];
	_ =	sdelay $0x4  }
0x2fa: {  	[tilespmem:$0x480] =	vst v1  }
0x2fb: {  	v1 =	vld [tilespmem:s31+$0x38];
	_ =	sdelay $0x4  }
0x2fc: {  	[tilespmem:$0x490] =	vst v1  }
0x2fd: {  	v1 =	vld [tilespmem:s31+$0x40];
	s31 =	smov.u32 s6  }
.Ltmp4:
0x2fe: {  	(pc) =	sbr.rel @p6 .LBB2_11-.Ltmp4, $2  }
0x2ff: {  	_ =	sdelay $0x2  }
0x300: {  	s14 =	sadd.s32 $0x1, s14;
	s0 =	sadd.s32 $0x500, s0;
	[tilespmem:$0x498] =	vst v1  }
0x301: {  	[spmem:s11] =	stream.indirect.scatter.add.f32 [tilespmem:s26], [sflag:$0x6], $0x80, s25, s15, $0xb8;
	[tilespmem:$0x1DD80] =	vst v63  }
0x302: {  	s3 =	sadd.s32 $0x228, s31  }
0x303: {  	[tilespmem:s18], [sflag:$0x2] =	stream.indirect.gather [hbm4b:s8+s15], $0x80, s3, s15, $0xb8;
	[tilespmem:$0x1DD80] =	vst v63  }
0x304: {  	_ = 	snop  }
0x305: {  	[tilespmem:s2], [sflag:$0x2] =	stream.indirect.gather [hbm4b:s10+s15], $0x80, s3, s15, $0xb8;
	[tilespmem:$0x1DD80] =	vst v63  }
0x306: {  	s5 =	sadd.s32 $0xFFFFFD80, s0  }
0x307: {  	[tilespmem:s19], [sflag:$0x4] =	stream.linear.gather [hbm4b:s5+s4], $0x1400, $0x38;
	[tilespmem:$0x1DD80] =	vst v63  }
0x308: {  	_ =	swait.ge [sflag:s20], $0x1400  }
0x309: {  	[sflag:s20] =	ssyncset.done $0x0  }
0x30a: {  	[sflag:s20] =	ssyncadd.s32 $0xFFFFEC00  }
0x30b: {  	_ =	swait.ge [sflag:s20], $0x1400  }
0x30c: {  	[sflag:s20] =	ssyncset.done $0x0  }
0x30d: {  	[sflag:s20] =	ssyncadd.s32 $0xFFFFEC00  }
0x30e: {  	s6 =	sor.u32 s28, s14;
	_ =	swait.ge [sflag:s21], $0x1400  }
0x30f: {  	p0 =	seq.s32 s6, $0x0;
	[sflag:s21] =	ssyncset.done $0x0  }
0x310: {  	s3 =	simm.s32 @!p0 $0x5;
	[sflag:s21] =	ssyncadd.s32 $0xFFFFEC00  }
0x311: {  	_ =	swait.ge @!p0 [sflag:s3], $0x1400  }
0x312: {  	[sflag:s3] =	ssyncset.done @!p0 $0x0  }
0x313: {  	[sflag:s3] =	ssyncadd.s32 @!p0 $0xFFFFEC00  }
0x314: {  	v1 =	vld [tilespmem:s31+$0x0];
	_ =	sdelay $0x4  }
0x315: {  	[tilespmem:$0x400] =	vst v1  }
0x316: {  	v1 =	vld [tilespmem:s31+$0x10];
	_ =	sdelay $0x4  }
0x317: {  	[tilespmem:$0x410] =	vst v1  }
0x318: {  	v1 =	vld [tilespmem:s31+$0x18];
	_ =	sdelay $0x4  }
0x319: {  	[tilespmem:$0x418] =	vst v1  }
0x31a: {  	[spmem:s11] =	stream.indirect.scatter.add.f32 [tilespmem:s12], [sflag:$0x5], $0x80, s22, s15, $0xb8;
	[tilespmem:$0x1DD80] =	vst v63  }
0x31b: {  	s14 =	sadd.s32 $0x250, s31  }
0x31c: {  	[tilespmem:s16], [sflag:$0x1] =	stream.indirect.gather [hbm4b:s8+s15], $0x80, s14, s15, $0xb8;
	[tilespmem:$0x1DD80] =	vst v63  }
0x31d: {  	_ = 	snop  }
0x31e: {  	[tilespmem:s9], [sflag:$0x1] =	stream.indirect.gather [hbm4b:s10+s15], $0x80, s14, s15, $0xb8;
	[tilespmem:$0x1DD80] =	vst v63  }
0x31f: {  	_ = 	snop  }
0x320: {  	[tilespmem:s17], [sflag:$0x3] =	stream.linear.gather [hbm4b:s0+s4], $0x1400, $0x38;
	[tilespmem:$0x1DD80] =	vst v63  }
0x321: {  	_ =	swait.ge [sflag:s23], $0x1400  }
0x322: {  	[sflag:s23] =	ssyncset.done $0x0  }
0x323: {  	[sflag:s23] =	ssyncadd.s32 $0xFFFFEC00  }
0x324: {  	_ =	swait.ge [sflag:s23], $0x1400  }
0x325: {  	[sflag:s23] =	ssyncset.done $0x0  }
0x326: {  	[sflag:s23] =	ssyncadd.s32 $0xFFFFEC00  }
0x327: {  	_ =	swait.ge [sflag:s24], $0x1400  }
0x328: {  	[sflag:s24] =	ssyncset.done $0x0  }
0x329: {  	s0 =	simm.s32 @!p0 $0x6;
	[sflag:s24] =	ssyncadd.s32 $0xFFFFEC00  }
0x32a: {  	_ =	swait.ge @!p0 [sflag:s0], $0x1400  }
0x32b: {  	[sflag:s0] =	ssyncset.done @!p0 $0x0  }
0x32c: {  	[sflag:s0] =	ssyncadd.s32 @!p0 $0xFFFFEC00  }
0x32d: {  	v1 =	vld [tilespmem:s31+$0x28];
	_ =	sdelay $0x4  }
0x32e: {  	[tilespmem:$0x480] =	vst v1  }
0x32f: {  	v1 =	vld [tilespmem:s31+$0x38];
	_ =	sdelay $0x4  }
0x330: {  	[tilespmem:$0x490] =	vst v1  }
0x331: {  	v1 =	vld [tilespmem:s31+$0x40];
	_ =	sdelay $0x4  }
0x332: {  	[tilespmem:$0x498] =	vst v1  }
0x333: {  	[spmem:s11] =	stream.indirect.scatter.add.f32 [tilespmem:s26], [sflag:$0x6], $0x80, s25, s15, $0xb8;
	[tilespmem:$0x1DD80] =	vst v63  }
0x334: {  	s5 =	simm.s32 $0x368;
	s6 =	sld [smem:$0x7F4]  }
0x335: {  	[tilespmem:s18], [sflag:$0x2] =	stream.indirect.gather [hbm4b:s8+s15], $0x80, s5, s15, $0xb8;
	[tilespmem:$0x1DD80] =	vst v63  }
0x336: {  	_ = 	snop  }
0x337: {  	[tilespmem:s2], [sflag:$0x2] =	stream.indirect.gather [hbm4b:s10+s15], $0x80, s5, s15, $0xb8;
	[tilespmem:$0x1DD80] =	vst v63  }
0x338: {  	s0 =	sadd.s32 s6, s1  }
0x339: {  	[tilespmem:s19], [sflag:$0x4] =	stream.linear.gather [hbm4b:s0+s4], $0x1400, $0x38;
	[tilespmem:$0x1DD80] =	vst v63  }
0x33a: {  	_ =	swait.ge [sflag:s20], $0x1400  }
0x33b: {  	[sflag:s20] =	ssyncset.done $0x0  }
0x33c: {  	[sflag:s20] =	ssyncadd.s32 $0xFFFFEC00  }
0x33d: {  	_ =	swait.ge [sflag:s20], $0x1400  }
0x33e: {  	[sflag:s20] =	ssyncset.done $0x0  }
0x33f: {  	[sflag:s20] =	ssyncadd.s32 $0xFFFFEC00  }
0x340: {  	_ =	swait.ge [sflag:s21], $0x1400  }
0x341: {  	[sflag:s21] =	ssyncset.done $0x0  }
0x342: {  	s14 =	simm.s32 $0x5;
	[sflag:s21] =	ssyncadd.s32 $0xFFFFEC00  }
0x343: {  	_ =	swait.ge [sflag:s14], $0x1400  }
0x344: {  	[sflag:s14] =	ssyncset.done $0x0  }
0x345: {  	[sflag:s14] =	ssyncadd.s32 $0xFFFFEC00  }
0x346: {  	v1 =	vld [tilespmem:$0x140]  }
0x347: {  	v2 =	vld [tilespmem:$0x150]  }
0x348: {  	v3 =	vld [tilespmem:$0x158];
	_ =	sdelay $0x2  }
0x349: {  	[tilespmem:$0x400] =	vst v1  }
0x34a: {  	[tilespmem:$0x410] =	vst v2  }
0x34b: {  	[tilespmem:$0x418] =	vst v3  }
0x34c: {  	[spmem:s11] =	stream.indirect.scatter.add.f32 [tilespmem:s12], [sflag:$0x5], $0x80, s22, s15, $0xb8;
	[tilespmem:$0x1DD80] =	vst v63  }
0x34d: {  	_ =	swait.ge [sflag:s23], $0x1400  }
0x34e: {  	[sflag:s23] =	ssyncset.done $0x0  }
0x34f: {  	[sflag:s23] =	ssyncadd.s32 $0xFFFFEC00  }
0x350: {  	_ =	swait.ge [sflag:s23], $0x1400  }
0x351: {  	[sflag:s23] =	ssyncset.done $0x0  }
0x352: {  	[sflag:s23] =	ssyncadd.s32 $0xFFFFEC00  }
0x353: {  	_ =	swait.ge [sflag:s24], $0x1400  }
0x354: {  	[sflag:s24] =	ssyncset.done $0x0  }
0x355: {  	s31 =	simm.s32 $0x6;
	[sflag:s24] =	ssyncadd.s32 $0xFFFFEC00  }
0x356: {  	_ =	swait.ge [sflag:s31], $0x1400  }
0x357: {  	[sflag:s31] =	ssyncset.done $0x0  }
0x358: {  	[sflag:s31] =	ssyncadd.s32 $0xFFFFEC00  }
0x359: {  	v1 =	vld [tilespmem:$0x168]  }
0x35a: {  	v2 =	vld [tilespmem:$0x178]  }
0x35b: {  	s28 =	sadd.s32 $0x1, s28;
	v3 =	vld [tilespmem:$0x180]  }
0x35c: {  	p0 =	sne.s32 s28, $0x19  }
.Ltmp5:
0x35d: {  	_ = 	snop;
	(pc) =	sbr.rel @p0 .LBB2_10-.Ltmp5, $4  }
0x35e: {  	[tilespmem:$0x480] =	vst v1  }
0x35f: {  	[tilespmem:$0x490] =	vst v2  }
0x360: {  	s29 =	sadd.s32 $0x1900, s29;
	[tilespmem:$0x498] =	vst v3  }
0x361: {  	[spmem:s11] =	stream.indirect.scatter.add.f32 [tilespmem:s26], [sflag:$0x6], $0x80, s25, s15, $0xb8;
	[tilespmem:$0x1DD80] =	vst v63  }
0x362: {  	s0 =	simm.s32 $0x5  }
0x363: {  	_ =	swait.ge [sflag:s0], $0x1400  }
0x364: {  	[sflag:s0] =	ssyncset.done $0x0  }
0x365: {  	s31 =	simm.s32 $0x6;
	[sflag:s0] =	ssyncadd.s32 $0xFFFFEC00  }
0x366: {  	_ =	swait.ge [sflag:s31], $0x1400  }
0x367: {  	[sflag:s31] =	ssyncset.done $0x0  }
0x368: {  	s29 =	simm.s32 $0x0;
	s28 =	sld [smem:$0x7F9];
	[sflag:s31] =	ssyncadd.s32 $0xFFFFEC00  }
.LBB2_14:
0x369: {  	s0 =	smul.u32 $0x190, s29;
	s1 =	rddreg [dreg:$0x6]  }
0x36a: {  	s3 =	sld [smem:$0x7F3]  }
0x36b: {  	s0 =	sadd.s32 s1, s0  }
0x36c: {  	s1 =	sshrl.u32 s0, $0x3  }
0x36d: {  	s6 =	simm.s32 $0x200;
	s14 =	simm.s32 $0x0;
	s5 =	sadd.s32 s3, s1  }
0x36e: {  	[tilespmem:s6], [sflag:$0x7] =	stream.linear.gather [hbm4b:s5+s14], $0x190, $0x38;
	[tilespmem:$0x1DD80] =	vst v63  }
0x36f: {  	_ =	swait.ge [sflag:s13], $0x190  }
0x370: {  	s5 =	sld [smem:$0x7F2];
	_ =	sdelay $0x1  }
0x371: {  	[sflag:s13] =	ssyncset.done $0x0  }
0x372: {  	[sflag:s13] =	ssyncadd.s32 $0xFFFFFE70;
	s1 =	sadd.s32 s5, s1  }
0x373: {  	[tilespmem:s14], [sflag:$0x7] =	stream.linear.gather [hbm4b:s1+s14], $0x190, $0x38;
	[tilespmem:$0x1DD80] =	vst v63  }
0x374: {  	_ =	swait.ge [sflag:s13], $0x190  }
0x375: {  	[sflag:s13] =	ssyncset.done $0x0;
	s5 =	sld [smem:$0x7DE]  }
0x376: {  	s1 =	sshll.u32 s0, $0x4;
	[sflag:s13] =	ssyncadd.s32 $0xFFFFFE70  }
0x377: {  	[tilespmem:s16], [sflag:$0x1] =	stream.indirect.gather [hbm4b:s30+s15], $0x80, s6, s15, $0xb8;
	[tilespmem:$0x1DD80] =	vst v63  }
0x378: {  	s0 =	sadd.s32 s5, s1  }
0x379: {  	[tilespmem:s17], [sflag:$0x3] =	stream.linear.gather [hbm4b:s0+s14], $0x1400, $0x38;
	[tilespmem:$0x1DD80] =	vst v63  }
0x37a: {  	s6 =	simm.s32 $0x228  }
0x37b: {  	[tilespmem:s18], [sflag:$0x2] =	stream.indirect.gather [hbm4b:s30+s15], $0x80, s6, s15, $0xb8;
	[tilespmem:$0x1DD80] =	vst v63  }
0x37c: {  	s3 =	sadd.s32 $0xFFFFFD80, s28  }
0x37d: {  	[tilespmem:s19], [sflag:$0x4] =	stream.linear.gather [hbm4b:s3+s4], $0x1400, $0x38;
	[tilespmem:$0x1DD80] =	vst v63  }
0x37e: {  	_ =	swait.ge [sflag:s20], $0x1400  }
0x37f: {  	[sflag:s20] =	ssyncset.done $0x0  }
0x380: {  	[sflag:s20] =	ssyncadd.s32 $0xFFFFEC00  }
0x381: {  	s5 =	sor.u32 s29, s14;
	_ =	swait.ge [sflag:s21], $0x1400  }
0x382: {  	p0 =	seq.s32 s5, $0x0;
	[sflag:s21] =	ssyncset.done $0x0  }
0x383: {  	s0 =	simm.s32 @!p0 $0x5;
	[sflag:s21] =	ssyncadd.s32 $0xFFFFEC00  }
0x384: {  	_ =	swait.ge @!p0 [sflag:s0], $0x1400  }
0x385: {  	[sflag:s0] =	ssyncset.done @!p0 $0x0  }
0x386: {  	s6 =	simm.s32 $0x0;
	[sflag:s0] =	ssyncadd.s32 @!p0 $0xFFFFEC00  }
0x387: {  	v1 =	vld [tilespmem:s6+$0x0];
	_ =	sdelay $0x4  }
0x388: {  	[tilespmem:$0x400] =	vst v1  }
0x389: {  	v1 =	vld [tilespmem:s6+$0x10];
	_ =	sdelay $0x4  }
0x38a: {  	[tilespmem:$0x410] =	vst v1  }
0x38b: {  	v1 =	vld [tilespmem:s6+$0x18];
	_ =	sdelay $0x4  }
0x38c: {  	[tilespmem:$0x418] =	vst v1  }
0x38d: {  	[spmem:s11] =	stream.indirect.scatter.add.f32 [tilespmem:s12], [sflag:$0x5], $0x80, s22, s15, $0xb8;
	[tilespmem:$0x1DD80] =	vst v63  }
0x38e: {  	s14 =	simm.s32 $0x250  }
0x38f: {  	[tilespmem:s16], [sflag:$0x1] =	stream.indirect.gather [hbm4b:s30+s15], $0x80, s14, s15, $0xb8;
	[tilespmem:$0x1DD80] =	vst v63  }
0x390: {  	_ = 	snop  }
0x391: {  	[tilespmem:s17], [sflag:$0x3] =	stream.linear.gather [hbm4b:s28+s4], $0x1400, $0x38;
	[tilespmem:$0x1DD80] =	vst v63  }
0x392: {  	_ =	swait.ge [sflag:s23], $0x1400  }
0x393: {  	[sflag:s23] =	ssyncset.done $0x0  }
0x394: {  	[sflag:s23] =	ssyncadd.s32 $0xFFFFEC00  }
0x395: {  	_ =	swait.ge [sflag:s24], $0x1400  }
0x396: {  	[sflag:s24] =	ssyncset.done $0x0  }
0x397: {  	s0 =	simm.s32 @!p0 $0x6;
	[sflag:s24] =	ssyncadd.s32 $0xFFFFEC00  }
0x398: {  	_ =	swait.ge @!p0 [sflag:s0], $0x1400  }
0x399: {  	[sflag:s0] =	ssyncset.done @!p0 $0x0  }
0x39a: {  	[sflag:s0] =	ssyncadd.s32 @!p0 $0xFFFFEC00  }
0x39b: {  	v1 =	vld [tilespmem:s6+$0x28];
	_ =	sdelay $0x4  }
0x39c: {  	[tilespmem:$0x480] =	vst v1  }
0x39d: {  	v1 =	vld [tilespmem:s6+$0x38];
	_ =	sdelay $0x4  }
0x39e: {  	[tilespmem:$0x490] =	vst v1  }
0x39f: {  	v1 =	vld [tilespmem:s6+$0x40];
	_ =	sdelay $0x3  }
0x3a0: {  	s31 =	simm.s32 $0x280  }
0x3a1: {  	s5 =	simm.s32 $0x1;
	s14 =	sadd.s32 $0x500, s28;
	s0 =	simm.s32 $0x50;
	[tilespmem:$0x498] =	vst v1  }
.LBB2_15:
0x3a2: {  	[spmem:s11] =	stream.indirect.scatter.add.f32 [tilespmem:s26], [sflag:$0x6], $0x80, s25, s15, $0xb8;
	[tilespmem:$0x1DD80] =	vst v63  }
0x3a3: {  	s6 =	sshra.s32 s31, $0x2;
	s31 =	sadd.s32 $0x140, s31;
	s3 =	sadd.s32 $0x228, s0  }
0x3a4: {  	[tilespmem:s18], [sflag:$0x2] =	stream.indirect.gather [hbm4b:s30+s15], $0x80, s3, s15, $0xb8;
	[tilespmem:$0x1DD80] =	vst v63  }
0x3a5: {  	p6 =	sne.s32 s31, $0x500;
	s3 =	sadd.s32 $0xFFFFFD80, s14  }
0x3a6: {  	[tilespmem:s19], [sflag:$0x4] =	stream.linear.gather [hbm4b:s3+s4], $0x1400, $0x38;
	[tilespmem:$0x1DD80] =	vst v63  }
0x3a7: {  	_ =	swait.ge [sflag:s20], $0x1400  }
0x3a8: {  	[sflag:s20] =	ssyncset.done $0x0  }
0x3a9: {  	[sflag:s20] =	ssyncadd.s32 $0xFFFFEC00  }
0x3aa: {  	s3 =	sor.u32 s29, s5;
	_ =	swait.ge [sflag:s21], $0x1400  }
0x3ab: {  	p0 =	seq.s32 s3, $0x0;
	[sflag:s21] =	ssyncset.done $0x0  }
0x3ac: {  	s3 =	simm.s32 @!p0 $0x5;
	[sflag:s21] =	ssyncadd.s32 $0xFFFFEC00  }
0x3ad: {  	_ =	swait.ge @!p0 [sflag:s3], $0x1400  }
0x3ae: {  	[sflag:s3] =	ssyncset.done @!p0 $0x0  }
0x3af: {  	[sflag:s3] =	ssyncadd.s32 @!p0 $0xFFFFEC00  }
0x3b0: {  	v1 =	vld [tilespmem:s0+$0x0];
	_ =	sdelay $0x4  }
0x3b1: {  	[tilespmem:$0x400] =	vst v1  }
0x3b2: {  	v1 =	vld [tilespmem:s0+$0x10];
	_ =	sdelay $0x4  }
0x3b3: {  	[tilespmem:$0x410] =	vst v1  }
0x3b4: {  	v1 =	vld [tilespmem:s0+$0x18];
	_ =	sdelay $0x4  }
0x3b5: {  	[tilespmem:$0x418] =	vst v1  }
0x3b6: {  	[spmem:s11] =	stream.indirect.scatter.add.f32 [tilespmem:s12], [sflag:$0x5], $0x80, s22, s15, $0xb8;
	[tilespmem:$0x1DD80] =	vst v63  }
0x3b7: {  	s3 =	sadd.s32 $0x250, s0  }
0x3b8: {  	[tilespmem:s16], [sflag:$0x1] =	stream.indirect.gather [hbm4b:s30+s15], $0x80, s3, s15, $0xb8;
	[tilespmem:$0x1DD80] =	vst v63  }
0x3b9: {  	_ = 	snop  }
0x3ba: {  	[tilespmem:s17], [sflag:$0x3] =	stream.linear.gather [hbm4b:s14+s4], $0x1400, $0x38;
	[tilespmem:$0x1DD80] =	vst v63  }
0x3bb: {  	_ =	swait.ge [sflag:s23], $0x1400  }
0x3bc: {  	[sflag:s23] =	ssyncset.done $0x0  }
0x3bd: {  	[sflag:s23] =	ssyncadd.s32 $0xFFFFEC00  }
0x3be: {  	_ =	swait.ge [sflag:s24], $0x1400  }
0x3bf: {  	[sflag:s24] =	ssyncset.done $0x0  }
0x3c0: {  	s3 =	simm.s32 @!p0 $0x6;
	[sflag:s24] =	ssyncadd.s32 $0xFFFFEC00  }
0x3c1: {  	_ =	swait.ge @!p0 [sflag:s3], $0x1400  }
0x3c2: {  	[sflag:s3] =	ssyncset.done @!p0 $0x0  }
0x3c3: {  	[sflag:s3] =	ssyncadd.s32 @!p0 $0xFFFFEC00  }
0x3c4: {  	v1 =	vld [tilespmem:s0+$0x28];
	_ =	sdelay $0x4  }
0x3c5: {  	[tilespmem:$0x480] =	vst v1  }
0x3c6: {  	v1 =	vld [tilespmem:s0+$0x38];
	_ =	sdelay $0x4  }
0x3c7: {  	[tilespmem:$0x490] =	vst v1  }
0x3c8: {  	v1 =	vld [tilespmem:s0+$0x40];
	s0 =	smov.u32 s6  }
.Ltmp6:
0x3c9: {  	(pc) =	sbr.rel @p6 .LBB2_15-.Ltmp6, $2  }
0x3ca: {  	_ =	sdelay $0x2  }
0x3cb: {  	s5 =	sadd.s32 $0x1, s5;
	s14 =	sadd.s32 $0x500, s14;
	[tilespmem:$0x498] =	vst v1  }
0x3cc: {  	[spmem:s11] =	stream.indirect.scatter.add.f32 [tilespmem:s26], [sflag:$0x6], $0x80, s25, s15, $0xb8;
	[tilespmem:$0x1DD80] =	vst v63  }
0x3cd: {  	s3 =	sadd.s32 $0x228, s0  }
0x3ce: {  	[tilespmem:s18], [sflag:$0x2] =	stream.indirect.gather [hbm4b:s30+s15], $0x80, s3, s15, $0xb8;
	[tilespmem:$0x1DD80] =	vst v63  }
0x3cf: {  	s31 =	sadd.s32 $0xFFFFFD80, s14  }
0x3d0: {  	[tilespmem:s19], [sflag:$0x4] =	stream.linear.gather [hbm4b:s31+s4], $0x1400, $0x38;
	[tilespmem:$0x1DD80] =	vst v63  }
0x3d1: {  	_ =	swait.ge [sflag:s20], $0x1400  }
0x3d2: {  	[sflag:s20] =	ssyncset.done $0x0  }
0x3d3: {  	[sflag:s20] =	ssyncadd.s32 $0xFFFFEC00  }
0x3d4: {  	s6 =	sor.u32 s29, s5;
	_ =	swait.ge [sflag:s21], $0x1400  }
0x3d5: {  	p0 =	seq.s32 s6, $0x0;
	[sflag:s21] =	ssyncset.done $0x0  }
0x3d6: {  	s3 =	simm.s32 @!p0 $0x5;
	[sflag:s21] =	ssyncadd.s32 $0xFFFFEC00  }
0x3d7: {  	_ =	swait.ge @!p0 [sflag:s3], $0x1400  }
0x3d8: {  	[sflag:s3] =	ssyncset.done @!p0 $0x0  }
0x3d9: {  	[sflag:s3] =	ssyncadd.s32 @!p0 $0xFFFFEC00  }
0x3da: {  	v1 =	vld [tilespmem:s0+$0x0];
	_ =	sdelay $0x4  }
0x3db: {  	[tilespmem:$0x400] =	vst v1  }
0x3dc: {  	v1 =	vld [tilespmem:s0+$0x10];
	_ =	sdelay $0x4  }
0x3dd: {  	[tilespmem:$0x410] =	vst v1  }
0x3de: {  	v1 =	vld [tilespmem:s0+$0x18];
	_ =	sdelay $0x4  }
0x3df: {  	[tilespmem:$0x418] =	vst v1  }
0x3e0: {  	[spmem:s11] =	stream.indirect.scatter.add.f32 [tilespmem:s12], [sflag:$0x5], $0x80, s22, s15, $0xb8;
	[tilespmem:$0x1DD80] =	vst v63  }
0x3e1: {  	s31 =	sadd.s32 $0x250, s0  }
0x3e2: {  	[tilespmem:s16], [sflag:$0x1] =	stream.indirect.gather [hbm4b:s30+s15], $0x80, s31, s15, $0xb8;
	[tilespmem:$0x1DD80] =	vst v63  }
0x3e3: {  	_ = 	snop  }
0x3e4: {  	[tilespmem:s17], [sflag:$0x3] =	stream.linear.gather [hbm4b:s14+s4], $0x1400, $0x38;
	[tilespmem:$0x1DD80] =	vst v63  }
0x3e5: {  	_ =	swait.ge [sflag:s23], $0x1400  }
0x3e6: {  	[sflag:s23] =	ssyncset.done $0x0  }
0x3e7: {  	[sflag:s23] =	ssyncadd.s32 $0xFFFFEC00  }
0x3e8: {  	_ =	swait.ge [sflag:s24], $0x1400  }
0x3e9: {  	[sflag:s24] =	ssyncset.done $0x0  }
0x3ea: {  	s3 =	simm.s32 @!p0 $0x6;
	[sflag:s24] =	ssyncadd.s32 $0xFFFFEC00  }
0x3eb: {  	_ =	swait.ge @!p0 [sflag:s3], $0x1400  }
0x3ec: {  	[sflag:s3] =	ssyncset.done @!p0 $0x0  }
0x3ed: {  	[sflag:s3] =	ssyncadd.s32 @!p0 $0xFFFFEC00  }
0x3ee: {  	v1 =	vld [tilespmem:s0+$0x28];
	_ =	sdelay $0x4  }
0x3ef: {  	[tilespmem:$0x480] =	vst v1  }
0x3f0: {  	v1 =	vld [tilespmem:s0+$0x38];
	_ =	sdelay $0x4  }
0x3f1: {  	[tilespmem:$0x490] =	vst v1  }
0x3f2: {  	v1 =	vld [tilespmem:s0+$0x40];
	_ =	sdelay $0x4  }
0x3f3: {  	s6 =	sld [smem:$0x7F6];
	[tilespmem:$0x498] =	vst v1  }
0x3f4: {  	[spmem:s11] =	stream.indirect.scatter.add.f32 [tilespmem:s26], [sflag:$0x6], $0x80, s25, s15, $0xb8;
	[tilespmem:$0x1DD80] =	vst v63  }
0x3f5: {  	s5 =	simm.s32 $0x368  }
0x3f6: {  	[tilespmem:s18], [sflag:$0x2] =	stream.indirect.gather [hbm4b:s30+s15], $0x80, s5, s15, $0xb8;
	[tilespmem:$0x1DD80] =	vst v63  }
0x3f7: {  	s0 =	sadd.s32 s6, s1  }
0x3f8: {  	[tilespmem:s19], [sflag:$0x4] =	stream.linear.gather [hbm4b:s0+s4], $0x1400, $0x38;
	[tilespmem:$0x1DD80] =	vst v63  }
0x3f9: {  	_ =	swait.ge [sflag:s20], $0x1400  }
0x3fa: {  	[sflag:s20] =	ssyncset.done $0x0  }
0x3fb: {  	[sflag:s20] =	ssyncadd.s32 $0xFFFFEC00  }
0x3fc: {  	_ =	swait.ge [sflag:s21], $0x1400  }
0x3fd: {  	[sflag:s21] =	ssyncset.done $0x0  }
0x3fe: {  	s14 =	simm.s32 $0x5;
	[sflag:s21] =	ssyncadd.s32 $0xFFFFEC00  }
0x3ff: {  	_ =	swait.ge [sflag:s14], $0x1400  }
0x400: {  	[sflag:s14] =	ssyncset.done $0x0  }
0x401: {  	[sflag:s14] =	ssyncadd.s32 $0xFFFFEC00  }
0x402: {  	v1 =	vld [tilespmem:$0x140]  }
0x403: {  	v2 =	vld [tilespmem:$0x150]  }
0x404: {  	v3 =	vld [tilespmem:$0x158];
	_ =	sdelay $0x2  }
0x405: {  	[tilespmem:$0x400] =	vst v1  }
0x406: {  	[tilespmem:$0x410] =	vst v2  }
0x407: {  	[tilespmem:$0x418] =	vst v3  }
0x408: {  	[spmem:s11] =	stream.indirect.scatter.add.f32 [tilespmem:s12], [sflag:$0x5], $0x80, s22, s15, $0xb8;
	[tilespmem:$0x1DD80] =	vst v63  }
0x409: {  	_ =	swait.ge [sflag:s23], $0x1400  }
0x40a: {  	[sflag:s23] =	ssyncset.done $0x0  }
0x40b: {  	[sflag:s23] =	ssyncadd.s32 $0xFFFFEC00  }
0x40c: {  	_ =	swait.ge [sflag:s24], $0x1400  }
0x40d: {  	[sflag:s24] =	ssyncset.done $0x0  }
0x40e: {  	s31 =	simm.s32 $0x6;
	[sflag:s24] =	ssyncadd.s32 $0xFFFFEC00  }
0x40f: {  	_ =	swait.ge [sflag:s31], $0x1400  }
0x410: {  	[sflag:s31] =	ssyncset.done $0x0  }
0x411: {  	[sflag:s31] =	ssyncadd.s32 $0xFFFFEC00  }
0x412: {  	v1 =	vld [tilespmem:$0x168]  }
0x413: {  	v2 =	vld [tilespmem:$0x178]  }
0x414: {  	s29 =	sadd.s32 $0x1, s29;
	v3 =	vld [tilespmem:$0x180]  }
0x415: {  	p0 =	sne.s32 s29, $0x19  }
.Ltmp7:
0x416: {  	_ = 	snop;
	(pc) =	sbr.rel @p0 .LBB2_14-.Ltmp7, $4  }
0x417: {  	[tilespmem:$0x480] =	vst v1  }
0x418: {  	[tilespmem:$0x490] =	vst v2  }
0x419: {  	s28 =	sadd.s32 $0x1900, s28;
	[tilespmem:$0x498] =	vst v3  }
0x41a: {  	[spmem:s11] =	stream.indirect.scatter.add.f32 [tilespmem:s26], [sflag:$0x6], $0x80, s25, s15, $0xb8;
	[tilespmem:$0x1DD80] =	vst v63  }
0x41b: {  	s0 =	simm.s32 $0x5  }
0x41c: {  	_ =	swait.ge [sflag:s0], $0x1400  }
0x41d: {  	[sflag:s0] =	ssyncset.done $0x0  }
0x41e: {  	s14 =	simm.s32 $0x6;
	[sflag:s0] =	ssyncadd.s32 $0xFFFFEC00  }
0x41f: {  	_ =	swait.ge [sflag:s14], $0x1400  }
0x420: {  	[sflag:s14] =	ssyncset.done $0x0  }
0x421: {  	[sflag:s14] =	ssyncadd.s32 $0xFFFFEC00  }
0x422: {  	[bflag:$0x0] =	sbarrier.arrive $0xFFFF  }
0x423: {  	s28 =	sld [smem:$0x7FA];
	_ =	sdelay $0x2  }
0x424: {  	[tilespmem:s12], [sflag:$0x7] =	stream.linear.gather [spmem:s28], $0x1400, $0x38;
	[tilespmem:$0x1DD80] =	vst v63  }
0x425: {  	_ =	swait.ge [sflag:s13], $0x1400  }
0x426: {  	[sflag:s13] =	ssyncset.done $0x0  }
0x427: {  	s1 =	rddreg [dreg:$0x17];
	[sflag:s13] =	ssyncadd.s32 $0xFFFFEC00  }
0x428: {  	[hbm4b:s1+s4] =	stream.linear.scatter [tilespmem:s12], [sflag:$0x7], $0x1400, $0x38;
	[tilespmem:$0x1DD80] =	vst v63  }
0x429: {  	_ =	swait.ge [sflag:s13], $0x1400  }
0x42a: {  	s29 =	sld [smem:$0x7FB]  }
0x42b: {  	[sflag:s13] =	ssyncset.done $0x0  }
0x42c: {  	[sflag:s13] =	ssyncadd.s32 $0xFFFFEC00  }
0x42d: {  	[tilespmem:s12], [sflag:$0x7] =	stream.linear.gather [spmem:s29], $0x1400, $0x38;
	[tilespmem:$0x1DD80] =	vst v63  }
0x42e: {  	_ =	swait.ge [sflag:s13], $0x1400  }
0x42f: {  	[sflag:s13] =	ssyncset.done $0x0  }
0x430: {  	s3 =	rddreg [dreg:$0x18];
	[sflag:s13] =	ssyncadd.s32 $0xFFFFEC00  }
0x431: {  	[hbm4b:s3+s4] =	stream.linear.scatter [tilespmem:s12], [sflag:$0x7], $0x1400, $0x38;
	[tilespmem:$0x1DD80] =	vst v63  }
0x432: {  	_ =	swait.ge [sflag:s13], $0x1400  }
0x433: {  	s31 =	sld [smem:$0x7FC]  }
0x434: {  	[sflag:s13] =	ssyncset.done $0x0  }
0x435: {  	[sflag:s13] =	ssyncadd.s32 $0xFFFFEC00  }
0x436: {  	[tilespmem:s12], [sflag:$0x7] =	stream.linear.gather [spmem:s31], $0x1400, $0x38;
	[tilespmem:$0x1DD80] =	vst v63  }
0x437: {  	_ =	swait.ge [sflag:s13], $0x1400  }
0x438: {  	[sflag:s13] =	ssyncset.done $0x0  }
0x439: {  	s5 =	rddreg [dreg:$0x19];
	[sflag:s13] =	ssyncadd.s32 $0xFFFFEC00  }
0x43a: {  	[hbm4b:s5+s4] =	stream.linear.scatter [tilespmem:s12], [sflag:$0x7], $0x1400, $0x38;
	[tilespmem:$0x1DD80] =	vst v63  }
0x43b: {  	_ =	swait.ge [sflag:s13], $0x1400  }
0x43c: {  	s6 =	sld [smem:$0x7E0]  }
0x43d: {  	[sflag:s13] =	ssyncset.done $0x0  }
0x43e: {  	[sflag:s13] =	ssyncadd.s32 $0xFFFFEC00  }
0x43f: {  	[tilespmem:s12], [sflag:$0x7] =	stream.linear.gather [spmem:s6], $0x1400, $0x38;
	[tilespmem:$0x1DD80] =	vst v63  }
0x440: {  	_ =	swait.ge [sflag:s13], $0x1400  }
0x441: {  	[sflag:s13] =	ssyncset.done $0x0  }
0x442: {  	s14 =	rddreg [dreg:$0x1a];
	[sflag:s13] =	ssyncadd.s32 $0xFFFFEC00  }
0x443: {  	[hbm4b:s14+s4] =	stream.linear.scatter [tilespmem:s12], [sflag:$0x7], $0x1400, $0x38;
	[tilespmem:$0x1DD80] =	vst v63  }
0x444: {  	_ =	swait.ge [sflag:s13], $0x1400  }
0x445: {  	s1 =	sld [smem:$0x7E1]  }
0x446: {  	[sflag:s13] =	ssyncset.done $0x0  }
0x447: {  	[sflag:s13] =	ssyncadd.s32 $0xFFFFEC00  }
0x448: {  	[tilespmem:s12], [sflag:$0x7] =	stream.linear.gather [spmem:s1], $0x1400, $0x38;
	[tilespmem:$0x1DD80] =	vst v63  }
0x449: {  	_ =	swait.ge [sflag:s13], $0x1400  }
0x44a: {  	[sflag:s13] =	ssyncset.done $0x0  }
0x44b: {  	s3 =	rddreg [dreg:$0x1b];
	[sflag:s13] =	ssyncadd.s32 $0xFFFFEC00  }
0x44c: {  	[hbm4b:s3+s4] =	stream.linear.scatter [tilespmem:s12], [sflag:$0x7], $0x1400, $0x38;
	[tilespmem:$0x1DD80] =	vst v63  }
0x44d: {  	_ =	swait.ge [sflag:s13], $0x1400  }
0x44e: {  	s5 =	sld [smem:$0x7E4]  }
0x44f: {  	[sflag:s13] =	ssyncset.done $0x0  }
0x450: {  	[sflag:s13] =	ssyncadd.s32 $0xFFFFEC00  }
0x451: {  	[tilespmem:s12], [sflag:$0x7] =	stream.linear.gather [spmem:s5], $0x1400, $0x38;
	[tilespmem:$0x1DD80] =	vst v63  }
0x452: {  	_ =	swait.ge [sflag:s13], $0x1400  }
0x453: {  	[sflag:s13] =	ssyncset.done $0x0  }
0x454: {  	s6 =	rddreg [dreg:$0x1c];
	[sflag:s13] =	ssyncadd.s32 $0xFFFFEC00  }
0x455: {  	[hbm4b:s6+s4] =	stream.linear.scatter [tilespmem:s12], [sflag:$0x7], $0x1400, $0x38;
	[tilespmem:$0x1DD80] =	vst v63  }
0x456: {  	_ =	swait.ge [sflag:s13], $0x1400  }
0x457: {  	s14 =	sld [smem:$0x7E5]  }
0x458: {  	[sflag:s13] =	ssyncset.done $0x0  }
0x459: {  	[sflag:s13] =	ssyncadd.s32 $0xFFFFEC00  }
0x45a: {  	[tilespmem:s12], [sflag:$0x7] =	stream.linear.gather [spmem:s14], $0x1400, $0x38;
	[tilespmem:$0x1DD80] =	vst v63  }
0x45b: {  	_ =	swait.ge [sflag:s13], $0x1400  }
0x45c: {  	[sflag:s13] =	ssyncset.done $0x0  }
0x45d: {  	s1 =	rddreg [dreg:$0x1d];
	[sflag:s13] =	ssyncadd.s32 $0xFFFFEC00  }
0x45e: {  	[hbm4b:s1+s4] =	stream.linear.scatter [tilespmem:s12], [sflag:$0x7], $0x1400, $0x38;
	[tilespmem:$0x1DD80] =	vst v63  }
0x45f: {  	_ =	swait.ge [sflag:s13], $0x1400  }
0x460: {  	s3 =	sld [smem:$0x7E7]  }
0x461: {  	[sflag:s13] =	ssyncset.done $0x0  }
0x462: {  	[sflag:s13] =	ssyncadd.s32 $0xFFFFEC00  }
0x463: {  	[tilespmem:s12], [sflag:$0x7] =	stream.linear.gather [spmem:s3], $0x1400, $0x38;
	[tilespmem:$0x1DD80] =	vst v63  }
0x464: {  	_ =	swait.ge [sflag:s13], $0x1400  }
0x465: {  	[sflag:s13] =	ssyncset.done $0x0  }
0x466: {  	s5 =	rddreg [dreg:$0x1e];
	[sflag:s13] =	ssyncadd.s32 $0xFFFFEC00  }
0x467: {  	[hbm4b:s5+s4] =	stream.linear.scatter [tilespmem:s12], [sflag:$0x7], $0x1400, $0x38;
	[tilespmem:$0x1DD80] =	vst v63  }
0x468: {  	_ =	swait.ge [sflag:s13], $0x1400  }
0x469: {  	s6 =	sld [smem:$0x7E8]  }
0x46a: {  	[sflag:s13] =	ssyncset.done $0x0  }
0x46b: {  	[sflag:s13] =	ssyncadd.s32 $0xFFFFEC00  }
0x46c: {  	[tilespmem:s12], [sflag:$0x7] =	stream.linear.gather [spmem:s6], $0x1400, $0x38;
	[tilespmem:$0x1DD80] =	vst v63  }
0x46d: {  	_ =	swait.ge [sflag:s13], $0x1400  }
0x46e: {  	[sflag:s13] =	ssyncset.done $0x0  }
0x46f: {  	s14 =	rddreg [dreg:$0x1f];
	[sflag:s13] =	ssyncadd.s32 $0xFFFFEC00  }
0x470: {  	[hbm4b:s14+s4] =	stream.linear.scatter [tilespmem:s12], [sflag:$0x7], $0x1400, $0x38;
	[tilespmem:$0x1DD80] =	vst v63  }
0x471: {  	_ =	swait.ge [sflag:s13], $0x1400  }
0x472: {  	s1 =	sld [smem:$0x7E9]  }
0x473: {  	[sflag:s13] =	ssyncset.done $0x0  }
0x474: {  	[sflag:s13] =	ssyncadd.s32 $0xFFFFEC00  }
0x475: {  	[tilespmem:s12], [sflag:$0x7] =	stream.linear.gather [spmem:s1], $0x1400, $0x38;
	[tilespmem:$0x1DD80] =	vst v63  }
0x476: {  	_ =	swait.ge [sflag:s13], $0x1400  }
0x477: {  	s3 =	sld [smem:$0x7D5]  }
0x478: {  	[sflag:s13] =	ssyncset.done $0x0  }
0x479: {  	[sflag:s13] =	ssyncadd.s32 $0xFFFFEC00  }
0x47a: {  	[hbm4b:s3+s4] =	stream.linear.scatter [tilespmem:s12], [sflag:$0x7], $0x1400, $0x38;
	[tilespmem:$0x1DD80] =	vst v63  }
0x47b: {  	_ =	swait.ge [sflag:s13], $0x1400  }
0x47c: {  	s1 =	sld [smem:$0x7EA]  }
0x47d: {  	[sflag:s13] =	ssyncset.done $0x0  }
0x47e: {  	s0 =	simm.s32 @!p5 $0x7D00;
	[sflag:s13] =	ssyncadd.s32 $0xFFFFEC00  }
0x47f: {  	[tilespmem:s0], [sflag:$0x7] =	stream.linear.gather @!p5 [spmem:s1], $0x1400, $0x38;
	[tilespmem:$0x1DD80] =	vst v63  }
0x480: {  	s1 =	simm.s32 @!p5 $0x7  }
0x481: {  	_ =	swait.ge @!p5 [sflag:s1], $0x1400  }
0x482: {  	s5 =	sld [smem:$0x7D6]  }
0x483: {  	[sflag:s1] =	ssyncset.done @!p5 $0x0  }
0x484: {  	s3 =	simm.s32 @!p5 $0x0;
	[sflag:s1] =	ssyncadd.s32 @!p5 $0xFFFFEC00  }
0x485: {  	[hbm4b:s5+s3] =	stream.linear.scatter @!p5 [tilespmem:s0], [sflag:$0x7], $0x1400, $0x38;
	[tilespmem:$0x1DD80] =	vst v63  }
0x486: {  	_ =	swait.ge @!p5 [sflag:s1], $0x1400  }
0x487: {  	s5 =	sld [smem:$0x7FD]  }
0x488: {  	[sflag:s1] =	ssyncset.done @!p5 $0x0  }
0x489: {  	[sflag:s1] =	ssyncadd.s32 @!p5 $0xFFFFEC00;
	s1 =	sld [smem:$0x7EB]  }
0x48a: {  	p6 =	seq.s32 s5, $0x1  }
0x48b: {  	s0 =	simm.s32 @!p6 $0x7D00  }
0x48c: {  	[tilespmem:s0], [sflag:$0x7] =	stream.linear.gather @!p6 [spmem:s1], $0x1400, $0x38;
	[tilespmem:$0x1DD80] =	vst v63  }
0x48d: {  	s1 =	simm.s32 @!p6 $0x7  }
0x48e: {  	_ =	swait.ge @!p6 [sflag:s1], $0x1400  }
0x48f: {  	s5 =	sld [smem:$0x7D7]  }
0x490: {  	[sflag:s1] =	ssyncset.done @!p6 $0x0  }
0x491: {  	s3 =	simm.s32 @!p6 $0x0;
	[sflag:s1] =	ssyncadd.s32 @!p6 $0xFFFFEC00  }
0x492: {  	[hbm4b:s5+s3] =	stream.linear.scatter @!p6 [tilespmem:s0], [sflag:$0x7], $0x1400, $0x38;
	[tilespmem:$0x1DD80] =	vst v63  }
0x493: {  	_ =	swait.ge @!p6 [sflag:s1], $0x1400  }
0x494: {  	[sflag:s1] =	ssyncset.done @!p6 $0x0  }
0x495: {  	[sflag:s1] =	ssyncadd.s32 @!p6 $0xFFFFEC00;
	s1 =	sld [smem:$0x7EC];
	_ =	sdelay $0x1  }
0x496: {  	s0 =	simm.s32 @!p1 $0x7D00  }
0x497: {  	[tilespmem:s0], [sflag:$0x7] =	stream.linear.gather @!p1 [spmem:s1], $0x1400, $0x38;
	[tilespmem:$0x1DD80] =	vst v63  }
0x498: {  	s1 =	simm.s32 @!p1 $0x7  }
0x499: {  	_ =	swait.ge @!p1 [sflag:s1], $0x1400  }
0x49a: {  	s5 =	sld [smem:$0x7D8]  }
0x49b: {  	[sflag:s1] =	ssyncset.done @!p1 $0x0  }
0x49c: {  	s3 =	simm.s32 @!p1 $0x0;
	[sflag:s1] =	ssyncadd.s32 @!p1 $0xFFFFEC00  }
0x49d: {  	[hbm4b:s5+s3] =	stream.linear.scatter @!p1 [tilespmem:s0], [sflag:$0x7], $0x1400, $0x38;
	[tilespmem:$0x1DD80] =	vst v63  }
0x49e: {  	_ =	swait.ge @!p1 [sflag:s1], $0x1400  }
0x49f: {  	[sflag:s1] =	ssyncset.done @!p1 $0x0  }
0x4a0: {  	[sflag:s1] =	ssyncadd.s32 @!p1 $0xFFFFEC00;
	s1 =	sld [smem:$0x7ED];
	_ =	sdelay $0x1  }
0x4a1: {  	s0 =	simm.s32 @!p2 $0x7D00  }
0x4a2: {  	[tilespmem:s0], [sflag:$0x7] =	stream.linear.gather @!p2 [spmem:s1], $0x1400, $0x38;
	[tilespmem:$0x1DD80] =	vst v63  }
0x4a3: {  	s1 =	simm.s32 @!p2 $0x7  }
0x4a4: {  	_ =	swait.ge @!p2 [sflag:s1], $0x1400  }
0x4a5: {  	s5 =	sld [smem:$0x7D9]  }
0x4a6: {  	[sflag:s1] =	ssyncset.done @!p2 $0x0  }
0x4a7: {  	s3 =	simm.s32 @!p2 $0x0;
	[sflag:s1] =	ssyncadd.s32 @!p2 $0xFFFFEC00  }
0x4a8: {  	[hbm4b:s5+s3] =	stream.linear.scatter @!p2 [tilespmem:s0], [sflag:$0x7], $0x1400, $0x38;
	[tilespmem:$0x1DD80] =	vst v63  }
0x4a9: {  	_ =	swait.ge @!p2 [sflag:s1], $0x1400  }
0x4aa: {  	[sflag:s1] =	ssyncset.done @!p2 $0x0  }
0x4ab: {  	[sflag:s1] =	ssyncadd.s32 @!p2 $0xFFFFEC00;
	s1 =	sld [smem:$0x7EE];
	_ =	sdelay $0x1  }
0x4ac: {  	s0 =	simm.s32 @!p3 $0x7D00  }
0x4ad: {  	[tilespmem:s0], [sflag:$0x7] =	stream.linear.gather @!p3 [spmem:s1], $0x1400, $0x38;
	[tilespmem:$0x1DD80] =	vst v63  }
0x4ae: {  	s1 =	simm.s32 @!p3 $0x7  }
0x4af: {  	_ =	swait.ge @!p3 [sflag:s1], $0x1400  }
0x4b0: {  	s5 =	sld [smem:$0x7DA]  }
0x4b1: {  	[sflag:s1] =	ssyncset.done @!p3 $0x0  }
0x4b2: {  	s3 =	simm.s32 @!p3 $0x0;
	[sflag:s1] =	ssyncadd.s32 @!p3 $0xFFFFEC00  }
0x4b3: {  	[hbm4b:s5+s3] =	stream.linear.scatter @!p3 [tilespmem:s0], [sflag:$0x7], $0x1400, $0x38;
	[tilespmem:$0x1DD80] =	vst v63  }
0x4b4: {  	_ =	swait.ge @!p3 [sflag:s1], $0x1400  }
0x4b5: {  	[sflag:s1] =	ssyncset.done @!p3 $0x0  }
0x4b6: {  	[sflag:s1] =	ssyncadd.s32 @!p3 $0xFFFFEC00;
	s1 =	sld [smem:$0x7EF];
	_ =	sdelay $0x1  }
0x4b7: {  	s0 =	simm.s32 @!p4 $0x7D00  }
0x4b8: {  	[tilespmem:s0], [sflag:$0x7] =	stream.linear.gather @!p4 [spmem:s1], $0x1400, $0x38;
	[tilespmem:$0x1DD80] =	vst v63  }
0x4b9: {  	s1 =	simm.s32 @!p4 $0x7  }
0x4ba: {  	_ =	swait.ge @!p4 [sflag:s1], $0x1400  }
0x4bb: {  	s5 =	sld [smem:$0x7DB]  }
0x4bc: {  	[sflag:s1] =	ssyncset.done @!p4 $0x0  }
0x4bd: {  	s3 =	simm.s32 @!p4 $0x0;
	[sflag:s1] =	ssyncadd.s32 @!p4 $0xFFFFEC00  }
0x4be: {  	[hbm4b:s5+s3] =	stream.linear.scatter @!p4 [tilespmem:s0], [sflag:$0x7], $0x1400, $0x38;
	[tilespmem:$0x1DD80] =	vst v63  }
0x4bf: {  	_ =	swait.ge @!p4 [sflag:s1], $0x1400  }
0x4c0: {  	s6 =	sld [smem:$0x7D4]  }
0x4c1: {  	s14 =	sld [smem:$0x7F1];
	_ =	sdelay $0x1  }
0x4c2: {  	s3 =	sadd.s32 $0x1, s6  }
0x4c3: {  	p0 =	sne.s32 s3, s14  }
.Ltmp8:
0x4c4: {  	_ = 	snop;
	(pc) =	sbr.rel @p0 .LBB2_1-.Ltmp8, $3  }
0x4c5: {  	_ =	sdelay $0x1  }
0x4c6: {  	[sflag:s1] =	ssyncset.done @!p4 $0x0  }
0x4c7: {  	[sflag:s1] =	ssyncadd.s32 @!p4 $0xFFFFEC00  }
0x4c8: {  	_ =	sfence.sel $0x180000  }
0x4c9: {  	[bflag:$0x0] =	sbarrier.arrive $0xFFFF  }
0x4ca: {  	_ =	strace $0x90000047  }
0x4cb: {  	s0 =	stileid.u32;
	[bflag:$0x2] =	sbarrier.arrive $0xFFFF  }
0x4cc: {  	p0 =	sne.s32 s0, $0x0;
	s0 =	rddreg [dreg:$0x5]  }
0x4cd: {  	s0 =	sadd.s32 @!p0 $0x100000, s0  }
0x4ce: {  	[sflag:s0] =	ssyncadd.tile.s32 @!p0 $0x1;
	_ =	shalt  }
.Lfunc_end2:
_tile_overlayer_lowered:
.L_overlay_start_2:
0x4cf: {  	(tag) =	ssettag $0x2  }
0x4d0: {  	s0 =	rddreg [dreg:$0x0];
	s2 =	stileid.u32  }
0x4d1: {  	s1 =	rddreg [dreg:$0x1];
	p0 =	sne.s32 s2, $0x0  }
0x4d2: {  	s3 =	rddreg [dreg:$0x2];
	[bflag:$0x3] =	sbarrier.arrive $0xFFFF;
	s2 =	simm.s32 @!p0 $0x1C07  }
0x4d3: {  	[timem:s3], [sflag:s2] =	dma.local @!p0 [hbm:s0], s1  }
0x4d4: {  	s0 =	simm.s32 @!p0 $0x7  }
0x4d5: {  	_ =	swait.ge @!p0 [sflag:s0], s1  }
0x4d6: {  	s1 =	ssub.s32 @!p0 $0x0, s1;
	[sflag:s0] =	ssyncset.done @!p0 $0x0  }
0x4d7: {  	[sflag:s0] =	ssyncadd.s32 @!p0 s1  }
0x4d8: {  	[bflag:$0x3] =	sbarrier.arrive $0xFFFF  }
0x4d9: {  	_ =	shalt  }

</sc_bundles>
